<compile_context>
chip_gen: v7x
topology: tpu7x:2x2x1
jax: 0.10.2.dev20260603
libtpu: 0.0.44.dev20260713+nightly
codegen_flags: <defaults>
</compile_context>

<pallas_src>
import functools

import jax
import jax.numpy as jnp
from jax import lax
from jax.experimental import pallas as pl
from jax.experimental.pallas import tpu as pltpu
from jax.experimental.pallas import tpu_sc as plsc

N = 10000
E = 320000
D = 128
H = 8
OUT = 16
ROW = 136

NC = 2
NS = 16
NW = NC * NS
EPW = E // NW
B = 80
B2 = B // 2
NCHUNK = EPW // B
EROW = 2 * B
IBLK1 = (NCHUNK + 1) // 2
NZC = N // B

_LANES = 16


def _lane_bcast(v, lane):
  return jnp.broadcast_to(v[lane], (_LANES,))




def _prep_body(h_ref, w_ref, pl_ref, pr_ref, featel_ref, er_ref):
  feat = jnp.dot(h_ref[...], w_ref[...], preferred_element_type=jnp.float32)
  el8 = jnp.dot(feat, pl_ref[...], preferred_element_type=jnp.float32)
  er8 = jnp.dot(feat, pr_ref[...], preferred_element_type=jnp.float32)
  featel_ref[...] = jnp.concatenate([feat, el8], axis=1)
  er_ref[...] = jnp.concatenate([jnp.zeros_like(er8), er8], axis=1)


_PREP_BLK = 1000

_prep = pl.pallas_call(
    _prep_body,
    grid=(N // _PREP_BLK,),
    in_specs=[
        pl.BlockSpec((_PREP_BLK, D), lambda i: (i, 0)),
        pl.BlockSpec((D, D), lambda i: (0, 0)),
        pl.BlockSpec((D, H), lambda i: (0, 0)),
        pl.BlockSpec((D, H), lambda i: (0, 0)),
    ],
    out_specs=[
        pl.BlockSpec((_PREP_BLK, ROW), lambda i: (i, 0)),
        pl.BlockSpec((_PREP_BLK, 16), lambda i: (i, 0)),
    ],
    out_shape=[
        jax.ShapeDtypeStruct((N, ROW), jnp.float32),
        jax.ShapeDtypeStruct((N, 16), jnp.float32),
    ],
)




def _sc_body(featel_hbm, er_hbm, src_hbm, dst_hbm, out_hbm,
             acc, sidxb, didxb, g2, r2, o_buf, pidx, semg, semr, sems):
  cid = lax.axis_index("c")
  sid = lax.axis_index("s")
  wid = cid * NS + sid

  zv = jnp.zeros((_LANES,), jnp.float32)

  def _zero_row(i, _):
    for q in range(2):
      for c in range(H):
        o_buf[q, i, pl.ds(c * _LANES, _LANES)] = zv
      o_buf[q, i, pl.ds(ROW - _LANES, _LANES)] = zv
    return _

  lax.fori_loop(0, B2, _zero_row, None)

  def _zero_chunk(j, _):
    c = sid + j * NS

    @pl.when(c < NZC)
    def _():
      pltpu.sync_copy(o_buf.at[0], acc.at[pl.ds(c * B, B2)])
      pltpu.sync_copy(o_buf.at[1], acc.at[pl.ds(c * B + B2, B2)])
    return _

  lax.fori_loop(0, pl.cdiv(NZC, NS), _zero_chunk, None)
  plsc.subcore_barrier()

  ziv = jnp.zeros((_LANES,), jnp.int32)
  pidx[pl.ds(0, _LANES)] = ziv
  pidx[pl.ds(_LANES, _LANES)] = ziv
  pidx[pl.ds(B2 - _LANES, _LANES)] = ziv
  for q in range(2):
    pltpu.async_copy(o_buf.at[q], acc.at[pidx], sems.at[q], add=True)

  def _issue_gather(bc, p):
    pltpu.async_copy(featel_hbm.at[sidxb.at[bc]], g2.at[p], semg.at[p])
    pltpu.async_copy(er_hbm.at[didxb.at[bc]], r2.at[p], semr.at[p])

  def _wait_gather(p):
    pltpu.make_async_copy(featel_hbm.at[sidxb.at[0]],
                          g2.at[p], semg.at[p]).wait()
    pltpu.make_async_copy(er_hbm.at[didxb.at[0]],
                          r2.at[p], semr.at[p]).wait()

  def _wait_scatter(q):
    pltpu.make_async_copy(o_buf.at[q], acc.at[pidx], sems.at[q]).wait()

  def _half(bc, p, q):
    _wait_scatter(q)

    def _edge(i, _):
      el = g2[p, q * B2 + i, pl.ds(ROW - _LANES, _LANES)]
      er = r2[p, q * B2 + i, pl.ds(0, _LANES)]
      sv = el + er
      sv = jnp.where(sv >= 0.0, sv, sv * jnp.float32(0.2))
      w = jnp.exp(sv)
      o_buf[q, i, pl.ds(ROW - _LANES, _LANES)] = w
      for hh in range(H):
        fh = g2[p, q * B2 + i, pl.ds(hh * OUT, _LANES)]
        o_buf[q, i, pl.ds(hh * OUT, _LANES)] = fh * _lane_bcast(w, 8 + hh)
      return _

    lax.fori_loop(0, B2, _edge, None)
    pltpu.async_copy(o_buf.at[q],
                     acc.at[didxb.at[bc, pl.ds(q * B2, B2)]],
                     sems.at[q], add=True)

  def _do_chunk(bc, p):
    _wait_gather(p)
    _half(bc, p, 0)
    _half(bc, p, 1)

  def _run_block(c_base, n):
    pltpu.sync_copy(src_hbm.at[pl.ds(wid * NCHUNK + c_base, n)],
                    sidxb.at[pl.ds(0, n)])
    pltpu.sync_copy(dst_hbm.at[pl.ds(wid * NCHUNK + c_base, n)],
                    didxb.at[pl.ds(0, n)])
    _issue_gather(jnp.int32(0), 0)
    npairs = (n - 1) // 2

    def _pair(jj, _):
      bc0 = 2 * jj
      bc1 = bc0 + 1
      _issue_gather(bc1, 1)
      _wait_gather(0)
      _half(bc0, 0, 0)
      _half(bc0, 0, 1)

      @pl.when(bc0 + 2 < n)
      def _():
        _issue_gather(bc0 + 2, 0)

      _wait_gather(1)
      _half(bc1, 1, 0)
      _half(bc1, 1, 1)
      return _

    lax.fori_loop(0, npairs, _pair, None)
    for bc in range(2 * npairs, n):
      p = bc % 2
      if bc > 2 * npairs:
        _issue_gather(jnp.int32(bc), p)
      _wait_gather(p)
      _half(jnp.int32(bc), p, 0)
      _half(jnp.int32(bc), p, 1)

  _run_block(0, IBLK1)
  _run_block(IBLK1, NCHUNK - IBLK1)
  _wait_scatter(0)
  _wait_scatter(1)
  plsc.subcore_barrier()

  def _out_chunk(j, _):
    c = sid + j * NS

    @pl.when(c < NZC)
    def _():
      pltpu.sync_copy(acc.at[pl.ds(c * B, B)],
                      out_hbm.at[cid, pl.ds(c * B, B)])
    return _

  lax.fori_loop(0, pl.cdiv(NZC, NS), _out_chunk, None)


@functools.cache
def _make_sc_edge():
  return pl.kernel(
      _sc_body,
      out_type=jax.ShapeDtypeStruct((NC, N, ROW), jnp.float32),
      mesh=plsc.VectorSubcoreMesh(
          core_axis_name="c", subcore_axis_name="s",
          num_cores=NC, num_subcores=NS),
      scratch_types=[
          pltpu.VMEM_SHARED((N, ROW), jnp.float32),
          pltpu.VMEM((IBLK1, B), jnp.int32),
          pltpu.VMEM((IBLK1, B), jnp.int32),
          pltpu.VMEM((2, B, ROW), jnp.float32),
          pltpu.VMEM((2, B, 16), jnp.float32),
          pltpu.VMEM((2, B2, ROW), jnp.float32),
          pltpu.VMEM((B2,), jnp.int32),
          pltpu.SemaphoreType.DMA((2,)),
          pltpu.SemaphoreType.DMA((2,)),
          pltpu.SemaphoreType.DMA((2,)),
      ],
      compiler_params=pltpu.CompilerParams(use_tc_tiling_on_sc=False),
  )




def _fin_body(p0_ref, p1_ref, b_ref, out_ref):
  a0 = p0_ref[...]
  a1 = p1_ref[...]
  s = a0[:, :D] + a1[:, :D]
  d8 = a0[:, D:D + H] + a1[:, D:D + H]
  hh = lax.broadcasted_iota(jnp.int32, (H, D), 0)
  jj = lax.broadcasted_iota(jnp.int32, (H, D), 1)
  expand = (jj // OUT == hh).astype(jnp.float32)
  drep = jnp.dot(d8, expand, preferred_element_type=jnp.float32)
  x = s / jnp.maximum(drep, jnp.float32(1e-38)) + b_ref[...]
  out_ref[...] = jnp.where(x > 0.0, x, jnp.exp(x) - 1.0)


_fin = pl.pallas_call(
    _fin_body,
    grid=(N // _PREP_BLK,),
    in_specs=[
        pl.BlockSpec((_PREP_BLK, ROW), lambda i: (i, 0)),
        pl.BlockSpec((_PREP_BLK, ROW), lambda i: (i, 0)),
        pl.BlockSpec((1, D), lambda i: (0, 0)),
    ],
    out_specs=pl.BlockSpec((_PREP_BLK, D), lambda i: (i, 0)),
    out_shape=jax.ShapeDtypeStruct((N, D), jnp.float32),
)


def kernel(h, edge_index, W, attn_l, attn_r, bias):
  src = edge_index[0].astype(jnp.int32).reshape(E // B, B)
  dst = edge_index[1].astype(jnp.int32).reshape(E // B, B)

  mask = (jnp.arange(D)[:, None] // OUT == jnp.arange(H)[None, :])
  p_l = jnp.where(mask, attn_l.reshape(D, 1), 0.0)
  p_r = jnp.where(mask, attn_r.reshape(D, 1), 0.0)

  featel, er16 = _prep(h, W, p_l, p_r)
  partials = _make_sc_edge()(featel, er16, src, dst)
  out = _fin(partials[0], partials[1], bias.reshape(1, D))
  return out

# --- scband reference (transcript-rebuilt; emitter-appended) ---
"""Pipeline reference for scband-gattop-layer-81286551044791 (READ-ONLY COPY).

The authoritative reference and input builder live on the scoring server;
editing this copy changes nothing except your own understanding.
"""

import jax, jax.numpy as jnp
import numpy as np

N = 10000
E = 320000
IN_DIM = 128
H = 8
OUT = 16


def setup_inputs(seed: int = 0) -> dict:
    key = jax.random.key(seed)
    k0, k1, k2, k3, k4 = jax.random.split(key, 5)
    h = jax.random.normal(k0, (N, IN_DIM), dtype=jnp.float32)
    edge_index = jax.random.randint(k1, (2, E), 0, N)
    # GATConv parameters (eval mode, dropout=0)
    W = jax.random.normal(k2, (IN_DIM, H * OUT), dtype=jnp.float32) * (1.0 / np.sqrt(IN_DIM))
    attn_l = jax.random.normal(k3, (H, OUT), dtype=jnp.float32) * 0.1
    attn_r = jax.random.normal(k4, (H, OUT), dtype=jnp.float32) * 0.1
    bias = jnp.zeros((H * OUT,), dtype=jnp.float32)
    return {"h": h, "edge_index": edge_index, "W": W, "attn_l": attn_l, "attn_r": attn_r, "bias": bias}


def reference(h, edge_index, W, attn_l, attn_r, bias):
    # DGL GATConv (get_attention=True), top_features=False path:
    # h_raw, attn = gatconv(g, h); h = h_raw.flatten(1); h = elu(h)
    feat = (h @ W).reshape(N, H, OUT)                       # [N,H,OUT]
    el = jnp.sum(feat * attn_l[None, :, :], axis=-1)        # [N,H]
    er = jnp.sum(feat * attn_r[None, :, :], axis=-1)        # [N,H]
    src = edge_index[0]
    dst = edge_index[1]
    e = jax.nn.leaky_relu(el[src] + er[dst], negative_slope=0.2)  # [E,H]
    # edge softmax over incoming edges of each dst node
    emax = jax.ops.segment_max(e, dst, num_segments=N)      # [N,H]
    emax = jnp.where(jnp.isfinite(emax), emax, 0.0)
    emax = jax.lax.stop_gradient(emax)
    a_un = jnp.exp(e - emax[dst])                           # [E,H]
    denom = jax.ops.segment_sum(a_un, dst, num_segments=N)  # [N,H]
    attn = a_un / jnp.maximum(denom[dst], 1e-38)            # [E,H]
    msg = feat[src] * attn[:, :, None]                      # [E,H,OUT]
    rst = jax.ops.segment_sum(msg, dst, num_segments=N)     # [N,H,OUT]
    rst = rst + bias.reshape(1, H, OUT)
    out = jax.nn.elu(rst.reshape(N, H * OUT))               # [N, H*OUT]
    return out

if __name__ == "__main__":
    import jax
    _d = setup_inputs()
    print(jax.jit(kernel)(*tuple(_d.values())))

</pallas_src>

<mosaic_0001>
#map = affine_map<(d0, d1) -> (0, 0)>
#map1 = affine_map<(d0, d1) -> (0, 0, 0)>
module attributes {stable_mosaic.version = 14 : i64} {
  func.func @_sc_body(%arg0: i32, %arg1: i32, %arg2: memref<10000x136xf32, #tpu.memory_space<hbm>>, %arg3: memref<10000x16xf32, #tpu.memory_space<hbm>>, %arg4: memref<4000x80xi32, #tpu.memory_space<hbm>>, %arg5: memref<4000x80xi32, #tpu.memory_space<hbm>>, %arg6: memref<2x10000x136xf32, #tpu.memory_space<hbm>>, %arg7: memref<10000x136xf32, #tpu.memory_space<vmem_shared>>, %arg8: memref<63x80xi32, #tpu.memory_space<vmem>>, %arg9: memref<63x80xi32, #tpu.memory_space<vmem>>, %arg10: memref<2x80x136xf32, #tpu.memory_space<vmem>>, %arg11: memref<2x80x16xf32, #tpu.memory_space<vmem>>, %arg12: memref<2x40x136xf32, #tpu.memory_space<vmem>>, %arg13: memref<40xi32, #tpu.memory_space<vmem>>, %arg14: memref<2x!tpu.dma_semaphore, #tpu.memory_space<semaphore_mem>>, %arg15: memref<2x!tpu.dma_semaphore, #tpu.memory_space<semaphore_mem>>, %arg16: memref<2x!tpu.dma_semaphore, #tpu.memory_space<semaphore_mem>>) attributes {dimension_semantics = [#tpu.dimension_semantics<core_parallel>, #tpu.dimension_semantics<subcore_parallel>], iteration_bounds = array<i64: 2, 16>, scalar_prefetch = 0 : i64, scratch_operands = 10 : i64, tpu.core_type = #tpu.core_type<sc_vector_subcore>, window_params = [{transform_indices = #map}, {transform_indices = #map}, {transform_indices = #map}, {transform_indices = #map}, {transform_indices = #map1}]} {
    %mul3A = arith.constant 16 : i32
    %mul3A_0 = arith.muli %arg0, %mul3A : i32
    %add3A = arith.addi %mul3A_0, %arg1 : i32
    %broadcast_in_dim3A = arith.constant 0.000000e+00 : f32
    %broadcast_in_dim3A_1 = vector.broadcast %broadcast_in_dim3A : f32 to vector<16xf32>
    %scan3A = arith.constant 0 : i32
    %scan3A_2 = arith.constant 40 : i32
    %scan3A_3 = arith.addi %scan3A, %scan3A_2 : i32
    %scan3A_4 = arith.constant 1 : i32
    scf.for %scan3A_464 = %scan3A to %scan3A_3 step %scan3A_4  : i32 {
      %swap3A_465 = arith.constant 0 : i32
      %swap3A_466 = arith.index_cast %swap3A_465 : i32 to index
      %swap3A_467 = arith.index_cast %scan3A_464 : i32 to index
      %swap3A_468 = arith.constant 0 : index
      %swap3A_469 = tpu.vector_load %arg12[%swap3A_466, %swap3A_467, %swap3A_468] {strides = array<i32>} : memref<2x40x136xf32, #tpu.memory_space<vmem>>, vector<1x1x16xf32>,
      %swap3A_470 = vector.shape_cast %swap3A_469 : vector<1x1x16xf32> to vector<16xf32>
      %swap3A_471 = vector.shape_cast %broadcast_in_dim3A_1 : vector<16xf32> to vector<1x1x16xf32>
      tpu.vector_store %arg12[%swap3A_466, %swap3A_467, %swap3A_468], %swap3A_471 {strides = array<i32>} : memref<2x40x136xf32, #tpu.memory_space<vmem>>, vector<1x1x16xf32>,
      %swap3A_472 = arith.constant 0 : i32
      %swap3A_473 = arith.index_cast %swap3A_472 : i32 to index
      %swap3A_474 = arith.index_cast %scan3A_464 : i32 to index
      %swap3A_475 = arith.constant 16 : index
      %swap3A_476 = tpu.vector_load %arg12[%swap3A_473, %swap3A_474, %swap3A_475] {strides = array<i32>} : memref<2x40x136xf32, #tpu.memory_space<vmem>>, vector<1x1x16xf32>,
      %swap3A_477 = vector.shape_cast %swap3A_476 : vector<1x1x16xf32> to vector<16xf32>
      %swap3A_478 = vector.shape_cast %broadcast_in_dim3A_1 : vector<16xf32> to vector<1x1x16xf32>
      tpu.vector_store %arg12[%swap3A_473, %swap3A_474, %swap3A_475], %swap3A_478 {strides = array<i32>} : memref<2x40x136xf32, #tpu.memory_space<vmem>>, vector<1x1x16xf32>,
      %swap3A_479 = arith.constant 0 : i32
      %swap3A_480 = arith.index_cast %swap3A_479 : i32 to index
      %swap3A_481 = arith.index_cast %scan3A_464 : i32 to index
      %swap3A_482 = arith.constant 32 : index
      %swap3A_483 = tpu.vector_load %arg12[%swap3A_480, %swap3A_481, %swap3A_482] {strides = array<i32>} : memref<2x40x136xf32, #tpu.memory_space<vmem>>, vector<1x1x16xf32>,
      %swap3A_484 = vector.shape_cast %swap3A_483 : vector<1x1x16xf32> to vector<16xf32>
      %swap3A_485 = vector.shape_cast %broadcast_in_dim3A_1 : vector<16xf32> to vector<1x1x16xf32>
      tpu.vector_store %arg12[%swap3A_480, %swap3A_481, %swap3A_482], %swap3A_485 {strides = array<i32>} : memref<2x40x136xf32, #tpu.memory_space<vmem>>, vector<1x1x16xf32>,
      %swap3A_486 = arith.constant 0 : i32
      %swap3A_487 = arith.index_cast %swap3A_486 : i32 to index
      %swap3A_488 = arith.index_cast %scan3A_464 : i32 to index
      %swap3A_489 = arith.constant 48 : index
      %swap3A_490 = tpu.vector_load %arg12[%swap3A_487, %swap3A_488, %swap3A_489] {strides = array<i32>} : memref<2x40x136xf32, #tpu.memory_space<vmem>>, vector<1x1x16xf32>,
      %swap3A_491 = vector.shape_cast %swap3A_490 : vector<1x1x16xf32> to vector<16xf32>
      %swap3A_492 = vector.shape_cast %broadcast_in_dim3A_1 : vector<16xf32> to vector<1x1x16xf32>
      tpu.vector_store %arg12[%swap3A_487, %swap3A_488, %swap3A_489], %swap3A_492 {strides = array<i32>} : memref<2x40x136xf32, #tpu.memory_space<vmem>>, vector<1x1x16xf32>,
      %swap3A_493 = arith.constant 0 : i32
      %swap3A_494 = arith.index_cast %swap3A_493 : i32 to index
      %swap3A_495 = arith.index_cast %scan3A_464 : i32 to index
      %swap3A_496 = arith.constant 64 : index
      %swap3A_497 = tpu.vector_load %arg12[%swap3A_494, %swap3A_495, %swap3A_496] {strides = array<i32>} : memref<2x40x136xf32, #tpu.memory_space<vmem>>, vector<1x1x16xf32>,
      %swap3A_498 = vector.shape_cast %swap3A_497 : vector<1x1x16xf32> to vector<16xf32>
      %swap3A_499 = vector.shape_cast %broadcast_in_dim3A_1 : vector<16xf32> to vector<1x1x16xf32>
      tpu.vector_store %arg12[%swap3A_494, %swap3A_495, %swap3A_496], %swap3A_499 {strides = array<i32>} : memref<2x40x136xf32, #tpu.memory_space<vmem>>, vector<1x1x16xf32>,
      %swap3A_500 = arith.constant 0 : i32
      %swap3A_501 = arith.index_cast %swap3A_500 : i32 to index
      %swap3A_502 = arith.index_cast %scan3A_464 : i32 to index
      %swap3A_503 = arith.constant 80 : index
      %swap3A_504 = tpu.vector_load %arg12[%swap3A_501, %swap3A_502, %swap3A_503] {strides = array<i32>} : memref<2x40x136xf32, #tpu.memory_space<vmem>>, vector<1x1x16xf32>,
      %swap3A_505 = vector.shape_cast %swap3A_504 : vector<1x1x16xf32> to vector<16xf32>
      %swap3A_506 = vector.shape_cast %broadcast_in_dim3A_1 : vector<16xf32> to vector<1x1x16xf32>
      tpu.vector_store %arg12[%swap3A_501, %swap3A_502, %swap3A_503], %swap3A_506 {strides = array<i32>} : memref<2x40x136xf32, #tpu.memory_space<vmem>>, vector<1x1x16xf32>,
      %swap3A_507 = arith.constant 0 : i32
      %swap3A_508 = arith.index_cast %swap3A_507 : i32 to index
      %swap3A_509 = arith.index_cast %scan3A_464 : i32 to index
      %swap3A_510 = arith.constant 96 : index
      %swap3A_511 = tpu.vector_load %arg12[%swap3A_508, %swap3A_509, %swap3A_510] {strides = array<i32>} : memref<2x40x136xf32, #tpu.memory_space<vmem>>, vector<1x1x16xf32>,
      %swap3A_512 = vector.shape_cast %swap3A_511 : vector<1x1x16xf32> to vector<16xf32>
      %swap3A_513 = vector.shape_cast %broadcast_in_dim3A_1 : vector<16xf32> to vector<1x1x16xf32>
      tpu.vector_store %arg12[%swap3A_508, %swap3A_509, %swap3A_510], %swap3A_513 {strides = array<i32>} : memref<2x40x136xf32, #tpu.memory_space<vmem>>, vector<1x1x16xf32>,
      %swap3A_514 = arith.constant 0 : i32
      %swap3A_515 = arith.index_cast %swap3A_514 : i32 to index
      %swap3A_516 = arith.index_cast %scan3A_464 : i32 to index
      %swap3A_517 = arith.constant 112 : index
      %swap3A_518 = tpu.vector_load %arg12[%swap3A_515, %swap3A_516, %swap3A_517] {strides = array<i32>} : memref<2x40x136xf32, #tpu.memory_space<vmem>>, vector<1x1x16xf32>,
      %swap3A_519 = vector.shape_cast %swap3A_518 : vector<1x1x16xf32> to vector<16xf32>
      %swap3A_520 = vector.shape_cast %broadcast_in_dim3A_1 : vector<16xf32> to vector<1x1x16xf32>
      tpu.vector_store %arg12[%swap3A_515, %swap3A_516, %swap3A_517], %swap3A_520 {strides = array<i32>} : memref<2x40x136xf32, #tpu.memory_space<vmem>>, vector<1x1x16xf32>,
      %swap3A_521 = arith.constant 0 : i32
      %swap3A_522 = arith.index_cast %swap3A_521 : i32 to index
      %swap3A_523 = arith.index_cast %scan3A_464 : i32 to index
      %swap3A_524 = arith.constant 120 : index
      %swap3A_525 = tpu.vector_load %arg12[%swap3A_522, %swap3A_523, %swap3A_524] {strides = array<i32>} : memref<2x40x136xf32, #tpu.memory_space<vmem>>, vector<1x1x16xf32>,
      %swap3A_526 = vector.shape_cast %swap3A_525 : vector<1x1x16xf32> to vector<16xf32>
      %swap3A_527 = vector.shape_cast %broadcast_in_dim3A_1 : vector<16xf32> to vector<1x1x16xf32>
      tpu.vector_store %arg12[%swap3A_522, %swap3A_523, %swap3A_524], %swap3A_527 {strides = array<i32>} : memref<2x40x136xf32, #tpu.memory_space<vmem>>, vector<1x1x16xf32>,
      %swap3A_528 = arith.constant 1 : i32
      %swap3A_529 = arith.index_cast %swap3A_528 : i32 to index
      %swap3A_530 = arith.index_cast %scan3A_464 : i32 to index
      %swap3A_531 = arith.constant 0 : index
      %swap3A_532 = tpu.vector_load %arg12[%swap3A_529, %swap3A_530, %swap3A_531] {strides = array<i32>} : memref<2x40x136xf32, #tpu.memory_space<vmem>>, vector<1x1x16xf32>,
      %swap3A_533 = vector.shape_cast %swap3A_532 : vector<1x1x16xf32> to vector<16xf32>
      %swap3A_534 = vector.shape_cast %broadcast_in_dim3A_1 : vector<16xf32> to vector<1x1x16xf32>
      tpu.vector_store %arg12[%swap3A_529, %swap3A_530, %swap3A_531], %swap3A_534 {strides = array<i32>} : memref<2x40x136xf32, #tpu.memory_space<vmem>>, vector<1x1x16xf32>,
      %swap3A_535 = arith.constant 1 : i32
      %swap3A_536 = arith.index_cast %swap3A_535 : i32 to index
      %swap3A_537 = arith.index_cast %scan3A_464 : i32 to index
      %swap3A_538 = arith.constant 16 : index
      %swap3A_539 = tpu.vector_load %arg12[%swap3A_536, %swap3A_537, %swap3A_538] {strides = array<i32>} : memref<2x40x136xf32, #tpu.memory_space<vmem>>, vector<1x1x16xf32>,
      %swap3A_540 = vector.shape_cast %swap3A_539 : vector<1x1x16xf32> to vector<16xf32>
      %swap3A_541 = vector.shape_cast %broadcast_in_dim3A_1 : vector<16xf32> to vector<1x1x16xf32>
      tpu.vector_store %arg12[%swap3A_536, %swap3A_537, %swap3A_538], %swap3A_541 {strides = array<i32>} : memref<2x40x136xf32, #tpu.memory_space<vmem>>, vector<1x1x16xf32>,
      %swap3A_542 = arith.constant 1 : i32
      %swap3A_543 = arith.index_cast %swap3A_542 : i32 to index
      %swap3A_544 = arith.index_cast %scan3A_464 : i32 to index
      %swap3A_545 = arith.constant 32 : index
      %swap3A_546 = tpu.vector_load %arg12[%swap3A_543, %swap3A_544, %swap3A_545] {strides = array<i32>} : memref<2x40x136xf32, #tpu.memory_space<vmem>>, vector<1x1x16xf32>,
      %swap3A_547 = vector.shape_cast %swap3A_546 : vector<1x1x16xf32> to vector<16xf32>
      %swap3A_548 = vector.shape_cast %broadcast_in_dim3A_1 : vector<16xf32> to vector<1x1x16xf32>
      tpu.vector_store %arg12[%swap3A_543, %swap3A_544, %swap3A_545], %swap3A_548 {strides = array<i32>} : memref<2x40x136xf32, #tpu.memory_space<vmem>>, vector<1x1x16xf32>,
      %swap3A_549 = arith.constant 1 : i32
      %swap3A_550 = arith.index_cast %swap3A_549 : i32 to index
      %swap3A_551 = arith.index_cast %scan3A_464 : i32 to index
      %swap3A_552 = arith.constant 48 : index
      %swap3A_553 = tpu.vector_load %arg12[%swap3A_550, %swap3A_551, %swap3A_552] {strides = array<i32>} : memref<2x40x136xf32, #tpu.memory_space<vmem>>, vector<1x1x16xf32>,
      %swap3A_554 = vector.shape_cast %swap3A_553 : vector<1x1x16xf32> to vector<16xf32>
      %swap3A_555 = vector.shape_cast %broadcast_in_dim3A_1 : vector<16xf32> to vector<1x1x16xf32>
      tpu.vector_store %arg12[%swap3A_550, %swap3A_551, %swap3A_552], %swap3A_555 {strides = array<i32>} : memref<2x40x136xf32, #tpu.memory_space<vmem>>, vector<1x1x16xf32>,
      %swap3A_556 = arith.constant 1 : i32
      %swap3A_557 = arith.index_cast %swap3A_556 : i32 to index
      %swap3A_558 = arith.index_cast %scan3A_464 : i32 to index
      %swap3A_559 = arith.constant 64 : index
      %swap3A_560 = tpu.vector_load %arg12[%swap3A_557, %swap3A_558, %swap3A_559] {strides = array<i32>} : memref<2x40x136xf32, #tpu.memory_space<vmem>>, vector<1x1x16xf32>,
      %swap3A_561 = vector.shape_cast %swap3A_560 : vector<1x1x16xf32> to vector<16xf32>
      %swap3A_562 = vector.shape_cast %broadcast_in_dim3A_1 : vector<16xf32> to vector<1x1x16xf32>
      tpu.vector_store %arg12[%swap3A_557, %swap3A_558, %swap3A_559], %swap3A_562 {strides = array<i32>} : memref<2x40x136xf32, #tpu.memory_space<vmem>>, vector<1x1x16xf32>,
      %swap3A_563 = arith.constant 1 : i32
      %swap3A_564 = arith.index_cast %swap3A_563 : i32 to index
      %swap3A_565 = arith.index_cast %scan3A_464 : i32 to index
      %swap3A_566 = arith.constant 80 : index
      %swap3A_567 = tpu.vector_load %arg12[%swap3A_564, %swap3A_565, %swap3A_566] {strides = array<i32>} : memref<2x40x136xf32, #tpu.memory_space<vmem>>, vector<1x1x16xf32>,
      %swap3A_568 = vector.shape_cast %swap3A_567 : vector<1x1x16xf32> to vector<16xf32>
      %swap3A_569 = vector.shape_cast %broadcast_in_dim3A_1 : vector<16xf32> to vector<1x1x16xf32>
      tpu.vector_store %arg12[%swap3A_564, %swap3A_565, %swap3A_566], %swap3A_569 {strides = array<i32>} : memref<2x40x136xf32, #tpu.memory_space<vmem>>, vector<1x1x16xf32>,
      %swap3A_570 = arith.constant 1 : i32
      %swap3A_571 = arith.index_cast %swap3A_570 : i32 to index
      %swap3A_572 = arith.index_cast %scan3A_464 : i32 to index
      %swap3A_573 = arith.constant 96 : index
      %swap3A_574 = tpu.vector_load %arg12[%swap3A_571, %swap3A_572, %swap3A_573] {strides = array<i32>} : memref<2x40x136xf32, #tpu.memory_space<vmem>>, vector<1x1x16xf32>,
      %swap3A_575 = vector.shape_cast %swap3A_574 : vector<1x1x16xf32> to vector<16xf32>
      %swap3A_576 = vector.shape_cast %broadcast_in_dim3A_1 : vector<16xf32> to vector<1x1x16xf32>
      tpu.vector_store %arg12[%swap3A_571, %swap3A_572, %swap3A_573], %swap3A_576 {strides = array<i32>} : memref<2x40x136xf32, #tpu.memory_space<vmem>>, vector<1x1x16xf32>,
      %swap3A_577 = arith.constant 1 : i32
      %swap3A_578 = arith.index_cast %swap3A_577 : i32 to index
      %swap3A_579 = arith.index_cast %scan3A_464 : i32 to index
      %swap3A_580 = arith.constant 112 : index
      %swap3A_581 = tpu.vector_load %arg12[%swap3A_578, %swap3A_579, %swap3A_580] {strides = array<i32>} : memref<2x40x136xf32, #tpu.memory_space<vmem>>, vector<1x1x16xf32>,
      %swap3A_582 = vector.shape_cast %swap3A_581 : vector<1x1x16xf32> to vector<16xf32>
      %swap3A_583 = vector.shape_cast %broadcast_in_dim3A_1 : vector<16xf32> to vector<1x1x16xf32>
      tpu.vector_store %arg12[%swap3A_578, %swap3A_579, %swap3A_580], %swap3A_583 {strides = array<i32>} : memref<2x40x136xf32, #tpu.memory_space<vmem>>, vector<1x1x16xf32>,
      %swap3A_584 = arith.constant 1 : i32
      %swap3A_585 = arith.index_cast %swap3A_584 : i32 to index
      %swap3A_586 = arith.index_cast %scan3A_464 : i32 to index
      %swap3A_587 = arith.constant 120 : index
      %swap3A_588 = tpu.vector_load %arg12[%swap3A_585, %swap3A_586, %swap3A_587] {strides = array<i32>} : memref<2x40x136xf32, #tpu.memory_space<vmem>>, vector<1x1x16xf32>,
      %swap3A_589 = vector.shape_cast %swap3A_588 : vector<1x1x16xf32> to vector<16xf32>
      %swap3A_590 = vector.shape_cast %broadcast_in_dim3A_1 : vector<16xf32> to vector<1x1x16xf32>
      tpu.vector_store %arg12[%swap3A_585, %swap3A_586, %swap3A_587], %swap3A_590 {strides = array<i32>} : memref<2x40x136xf32, #tpu.memory_space<vmem>>, vector<1x1x16xf32>,
    }
    %scan3A_5 = arith.constant 40 : i32
    %scan3A_6 = arith.constant 0 : i32
    %scan3A_7 = arith.constant 8 : i32
    %scan3A_8 = arith.addi %scan3A_6, %scan3A_7 : i32
    %scan3A_9 = arith.constant 1 : i32
    scf.for %scan3A_464 = %scan3A_6 to %scan3A_8 step %scan3A_9  : i32 {
      %mul3A_465 = arith.constant 16 : i32
      %mul3A_466 = arith.muli %scan3A_464, %mul3A_465 : i32
      %add3A_467 = arith.addi %arg1, %mul3A_466 : i32
      %lt3A = arith.constant 125 : i32
      %lt3A_468 = arith.cmpi slt, %add3A_467, %lt3A : i32
      %convert_element_type3A = arith.extui %lt3A_468 : i1 to i32
      %cond3A = arith.constant 0 : i32
      %cond3A_469 = arith.cmpi ne, %convert_element_type3A, %cond3A : i32
      scf.if %cond3A_469 {
        %mul3A_470 = arith.constant 80 : i32
        %mul3A_471 = arith.muli %add3A_467, %mul3A_470 : i32
        %run_scoped3A = arith.constant 0 : i32
        "tpu.region"() ({
          %run_scoped3A_477 = tpu.sem_alloc : memref<!tpu.dma_semaphore, #tpu.memory_space<semaphore_mem>>
          %dma_start3A_478 = arith.constant 0 : i32
          %dma_start3A_479 = arith.constant 0 : i32
          %dma_start3A_480 = tpu.memref_slice %arg12[%run_scoped3A, %dma_start3A_478, %dma_start3A_479] : memref<2x40x136xf32, #tpu.memory_space<vmem>> -> memref<1x40x136xf32, #tpu.memory_space<vmem>>
          %dma_start3A_481 = tpu.memref_squeeze %dma_start3A_480 : memref<1x40x136xf32, #tpu.memory_space<vmem>> -> memref<40x136xf32, #tpu.memory_space<vmem>>
          %dma_start3A_482 = arith.constant 0 : i32
          %dma_start3A_483 = tpu.memref_slice %arg7[%mul3A_471, %dma_start3A_482] : memref<10000x136xf32, #tpu.memory_space<vmem_shared>> -> memref<40x136xf32, #tpu.memory_space<vmem_shared>>
          %dma_start3A_484 = arith.constant 0 : i32
          %dma_start3A_485 = tpu.memref_slice %arg7[%mul3A_471, %dma_start3A_484] : memref<10000x136xf32, #tpu.memory_space<vmem_shared>> -> memref<40x136xf32, #tpu.memory_space<vmem_shared>>
          %dma_start3A_486 = arith.constant 0 : i32
          %dma_start3A_487 = arith.constant 0 : i32
          %dma_start3A_488 = tpu.memref_slice %arg12[%run_scoped3A, %dma_start3A_486, %dma_start3A_487] : memref<2x40x136xf32, #tpu.memory_space<vmem>> -> memref<1x40x136xf32, #tpu.memory_space<vmem>>
          %dma_start3A_489 = tpu.memref_squeeze %dma_start3A_488 : memref<1x40x136xf32, #tpu.memory_space<vmem>> -> memref<40x136xf32, #tpu.memory_space<vmem>>
          tpu.enqueue_dma source(%dma_start3A_489 : memref<40x136xf32, #tpu.memory_space<vmem>>) target(%dma_start3A_485 : memref<40x136xf32, #tpu.memory_space<vmem_shared>>) target_semaphore(%run_scoped3A_477 : memref<!tpu.dma_semaphore, #tpu.memory_space<semaphore_mem>>)
          %dma_wait3A_490 = arith.constant 0 : i32
          %dma_wait3A_491 = arith.constant 0 : i32
          %dma_wait3A_492 = tpu.memref_slice %arg12[%run_scoped3A, %dma_wait3A_490, %dma_wait3A_491] : memref<2x40x136xf32, #tpu.memory_space<vmem>> -> memref<1x40x136xf32, #tpu.memory_space<vmem>>
          %dma_wait3A_493 = tpu.memref_squeeze %dma_wait3A_492 : memref<1x40x136xf32, #tpu.memory_space<vmem>> -> memref<40x136xf32, #tpu.memory_space<vmem>>
          %dma_wait3A_494 = arith.constant 0 : i32
          %dma_wait3A_495 = tpu.memref_slice %arg7[%mul3A_471, %dma_wait3A_494] : memref<10000x136xf32, #tpu.memory_space<vmem_shared>> -> memref<40x136xf32, #tpu.memory_space<vmem_shared>>
          %dma_wait3A_496 = arith.constant 0 : i32
          %dma_wait3A_497 = tpu.memref_slice %arg7[%mul3A_471, %dma_wait3A_496] : memref<10000x136xf32, #tpu.memory_space<vmem_shared>> -> memref<40x136xf32, #tpu.memory_space<vmem_shared>>
          %dma_wait3A_498 = arith.constant 0 : i32
          %dma_wait3A_499 = arith.constant 0 : i32
          %dma_wait3A_500 = tpu.memref_slice %arg12[%run_scoped3A, %dma_wait3A_498, %dma_wait3A_499] : memref<2x40x136xf32, #tpu.memory_space<vmem>> -> memref<1x40x136xf32, #tpu.memory_space<vmem>>
          %dma_wait3A_501 = tpu.memref_squeeze %dma_wait3A_500 : memref<1x40x136xf32, #tpu.memory_space<vmem>> -> memref<40x136xf32, #tpu.memory_space<vmem>>
          tpu.wait_dma2 semaphore(%run_scoped3A_477 : memref<!tpu.dma_semaphore, #tpu.memory_space<semaphore_mem>>) src(%dma_wait3A_501 : memref<40x136xf32, #tpu.memory_space<vmem>>) dst(%dma_wait3A_497 : memref<40x136xf32, #tpu.memory_space<vmem_shared>>)
          tpu.yield
        }) : () -> ()
        %mul3A_472 = arith.constant 80 : i32
        %mul3A_473 = arith.muli %add3A_467, %mul3A_472 : i32
        %add3A_474 = arith.constant 40 : i32
        %add3A_475 = arith.addi %mul3A_473, %add3A_474 : i32
        %run_scoped3A_476 = arith.constant 1 : i32
        "tpu.region"() ({
          %run_scoped3A_477 = tpu.sem_alloc : memref<!tpu.dma_semaphore, #tpu.memory_space<semaphore_mem>>
          %dma_start3A_478 = arith.constant 0 : i32
          %dma_start3A_479 = arith.constant 0 : i32
          %dma_start3A_480 = tpu.memref_slice %arg12[%run_scoped3A_476, %dma_start3A_478, %dma_start3A_479] : memref<2x40x136xf32, #tpu.memory_space<vmem>> -> memref<1x40x136xf32, #tpu.memory_space<vmem>>
          %dma_start3A_481 = tpu.memref_squeeze %dma_start3A_480 : memref<1x40x136xf32, #tpu.memory_space<vmem>> -> memref<40x136xf32, #tpu.memory_space<vmem>>
          %dma_start3A_482 = arith.constant 0 : i32
          %dma_start3A_483 = tpu.memref_slice %arg7[%add3A_475, %dma_start3A_482] : memref<10000x136xf32, #tpu.memory_space<vmem_shared>> -> memref<40x136xf32, #tpu.memory_space<vmem_shared>>
          %dma_start3A_484 = arith.constant 0 : i32
          %dma_start3A_485 = tpu.memref_slice %arg7[%add3A_475, %dma_start3A_484] : memref<10000x136xf32, #tpu.memory_space<vmem_shared>> -> memref<40x136xf32, #tpu.memory_space<vmem_shared>>
          %dma_start3A_486 = arith.constant 0 : i32
          %dma_start3A_487 = arith.constant 0 : i32
          %dma_start3A_488 = tpu.memref_slice %arg12[%run_scoped3A_476, %dma_start3A_486, %dma_start3A_487] : memref<2x40x136xf32, #tpu.memory_space<vmem>> -> memref<1x40x136xf32, #tpu.memory_space<vmem>>
          %dma_start3A_489 = tpu.memref_squeeze %dma_start3A_488 : memref<1x40x136xf32, #tpu.memory_space<vmem>> -> memref<40x136xf32, #tpu.memory_space<vmem>>
          tpu.enqueue_dma source(%dma_start3A_489 : memref<40x136xf32, #tpu.memory_space<vmem>>) target(%dma_start3A_485 : memref<40x136xf32, #tpu.memory_space<vmem_shared>>) target_semaphore(%run_scoped3A_477 : memref<!tpu.dma_semaphore, #tpu.memory_space<semaphore_mem>>)
          %dma_wait3A_490 = arith.constant 0 : i32
          %dma_wait3A_491 = arith.constant 0 : i32
          %dma_wait3A_492 = tpu.memref_slice %arg12[%run_scoped3A_476, %dma_wait3A_490, %dma_wait3A_491] : memref<2x40x136xf32, #tpu.memory_space<vmem>> -> memref<1x40x136xf32, #tpu.memory_space<vmem>>
          %dma_wait3A_493 = tpu.memref_squeeze %dma_wait3A_492 : memref<1x40x136xf32, #tpu.memory_space<vmem>> -> memref<40x136xf32, #tpu.memory_space<vmem>>
          %dma_wait3A_494 = arith.constant 0 : i32
          %dma_wait3A_495 = tpu.memref_slice %arg7[%add3A_475, %dma_wait3A_494] : memref<10000x136xf32, #tpu.memory_space<vmem_shared>> -> memref<40x136xf32, #tpu.memory_space<vmem_shared>>
          %dma_wait3A_496 = arith.constant 0 : i32
          %dma_wait3A_497 = tpu.memref_slice %arg7[%add3A_475, %dma_wait3A_496] : memref<10000x136xf32, #tpu.memory_space<vmem_shared>> -> memref<40x136xf32, #tpu.memory_space<vmem_shared>>
          %dma_wait3A_498 = arith.constant 0 : i32
          %dma_wait3A_499 = arith.constant 0 : i32
          %dma_wait3A_500 = tpu.memref_slice %arg12[%run_scoped3A_476, %dma_wait3A_498, %dma_wait3A_499] : memref<2x40x136xf32, #tpu.memory_space<vmem>> -> memref<1x40x136xf32, #tpu.memory_space<vmem>>
          %dma_wait3A_501 = tpu.memref_squeeze %dma_wait3A_500 : memref<1x40x136xf32, #tpu.memory_space<vmem>> -> memref<40x136xf32, #tpu.memory_space<vmem>>
          tpu.wait_dma2 semaphore(%run_scoped3A_477 : memref<!tpu.dma_semaphore, #tpu.memory_space<semaphore_mem>>) src(%dma_wait3A_501 : memref<40x136xf32, #tpu.memory_space<vmem>>) dst(%dma_wait3A_497 : memref<40x136xf32, #tpu.memory_space<vmem_shared>>)
          tpu.yield
        }) : () -> ()
      } else {
      }
    }
    %scan3A_10 = arith.constant 8 : i32
    %barrier3A = arith.constant 0 : index
    tpu.barrier barrier_id(%barrier3A)
    %broadcast_in_dim3A_11 = arith.constant 0 : i32
    %broadcast_in_dim3A_12 = vector.broadcast %broadcast_in_dim3A_11 : i32 to vector<16xi32>
    %swap3A = arith.constant 0 : index
    %swap3A_13 = tpu.vector_load %arg13[%swap3A] {strides = array<i32>} : memref<40xi32, #tpu.memory_space<vmem>>, vector<16xi32>,
    %swap3A_14 = vector.shape_cast %swap3A_13 : vector<16xi32> to vector<16xi32>
    %swap3A_15 = vector.shape_cast %broadcast_in_dim3A_12 : vector<16xi32> to vector<16xi32>
    tpu.vector_store %arg13[%swap3A], %swap3A_15 {strides = array<i32>} : memref<40xi32, #tpu.memory_space<vmem>>, vector<16xi32>,
    %swap3A_16 = arith.constant 16 : index
    %swap3A_17 = tpu.vector_load %arg13[%swap3A_16] {strides = array<i32>} : memref<40xi32, #tpu.memory_space<vmem>>, vector<16xi32>,
    %swap3A_18 = vector.shape_cast %swap3A_17 : vector<16xi32> to vector<16xi32>
    %swap3A_19 = vector.shape_cast %broadcast_in_dim3A_12 : vector<16xi32> to vector<16xi32>
    tpu.vector_store %arg13[%swap3A_16], %swap3A_19 {strides = array<i32>} : memref<40xi32, #tpu.memory_space<vmem>>, vector<16xi32>,
    %swap3A_20 = arith.constant 24 : index
    %swap3A_21 = tpu.vector_load %arg13[%swap3A_20] {strides = array<i32>} : memref<40xi32, #tpu.memory_space<vmem>>, vector<16xi32>,
    %swap3A_22 = vector.shape_cast %swap3A_21 : vector<16xi32> to vector<16xi32>
    %swap3A_23 = vector.shape_cast %broadcast_in_dim3A_12 : vector<16xi32> to vector<16xi32>
    tpu.vector_store %arg13[%swap3A_20], %swap3A_23 {strides = array<i32>} : memref<40xi32, #tpu.memory_space<vmem>>, vector<16xi32>,
    %dma_start3A = arith.constant 0 : i32
    %dma_start3A_24 = arith.constant 0 : i32
    %dma_start3A_25 = arith.constant 0 : i32
    %dma_start3A_26 = arith.constant 0 : i32
    %dma_start3A_27 = tpu.memref_slice %arg12[%dma_start3A, %dma_start3A_25, %dma_start3A_26] : memref<2x40x136xf32, #tpu.memory_space<vmem>> -> memref<1x40x136xf32, #tpu.memory_space<vmem>>
    %dma_start3A_28 = tpu.memref_squeeze %dma_start3A_27 : memref<1x40x136xf32, #tpu.memory_space<vmem>> -> memref<40x136xf32, #tpu.memory_space<vmem>>
    %dma_start3A_29 = arith.constant 0 : i32
    %dma_start3A_30 = arith.constant 0 : i32
    %dma_start3A_31 = tpu.memref_slice %arg7[%dma_start3A_29, %dma_start3A_30] : memref<10000x136xf32, #tpu.memory_space<vmem_shared>> -> memref<10000x136xf32, #tpu.memory_space<vmem_shared>>
    %dma_start3A_32 = tpu.memref_slice %arg16[%dma_start3A_24] : memref<2x!tpu.dma_semaphore, #tpu.memory_space<semaphore_mem>> -> memref<1x!tpu.dma_semaphore, #tpu.memory_space<semaphore_mem>>
    %dma_start3A_33 = tpu.memref_squeeze %dma_start3A_32 : memref<1x!tpu.dma_semaphore, #tpu.memory_space<semaphore_mem>> -> memref<!tpu.dma_semaphore, #tpu.memory_space<semaphore_mem>>
    tpu.enqueue_indirect_dma source(%dma_start3A_28 : memref<40x136xf32, #tpu.memory_space<vmem>>) target(%dma_start3A_31 : memref<10000x136xf32, #tpu.memory_space<vmem_shared>>) offsets(%arg13 : memref<40xi32, #tpu.memory_space<vmem>>) semaphore(%dma_start3A_33 : memref<!tpu.dma_semaphore, #tpu.memory_space<semaphore_mem>>) {add = true}
    %dma_start3A_34 = arith.constant 1 : i32
    %dma_start3A_35 = arith.constant 1 : i32
    %dma_start3A_36 = arith.constant 0 : i32
    %dma_start3A_37 = arith.constant 0 : i32
    %dma_start3A_38 = tpu.memref_slice %arg12[%dma_start3A_34, %dma_start3A_36, %dma_start3A_37] : memref<2x40x136xf32, #tpu.memory_space<vmem>> -> memref<1x40x136xf32, #tpu.memory_space<vmem>>
    %dma_start3A_39 = tpu.memref_squeeze %dma_start3A_38 : memref<1x40x136xf32, #tpu.memory_space<vmem>> -> memref<40x136xf32, #tpu.memory_space<vmem>>
    %dma_start3A_40 = arith.constant 0 : i32
    %dma_start3A_41 = arith.constant 0 : i32
    %dma_start3A_42 = tpu.memref_slice %arg7[%dma_start3A_40, %dma_start3A_41] : memref<10000x136xf32, #tpu.memory_space<vmem_shared>> -> memref<10000x136xf32, #tpu.memory_space<vmem_shared>>
    %dma_start3A_43 = tpu.memref_slice %arg16[%dma_start3A_35] : memref<2x!tpu.dma_semaphore, #tpu.memory_space<semaphore_mem>> -> memref<1x!tpu.dma_semaphore, #tpu.memory_space<semaphore_mem>>
    %dma_start3A_44 = tpu.memref_squeeze %dma_start3A_43 : memref<1x!tpu.dma_semaphore, #tpu.memory_space<semaphore_mem>> -> memref<!tpu.dma_semaphore, #tpu.memory_space<semaphore_mem>>
    tpu.enqueue_indirect_dma source(%dma_start3A_39 : memref<40x136xf32, #tpu.memory_space<vmem>>) target(%dma_start3A_42 : memref<10000x136xf32, #tpu.memory_space<vmem_shared>>) offsets(%arg13 : memref<40xi32, #tpu.memory_space<vmem>>) semaphore(%dma_start3A_44 : memref<!tpu.dma_semaphore, #tpu.memory_space<semaphore_mem>>) {add = true}
    %mul3A_45 = arith.constant 125 : i32
    %mul3A_46 = arith.muli %add3A, %mul3A_45 : i32
    %add3A_47 = arith.constant 0 : i32
    %add3A_48 = arith.addi %mul3A_46, %add3A_47 : i32
    "tpu.region"() ({
      %run_scoped3A = tpu.sem_alloc : memref<!tpu.dma_semaphore, #tpu.memory_space<semaphore_mem>>
      %dma_start3A_464 = arith.constant 0 : i32
      %dma_start3A_465 = arith.constant 0 : i32
      %dma_start3A_466 = tpu.memref_slice %arg8[%dma_start3A_464, %dma_start3A_465] : memref<63x80xi32, #tpu.memory_space<vmem>> -> memref<63x80xi32, #tpu.memory_space<vmem>>
      %dma_start3A_467 = arith.constant 0 : i32
      %dma_start3A_468 = tpu.memref_slice %arg4[%add3A_48, %dma_start3A_467] : memref<4000x80xi32, #tpu.memory_space<hbm>> -> memref<63x80xi32, #tpu.memory_space<hbm>>
      %dma_start3A_469 = arith.constant 0 : i32
      %dma_start3A_470 = arith.constant 0 : i32
      %dma_start3A_471 = tpu.memref_slice %arg8[%dma_start3A_469, %dma_start3A_470] : memref<63x80xi32, #tpu.memory_space<vmem>> -> memref<63x80xi32, #tpu.memory_space<vmem>>
      %dma_start3A_472 = arith.constant 0 : i32
      %dma_start3A_473 = tpu.memref_slice %arg4[%add3A_48, %dma_start3A_472] : memref<4000x80xi32, #tpu.memory_space<hbm>> -> memref<63x80xi32, #tpu.memory_space<hbm>>
      tpu.enqueue_dma source(%dma_start3A_473 : memref<63x80xi32, #tpu.memory_space<hbm>>) target(%dma_start3A_471 : memref<63x80xi32, #tpu.memory_space<vmem>>) target_semaphore(%run_scoped3A : memref<!tpu.dma_semaphore, #tpu.memory_space<semaphore_mem>>)
      %dma_wait3A_474 = arith.constant 0 : i32
      %dma_wait3A_475 = arith.constant 0 : i32
      %dma_wait3A_476 = tpu.memref_slice %arg8[%dma_wait3A_474, %dma_wait3A_475] : memref<63x80xi32, #tpu.memory_space<vmem>> -> memref<63x80xi32, #tpu.memory_space<vmem>>
      %dma_wait3A_477 = arith.constant 0 : i32
      %dma_wait3A_478 = tpu.memref_slice %arg4[%add3A_48, %dma_wait3A_477] : memref<4000x80xi32, #tpu.memory_space<hbm>> -> memref<63x80xi32, #tpu.memory_space<hbm>>
      %dma_wait3A_479 = arith.constant 0 : i32
      %dma_wait3A_480 = arith.constant 0 : i32
      %dma_wait3A_481 = tpu.memref_slice %arg8[%dma_wait3A_479, %dma_wait3A_480] : memref<63x80xi32, #tpu.memory_space<vmem>> -> memref<63x80xi32, #tpu.memory_space<vmem>>
      %dma_wait3A_482 = arith.constant 0 : i32
      %dma_wait3A_483 = tpu.memref_slice %arg4[%add3A_48, %dma_wait3A_482] : memref<4000x80xi32, #tpu.memory_space<hbm>> -> memref<63x80xi32, #tpu.memory_space<hbm>>
      tpu.wait_dma2 semaphore(%run_scoped3A : memref<!tpu.dma_semaphore, #tpu.memory_space<semaphore_mem>>) src(%dma_wait3A_483 : memref<63x80xi32, #tpu.memory_space<hbm>>) dst(%dma_wait3A_481 : memref<63x80xi32, #tpu.memory_space<vmem>>)
      tpu.yield
    }) : () -> ()
    %mul3A_49 = arith.constant 125 : i32
    %mul3A_50 = arith.muli %add3A, %mul3A_49 : i32
    %add3A_51 = arith.constant 0 : i32
    %add3A_52 = arith.addi %mul3A_50, %add3A_51 : i32
    "tpu.region"() ({
      %run_scoped3A = tpu.sem_alloc : memref<!tpu.dma_semaphore, #tpu.memory_space<semaphore_mem>>
      %dma_start3A_464 = arith.constant 0 : i32
      %dma_start3A_465 = arith.constant 0 : i32
      %dma_start3A_466 = tpu.memref_slice %arg9[%dma_start3A_464, %dma_start3A_465] : memref<63x80xi32, #tpu.memory_space<vmem>> -> memref<63x80xi32, #tpu.memory_space<vmem>>
      %dma_start3A_467 = arith.constant 0 : i32
      %dma_start3A_468 = tpu.memref_slice %arg5[%add3A_52, %dma_start3A_467] : memref<4000x80xi32, #tpu.memory_space<hbm>> -> memref<63x80xi32, #tpu.memory_space<hbm>>
      %dma_start3A_469 = arith.constant 0 : i32
      %dma_start3A_470 = arith.constant 0 : i32
      %dma_start3A_471 = tpu.memref_slice %arg9[%dma_start3A_469, %dma_start3A_470] : memref<63x80xi32, #tpu.memory_space<vmem>> -> memref<63x80xi32, #tpu.memory_space<vmem>>
      %dma_start3A_472 = arith.constant 0 : i32
      %dma_start3A_473 = tpu.memref_slice %arg5[%add3A_52, %dma_start3A_472] : memref<4000x80xi32, #tpu.memory_space<hbm>> -> memref<63x80xi32, #tpu.memory_space<hbm>>
      tpu.enqueue_dma source(%dma_start3A_473 : memref<63x80xi32, #tpu.memory_space<hbm>>) target(%dma_start3A_471 : memref<63x80xi32, #tpu.memory_space<vmem>>) target_semaphore(%run_scoped3A : memref<!tpu.dma_semaphore, #tpu.memory_space<semaphore_mem>>)
      %dma_wait3A_474 = arith.constant 0 : i32
      %dma_wait3A_475 = arith.constant 0 : i32
      %dma_wait3A_476 = tpu.memref_slice %arg9[%dma_wait3A_474, %dma_wait3A_475] : memref<63x80xi32, #tpu.memory_space<vmem>> -> memref<63x80xi32, #tpu.memory_space<vmem>>
      %dma_wait3A_477 = arith.constant 0 : i32
      %dma_wait3A_478 = tpu.memref_slice %arg5[%add3A_52, %dma_wait3A_477] : memref<4000x80xi32, #tpu.memory_space<hbm>> -> memref<63x80xi32, #tpu.memory_space<hbm>>
      %dma_wait3A_479 = arith.constant 0 : i32
      %dma_wait3A_480 = arith.constant 0 : i32
      %dma_wait3A_481 = tpu.memref_slice %arg9[%dma_wait3A_479, %dma_wait3A_480] : memref<63x80xi32, #tpu.memory_space<vmem>> -> memref<63x80xi32, #tpu.memory_space<vmem>>
      %dma_wait3A_482 = arith.constant 0 : i32
      %dma_wait3A_483 = tpu.memref_slice %arg5[%add3A_52, %dma_wait3A_482] : memref<4000x80xi32, #tpu.memory_space<hbm>> -> memref<63x80xi32, #tpu.memory_space<hbm>>
      tpu.wait_dma2 semaphore(%run_scoped3A : memref<!tpu.dma_semaphore, #tpu.memory_space<semaphore_mem>>) src(%dma_wait3A_483 : memref<63x80xi32, #tpu.memory_space<hbm>>) dst(%dma_wait3A_481 : memref<63x80xi32, #tpu.memory_space<vmem>>)
      tpu.yield
    }) : () -> ()
    %dma_start3A_53 = arith.constant 0 : i32
    %dma_start3A_54 = arith.constant 0 : i32
    %dma_start3A_55 = arith.constant 0 : i32
    %dma_start3A_56 = arith.constant 0 : i32
    %dma_start3A_57 = arith.constant 0 : i32
    %dma_start3A_58 = tpu.memref_slice %arg10[%dma_start3A_54, %dma_start3A_56, %dma_start3A_57] : memref<2x80x136xf32, #tpu.memory_space<vmem>> -> memref<1x80x136xf32, #tpu.memory_space<vmem>>
    %dma_start3A_59 = tpu.memref_squeeze %dma_start3A_58 : memref<1x80x136xf32, #tpu.memory_space<vmem>> -> memref<80x136xf32, #tpu.memory_space<vmem>>
    %dma_start3A_60 = arith.constant 0 : i32
    %dma_start3A_61 = tpu.memref_slice %arg8[%dma_start3A_53, %dma_start3A_60] : memref<63x80xi32, #tpu.memory_space<vmem>> -> memref<1x80xi32, #tpu.memory_space<vmem>>
    %dma_start3A_62 = tpu.memref_squeeze %dma_start3A_61 : memref<1x80xi32, #tpu.memory_space<vmem>> -> memref<80xi32, #tpu.memory_space<vmem>>
    %dma_start3A_63 = arith.constant 0 : i32
    %dma_start3A_64 = arith.constant 0 : i32
    %dma_start3A_65 = tpu.memref_slice %arg2[%dma_start3A_63, %dma_start3A_64] : memref<10000x136xf32, #tpu.memory_space<hbm>> -> memref<10000x136xf32, #tpu.memory_space<hbm>>
    %dma_start3A_66 = tpu.memref_slice %arg14[%dma_start3A_55] : memref<2x!tpu.dma_semaphore, #tpu.memory_space<semaphore_mem>> -> memref<1x!tpu.dma_semaphore, #tpu.memory_space<semaphore_mem>>
    %dma_start3A_67 = tpu.memref_squeeze %dma_start3A_66 : memref<1x!tpu.dma_semaphore, #tpu.memory_space<semaphore_mem>> -> memref<!tpu.dma_semaphore, #tpu.memory_space<semaphore_mem>>
    tpu.enqueue_indirect_dma source(%dma_start3A_65 : memref<10000x136xf32, #tpu.memory_space<hbm>>) target(%dma_start3A_59 : memref<80x136xf32, #tpu.memory_space<vmem>>) offsets(%dma_start3A_62 : memref<80xi32, #tpu.memory_space<vmem>>) semaphore(%dma_start3A_67 : memref<!tpu.dma_semaphore, #tpu.memory_space<semaphore_mem>>)
    %dma_start3A_68 = arith.constant 0 : i32
    %dma_start3A_69 = arith.constant 0 : i32
    %dma_start3A_70 = arith.constant 0 : i32
    %dma_start3A_71 = arith.constant 0 : i32
    %dma_start3A_72 = arith.constant 0 : i32
    %dma_start3A_73 = tpu.memref_slice %arg11[%dma_start3A_69, %dma_start3A_71, %dma_start3A_72] : memref<2x80x16xf32, #tpu.memory_space<vmem>> -> memref<1x80x16xf32, #tpu.memory_space<vmem>>
    %dma_start3A_74 = tpu.memref_squeeze %dma_start3A_73 : memref<1x80x16xf32, #tpu.memory_space<vmem>> -> memref<80x16xf32, #tpu.memory_space<vmem>>
    %dma_start3A_75 = arith.constant 0 : i32
    %dma_start3A_76 = tpu.memref_slice %arg9[%dma_start3A_68, %dma_start3A_75] : memref<63x80xi32, #tpu.memory_space<vmem>> -> memref<1x80xi32, #tpu.memory_space<vmem>>
    %dma_start3A_77 = tpu.memref_squeeze %dma_start3A_76 : memref<1x80xi32, #tpu.memory_space<vmem>> -> memref<80xi32, #tpu.memory_space<vmem>>
    %dma_start3A_78 = arith.constant 0 : i32
    %dma_start3A_79 = arith.constant 0 : i32
    %dma_start3A_80 = tpu.memref_slice %arg3[%dma_start3A_78, %dma_start3A_79] : memref<10000x16xf32, #tpu.memory_space<hbm>> -> memref<10000x16xf32, #tpu.memory_space<hbm>>
    %dma_start3A_81 = tpu.memref_slice %arg15[%dma_start3A_70] : memref<2x!tpu.dma_semaphore, #tpu.memory_space<semaphore_mem>> -> memref<1x!tpu.dma_semaphore, #tpu.memory_space<semaphore_mem>>
    %dma_start3A_82 = tpu.memref_squeeze %dma_start3A_81 : memref<1x!tpu.dma_semaphore, #tpu.memory_space<semaphore_mem>> -> memref<!tpu.dma_semaphore, #tpu.memory_space<semaphore_mem>>
    tpu.enqueue_indirect_dma source(%dma_start3A_80 : memref<10000x16xf32, #tpu.memory_space<hbm>>) target(%dma_start3A_74 : memref<80x16xf32, #tpu.memory_space<vmem>>) offsets(%dma_start3A_77 : memref<80xi32, #tpu.memory_space<vmem>>) semaphore(%dma_start3A_82 : memref<!tpu.dma_semaphore, #tpu.memory_space<semaphore_mem>>)
    %scan3A_83 = arith.constant 0 : i32
    %scan3A_84 = arith.constant 31 : i32
    %scan3A_85 = arith.addi %scan3A_83, %scan3A_84 : i32
    %scan3A_86 = arith.constant 1 : i32
    scf.for %scan3A_464 = %scan3A_83 to %scan3A_85 step %scan3A_86  : i32 {
      %mul3A_465 = arith.constant 2 : i32
      %mul3A_466 = arith.muli %mul3A_465, %scan3A_464 : i32
      %add3A_467 = arith.constant 1 : i32
      %add3A_468 = arith.addi %mul3A_466, %add3A_467 : i32
      %dma_start3A_469 = arith.constant 1 : i32
      %dma_start3A_470 = arith.constant 1 : i32
      %dma_start3A_471 = arith.constant 0 : i32
      %dma_start3A_472 = arith.constant 0 : i32
      %dma_start3A_473 = tpu.memref_slice %arg10[%dma_start3A_469, %dma_start3A_471, %dma_start3A_472] : memref<2x80x136xf32, #tpu.memory_space<vmem>> -> memref<1x80x136xf32, #tpu.memory_space<vmem>>
      %dma_start3A_474 = tpu.memref_squeeze %dma_start3A_473 : memref<1x80x136xf32, #tpu.memory_space<vmem>> -> memref<80x136xf32, #tpu.memory_space<vmem>>
      %dma_start3A_475 = arith.constant 0 : i32
      %dma_start3A_476 = tpu.memref_slice %arg8[%add3A_468, %dma_start3A_475] : memref<63x80xi32, #tpu.memory_space<vmem>> -> memref<1x80xi32, #tpu.memory_space<vmem>>
      %dma_start3A_477 = tpu.memref_squeeze %dma_start3A_476 : memref<1x80xi32, #tpu.memory_space<vmem>> -> memref<80xi32, #tpu.memory_space<vmem>>
      %dma_start3A_478 = arith.constant 0 : i32
      %dma_start3A_479 = arith.constant 0 : i32
      %dma_start3A_480 = tpu.memref_slice %arg2[%dma_start3A_478, %dma_start3A_479] : memref<10000x136xf32, #tpu.memory_space<hbm>> -> memref<10000x136xf32, #tpu.memory_space<hbm>>
      %dma_start3A_481 = tpu.memref_slice %arg14[%dma_start3A_470] : memref<2x!tpu.dma_semaphore, #tpu.memory_space<semaphore_mem>> -> memref<1x!tpu.dma_semaphore, #tpu.memory_space<semaphore_mem>>
      %dma_start3A_482 = tpu.memref_squeeze %dma_start3A_481 : memref<1x!tpu.dma_semaphore, #tpu.memory_space<semaphore_mem>> -> memref<!tpu.dma_semaphore, #tpu.memory_space<semaphore_mem>>
      tpu.enqueue_indirect_dma source(%dma_start3A_480 : memref<10000x136xf32, #tpu.memory_space<hbm>>) target(%dma_start3A_474 : memref<80x136xf32, #tpu.memory_space<vmem>>) offsets(%dma_start3A_477 : memref<80xi32, #tpu.memory_space<vmem>>) semaphore(%dma_start3A_482 : memref<!tpu.dma_semaphore, #tpu.memory_space<semaphore_mem>>)
      %dma_start3A_483 = arith.constant 1 : i32
      %dma_start3A_484 = arith.constant 1 : i32
      %dma_start3A_485 = arith.constant 0 : i32
      %dma_start3A_486 = arith.constant 0 : i32
      %dma_start3A_487 = tpu.memref_slice %arg11[%dma_start3A_483, %dma_start3A_485, %dma_start3A_486] : memref<2x80x16xf32, #tpu.memory_space<vmem>> -> memref<1x80x16xf32, #tpu.memory_space<vmem>>
      %dma_start3A_488 = tpu.memref_squeeze %dma_start3A_487 : memref<1x80x16xf32, #tpu.memory_space<vmem>> -> memref<80x16xf32, #tpu.memory_space<vmem>>
      %dma_start3A_489 = arith.constant 0 : i32
      %dma_start3A_490 = tpu.memref_slice %arg9[%add3A_468, %dma_start3A_489] : memref<63x80xi32, #tpu.memory_space<vmem>> -> memref<1x80xi32, #tpu.memory_space<vmem>>
      %dma_start3A_491 = tpu.memref_squeeze %dma_start3A_490 : memref<1x80xi32, #tpu.memory_space<vmem>> -> memref<80xi32, #tpu.memory_space<vmem>>
      %dma_start3A_492 = arith.constant 0 : i32
      %dma_start3A_493 = arith.constant 0 : i32
      %dma_start3A_494 = tpu.memref_slice %arg3[%dma_start3A_492, %dma_start3A_493] : memref<10000x16xf32, #tpu.memory_space<hbm>> -> memref<10000x16xf32, #tpu.memory_space<hbm>>
      %dma_start3A_495 = tpu.memref_slice %arg15[%dma_start3A_484] : memref<2x!tpu.dma_semaphore, #tpu.memory_space<semaphore_mem>> -> memref<1x!tpu.dma_semaphore, #tpu.memory_space<semaphore_mem>>
      %dma_start3A_496 = tpu.memref_squeeze %dma_start3A_495 : memref<1x!tpu.dma_semaphore, #tpu.memory_space<semaphore_mem>> -> memref<!tpu.dma_semaphore, #tpu.memory_space<semaphore_mem>>
      tpu.enqueue_indirect_dma source(%dma_start3A_494 : memref<10000x16xf32, #tpu.memory_space<hbm>>) target(%dma_start3A_488 : memref<80x16xf32, #tpu.memory_space<vmem>>) offsets(%dma_start3A_491 : memref<80xi32, #tpu.memory_space<vmem>>) semaphore(%dma_start3A_496 : memref<!tpu.dma_semaphore, #tpu.memory_space<semaphore_mem>>)
      %dma_wait3A_497 = arith.constant 0 : i32
      %dma_wait3A_498 = arith.constant 0 : i32
      %dma_wait3A_499 = arith.constant 0 : i32
      %dma_wait3A_500 = arith.constant 0 : i32
      %dma_wait3A_501 = arith.constant 0 : i32
      %dma_wait3A_502 = tpu.memref_slice %arg10[%dma_wait3A_498, %dma_wait3A_500, %dma_wait3A_501] : memref<2x80x136xf32, #tpu.memory_space<vmem>> -> memref<1x80x136xf32, #tpu.memory_space<vmem>>
      %dma_wait3A_503 = tpu.memref_squeeze %dma_wait3A_502 : memref<1x80x136xf32, #tpu.memory_space<vmem>> -> memref<80x136xf32, #tpu.memory_space<vmem>>
      %dma_wait3A_504 = arith.constant 0 : i32
      %dma_wait3A_505 = tpu.memref_slice %arg8[%dma_wait3A_497, %dma_wait3A_504] : memref<63x80xi32, #tpu.memory_space<vmem>> -> memref<1x80xi32, #tpu.memory_space<vmem>>
      %dma_wait3A_506 = tpu.memref_squeeze %dma_wait3A_505 : memref<1x80xi32, #tpu.memory_space<vmem>> -> memref<80xi32, #tpu.memory_space<vmem>>
      %dma_wait3A_507 = arith.constant 0 : i32
      %dma_wait3A_508 = arith.constant 0 : i32
      %dma_wait3A_509 = tpu.memref_slice %arg2[%dma_wait3A_507, %dma_wait3A_508] : memref<10000x136xf32, #tpu.memory_space<hbm>> -> memref<10000x136xf32, #tpu.memory_space<hbm>>
      %dma_wait3A_510 = tpu.memref_slice %arg14[%dma_wait3A_499] : memref<2x!tpu.dma_semaphore, #tpu.memory_space<semaphore_mem>> -> memref<1x!tpu.dma_semaphore, #tpu.memory_space<semaphore_mem>>
      %dma_wait3A_511 = tpu.memref_squeeze %dma_wait3A_510 : memref<1x!tpu.dma_semaphore, #tpu.memory_space<semaphore_mem>> -> memref<!tpu.dma_semaphore, #tpu.memory_space<semaphore_mem>>
      tpu.wait_indirect_dma semaphore(%dma_wait3A_511 : memref<!tpu.dma_semaphore, #tpu.memory_space<semaphore_mem>>) src(%dma_wait3A_509 : memref<10000x136xf32, #tpu.memory_space<hbm>>) dst(%dma_wait3A_503 : memref<80x136xf32, #tpu.memory_space<vmem>>)
      %dma_wait3A_512 = arith.constant 0 : i32
      %dma_wait3A_513 = arith.constant 0 : i32
      %dma_wait3A_514 = arith.constant 0 : i32
      %dma_wait3A_515 = arith.constant 0 : i32
      %dma_wait3A_516 = arith.constant 0 : i32
      %dma_wait3A_517 = tpu.memref_slice %arg11[%dma_wait3A_513, %dma_wait3A_515, %dma_wait3A_516] : memref<2x80x16xf32, #tpu.memory_space<vmem>> -> memref<1x80x16xf32, #tpu.memory_space<vmem>>
      %dma_wait3A_518 = tpu.memref_squeeze %dma_wait3A_517 : memref<1x80x16xf32, #tpu.memory_space<vmem>> -> memref<80x16xf32, #tpu.memory_space<vmem>>
      %dma_wait3A_519 = arith.constant 0 : i32
      %dma_wait3A_520 = tpu.memref_slice %arg9[%dma_wait3A_512, %dma_wait3A_519] : memref<63x80xi32, #tpu.memory_space<vmem>> -> memref<1x80xi32, #tpu.memory_space<vmem>>
      %dma_wait3A_521 = tpu.memref_squeeze %dma_wait3A_520 : memref<1x80xi32, #tpu.memory_space<vmem>> -> memref<80xi32, #tpu.memory_space<vmem>>
      %dma_wait3A_522 = arith.constant 0 : i32
      %dma_wait3A_523 = arith.constant 0 : i32
      %dma_wait3A_524 = tpu.memref_slice %arg3[%dma_wait3A_522, %dma_wait3A_523] : memref<10000x16xf32, #tpu.memory_space<hbm>> -> memref<10000x16xf32, #tpu.memory_space<hbm>>
      %dma_wait3A_525 = tpu.memref_slice %arg15[%dma_wait3A_514] : memref<2x!tpu.dma_semaphore, #tpu.memory_space<semaphore_mem>> -> memref<1x!tpu.dma_semaphore, #tpu.memory_space<semaphore_mem>>
      %dma_wait3A_526 = tpu.memref_squeeze %dma_wait3A_525 : memref<1x!tpu.dma_semaphore, #tpu.memory_space<semaphore_mem>> -> memref<!tpu.dma_semaphore, #tpu.memory_space<semaphore_mem>>
      tpu.wait_indirect_dma semaphore(%dma_wait3A_526 : memref<!tpu.dma_semaphore, #tpu.memory_space<semaphore_mem>>) src(%dma_wait3A_524 : memref<10000x16xf32, #tpu.memory_space<hbm>>) dst(%dma_wait3A_518 : memref<80x16xf32, #tpu.memory_space<vmem>>)
      %dma_wait3A_527 = arith.constant 0 : i32
      %dma_wait3A_528 = arith.constant 0 : i32
      %dma_wait3A_529 = arith.constant 0 : i32
      %dma_wait3A_530 = arith.constant 0 : i32
      %dma_wait3A_531 = tpu.memref_slice %arg12[%dma_wait3A_527, %dma_wait3A_529, %dma_wait3A_530] : memref<2x40x136xf32, #tpu.memory_space<vmem>> -> memref<1x40x136xf32, #tpu.memory_space<vmem>>
      %dma_wait3A_532 = tpu.memref_squeeze %dma_wait3A_531 : memref<1x40x136xf32, #tpu.memory_space<vmem>> -> memref<40x136xf32, #tpu.memory_space<vmem>>
      %dma_wait3A_533 = arith.constant 0 : i32
      %dma_wait3A_534 = arith.constant 0 : i32
      %dma_wait3A_535 = tpu.memref_slice %arg7[%dma_wait3A_533, %dma_wait3A_534] : memref<10000x136xf32, #tpu.memory_space<vmem_shared>> -> memref<10000x136xf32, #tpu.memory_space<vmem_shared>>
      %dma_wait3A_536 = tpu.memref_slice %arg16[%dma_wait3A_528] : memref<2x!tpu.dma_semaphore, #tpu.memory_space<semaphore_mem>> -> memref<1x!tpu.dma_semaphore, #tpu.memory_space<semaphore_mem>>
      %dma_wait3A_537 = tpu.memref_squeeze %dma_wait3A_536 : memref<1x!tpu.dma_semaphore, #tpu.memory_space<semaphore_mem>> -> memref<!tpu.dma_semaphore, #tpu.memory_space<semaphore_mem>>
      tpu.wait_indirect_dma semaphore(%dma_wait3A_537 : memref<!tpu.dma_semaphore, #tpu.memory_space<semaphore_mem>>) src(%dma_wait3A_532 : memref<40x136xf32, #tpu.memory_space<vmem>>) dst(%dma_wait3A_535 : memref<10000x136xf32, #tpu.memory_space<vmem_shared>>)
      %scan3A_538 = arith.constant 0 : i32
      %scan3A_539 = arith.constant 40 : i32
      %scan3A_540 = arith.addi %scan3A_538, %scan3A_539 : i32
      %scan3A_541 = arith.constant 1 : i32
      scf.for %scan3A_681 = %scan3A_538 to %scan3A_540 step %scan3A_541  : i32 {
        %add3A_682 = arith.constant 0 : i32
        %add3A_683 = arith.addi %add3A_682, %scan3A_681 : i32
        %get3A = arith.constant 0 : i32
        %get3A_684 = arith.index_cast %get3A : i32 to index
        %get3A_685 = arith.index_cast %add3A_683 : i32 to index
        %get3A_686 = arith.constant 120 : index
        %get3A_687 = tpu.vector_load %arg10[%get3A_684, %get3A_685, %get3A_686] {strides = array<i32>} : memref<2x80x136xf32, #tpu.memory_space<vmem>>, vector<1x1x16xf32>,
        %get3A_688 = vector.shape_cast %get3A_687 : vector<1x1x16xf32> to vector<16xf32>
        %add3A_689 = arith.constant 0 : i32
        %add3A_690 = arith.addi %add3A_689, %scan3A_681 : i32
        %get3A_691 = arith.constant 0 : i32
        %get3A_692 = arith.index_cast %get3A_691 : i32 to index
        %get3A_693 = arith.index_cast %add3A_690 : i32 to index
        %get3A_694 = arith.constant 0 : index
        %get3A_695 = tpu.vector_load %arg11[%get3A_692, %get3A_693, %get3A_694] {strides = array<i32>} : memref<2x80x16xf32, #tpu.memory_space<vmem>>, vector<1x1x16xf32>,
        %get3A_696 = vector.shape_cast %get3A_695 : vector<1x1x16xf32> to vector<16xf32>
        %add3A_697 = arith.addf %get3A_688, %get3A_696 : vector<16xf32>
        %ge3A = arith.constant 0.000000e+00 : f32
        %ge3A_698 = vector.broadcast %ge3A : f32 to vector<16xf32>
        %ge3A_699 = arith.cmpf oge, %add3A_697, %ge3A_698 : vector<16xf32>
        %mul3A_700 = arith.constant 2.000000e-01 : f32
        %mul3A_701 = vector.broadcast %mul3A_700 : f32 to vector<16xf32>
        %mul3A_702 = arith.mulf %add3A_697, %mul3A_701 : vector<16xf32>
        %select_n3A = arith.select %ge3A_699, %add3A_697, %mul3A_702 : vector<16xi1>, vector<16xf32>
        %exp3A = math.exp %select_n3A : vector<16xf32>
        %swap3A_703 = arith.constant 0 : i32
        %swap3A_704 = arith.index_cast %swap3A_703 : i32 to index
        %swap3A_705 = arith.index_cast %scan3A_681 : i32 to index
        %swap3A_706 = arith.constant 120 : index
        %swap3A_707 = tpu.vector_load %arg12[%swap3A_704, %swap3A_705, %swap3A_706] {strides = array<i32>} : memref<2x40x136xf32, #tpu.memory_space<vmem>>, vector<1x1x16xf32>,
        %swap3A_708 = vector.shape_cast %swap3A_707 : vector<1x1x16xf32> to vector<16xf32>
        %swap3A_709 = vector.shape_cast %exp3A : vector<16xf32> to vector<1x1x16xf32>
        tpu.vector_store %arg12[%swap3A_704, %swap3A_705, %swap3A_706], %swap3A_709 {strides = array<i32>} : memref<2x40x136xf32, #tpu.memory_space<vmem>>, vector<1x1x16xf32>,
        %add3A_710 = arith.constant 0 : i32
        %add3A_711 = arith.addi %add3A_710, %scan3A_681 : i32
        %get3A_712 = arith.constant 0 : i32
        %get3A_713 = arith.index_cast %get3A_712 : i32 to index
        %get3A_714 = arith.index_cast %add3A_711 : i32 to index
        %get3A_715 = arith.constant 0 : index
        %get3A_716 = tpu.vector_load %arg10[%get3A_713, %get3A_714, %get3A_715] {strides = array<i32>} : memref<2x80x136xf32, #tpu.memory_space<vmem>>, vector<1x1x16xf32>,
        %get3A_717 = vector.shape_cast %get3A_716 : vector<1x1x16xf32> to vector<16xf32>
        %slice3A = vector.extract_strided_slice %exp3A {offsets = [8], sizes = [1], strides = [1]} : vector<16xf32> to vector<1xf32>
        %squeeze3A = vector.extract %slice3A[0] : f32 from vector<1xf32>
        %broadcast_in_dim3A_718 = vector.broadcast %squeeze3A : f32 to vector<16xf32>
        %mul3A_719 = arith.mulf %get3A_717, %broadcast_in_dim3A_718 : vector<16xf32>
        %swap3A_720 = arith.constant 0 : i32
        %swap3A_721 = arith.index_cast %swap3A_720 : i32 to index
        %swap3A_722 = arith.index_cast %scan3A_681 : i32 to index
        %swap3A_723 = arith.constant 0 : index
        %swap3A_724 = tpu.vector_load %arg12[%swap3A_721, %swap3A_722, %swap3A_723] {strides = array<i32>} : memref<2x40x136xf32, #tpu.memory_space<vmem>>, vector<1x1x16xf32>,
        %swap3A_725 = vector.shape_cast %swap3A_724 : vector<1x1x16xf32> to vector<16xf32>
        %swap3A_726 = vector.shape_cast %mul3A_719 : vector<16xf32> to vector<1x1x16xf32>
        tpu.vector_store %arg12[%swap3A_721, %swap3A_722, %swap3A_723], %swap3A_726 {strides = array<i32>} : memref<2x40x136xf32, #tpu.memory_space<vmem>>, vector<1x1x16xf32>,
        %add3A_727 = arith.constant 0 : i32
        %add3A_728 = arith.addi %add3A_727, %scan3A_681 : i32
        %get3A_729 = arith.constant 0 : i32
        %get3A_730 = arith.index_cast %get3A_729 : i32 to index
        %get3A_731 = arith.index_cast %add3A_728 : i32 to index
        %get3A_732 = arith.constant 16 : index
        %get3A_733 = tpu.vector_load %arg10[%get3A_730, %get3A_731, %get3A_732] {strides = array<i32>} : memref<2x80x136xf32, #tpu.memory_space<vmem>>, vector<1x1x16xf32>,
        %get3A_734 = vector.shape_cast %get3A_733 : vector<1x1x16xf32> to vector<16xf32>
        %slice3A_735 = vector.extract_strided_slice %exp3A {offsets = [9], sizes = [1], strides = [1]} : vector<16xf32> to vector<1xf32>
        %squeeze3A_736 = vector.extract %slice3A_735[0] : f32 from vector<1xf32>
        %broadcast_in_dim3A_737 = vector.broadcast %squeeze3A_736 : f32 to vector<16xf32>
        %mul3A_738 = arith.mulf %get3A_734, %broadcast_in_dim3A_737 : vector<16xf32>
        %swap3A_739 = arith.constant 0 : i32
        %swap3A_740 = arith.index_cast %swap3A_739 : i32 to index
        %swap3A_741 = arith.index_cast %scan3A_681 : i32 to index
        %swap3A_742 = arith.constant 16 : index
        %swap3A_743 = tpu.vector_load %arg12[%swap3A_740, %swap3A_741, %swap3A_742] {strides = array<i32>} : memref<2x40x136xf32, #tpu.memory_space<vmem>>, vector<1x1x16xf32>,
        %swap3A_744 = vector.shape_cast %swap3A_743 : vector<1x1x16xf32> to vector<16xf32>
        %swap3A_745 = vector.shape_cast %mul3A_738 : vector<16xf32> to vector<1x1x16xf32>
        tpu.vector_store %arg12[%swap3A_740, %swap3A_741, %swap3A_742], %swap3A_745 {strides = array<i32>} : memref<2x40x136xf32, #tpu.memory_space<vmem>>, vector<1x1x16xf32>,
        %add3A_746 = arith.constant 0 : i32
        %add3A_747 = arith.addi %add3A_746, %scan3A_681 : i32
        %get3A_748 = arith.constant 0 : i32
        %get3A_749 = arith.index_cast %get3A_748 : i32 to index
        %get3A_750 = arith.index_cast %add3A_747 : i32 to index
        %get3A_751 = arith.constant 32 : index
        %get3A_752 = tpu.vector_load %arg10[%get3A_749, %get3A_750, %get3A_751] {strides = array<i32>} : memref<2x80x136xf32, #tpu.memory_space<vmem>>, vector<1x1x16xf32>,
        %get3A_753 = vector.shape_cast %get3A_752 : vector<1x1x16xf32> to vector<16xf32>
        %slice3A_754 = vector.extract_strided_slice %exp3A {offsets = [10], sizes = [1], strides = [1]} : vector<16xf32> to vector<1xf32>
        %squeeze3A_755 = vector.extract %slice3A_754[0] : f32 from vector<1xf32>
        %broadcast_in_dim3A_756 = vector.broadcast %squeeze3A_755 : f32 to vector<16xf32>
        %mul3A_757 = arith.mulf %get3A_753, %broadcast_in_dim3A_756 : vector<16xf32>
        %swap3A_758 = arith.constant 0 : i32
        %swap3A_759 = arith.index_cast %swap3A_758 : i32 to index
        %swap3A_760 = arith.index_cast %scan3A_681 : i32 to index
        %swap3A_761 = arith.constant 32 : index
        %swap3A_762 = tpu.vector_load %arg12[%swap3A_759, %swap3A_760, %swap3A_761] {strides = array<i32>} : memref<2x40x136xf32, #tpu.memory_space<vmem>>, vector<1x1x16xf32>,
        %swap3A_763 = vector.shape_cast %swap3A_762 : vector<1x1x16xf32> to vector<16xf32>
        %swap3A_764 = vector.shape_cast %mul3A_757 : vector<16xf32> to vector<1x1x16xf32>
        tpu.vector_store %arg12[%swap3A_759, %swap3A_760, %swap3A_761], %swap3A_764 {strides = array<i32>} : memref<2x40x136xf32, #tpu.memory_space<vmem>>, vector<1x1x16xf32>,
        %add3A_765 = arith.constant 0 : i32
        %add3A_766 = arith.addi %add3A_765, %scan3A_681 : i32
        %get3A_767 = arith.constant 0 : i32
        %get3A_768 = arith.index_cast %get3A_767 : i32 to index
        %get3A_769 = arith.index_cast %add3A_766 : i32 to index
        %get3A_770 = arith.constant 48 : index
        %get3A_771 = tpu.vector_load %arg10[%get3A_768, %get3A_769, %get3A_770] {strides = array<i32>} : memref<2x80x136xf32, #tpu.memory_space<vmem>>, vector<1x1x16xf32>,
        %get3A_772 = vector.shape_cast %get3A_771 : vector<1x1x16xf32> to vector<16xf32>
        %slice3A_773 = vector.extract_strided_slice %exp3A {offsets = [11], sizes = [1], strides = [1]} : vector<16xf32> to vector<1xf32>
        %squeeze3A_774 = vector.extract %slice3A_773[0] : f32 from vector<1xf32>
        %broadcast_in_dim3A_775 = vector.broadcast %squeeze3A_774 : f32 to vector<16xf32>
        %mul3A_776 = arith.mulf %get3A_772, %broadcast_in_dim3A_775 : vector<16xf32>
        %swap3A_777 = arith.constant 0 : i32
        %swap3A_778 = arith.index_cast %swap3A_777 : i32 to index
        %swap3A_779 = arith.index_cast %scan3A_681 : i32 to index
        %swap3A_780 = arith.constant 48 : index
        %swap3A_781 = tpu.vector_load %arg12[%swap3A_778, %swap3A_779, %swap3A_780] {strides = array<i32>} : memref<2x40x136xf32, #tpu.memory_space<vmem>>, vector<1x1x16xf32>,
        %swap3A_782 = vector.shape_cast %swap3A_781 : vector<1x1x16xf32> to vector<16xf32>
        %swap3A_783 = vector.shape_cast %mul3A_776 : vector<16xf32> to vector<1x1x16xf32>
        tpu.vector_store %arg12[%swap3A_778, %swap3A_779, %swap3A_780], %swap3A_783 {strides = array<i32>} : memref<2x40x136xf32, #tpu.memory_space<vmem>>, vector<1x1x16xf32>,
        %add3A_784 = arith.constant 0 : i32
        %add3A_785 = arith.addi %add3A_784, %scan3A_681 : i32
        %get3A_786 = arith.constant 0 : i32
        %get3A_787 = arith.index_cast %get3A_786 : i32 to index
        %get3A_788 = arith.index_cast %add3A_785 : i32 to index
        %get3A_789 = arith.constant 64 : index
        %get3A_790 = tpu.vector_load %arg10[%get3A_787, %get3A_788, %get3A_789] {strides = array<i32>} : memref<2x80x136xf32, #tpu.memory_space<vmem>>, vector<1x1x16xf32>,
        %get3A_791 = vector.shape_cast %get3A_790 : vector<1x1x16xf32> to vector<16xf32>
        %slice3A_792 = vector.extract_strided_slice %exp3A {offsets = [12], sizes = [1], strides = [1]} : vector<16xf32> to vector<1xf32>
        %squeeze3A_793 = vector.extract %slice3A_792[0] : f32 from vector<1xf32>
        %broadcast_in_dim3A_794 = vector.broadcast %squeeze3A_793 : f32 to vector<16xf32>
        %mul3A_795 = arith.mulf %get3A_791, %broadcast_in_dim3A_794 : vector<16xf32>
        %swap3A_796 = arith.constant 0 : i32
        %swap3A_797 = arith.index_cast %swap3A_796 : i32 to index
        %swap3A_798 = arith.index_cast %scan3A_681 : i32 to index
        %swap3A_799 = arith.constant 64 : index
        %swap3A_800 = tpu.vector_load %arg12[%swap3A_797, %swap3A_798, %swap3A_799] {strides = array<i32>} : memref<2x40x136xf32, #tpu.memory_space<vmem>>, vector<1x1x16xf32>,
        %swap3A_801 = vector.shape_cast %swap3A_800 : vector<1x1x16xf32> to vector<16xf32>
        %swap3A_802 = vector.shape_cast %mul3A_795 : vector<16xf32> to vector<1x1x16xf32>
        tpu.vector_store %arg12[%swap3A_797, %swap3A_798, %swap3A_799], %swap3A_802 {strides = array<i32>} : memref<2x40x136xf32, #tpu.memory_space<vmem>>, vector<1x1x16xf32>,
        %add3A_803 = arith.constant 0 : i32
        %add3A_804 = arith.addi %add3A_803, %scan3A_681 : i32
        %get3A_805 = arith.constant 0 : i32
        %get3A_806 = arith.index_cast %get3A_805 : i32 to index
        %get3A_807 = arith.index_cast %add3A_804 : i32 to index
        %get3A_808 = arith.constant 80 : index
        %get3A_809 = tpu.vector_load %arg10[%get3A_806, %get3A_807, %get3A_808] {strides = array<i32>} : memref<2x80x136xf32, #tpu.memory_space<vmem>>, vector<1x1x16xf32>,
        %get3A_810 = vector.shape_cast %get3A_809 : vector<1x1x16xf32> to vector<16xf32>
        %slice3A_811 = vector.extract_strided_slice %exp3A {offsets = [13], sizes = [1], strides = [1]} : vector<16xf32> to vector<1xf32>
        %squeeze3A_812 = vector.extract %slice3A_811[0] : f32 from vector<1xf32>
        %broadcast_in_dim3A_813 = vector.broadcast %squeeze3A_812 : f32 to vector<16xf32>
        %mul3A_814 = arith.mulf %get3A_810, %broadcast_in_dim3A_813 : vector<16xf32>
        %swap3A_815 = arith.constant 0 : i32
        %swap3A_816 = arith.index_cast %swap3A_815 : i32 to index
        %swap3A_817 = arith.index_cast %scan3A_681 : i32 to index
        %swap3A_818 = arith.constant 80 : index
        %swap3A_819 = tpu.vector_load %arg12[%swap3A_816, %swap3A_817, %swap3A_818] {strides = array<i32>} : memref<2x40x136xf32, #tpu.memory_space<vmem>>, vector<1x1x16xf32>,
        %swap3A_820 = vector.shape_cast %swap3A_819 : vector<1x1x16xf32> to vector<16xf32>
        %swap3A_821 = vector.shape_cast %mul3A_814 : vector<16xf32> to vector<1x1x16xf32>
        tpu.vector_store %arg12[%swap3A_816, %swap3A_817, %swap3A_818], %swap3A_821 {strides = array<i32>} : memref<2x40x136xf32, #tpu.memory_space<vmem>>, vector<1x1x16xf32>,
        %add3A_822 = arith.constant 0 : i32
        %add3A_823 = arith.addi %add3A_822, %scan3A_681 : i32
        %get3A_824 = arith.constant 0 : i32
        %get3A_825 = arith.index_cast %get3A_824 : i32 to index
        %get3A_826 = arith.index_cast %add3A_823 : i32 to index
        %get3A_827 = arith.constant 96 : index
        %get3A_828 = tpu.vector_load %arg10[%get3A_825, %get3A_826, %get3A_827] {strides = array<i32>} : memref<2x80x136xf32, #tpu.memory_space<vmem>>, vector<1x1x16xf32>,
        %get3A_829 = vector.shape_cast %get3A_828 : vector<1x1x16xf32> to vector<16xf32>
        %slice3A_830 = vector.extract_strided_slice %exp3A {offsets = [14], sizes = [1], strides = [1]} : vector<16xf32> to vector<1xf32>
        %squeeze3A_831 = vector.extract %slice3A_830[0] : f32 from vector<1xf32>
        %broadcast_in_dim3A_832 = vector.broadcast %squeeze3A_831 : f32 to vector<16xf32>
        %mul3A_833 = arith.mulf %get3A_829, %broadcast_in_dim3A_832 : vector<16xf32>
        %swap3A_834 = arith.constant 0 : i32
        %swap3A_835 = arith.index_cast %swap3A_834 : i32 to index
        %swap3A_836 = arith.index_cast %scan3A_681 : i32 to index
        %swap3A_837 = arith.constant 96 : index
        %swap3A_838 = tpu.vector_load %arg12[%swap3A_835, %swap3A_836, %swap3A_837] {strides = array<i32>} : memref<2x40x136xf32, #tpu.memory_space<vmem>>, vector<1x1x16xf32>,
        %swap3A_839 = vector.shape_cast %swap3A_838 : vector<1x1x16xf32> to vector<16xf32>
        %swap3A_840 = vector.shape_cast %mul3A_833 : vector<16xf32> to vector<1x1x16xf32>
        tpu.vector_store %arg12[%swap3A_835, %swap3A_836, %swap3A_837], %swap3A_840 {strides = array<i32>} : memref<2x40x136xf32, #tpu.memory_space<vmem>>, vector<1x1x16xf32>,
        %add3A_841 = arith.constant 0 : i32
        %add3A_842 = arith.addi %add3A_841, %scan3A_681 : i32
        %get3A_843 = arith.constant 0 : i32
        %get3A_844 = arith.index_cast %get3A_843 : i32 to index
        %get3A_845 = arith.index_cast %add3A_842 : i32 to index
        %get3A_846 = arith.constant 112 : index
        %get3A_847 = tpu.vector_load %arg10[%get3A_844, %get3A_845, %get3A_846] {strides = array<i32>} : memref<2x80x136xf32, #tpu.memory_space<vmem>>, vector<1x1x16xf32>,
        %get3A_848 = vector.shape_cast %get3A_847 : vector<1x1x16xf32> to vector<16xf32>
        %slice3A_849 = vector.extract_strided_slice %exp3A {offsets = [15], sizes = [1], strides = [1]} : vector<16xf32> to vector<1xf32>
        %squeeze3A_850 = vector.extract %slice3A_849[0] : f32 from vector<1xf32>
        %broadcast_in_dim3A_851 = vector.broadcast %squeeze3A_850 : f32 to vector<16xf32>
        %mul3A_852 = arith.mulf %get3A_848, %broadcast_in_dim3A_851 : vector<16xf32>
        %swap3A_853 = arith.constant 0 : i32
        %swap3A_854 = arith.index_cast %swap3A_853 : i32 to index
        %swap3A_855 = arith.index_cast %scan3A_681 : i32 to index
        %swap3A_856 = arith.constant 112 : index
        %swap3A_857 = tpu.vector_load %arg12[%swap3A_854, %swap3A_855, %swap3A_856] {strides = array<i32>} : memref<2x40x136xf32, #tpu.memory_space<vmem>>, vector<1x1x16xf32>,
        %swap3A_858 = vector.shape_cast %swap3A_857 : vector<1x1x16xf32> to vector<16xf32>
        %swap3A_859 = vector.shape_cast %mul3A_852 : vector<16xf32> to vector<1x1x16xf32>
        tpu.vector_store %arg12[%swap3A_854, %swap3A_855, %swap3A_856], %swap3A_859 {strides = array<i32>} : memref<2x40x136xf32, #tpu.memory_space<vmem>>, vector<1x1x16xf32>,
      }
      %scan3A_542 = arith.constant 40 : i32
      %dma_start3A_543 = arith.constant 0 : i32
      %dma_start3A_544 = arith.constant 0 : i32
      %dma_start3A_545 = arith.constant 0 : i32
      %dma_start3A_546 = arith.constant 0 : i32
      %dma_start3A_547 = tpu.memref_slice %arg12[%dma_start3A_543, %dma_start3A_545, %dma_start3A_546] : memref<2x40x136xf32, #tpu.memory_space<vmem>> -> memref<1x40x136xf32, #tpu.memory_space<vmem>>
      %dma_start3A_548 = tpu.memref_squeeze %dma_start3A_547 : memref<1x40x136xf32, #tpu.memory_space<vmem>> -> memref<40x136xf32, #tpu.memory_space<vmem>>
      %dma_start3A_549 = arith.constant 0 : i32
      %dma_start3A_550 = tpu.memref_slice %arg9[%mul3A_466, %dma_start3A_549] : memref<63x80xi32, #tpu.memory_space<vmem>> -> memref<1x40xi32, #tpu.memory_space<vmem>>
      %dma_start3A_551 = tpu.memref_squeeze %dma_start3A_550 : memref<1x40xi32, #tpu.memory_space<vmem>> -> memref<40xi32, #tpu.memory_space<vmem>>
      %dma_start3A_552 = arith.constant 0 : i32
      %dma_start3A_553 = arith.constant 0 : i32
      %dma_start3A_554 = tpu.memref_slice %arg7[%dma_start3A_552, %dma_start3A_553] : memref<10000x136xf32, #tpu.memory_space<vmem_shared>> -> memref<10000x136xf32, #tpu.memory_space<vmem_shared>>
      %dma_start3A_555 = tpu.memref_slice %arg16[%dma_start3A_544] : memref<2x!tpu.dma_semaphore, #tpu.memory_space<semaphore_mem>> -> memref<1x!tpu.dma_semaphore, #tpu.memory_space<semaphore_mem>>
      %dma_start3A_556 = tpu.memref_squeeze %dma_start3A_555 : memref<1x!tpu.dma_semaphore, #tpu.memory_space<semaphore_mem>> -> memref<!tpu.dma_semaphore, #tpu.memory_space<semaphore_mem>>
      tpu.enqueue_indirect_dma source(%dma_start3A_548 : memref<40x136xf32, #tpu.memory_space<vmem>>) target(%dma_start3A_554 : memref<10000x136xf32, #tpu.memory_space<vmem_shared>>) offsets(%dma_start3A_551 : memref<40xi32, #tpu.memory_space<vmem>>) semaphore(%dma_start3A_556 : memref<!tpu.dma_semaphore, #tpu.memory_space<semaphore_mem>>) {add = true}
      %dma_wait3A_557 = arith.constant 1 : i32
      %dma_wait3A_558 = arith.constant 1 : i32
      %dma_wait3A_559 = arith.constant 0 : i32
      %dma_wait3A_560 = arith.constant 0 : i32
      %dma_wait3A_561 = tpu.memref_slice %arg12[%dma_wait3A_557, %dma_wait3A_559, %dma_wait3A_560] : memref<2x40x136xf32, #tpu.memory_space<vmem>> -> memref<1x40x136xf32, #tpu.memory_space<vmem>>
      %dma_wait3A_562 = tpu.memref_squeeze %dma_wait3A_561 : memref<1x40x136xf32, #tpu.memory_space<vmem>> -> memref<40x136xf32, #tpu.memory_space<vmem>>
      %dma_wait3A_563 = arith.constant 0 : i32
      %dma_wait3A_564 = arith.constant 0 : i32
      %dma_wait3A_565 = tpu.memref_slice %arg7[%dma_wait3A_563, %dma_wait3A_564] : memref<10000x136xf32, #tpu.memory_space<vmem_shared>> -> memref<10000x136xf32, #tpu.memory_space<vmem_shared>>
      %dma_wait3A_566 = tpu.memref_slice %arg16[%dma_wait3A_558] : memref<2x!tpu.dma_semaphore, #tpu.memory_space<semaphore_mem>> -> memref<1x!tpu.dma_semaphore, #tpu.memory_space<semaphore_mem>>
      %dma_wait3A_567 = tpu.memref_squeeze %dma_wait3A_566 : memref<1x!tpu.dma_semaphore, #tpu.memory_space<semaphore_mem>> -> memref<!tpu.dma_semaphore, #tpu.memory_space<semaphore_mem>>
      tpu.wait_indirect_dma semaphore(%dma_wait3A_567 : memref<!tpu.dma_semaphore, #tpu.memory_space<semaphore_mem>>) src(%dma_wait3A_562 : memref<40x136xf32, #tpu.memory_space<vmem>>) dst(%dma_wait3A_565 : memref<10000x136xf32, #tpu.memory_space<vmem_shared>>)
      %scan3A_568 = arith.constant 0 : i32
      %scan3A_569 = arith.constant 40 : i32
      %scan3A_570 = arith.addi %scan3A_568, %scan3A_569 : i32
      %scan3A_571 = arith.constant 1 : i32
      scf.for %scan3A_681 = %scan3A_568 to %scan3A_570 step %scan3A_571  : i32 {
        %add3A_682 = arith.constant 40 : i32
        %add3A_683 = arith.addi %add3A_682, %scan3A_681 : i32
        %get3A = arith.constant 0 : i32
        %get3A_684 = arith.index_cast %get3A : i32 to index
        %get3A_685 = arith.index_cast %add3A_683 : i32 to index
        %get3A_686 = arith.constant 120 : index
        %get3A_687 = tpu.vector_load %arg10[%get3A_684, %get3A_685, %get3A_686] {strides = array<i32>} : memref<2x80x136xf32, #tpu.memory_space<vmem>>, vector<1x1x16xf32>,
        %get3A_688 = vector.shape_cast %get3A_687 : vector<1x1x16xf32> to vector<16xf32>
        %add3A_689 = arith.constant 40 : i32
        %add3A_690 = arith.addi %add3A_689, %scan3A_681 : i32
        %get3A_691 = arith.constant 0 : i32
        %get3A_692 = arith.index_cast %get3A_691 : i32 to index
        %get3A_693 = arith.index_cast %add3A_690 : i32 to index
        %get3A_694 = arith.constant 0 : index
        %get3A_695 = tpu.vector_load %arg11[%get3A_692, %get3A_693, %get3A_694] {strides = array<i32>} : memref<2x80x16xf32, #tpu.memory_space<vmem>>, vector<1x1x16xf32>,
        %get3A_696 = vector.shape_cast %get3A_695 : vector<1x1x16xf32> to vector<16xf32>
        %add3A_697 = arith.addf %get3A_688, %get3A_696 : vector<16xf32>
        %ge3A = arith.constant 0.000000e+00 : f32
        %ge3A_698 = vector.broadcast %ge3A : f32 to vector<16xf32>
        %ge3A_699 = arith.cmpf oge, %add3A_697, %ge3A_698 : vector<16xf32>
        %mul3A_700 = arith.constant 2.000000e-01 : f32
        %mul3A_701 = vector.broadcast %mul3A_700 : f32 to vector<16xf32>
        %mul3A_702 = arith.mulf %add3A_697, %mul3A_701 : vector<16xf32>
        %select_n3A = arith.select %ge3A_699, %add3A_697, %mul3A_702 : vector<16xi1>, vector<16xf32>
        %exp3A = math.exp %select_n3A : vector<16xf32>
        %swap3A_703 = arith.constant 1 : i32
        %swap3A_704 = arith.index_cast %swap3A_703 : i32 to index
        %swap3A_705 = arith.index_cast %scan3A_681 : i32 to index
        %swap3A_706 = arith.constant 120 : index
        %swap3A_707 = tpu.vector_load %arg12[%swap3A_704, %swap3A_705, %swap3A_706] {strides = array<i32>} : memref<2x40x136xf32, #tpu.memory_space<vmem>>, vector<1x1x16xf32>,
        %swap3A_708 = vector.shape_cast %swap3A_707 : vector<1x1x16xf32> to vector<16xf32>
        %swap3A_709 = vector.shape_cast %exp3A : vector<16xf32> to vector<1x1x16xf32>
        tpu.vector_store %arg12[%swap3A_704, %swap3A_705, %swap3A_706], %swap3A_709 {strides = array<i32>} : memref<2x40x136xf32, #tpu.memory_space<vmem>>, vector<1x1x16xf32>,
        %add3A_710 = arith.constant 40 : i32
        %add3A_711 = arith.addi %add3A_710, %scan3A_681 : i32
        %get3A_712 = arith.constant 0 : i32
        %get3A_713 = arith.index_cast %get3A_712 : i32 to index
        %get3A_714 = arith.index_cast %add3A_711 : i32 to index
        %get3A_715 = arith.constant 0 : index
        %get3A_716 = tpu.vector_load %arg10[%get3A_713, %get3A_714, %get3A_715] {strides = array<i32>} : memref<2x80x136xf32, #tpu.memory_space<vmem>>, vector<1x1x16xf32>,
        %get3A_717 = vector.shape_cast %get3A_716 : vector<1x1x16xf32> to vector<16xf32>
        %slice3A = vector.extract_strided_slice %exp3A {offsets = [8], sizes = [1], strides = [1]} : vector<16xf32> to vector<1xf32>
        %squeeze3A = vector.extract %slice3A[0] : f32 from vector<1xf32>
        %broadcast_in_dim3A_718 = vector.broadcast %squeeze3A : f32 to vector<16xf32>
        %mul3A_719 = arith.mulf %get3A_717, %broadcast_in_dim3A_718 : vector<16xf32>
        %swap3A_720 = arith.constant 1 : i32
        %swap3A_721 = arith.index_cast %swap3A_720 : i32 to index
        %swap3A_722 = arith.index_cast %scan3A_681 : i32 to index
        %swap3A_723 = arith.constant 0 : index
        %swap3A_724 = tpu.vector_load %arg12[%swap3A_721, %swap3A_722, %swap3A_723] {strides = array<i32>} : memref<2x40x136xf32, #tpu.memory_space<vmem>>, vector<1x1x16xf32>,
        %swap3A_725 = vector.shape_cast %swap3A_724 : vector<1x1x16xf32> to vector<16xf32>
        %swap3A_726 = vector.shape_cast %mul3A_719 : vector<16xf32> to vector<1x1x16xf32>
        tpu.vector_store %arg12[%swap3A_721, %swap3A_722, %swap3A_723], %swap3A_726 {strides = array<i32>} : memref<2x40x136xf32, #tpu.memory_space<vmem>>, vector<1x1x16xf32>,
        %add3A_727 = arith.constant 40 : i32
        %add3A_728 = arith.addi %add3A_727, %scan3A_681 : i32
        %get3A_729 = arith.constant 0 : i32
        %get3A_730 = arith.index_cast %get3A_729 : i32 to index
        %get3A_731 = arith.index_cast %add3A_728 : i32 to index
        %get3A_732 = arith.constant 16 : index
        %get3A_733 = tpu.vector_load %arg10[%get3A_730, %get3A_731, %get3A_732] {strides = array<i32>} : memref<2x80x136xf32, #tpu.memory_space<vmem>>, vector<1x1x16xf32>,
        %get3A_734 = vector.shape_cast %get3A_733 : vector<1x1x16xf32> to vector<16xf32>
        %slice3A_735 = vector.extract_strided_slice %exp3A {offsets = [9], sizes = [1], strides = [1]} : vector<16xf32> to vector<1xf32>
        %squeeze3A_736 = vector.extract %slice3A_735[0] : f32 from vector<1xf32>
        %broadcast_in_dim3A_737 = vector.broadcast %squeeze3A_736 : f32 to vector<16xf32>
        %mul3A_738 = arith.mulf %get3A_734, %broadcast_in_dim3A_737 : vector<16xf32>
        %swap3A_739 = arith.constant 1 : i32
        %swap3A_740 = arith.index_cast %swap3A_739 : i32 to index
        %swap3A_741 = arith.index_cast %scan3A_681 : i32 to index
        %swap3A_742 = arith.constant 16 : index
        %swap3A_743 = tpu.vector_load %arg12[%swap3A_740, %swap3A_741, %swap3A_742] {strides = array<i32>} : memref<2x40x136xf32, #tpu.memory_space<vmem>>, vector<1x1x16xf32>,
        %swap3A_744 = vector.shape_cast %swap3A_743 : vector<1x1x16xf32> to vector<16xf32>
        %swap3A_745 = vector.shape_cast %mul3A_738 : vector<16xf32> to vector<1x1x16xf32>
        tpu.vector_store %arg12[%swap3A_740, %swap3A_741, %swap3A_742], %swap3A_745 {strides = array<i32>} : memref<2x40x136xf32, #tpu.memory_space<vmem>>, vector<1x1x16xf32>,
        %add3A_746 = arith.constant 40 : i32
        %add3A_747 = arith.addi %add3A_746, %scan3A_681 : i32
        %get3A_748 = arith.constant 0 : i32
        %get3A_749 = arith.index_cast %get3A_748 : i32 to index
        %get3A_750 = arith.index_cast %add3A_747 : i32 to index
        %get3A_751 = arith.constant 32 : index
        %get3A_752 = tpu.vector_load %arg10[%get3A_749, %get3A_750, %get3A_751] {strides = array<i32>} : memref<2x80x136xf32, #tpu.memory_space<vmem>>, vector<1x1x16xf32>,
        %get3A_753 = vector.shape_cast %get3A_752 : vector<1x1x16xf32> to vector<16xf32>
        %slice3A_754 = vector.extract_strided_slice %exp3A {offsets = [10], sizes = [1], strides = [1]} : vector<16xf32> to vector<1xf32>
        %squeeze3A_755 = vector.extract %slice3A_754[0] : f32 from vector<1xf32>
        %broadcast_in_dim3A_756 = vector.broadcast %squeeze3A_755 : f32 to vector<16xf32>
        %mul3A_757 = arith.mulf %get3A_753, %broadcast_in_dim3A_756 : vector<16xf32>
        %swap3A_758 = arith.constant 1 : i32
        %swap3A_759 = arith.index_cast %swap3A_758 : i32 to index
        %swap3A_760 = arith.index_cast %scan3A_681 : i32 to index
        %swap3A_761 = arith.constant 32 : index
        %swap3A_762 = tpu.vector_load %arg12[%swap3A_759, %swap3A_760, %swap3A_761] {strides = array<i32>} : memref<2x40x136xf32, #tpu.memory_space<vmem>>, vector<1x1x16xf32>,
        %swap3A_763 = vector.shape_cast %swap3A_762 : vector<1x1x16xf32> to vector<16xf32>
        %swap3A_764 = vector.shape_cast %mul3A_757 : vector<16xf32> to vector<1x1x16xf32>
        tpu.vector_store %arg12[%swap3A_759, %swap3A_760, %swap3A_761], %swap3A_764 {strides = array<i32>} : memref<2x40x136xf32, #tpu.memory_space<vmem>>, vector<1x1x16xf32>,
        %add3A_765 = arith.constant 40 : i32
        %add3A_766 = arith.addi %add3A_765, %scan3A_681 : i32
        %get3A_767 = arith.constant 0 : i32
        %get3A_768 = arith.index_cast %get3A_767 : i32 to index
        %get3A_769 = arith.index_cast %add3A_766 : i32 to index
        %get3A_770 = arith.constant 48 : index
        %get3A_771 = tpu.vector_load %arg10[%get3A_768, %get3A_769, %get3A_770] {strides = array<i32>} : memref<2x80x136xf32, #tpu.memory_space<vmem>>, vector<1x1x16xf32>,
        %get3A_772 = vector.shape_cast %get3A_771 : vector<1x1x16xf32> to vector<16xf32>
        %slice3A_773 = vector.extract_strided_slice %exp3A {offsets = [11], sizes = [1], strides = [1]} : vector<16xf32> to vector<1xf32>
        %squeeze3A_774 = vector.extract %slice3A_773[0] : f32 from vector<1xf32>
        %broadcast_in_dim3A_775 = vector.broadcast %squeeze3A_774 : f32 to vector<16xf32>
        %mul3A_776 = arith.mulf %get3A_772, %broadcast_in_dim3A_775 : vector<16xf32>
        %swap3A_777 = arith.constant 1 : i32
        %swap3A_778 = arith.index_cast %swap3A_777 : i32 to index
        %swap3A_779 = arith.index_cast %scan3A_681 : i32 to index
        %swap3A_780 = arith.constant 48 : index
        %swap3A_781 = tpu.vector_load %arg12[%swap3A_778, %swap3A_779, %swap3A_780] {strides = array<i32>} : memref<2x40x136xf32, #tpu.memory_space<vmem>>, vector<1x1x16xf32>,
        %swap3A_782 = vector.shape_cast %swap3A_781 : vector<1x1x16xf32> to vector<16xf32>
        %swap3A_783 = vector.shape_cast %mul3A_776 : vector<16xf32> to vector<1x1x16xf32>
        tpu.vector_store %arg12[%swap3A_778, %swap3A_779, %swap3A_780], %swap3A_783 {strides = array<i32>} : memref<2x40x136xf32, #tpu.memory_space<vmem>>, vector<1x1x16xf32>,
        %add3A_784 = arith.constant 40 : i32
        %add3A_785 = arith.addi %add3A_784, %scan3A_681 : i32
        %get3A_786 = arith.constant 0 : i32
        %get3A_787 = arith.index_cast %get3A_786 : i32 to index
        %get3A_788 = arith.index_cast %add3A_785 : i32 to index
        %get3A_789 = arith.constant 64 : index
        %get3A_790 = tpu.vector_load %arg10[%get3A_787, %get3A_788, %get3A_789] {strides = array<i32>} : memref<2x80x136xf32, #tpu.memory_space<vmem>>, vector<1x1x16xf32>,
        %get3A_791 = vector.shape_cast %get3A_790 : vector<1x1x16xf32> to vector<16xf32>
        %slice3A_792 = vector.extract_strided_slice %exp3A {offsets = [12], sizes = [1], strides = [1]} : vector<16xf32> to vector<1xf32>
        %squeeze3A_793 = vector.extract %slice3A_792[0] : f32 from vector<1xf32>
        %broadcast_in_dim3A_794 = vector.broadcast %squeeze3A_793 : f32 to vector<16xf32>
        %mul3A_795 = arith.mulf %get3A_791, %broadcast_in_dim3A_794 : vector<16xf32>
        %swap3A_796 = arith.constant 1 : i32
        %swap3A_797 = arith.index_cast %swap3A_796 : i32 to index
        %swap3A_798 = arith.index_cast %scan3A_681 : i32 to index
        %swap3A_799 = arith.constant 64 : index
        %swap3A_800 = tpu.vector_load %arg12[%swap3A_797, %swap3A_798, %swap3A_799] {strides = array<i32>} : memref<2x40x136xf32, #tpu.memory_space<vmem>>, vector<1x1x16xf32>,
        %swap3A_801 = vector.shape_cast %swap3A_800 : vector<1x1x16xf32> to vector<16xf32>
        %swap3A_802 = vector.shape_cast %mul3A_795 : vector<16xf32> to vector<1x1x16xf32>
        tpu.vector_store %arg12[%swap3A_797, %swap3A_798, %swap3A_799], %swap3A_802 {strides = array<i32>} : memref<2x40x136xf32, #tpu.memory_space<vmem>>, vector<1x1x16xf32>,
        %add3A_803 = arith.constant 40 : i32
        %add3A_804 = arith.addi %add3A_803, %scan3A_681 : i32
        %get3A_805 = arith.constant 0 : i32
        %get3A_806 = arith.index_cast %get3A_805 : i32 to index
        %get3A_807 = arith.index_cast %add3A_804 : i32 to index
        %get3A_808 = arith.constant 80 : index
        %get3A_809 = tpu.vector_load %arg10[%get3A_806, %get3A_807, %get3A_808] {strides = array<i32>} : memref<2x80x136xf32, #tpu.memory_space<vmem>>, vector<1x1x16xf32>,
        %get3A_810 = vector.shape_cast %get3A_809 : vector<1x1x16xf32> to vector<16xf32>
        %slice3A_811 = vector.extract_strided_slice %exp3A {offsets = [13], sizes = [1], strides = [1]} : vector<16xf32> to vector<1xf32>
        %squeeze3A_812 = vector.extract %slice3A_811[0] : f32 from vector<1xf32>
        %broadcast_in_dim3A_813 = vector.broadcast %squeeze3A_812 : f32 to vector<16xf32>
        %mul3A_814 = arith.mulf %get3A_810, %broadcast_in_dim3A_813 : vector<16xf32>
        %swap3A_815 = arith.constant 1 : i32
        %swap3A_816 = arith.index_cast %swap3A_815 : i32 to index
        %swap3A_817 = arith.index_cast %scan3A_681 : i32 to index
        %swap3A_818 = arith.constant 80 : index
        %swap3A_819 = tpu.vector_load %arg12[%swap3A_816, %swap3A_817, %swap3A_818] {strides = array<i32>} : memref<2x40x136xf32, #tpu.memory_space<vmem>>, vector<1x1x16xf32>,
        %swap3A_820 = vector.shape_cast %swap3A_819 : vector<1x1x16xf32> to vector<16xf32>
        %swap3A_821 = vector.shape_cast %mul3A_814 : vector<16xf32> to vector<1x1x16xf32>
        tpu.vector_store %arg12[%swap3A_816, %swap3A_817, %swap3A_818], %swap3A_821 {strides = array<i32>} : memref<2x40x136xf32, #tpu.memory_space<vmem>>, vector<1x1x16xf32>,
        %add3A_822 = arith.constant 40 : i32
        %add3A_823 = arith.addi %add3A_822, %scan3A_681 : i32
        %get3A_824 = arith.constant 0 : i32
        %get3A_825 = arith.index_cast %get3A_824 : i32 to index
        %get3A_826 = arith.index_cast %add3A_823 : i32 to index
        %get3A_827 = arith.constant 96 : index
        %get3A_828 = tpu.vector_load %arg10[%get3A_825, %get3A_826, %get3A_827] {strides = array<i32>} : memref<2x80x136xf32, #tpu.memory_space<vmem>>, vector<1x1x16xf32>,
        %get3A_829 = vector.shape_cast %get3A_828 : vector<1x1x16xf32> to vector<16xf32>
        %slice3A_830 = vector.extract_strided_slice %exp3A {offsets = [14], sizes = [1], strides = [1]} : vector<16xf32> to vector<1xf32>
        %squeeze3A_831 = vector.extract %slice3A_830[0] : f32 from vector<1xf32>
        %broadcast_in_dim3A_832 = vector.broadcast %squeeze3A_831 : f32 to vector<16xf32>
        %mul3A_833 = arith.mulf %get3A_829, %broadcast_in_dim3A_832 : vector<16xf32>
        %swap3A_834 = arith.constant 1 : i32
        %swap3A_835 = arith.index_cast %swap3A_834 : i32 to index
        %swap3A_836 = arith.index_cast %scan3A_681 : i32 to index
        %swap3A_837 = arith.constant 96 : index
        %swap3A_838 = tpu.vector_load %arg12[%swap3A_835, %swap3A_836, %swap3A_837] {strides = array<i32>} : memref<2x40x136xf32, #tpu.memory_space<vmem>>, vector<1x1x16xf32>,
        %swap3A_839 = vector.shape_cast %swap3A_838 : vector<1x1x16xf32> to vector<16xf32>
        %swap3A_840 = vector.shape_cast %mul3A_833 : vector<16xf32> to vector<1x1x16xf32>
        tpu.vector_store %arg12[%swap3A_835, %swap3A_836, %swap3A_837], %swap3A_840 {strides = array<i32>} : memref<2x40x136xf32, #tpu.memory_space<vmem>>, vector<1x1x16xf32>,
        %add3A_841 = arith.constant 40 : i32
        %add3A_842 = arith.addi %add3A_841, %scan3A_681 : i32
        %get3A_843 = arith.constant 0 : i32
        %get3A_844 = arith.index_cast %get3A_843 : i32 to index
        %get3A_845 = arith.index_cast %add3A_842 : i32 to index
        %get3A_846 = arith.constant 112 : index
        %get3A_847 = tpu.vector_load %arg10[%get3A_844, %get3A_845, %get3A_846] {strides = array<i32>} : memref<2x80x136xf32, #tpu.memory_space<vmem>>, vector<1x1x16xf32>,
        %get3A_848 = vector.shape_cast %get3A_847 : vector<1x1x16xf32> to vector<16xf32>
        %slice3A_849 = vector.extract_strided_slice %exp3A {offsets = [15], sizes = [1], strides = [1]} : vector<16xf32> to vector<1xf32>
        %squeeze3A_850 = vector.extract %slice3A_849[0] : f32 from vector<1xf32>
        %broadcast_in_dim3A_851 = vector.broadcast %squeeze3A_850 : f32 to vector<16xf32>
        %mul3A_852 = arith.mulf %get3A_848, %broadcast_in_dim3A_851 : vector<16xf32>
        %swap3A_853 = arith.constant 1 : i32
        %swap3A_854 = arith.index_cast %swap3A_853 : i32 to index
        %swap3A_855 = arith.index_cast %scan3A_681 : i32 to index
        %swap3A_856 = arith.constant 112 : index
        %swap3A_857 = tpu.vector_load %arg12[%swap3A_854, %swap3A_855, %swap3A_856] {strides = array<i32>} : memref<2x40x136xf32, #tpu.memory_space<vmem>>, vector<1x1x16xf32>,
        %swap3A_858 = vector.shape_cast %swap3A_857 : vector<1x1x16xf32> to vector<16xf32>
        %swap3A_859 = vector.shape_cast %mul3A_852 : vector<16xf32> to vector<1x1x16xf32>
        tpu.vector_store %arg12[%swap3A_854, %swap3A_855, %swap3A_856], %swap3A_859 {strides = array<i32>} : memref<2x40x136xf32, #tpu.memory_space<vmem>>, vector<1x1x16xf32>,
      }
      %scan3A_572 = arith.constant 40 : i32
      %dma_start3A_573 = arith.constant 1 : i32
      %dma_start3A_574 = arith.constant 1 : i32
      %dma_start3A_575 = arith.constant 0 : i32
      %dma_start3A_576 = arith.constant 0 : i32
      %dma_start3A_577 = tpu.memref_slice %arg12[%dma_start3A_573, %dma_start3A_575, %dma_start3A_576] : memref<2x40x136xf32, #tpu.memory_space<vmem>> -> memref<1x40x136xf32, #tpu.memory_space<vmem>>
      %dma_start3A_578 = tpu.memref_squeeze %dma_start3A_577 : memref<1x40x136xf32, #tpu.memory_space<vmem>> -> memref<40x136xf32, #tpu.memory_space<vmem>>
      %dma_start3A_579 = arith.constant 40 : i32
      %dma_start3A_580 = tpu.memref_slice %arg9[%mul3A_466, %dma_start3A_579] : memref<63x80xi32, #tpu.memory_space<vmem>> -> memref<1x40xi32, #tpu.memory_space<vmem>>
      %dma_start3A_581 = tpu.memref_squeeze %dma_start3A_580 : memref<1x40xi32, #tpu.memory_space<vmem>> -> memref<40xi32, #tpu.memory_space<vmem>>
      %dma_start3A_582 = arith.constant 0 : i32
      %dma_start3A_583 = arith.constant 0 : i32
      %dma_start3A_584 = tpu.memref_slice %arg7[%dma_start3A_582, %dma_start3A_583] : memref<10000x136xf32, #tpu.memory_space<vmem_shared>> -> memref<10000x136xf32, #tpu.memory_space<vmem_shared>>
      %dma_start3A_585 = tpu.memref_slice %arg16[%dma_start3A_574] : memref<2x!tpu.dma_semaphore, #tpu.memory_space<semaphore_mem>> -> memref<1x!tpu.dma_semaphore, #tpu.memory_space<semaphore_mem>>
      %dma_start3A_586 = tpu.memref_squeeze %dma_start3A_585 : memref<1x!tpu.dma_semaphore, #tpu.memory_space<semaphore_mem>> -> memref<!tpu.dma_semaphore, #tpu.memory_space<semaphore_mem>>
      tpu.enqueue_indirect_dma source(%dma_start3A_578 : memref<40x136xf32, #tpu.memory_space<vmem>>) target(%dma_start3A_584 : memref<10000x136xf32, #tpu.memory_space<vmem_shared>>) offsets(%dma_start3A_581 : memref<40xi32, #tpu.memory_space<vmem>>) semaphore(%dma_start3A_586 : memref<!tpu.dma_semaphore, #tpu.memory_space<semaphore_mem>>) {add = true}
      %add3A_587 = arith.constant 2 : i32
      %add3A_588 = arith.addi %mul3A_466, %add3A_587 : i32
      %lt3A = arith.constant 63 : i32
      %lt3A_589 = arith.cmpi slt, %add3A_588, %lt3A : i32
      %convert_element_type3A = arith.extui %lt3A_589 : i1 to i32
      %cond3A = arith.constant 0 : i32
      %cond3A_590 = arith.cmpi ne, %convert_element_type3A, %cond3A : i32
      scf.if %cond3A_590 {
        %add3A_681 = arith.constant 2 : i32
        %add3A_682 = arith.addi %mul3A_466, %add3A_681 : i32
        %dma_start3A_683 = arith.constant 0 : i32
        %dma_start3A_684 = arith.constant 0 : i32
        %dma_start3A_685 = arith.constant 0 : i32
        %dma_start3A_686 = arith.constant 0 : i32
        %dma_start3A_687 = tpu.memref_slice %arg10[%dma_start3A_683, %dma_start3A_685, %dma_start3A_686] : memref<2x80x136xf32, #tpu.memory_space<vmem>> -> memref<1x80x136xf32, #tpu.memory_space<vmem>>
        %dma_start3A_688 = tpu.memref_squeeze %dma_start3A_687 : memref<1x80x136xf32, #tpu.memory_space<vmem>> -> memref<80x136xf32, #tpu.memory_space<vmem>>
        %dma_start3A_689 = arith.constant 0 : i32
        %dma_start3A_690 = tpu.memref_slice %arg8[%add3A_682, %dma_start3A_689] : memref<63x80xi32, #tpu.memory_space<vmem>> -> memref<1x80xi32, #tpu.memory_space<vmem>>
        %dma_start3A_691 = tpu.memref_squeeze %dma_start3A_690 : memref<1x80xi32, #tpu.memory_space<vmem>> -> memref<80xi32, #tpu.memory_space<vmem>>
        %dma_start3A_692 = arith.constant 0 : i32
        %dma_start3A_693 = arith.constant 0 : i32
        %dma_start3A_694 = tpu.memref_slice %arg2[%dma_start3A_692, %dma_start3A_693] : memref<10000x136xf32, #tpu.memory_space<hbm>> -> memref<10000x136xf32, #tpu.memory_space<hbm>>
        %dma_start3A_695 = tpu.memref_slice %arg14[%dma_start3A_684] : memref<2x!tpu.dma_semaphore, #tpu.memory_space<semaphore_mem>> -> memref<1x!tpu.dma_semaphore, #tpu.memory_space<semaphore_mem>>
        %dma_start3A_696 = tpu.memref_squeeze %dma_start3A_695 : memref<1x!tpu.dma_semaphore, #tpu.memory_space<semaphore_mem>> -> memref<!tpu.dma_semaphore, #tpu.memory_space<semaphore_mem>>
        tpu.enqueue_indirect_dma source(%dma_start3A_694 : memref<10000x136xf32, #tpu.memory_space<hbm>>) target(%dma_start3A_688 : memref<80x136xf32, #tpu.memory_space<vmem>>) offsets(%dma_start3A_691 : memref<80xi32, #tpu.memory_space<vmem>>) semaphore(%dma_start3A_696 : memref<!tpu.dma_semaphore, #tpu.memory_space<semaphore_mem>>)
        %dma_start3A_697 = arith.constant 0 : i32
        %dma_start3A_698 = arith.constant 0 : i32
        %dma_start3A_699 = arith.constant 0 : i32
        %dma_start3A_700 = arith.constant 0 : i32
        %dma_start3A_701 = tpu.memref_slice %arg11[%dma_start3A_697, %dma_start3A_699, %dma_start3A_700] : memref<2x80x16xf32, #tpu.memory_space<vmem>> -> memref<1x80x16xf32, #tpu.memory_space<vmem>>
        %dma_start3A_702 = tpu.memref_squeeze %dma_start3A_701 : memref<1x80x16xf32, #tpu.memory_space<vmem>> -> memref<80x16xf32, #tpu.memory_space<vmem>>
        %dma_start3A_703 = arith.constant 0 : i32
        %dma_start3A_704 = tpu.memref_slice %arg9[%add3A_682, %dma_start3A_703] : memref<63x80xi32, #tpu.memory_space<vmem>> -> memref<1x80xi32, #tpu.memory_space<vmem>>
        %dma_start3A_705 = tpu.memref_squeeze %dma_start3A_704 : memref<1x80xi32, #tpu.memory_space<vmem>> -> memref<80xi32, #tpu.memory_space<vmem>>
        %dma_start3A_706 = arith.constant 0 : i32
        %dma_start3A_707 = arith.constant 0 : i32
        %dma_start3A_708 = tpu.memref_slice %arg3[%dma_start3A_706, %dma_start3A_707] : memref<10000x16xf32, #tpu.memory_space<hbm>> -> memref<10000x16xf32, #tpu.memory_space<hbm>>
        %dma_start3A_709 = tpu.memref_slice %arg15[%dma_start3A_698] : memref<2x!tpu.dma_semaphore, #tpu.memory_space<semaphore_mem>> -> memref<1x!tpu.dma_semaphore, #tpu.memory_space<semaphore_mem>>
        %dma_start3A_710 = tpu.memref_squeeze %dma_start3A_709 : memref<1x!tpu.dma_semaphore, #tpu.memory_space<semaphore_mem>> -> memref<!tpu.dma_semaphore, #tpu.memory_space<semaphore_mem>>
        tpu.enqueue_indirect_dma source(%dma_start3A_708 : memref<10000x16xf32, #tpu.memory_space<hbm>>) target(%dma_start3A_702 : memref<80x16xf32, #tpu.memory_space<vmem>>) offsets(%dma_start3A_705 : memref<80xi32, #tpu.memory_space<vmem>>) semaphore(%dma_start3A_710 : memref<!tpu.dma_semaphore, #tpu.memory_space<semaphore_mem>>)
      } else {
      }
      %dma_wait3A_591 = arith.constant 0 : i32
      %dma_wait3A_592 = arith.constant 1 : i32
      %dma_wait3A_593 = arith.constant 1 : i32
      %dma_wait3A_594 = arith.constant 0 : i32
      %dma_wait3A_595 = arith.constant 0 : i32
      %dma_wait3A_596 = tpu.memref_slice %arg10[%dma_wait3A_592, %dma_wait3A_594, %dma_wait3A_595] : memref<2x80x136xf32, #tpu.memory_space<vmem>> -> memref<1x80x136xf32, #tpu.memory_space<vmem>>
      %dma_wait3A_597 = tpu.memref_squeeze %dma_wait3A_596 : memref<1x80x136xf32, #tpu.memory_space<vmem>> -> memref<80x136xf32, #tpu.memory_space<vmem>>
      %dma_wait3A_598 = arith.constant 0 : i32
      %dma_wait3A_599 = tpu.memref_slice %arg8[%dma_wait3A_591, %dma_wait3A_598] : memref<63x80xi32, #tpu.memory_space<vmem>> -> memref<1x80xi32, #tpu.memory_space<vmem>>
      %dma_wait3A_600 = tpu.memref_squeeze %dma_wait3A_599 : memref<1x80xi32, #tpu.memory_space<vmem>> -> memref<80xi32, #tpu.memory_space<vmem>>
      %dma_wait3A_601 = arith.constant 0 : i32
      %dma_wait3A_602 = arith.constant 0 : i32
      %dma_wait3A_603 = tpu.memref_slice %arg2[%dma_wait3A_601, %dma_wait3A_602] : memref<10000x136xf32, #tpu.memory_space<hbm>> -> memref<10000x136xf32, #tpu.memory_space<hbm>>
      %dma_wait3A_604 = tpu.memref_slice %arg14[%dma_wait3A_593] : memref<2x!tpu.dma_semaphore, #tpu.memory_space<semaphore_mem>> -> memref<1x!tpu.dma_semaphore, #tpu.memory_space<semaphore_mem>>
      %dma_wait3A_605 = tpu.memref_squeeze %dma_wait3A_604 : memref<1x!tpu.dma_semaphore, #tpu.memory_space<semaphore_mem>> -> memref<!tpu.dma_semaphore, #tpu.memory_space<semaphore_mem>>
      tpu.wait_indirect_dma semaphore(%dma_wait3A_605 : memref<!tpu.dma_semaphore, #tpu.memory_space<semaphore_mem>>) src(%dma_wait3A_603 : memref<10000x136xf32, #tpu.memory_space<hbm>>) dst(%dma_wait3A_597 : memref<80x136xf32, #tpu.memory_space<vmem>>)
      %dma_wait3A_606 = arith.constant 0 : i32
      %dma_wait3A_607 = arith.constant 1 : i32
      %dma_wait3A_608 = arith.constant 1 : i32
      %dma_wait3A_609 = arith.constant 0 : i32
      %dma_wait3A_610 = arith.constant 0 : i32
      %dma_wait3A_611 = tpu.memref_slice %arg11[%dma_wait3A_607, %dma_wait3A_609, %dma_wait3A_610] : memref<2x80x16xf32, #tpu.memory_space<vmem>> -> memref<1x80x16xf32, #tpu.memory_space<vmem>>
      %dma_wait3A_612 = tpu.memref_squeeze %dma_wait3A_611 : memref<1x80x16xf32, #tpu.memory_space<vmem>> -> memref<80x16xf32, #tpu.memory_space<vmem>>
      %dma_wait3A_613 = arith.constant 0 : i32
      %dma_wait3A_614 = tpu.memref_slice %arg9[%dma_wait3A_606, %dma_wait3A_613] : memref<63x80xi32, #tpu.memory_space<vmem>> -> memref<1x80xi32, #tpu.memory_space<vmem>>
      %dma_wait3A_615 = tpu.memref_squeeze %dma_wait3A_614 : memref<1x80xi32, #tpu.memory_space<vmem>> -> memref<80xi32, #tpu.memory_space<vmem>>
      %dma_wait3A_616 = arith.constant 0 : i32
      %dma_wait3A_617 = arith.constant 0 : i32
      %dma_wait3A_618 = tpu.memref_slice %arg3[%dma_wait3A_616, %dma_wait3A_617] : memref<10000x16xf32, #tpu.memory_space<hbm>> -> memref<10000x16xf32, #tpu.memory_space<hbm>>
      %dma_wait3A_619 = tpu.memref_slice %arg15[%dma_wait3A_608] : memref<2x!tpu.dma_semaphore, #tpu.memory_space<semaphore_mem>> -> memref<1x!tpu.dma_semaphore, #tpu.memory_space<semaphore_mem>>
      %dma_wait3A_620 = tpu.memref_squeeze %dma_wait3A_619 : memref<1x!tpu.dma_semaphore, #tpu.memory_space<semaphore_mem>> -> memref<!tpu.dma_semaphore, #tpu.memory_space<semaphore_mem>>
      tpu.wait_indirect_dma semaphore(%dma_wait3A_620 : memref<!tpu.dma_semaphore, #tpu.memory_space<semaphore_mem>>) src(%dma_wait3A_618 : memref<10000x16xf32, #tpu.memory_space<hbm>>) dst(%dma_wait3A_612 : memref<80x16xf32, #tpu.memory_space<vmem>>)
      %dma_wait3A_621 = arith.constant 0 : i32
      %dma_wait3A_622 = arith.constant 0 : i32
      %dma_wait3A_623 = arith.constant 0 : i32
      %dma_wait3A_624 = arith.constant 0 : i32
      %dma_wait3A_625 = tpu.memref_slice %arg12[%dma_wait3A_621, %dma_wait3A_623, %dma_wait3A_624] : memref<2x40x136xf32, #tpu.memory_space<vmem>> -> memref<1x40x136xf32, #tpu.memory_space<vmem>>
      %dma_wait3A_626 = tpu.memref_squeeze %dma_wait3A_625 : memref<1x40x136xf32, #tpu.memory_space<vmem>> -> memref<40x136xf32, #tpu.memory_space<vmem>>
      %dma_wait3A_627 = arith.constant 0 : i32
      %dma_wait3A_628 = arith.constant 0 : i32
      %dma_wait3A_629 = tpu.memref_slice %arg7[%dma_wait3A_627, %dma_wait3A_628] : memref<10000x136xf32, #tpu.memory_space<vmem_shared>> -> memref<10000x136xf32, #tpu.memory_space<vmem_shared>>
      %dma_wait3A_630 = tpu.memref_slice %arg16[%dma_wait3A_622] : memref<2x!tpu.dma_semaphore, #tpu.memory_space<semaphore_mem>> -> memref<1x!tpu.dma_semaphore, #tpu.memory_space<semaphore_mem>>
      %dma_wait3A_631 = tpu.memref_squeeze %dma_wait3A_630 : memref<1x!tpu.dma_semaphore, #tpu.memory_space<semaphore_mem>> -> memref<!tpu.dma_semaphore, #tpu.memory_space<semaphore_mem>>
      tpu.wait_indirect_dma semaphore(%dma_wait3A_631 : memref<!tpu.dma_semaphore, #tpu.memory_space<semaphore_mem>>) src(%dma_wait3A_626 : memref<40x136xf32, #tpu.memory_space<vmem>>) dst(%dma_wait3A_629 : memref<10000x136xf32, #tpu.memory_space<vmem_shared>>)
      %scan3A_632 = arith.constant 0 : i32
      %scan3A_633 = arith.constant 40 : i32
      %scan3A_634 = arith.addi %scan3A_632, %scan3A_633 : i32
      %scan3A_635 = arith.constant 1 : i32
      scf.for %scan3A_681 = %scan3A_632 to %scan3A_634 step %scan3A_635  : i32 {
        %add3A_682 = arith.constant 0 : i32
        %add3A_683 = arith.addi %add3A_682, %scan3A_681 : i32
        %get3A = arith.constant 1 : i32
        %get3A_684 = arith.index_cast %get3A : i32 to index
        %get3A_685 = arith.index_cast %add3A_683 : i32 to index
        %get3A_686 = arith.constant 120 : index
        %get3A_687 = tpu.vector_load %arg10[%get3A_684, %get3A_685, %get3A_686] {strides = array<i32>} : memref<2x80x136xf32, #tpu.memory_space<vmem>>, vector<1x1x16xf32>,
        %get3A_688 = vector.shape_cast %get3A_687 : vector<1x1x16xf32> to vector<16xf32>
        %add3A_689 = arith.constant 0 : i32
        %add3A_690 = arith.addi %add3A_689, %scan3A_681 : i32
        %get3A_691 = arith.constant 1 : i32
        %get3A_692 = arith.index_cast %get3A_691 : i32 to index
        %get3A_693 = arith.index_cast %add3A_690 : i32 to index
        %get3A_694 = arith.constant 0 : index
        %get3A_695 = tpu.vector_load %arg11[%get3A_692, %get3A_693, %get3A_694] {strides = array<i32>} : memref<2x80x16xf32, #tpu.memory_space<vmem>>, vector<1x1x16xf32>,
        %get3A_696 = vector.shape_cast %get3A_695 : vector<1x1x16xf32> to vector<16xf32>
        %add3A_697 = arith.addf %get3A_688, %get3A_696 : vector<16xf32>
        %ge3A = arith.constant 0.000000e+00 : f32
        %ge3A_698 = vector.broadcast %ge3A : f32 to vector<16xf32>
        %ge3A_699 = arith.cmpf oge, %add3A_697, %ge3A_698 : vector<16xf32>
        %mul3A_700 = arith.constant 2.000000e-01 : f32
        %mul3A_701 = vector.broadcast %mul3A_700 : f32 to vector<16xf32>
        %mul3A_702 = arith.mulf %add3A_697, %mul3A_701 : vector<16xf32>
        %select_n3A = arith.select %ge3A_699, %add3A_697, %mul3A_702 : vector<16xi1>, vector<16xf32>
        %exp3A = math.exp %select_n3A : vector<16xf32>
        %swap3A_703 = arith.constant 0 : i32
        %swap3A_704 = arith.index_cast %swap3A_703 : i32 to index
        %swap3A_705 = arith.index_cast %scan3A_681 : i32 to index
        %swap3A_706 = arith.constant 120 : index
        %swap3A_707 = tpu.vector_load %arg12[%swap3A_704, %swap3A_705, %swap3A_706] {strides = array<i32>} : memref<2x40x136xf32, #tpu.memory_space<vmem>>, vector<1x1x16xf32>,
        %swap3A_708 = vector.shape_cast %swap3A_707 : vector<1x1x16xf32> to vector<16xf32>
        %swap3A_709 = vector.shape_cast %exp3A : vector<16xf32> to vector<1x1x16xf32>
        tpu.vector_store %arg12[%swap3A_704, %swap3A_705, %swap3A_706], %swap3A_709 {strides = array<i32>} : memref<2x40x136xf32, #tpu.memory_space<vmem>>, vector<1x1x16xf32>,
        %add3A_710 = arith.constant 0 : i32
        %add3A_711 = arith.addi %add3A_710, %scan3A_681 : i32
        %get3A_712 = arith.constant 1 : i32
        %get3A_713 = arith.index_cast %get3A_712 : i32 to index
        %get3A_714 = arith.index_cast %add3A_711 : i32 to index
        %get3A_715 = arith.constant 0 : index
        %get3A_716 = tpu.vector_load %arg10[%get3A_713, %get3A_714, %get3A_715] {strides = array<i32>} : memref<2x80x136xf32, #tpu.memory_space<vmem>>, vector<1x1x16xf32>,
        %get3A_717 = vector.shape_cast %get3A_716 : vector<1x1x16xf32> to vector<16xf32>
        %slice3A = vector.extract_strided_slice %exp3A {offsets = [8], sizes = [1], strides = [1]} : vector<16xf32> to vector<1xf32>
        %squeeze3A = vector.extract %slice3A[0] : f32 from vector<1xf32>
        %broadcast_in_dim3A_718 = vector.broadcast %squeeze3A : f32 to vector<16xf32>
        %mul3A_719 = arith.mulf %get3A_717, %broadcast_in_dim3A_718 : vector<16xf32>
        %swap3A_720 = arith.constant 0 : i32
        %swap3A_721 = arith.index_cast %swap3A_720 : i32 to index
        %swap3A_722 = arith.index_cast %scan3A_681 : i32 to index
        %swap3A_723 = arith.constant 0 : index
        %swap3A_724 = tpu.vector_load %arg12[%swap3A_721, %swap3A_722, %swap3A_723] {strides = array<i32>} : memref<2x40x136xf32, #tpu.memory_space<vmem>>, vector<1x1x16xf32>,
        %swap3A_725 = vector.shape_cast %swap3A_724 : vector<1x1x16xf32> to vector<16xf32>
        %swap3A_726 = vector.shape_cast %mul3A_719 : vector<16xf32> to vector<1x1x16xf32>
        tpu.vector_store %arg12[%swap3A_721, %swap3A_722, %swap3A_723], %swap3A_726 {strides = array<i32>} : memref<2x40x136xf32, #tpu.memory_space<vmem>>, vector<1x1x16xf32>,
        %add3A_727 = arith.constant 0 : i32
        %add3A_728 = arith.addi %add3A_727, %scan3A_681 : i32
        %get3A_729 = arith.constant 1 : i32
        %get3A_730 = arith.index_cast %get3A_729 : i32 to index
        %get3A_731 = arith.index_cast %add3A_728 : i32 to index
        %get3A_732 = arith.constant 16 : index
        %get3A_733 = tpu.vector_load %arg10[%get3A_730, %get3A_731, %get3A_732] {strides = array<i32>} : memref<2x80x136xf32, #tpu.memory_space<vmem>>, vector<1x1x16xf32>,
        %get3A_734 = vector.shape_cast %get3A_733 : vector<1x1x16xf32> to vector<16xf32>
        %slice3A_735 = vector.extract_strided_slice %exp3A {offsets = [9], sizes = [1], strides = [1]} : vector<16xf32> to vector<1xf32>
        %squeeze3A_736 = vector.extract %slice3A_735[0] : f32 from vector<1xf32>
        %broadcast_in_dim3A_737 = vector.broadcast %squeeze3A_736 : f32 to vector<16xf32>
        %mul3A_738 = arith.mulf %get3A_734, %broadcast_in_dim3A_737 : vector<16xf32>
        %swap3A_739 = arith.constant 0 : i32
        %swap3A_740 = arith.index_cast %swap3A_739 : i32 to index
        %swap3A_741 = arith.index_cast %scan3A_681 : i32 to index
        %swap3A_742 = arith.constant 16 : index
        %swap3A_743 = tpu.vector_load %arg12[%swap3A_740, %swap3A_741, %swap3A_742] {strides = array<i32>} : memref<2x40x136xf32, #tpu.memory_space<vmem>>, vector<1x1x16xf32>,
        %swap3A_744 = vector.shape_cast %swap3A_743 : vector<1x1x16xf32> to vector<16xf32>
        %swap3A_745 = vector.shape_cast %mul3A_738 : vector<16xf32> to vector<1x1x16xf32>
        tpu.vector_store %arg12[%swap3A_740, %swap3A_741, %swap3A_742], %swap3A_745 {strides = array<i32>} : memref<2x40x136xf32, #tpu.memory_space<vmem>>, vector<1x1x16xf32>,
        %add3A_746 = arith.constant 0 : i32
        %add3A_747 = arith.addi %add3A_746, %scan3A_681 : i32
        %get3A_748 = arith.constant 1 : i32
        %get3A_749 = arith.index_cast %get3A_748 : i32 to index
        %get3A_750 = arith.index_cast %add3A_747 : i32 to index
        %get3A_751 = arith.constant 32 : index
        %get3A_752 = tpu.vector_load %arg10[%get3A_749, %get3A_750, %get3A_751] {strides = array<i32>} : memref<2x80x136xf32, #tpu.memory_space<vmem>>, vector<1x1x16xf32>,
        %get3A_753 = vector.shape_cast %get3A_752 : vector<1x1x16xf32> to vector<16xf32>
        %slice3A_754 = vector.extract_strided_slice %exp3A {offsets = [10], sizes = [1], strides = [1]} : vector<16xf32> to vector<1xf32>
        %squeeze3A_755 = vector.extract %slice3A_754[0] : f32 from vector<1xf32>
        %broadcast_in_dim3A_756 = vector.broadcast %squeeze3A_755 : f32 to vector<16xf32>
        %mul3A_757 = arith.mulf %get3A_753, %broadcast_in_dim3A_756 : vector<16xf32>
        %swap3A_758 = arith.constant 0 : i32
        %swap3A_759 = arith.index_cast %swap3A_758 : i32 to index
        %swap3A_760 = arith.index_cast %scan3A_681 : i32 to index
        %swap3A_761 = arith.constant 32 : index
        %swap3A_762 = tpu.vector_load %arg12[%swap3A_759, %swap3A_760, %swap3A_761] {strides = array<i32>} : memref<2x40x136xf32, #tpu.memory_space<vmem>>, vector<1x1x16xf32>,
        %swap3A_763 = vector.shape_cast %swap3A_762 : vector<1x1x16xf32> to vector<16xf32>
        %swap3A_764 = vector.shape_cast %mul3A_757 : vector<16xf32> to vector<1x1x16xf32>
        tpu.vector_store %arg12[%swap3A_759, %swap3A_760, %swap3A_761], %swap3A_764 {strides = array<i32>} : memref<2x40x136xf32, #tpu.memory_space<vmem>>, vector<1x1x16xf32>,
        %add3A_765 = arith.constant 0 : i32
        %add3A_766 = arith.addi %add3A_765, %scan3A_681 : i32
        %get3A_767 = arith.constant 1 : i32
        %get3A_768 = arith.index_cast %get3A_767 : i32 to index
        %get3A_769 = arith.index_cast %add3A_766 : i32 to index
        %get3A_770 = arith.constant 48 : index
        %get3A_771 = tpu.vector_load %arg10[%get3A_768, %get3A_769, %get3A_770] {strides = array<i32>} : memref<2x80x136xf32, #tpu.memory_space<vmem>>, vector<1x1x16xf32>,
        %get3A_772 = vector.shape_cast %get3A_771 : vector<1x1x16xf32> to vector<16xf32>
        %slice3A_773 = vector.extract_strided_slice %exp3A {offsets = [11], sizes = [1], strides = [1]} : vector<16xf32> to vector<1xf32>
        %squeeze3A_774 = vector.extract %slice3A_773[0] : f32 from vector<1xf32>
        %broadcast_in_dim3A_775 = vector.broadcast %squeeze3A_774 : f32 to vector<16xf32>
        %mul3A_776 = arith.mulf %get3A_772, %broadcast_in_dim3A_775 : vector<16xf32>
        %swap3A_777 = arith.constant 0 : i32
        %swap3A_778 = arith.index_cast %swap3A_777 : i32 to index
        %swap3A_779 = arith.index_cast %scan3A_681 : i32 to index
        %swap3A_780 = arith.constant 48 : index
        %swap3A_781 = tpu.vector_load %arg12[%swap3A_778, %swap3A_779, %swap3A_780] {strides = array<i32>} : memref<2x40x136xf32, #tpu.memory_space<vmem>>, vector<1x1x16xf32>,
        %swap3A_782 = vector.shape_cast %swap3A_781 : vector<1x1x16xf32> to vector<16xf32>
        %swap3A_783 = vector.shape_cast %mul3A_776 : vector<16xf32> to vector<1x1x16xf32>
        tpu.vector_store %arg12[%swap3A_778, %swap3A_779, %swap3A_780], %swap3A_783 {strides = array<i32>} : memref<2x40x136xf32, #tpu.memory_space<vmem>>, vector<1x1x16xf32>,
        %add3A_784 = arith.constant 0 : i32
        %add3A_785 = arith.addi %add3A_784, %scan3A_681 : i32
        %get3A_786 = arith.constant 1 : i32
        %get3A_787 = arith.index_cast %get3A_786 : i32 to index
        %get3A_788 = arith.index_cast %add3A_785 : i32 to index
        %get3A_789 = arith.constant 64 : index
        %get3A_790 = tpu.vector_load %arg10[%get3A_787, %get3A_788, %get3A_789] {strides = array<i32>} : memref<2x80x136xf32, #tpu.memory_space<vmem>>, vector<1x1x16xf32>,
        %get3A_791 = vector.shape_cast %get3A_790 : vector<1x1x16xf32> to vector<16xf32>
        %slice3A_792 = vector.extract_strided_slice %exp3A {offsets = [12], sizes = [1], strides = [1]} : vector<16xf32> to vector<1xf32>
        %squeeze3A_793 = vector.extract %slice3A_792[0] : f32 from vector<1xf32>
        %broadcast_in_dim3A_794 = vector.broadcast %squeeze3A_793 : f32 to vector<16xf32>
        %mul3A_795 = arith.mulf %get3A_791, %broadcast_in_dim3A_794 : vector<16xf32>
        %swap3A_796 = arith.constant 0 : i32
        %swap3A_797 = arith.index_cast %swap3A_796 : i32 to index
        %swap3A_798 = arith.index_cast %scan3A_681 : i32 to index
        %swap3A_799 = arith.constant 64 : index
        %swap3A_800 = tpu.vector_load %arg12[%swap3A_797, %swap3A_798, %swap3A_799] {strides = array<i32>} : memref<2x40x136xf32, #tpu.memory_space<vmem>>, vector<1x1x16xf32>,
        %swap3A_801 = vector.shape_cast %swap3A_800 : vector<1x1x16xf32> to vector<16xf32>
        %swap3A_802 = vector.shape_cast %mul3A_795 : vector<16xf32> to vector<1x1x16xf32>
        tpu.vector_store %arg12[%swap3A_797, %swap3A_798, %swap3A_799], %swap3A_802 {strides = array<i32>} : memref<2x40x136xf32, #tpu.memory_space<vmem>>, vector<1x1x16xf32>,
        %add3A_803 = arith.constant 0 : i32
        %add3A_804 = arith.addi %add3A_803, %scan3A_681 : i32
        %get3A_805 = arith.constant 1 : i32
        %get3A_806 = arith.index_cast %get3A_805 : i32 to index
        %get3A_807 = arith.index_cast %add3A_804 : i32 to index
        %get3A_808 = arith.constant 80 : index
        %get3A_809 = tpu.vector_load %arg10[%get3A_806, %get3A_807, %get3A_808] {strides = array<i32>} : memref<2x80x136xf32, #tpu.memory_space<vmem>>, vector<1x1x16xf32>,
        %get3A_810 = vector.shape_cast %get3A_809 : vector<1x1x16xf32> to vector<16xf32>
        %slice3A_811 = vector.extract_strided_slice %exp3A {offsets = [13], sizes = [1], strides = [1]} : vector<16xf32> to vector<1xf32>
        %squeeze3A_812 = vector.extract %slice3A_811[0] : f32 from vector<1xf32>
        %broadcast_in_dim3A_813 = vector.broadcast %squeeze3A_812 : f32 to vector<16xf32>
        %mul3A_814 = arith.mulf %get3A_810, %broadcast_in_dim3A_813 : vector<16xf32>
        %swap3A_815 = arith.constant 0 : i32
        %swap3A_816 = arith.index_cast %swap3A_815 : i32 to index
        %swap3A_817 = arith.index_cast %scan3A_681 : i32 to index
        %swap3A_818 = arith.constant 80 : index
        %swap3A_819 = tpu.vector_load %arg12[%swap3A_816, %swap3A_817, %swap3A_818] {strides = array<i32>} : memref<2x40x136xf32, #tpu.memory_space<vmem>>, vector<1x1x16xf32>,
        %swap3A_820 = vector.shape_cast %swap3A_819 : vector<1x1x16xf32> to vector<16xf32>
        %swap3A_821 = vector.shape_cast %mul3A_814 : vector<16xf32> to vector<1x1x16xf32>
        tpu.vector_store %arg12[%swap3A_816, %swap3A_817, %swap3A_818], %swap3A_821 {strides = array<i32>} : memref<2x40x136xf32, #tpu.memory_space<vmem>>, vector<1x1x16xf32>,
        %add3A_822 = arith.constant 0 : i32
        %add3A_823 = arith.addi %add3A_822, %scan3A_681 : i32
        %get3A_824 = arith.constant 1 : i32
        %get3A_825 = arith.index_cast %get3A_824 : i32 to index
        %get3A_826 = arith.index_cast %add3A_823 : i32 to index
        %get3A_827 = arith.constant 96 : index
        %get3A_828 = tpu.vector_load %arg10[%get3A_825, %get3A_826, %get3A_827] {strides = array<i32>} : memref<2x80x136xf32, #tpu.memory_space<vmem>>, vector<1x1x16xf32>,
        %get3A_829 = vector.shape_cast %get3A_828 : vector<1x1x16xf32> to vector<16xf32>
        %slice3A_830 = vector.extract_strided_slice %exp3A {offsets = [14], sizes = [1], strides = [1]} : vector<16xf32> to vector<1xf32>
        %squeeze3A_831 = vector.extract %slice3A_830[0] : f32 from vector<1xf32>
        %broadcast_in_dim3A_832 = vector.broadcast %squeeze3A_831 : f32 to vector<16xf32>
        %mul3A_833 = arith.mulf %get3A_829, %broadcast_in_dim3A_832 : vector<16xf32>
        %swap3A_834 = arith.constant 0 : i32
        %swap3A_835 = arith.index_cast %swap3A_834 : i32 to index
        %swap3A_836 = arith.index_cast %scan3A_681 : i32 to index
        %swap3A_837 = arith.constant 96 : index
        %swap3A_838 = tpu.vector_load %arg12[%swap3A_835, %swap3A_836, %swap3A_837] {strides = array<i32>} : memref<2x40x136xf32, #tpu.memory_space<vmem>>, vector<1x1x16xf32>,
        %swap3A_839 = vector.shape_cast %swap3A_838 : vector<1x1x16xf32> to vector<16xf32>
        %swap3A_840 = vector.shape_cast %mul3A_833 : vector<16xf32> to vector<1x1x16xf32>
        tpu.vector_store %arg12[%swap3A_835, %swap3A_836, %swap3A_837], %swap3A_840 {strides = array<i32>} : memref<2x40x136xf32, #tpu.memory_space<vmem>>, vector<1x1x16xf32>,
        %add3A_841 = arith.constant 0 : i32
        %add3A_842 = arith.addi %add3A_841, %scan3A_681 : i32
        %get3A_843 = arith.constant 1 : i32
        %get3A_844 = arith.index_cast %get3A_843 : i32 to index
        %get3A_845 = arith.index_cast %add3A_842 : i32 to index
        %get3A_846 = arith.constant 112 : index
        %get3A_847 = tpu.vector_load %arg10[%get3A_844, %get3A_845, %get3A_846] {strides = array<i32>} : memref<2x80x136xf32, #tpu.memory_space<vmem>>, vector<1x1x16xf32>,
        %get3A_848 = vector.shape_cast %get3A_847 : vector<1x1x16xf32> to vector<16xf32>
        %slice3A_849 = vector.extract_strided_slice %exp3A {offsets = [15], sizes = [1], strides = [1]} : vector<16xf32> to vector<1xf32>
        %squeeze3A_850 = vector.extract %slice3A_849[0] : f32 from vector<1xf32>
        %broadcast_in_dim3A_851 = vector.broadcast %squeeze3A_850 : f32 to vector<16xf32>
        %mul3A_852 = arith.mulf %get3A_848, %broadcast_in_dim3A_851 : vector<16xf32>
        %swap3A_853 = arith.constant 0 : i32
        %swap3A_854 = arith.index_cast %swap3A_853 : i32 to index
        %swap3A_855 = arith.index_cast %scan3A_681 : i32 to index
        %swap3A_856 = arith.constant 112 : index
        %swap3A_857 = tpu.vector_load %arg12[%swap3A_854, %swap3A_855, %swap3A_856] {strides = array<i32>} : memref<2x40x136xf32, #tpu.memory_space<vmem>>, vector<1x1x16xf32>,
        %swap3A_858 = vector.shape_cast %swap3A_857 : vector<1x1x16xf32> to vector<16xf32>
        %swap3A_859 = vector.shape_cast %mul3A_852 : vector<16xf32> to vector<1x1x16xf32>
        tpu.vector_store %arg12[%swap3A_854, %swap3A_855, %swap3A_856], %swap3A_859 {strides = array<i32>} : memref<2x40x136xf32, #tpu.memory_space<vmem>>, vector<1x1x16xf32>,
      }
      %scan3A_636 = arith.constant 40 : i32
      %dma_start3A_637 = arith.constant 0 : i32
      %dma_start3A_638 = arith.constant 0 : i32
      %dma_start3A_639 = arith.constant 0 : i32
      %dma_start3A_640 = arith.constant 0 : i32
      %dma_start3A_641 = tpu.memref_slice %arg12[%dma_start3A_637, %dma_start3A_639, %dma_start3A_640] : memref<2x40x136xf32, #tpu.memory_space<vmem>> -> memref<1x40x136xf32, #tpu.memory_space<vmem>>
      %dma_start3A_642 = tpu.memref_squeeze %dma_start3A_641 : memref<1x40x136xf32, #tpu.memory_space<vmem>> -> memref<40x136xf32, #tpu.memory_space<vmem>>
      %dma_start3A_643 = arith.constant 0 : i32
      %dma_start3A_644 = tpu.memref_slice %arg9[%add3A_468, %dma_start3A_643] : memref<63x80xi32, #tpu.memory_space<vmem>> -> memref<1x40xi32, #tpu.memory_space<vmem>>
      %dma_start3A_645 = tpu.memref_squeeze %dma_start3A_644 : memref<1x40xi32, #tpu.memory_space<vmem>> -> memref<40xi32, #tpu.memory_space<vmem>>
      %dma_start3A_646 = arith.constant 0 : i32
      %dma_start3A_647 = arith.constant 0 : i32
      %dma_start3A_648 = tpu.memref_slice %arg7[%dma_start3A_646, %dma_start3A_647] : memref<10000x136xf32, #tpu.memory_space<vmem_shared>> -> memref<10000x136xf32, #tpu.memory_space<vmem_shared>>
      %dma_start3A_649 = tpu.memref_slice %arg16[%dma_start3A_638] : memref<2x!tpu.dma_semaphore, #tpu.memory_space<semaphore_mem>> -> memref<1x!tpu.dma_semaphore, #tpu.memory_space<semaphore_mem>>
      %dma_start3A_650 = tpu.memref_squeeze %dma_start3A_649 : memref<1x!tpu.dma_semaphore, #tpu.memory_space<semaphore_mem>> -> memref<!tpu.dma_semaphore, #tpu.memory_space<semaphore_mem>>
      tpu.enqueue_indirect_dma source(%dma_start3A_642 : memref<40x136xf32, #tpu.memory_space<vmem>>) target(%dma_start3A_648 : memref<10000x136xf32, #tpu.memory_space<vmem_shared>>) offsets(%dma_start3A_645 : memref<40xi32, #tpu.memory_space<vmem>>) semaphore(%dma_start3A_650 : memref<!tpu.dma_semaphore, #tpu.memory_space<semaphore_mem>>) {add = true}
      %dma_wait3A_651 = arith.constant 1 : i32
      %dma_wait3A_652 = arith.constant 1 : i32
      %dma_wait3A_653 = arith.constant 0 : i32
      %dma_wait3A_654 = arith.constant 0 : i32
      %dma_wait3A_655 = tpu.memref_slice %arg12[%dma_wait3A_651, %dma_wait3A_653, %dma_wait3A_654] : memref<2x40x136xf32, #tpu.memory_space<vmem>> -> memref<1x40x136xf32, #tpu.memory_space<vmem>>
      %dma_wait3A_656 = tpu.memref_squeeze %dma_wait3A_655 : memref<1x40x136xf32, #tpu.memory_space<vmem>> -> memref<40x136xf32, #tpu.memory_space<vmem>>
      %dma_wait3A_657 = arith.constant 0 : i32
      %dma_wait3A_658 = arith.constant 0 : i32
      %dma_wait3A_659 = tpu.memref_slice %arg7[%dma_wait3A_657, %dma_wait3A_658] : memref<10000x136xf32, #tpu.memory_space<vmem_shared>> -> memref<10000x136xf32, #tpu.memory_space<vmem_shared>>
      %dma_wait3A_660 = tpu.memref_slice %arg16[%dma_wait3A_652] : memref<2x!tpu.dma_semaphore, #tpu.memory_space<semaphore_mem>> -> memref<1x!tpu.dma_semaphore, #tpu.memory_space<semaphore_mem>>
      %dma_wait3A_661 = tpu.memref_squeeze %dma_wait3A_660 : memref<1x!tpu.dma_semaphore, #tpu.memory_space<semaphore_mem>> -> memref<!tpu.dma_semaphore, #tpu.memory_space<semaphore_mem>>
      tpu.wait_indirect_dma semaphore(%dma_wait3A_661 : memref<!tpu.dma_semaphore, #tpu.memory_space<semaphore_mem>>) src(%dma_wait3A_656 : memref<40x136xf32, #tpu.memory_space<vmem>>) dst(%dma_wait3A_659 : memref<10000x136xf32, #tpu.memory_space<vmem_shared>>)
      %scan3A_662 = arith.constant 0 : i32
      %scan3A_663 = arith.constant 40 : i32
      %scan3A_664 = arith.addi %scan3A_662, %scan3A_663 : i32
      %scan3A_665 = arith.constant 1 : i32
      scf.for %scan3A_681 = %scan3A_662 to %scan3A_664 step %scan3A_665  : i32 {
        %add3A_682 = arith.constant 40 : i32
        %add3A_683 = arith.addi %add3A_682, %scan3A_681 : i32
        %get3A = arith.constant 1 : i32
        %get3A_684 = arith.index_cast %get3A : i32 to index
        %get3A_685 = arith.index_cast %add3A_683 : i32 to index
        %get3A_686 = arith.constant 120 : index
        %get3A_687 = tpu.vector_load %arg10[%get3A_684, %get3A_685, %get3A_686] {strides = array<i32>} : memref<2x80x136xf32, #tpu.memory_space<vmem>>, vector<1x1x16xf32>,
        %get3A_688 = vector.shape_cast %get3A_687 : vector<1x1x16xf32> to vector<16xf32>
        %add3A_689 = arith.constant 40 : i32
        %add3A_690 = arith.addi %add3A_689, %scan3A_681 : i32
        %get3A_691 = arith.constant 1 : i32
        %get3A_692 = arith.index_cast %get3A_691 : i32 to index
        %get3A_693 = arith.index_cast %add3A_690 : i32 to index
        %get3A_694 = arith.constant 0 : index
        %get3A_695 = tpu.vector_load %arg11[%get3A_692, %get3A_693, %get3A_694] {strides = array<i32>} : memref<2x80x16xf32, #tpu.memory_space<vmem>>, vector<1x1x16xf32>,
        %get3A_696 = vector.shape_cast %get3A_695 : vector<1x1x16xf32> to vector<16xf32>
        %add3A_697 = arith.addf %get3A_688, %get3A_696 : vector<16xf32>
        %ge3A = arith.constant 0.000000e+00 : f32
        %ge3A_698 = vector.broadcast %ge3A : f32 to vector<16xf32>
        %ge3A_699 = arith.cmpf oge, %add3A_697, %ge3A_698 : vector<16xf32>
        %mul3A_700 = arith.constant 2.000000e-01 : f32
        %mul3A_701 = vector.broadcast %mul3A_700 : f32 to vector<16xf32>
        %mul3A_702 = arith.mulf %add3A_697, %mul3A_701 : vector<16xf32>
        %select_n3A = arith.select %ge3A_699, %add3A_697, %mul3A_702 : vector<16xi1>, vector<16xf32>
        %exp3A = math.exp %select_n3A : vector<16xf32>
        %swap3A_703 = arith.constant 1 : i32
        %swap3A_704 = arith.index_cast %swap3A_703 : i32 to index
        %swap3A_705 = arith.index_cast %scan3A_681 : i32 to index
        %swap3A_706 = arith.constant 120 : index
        %swap3A_707 = tpu.vector_load %arg12[%swap3A_704, %swap3A_705, %swap3A_706] {strides = array<i32>} : memref<2x40x136xf32, #tpu.memory_space<vmem>>, vector<1x1x16xf32>,
        %swap3A_708 = vector.shape_cast %swap3A_707 : vector<1x1x16xf32> to vector<16xf32>
        %swap3A_709 = vector.shape_cast %exp3A : vector<16xf32> to vector<1x1x16xf32>
        tpu.vector_store %arg12[%swap3A_704, %swap3A_705, %swap3A_706], %swap3A_709 {strides = array<i32>} : memref<2x40x136xf32, #tpu.memory_space<vmem>>, vector<1x1x16xf32>,
        %add3A_710 = arith.constant 40 : i32
        %add3A_711 = arith.addi %add3A_710, %scan3A_681 : i32
        %get3A_712 = arith.constant 1 : i32
        %get3A_713 = arith.index_cast %get3A_712 : i32 to index
        %get3A_714 = arith.index_cast %add3A_711 : i32 to index
        %get3A_715 = arith.constant 0 : index
        %get3A_716 = tpu.vector_load %arg10[%get3A_713, %get3A_714, %get3A_715] {strides = array<i32>} : memref<2x80x136xf32, #tpu.memory_space<vmem>>, vector<1x1x16xf32>,
        %get3A_717 = vector.shape_cast %get3A_716 : vector<1x1x16xf32> to vector<16xf32>
        %slice3A = vector.extract_strided_slice %exp3A {offsets = [8], sizes = [1], strides = [1]} : vector<16xf32> to vector<1xf32>
        %squeeze3A = vector.extract %slice3A[0] : f32 from vector<1xf32>
        %broadcast_in_dim3A_718 = vector.broadcast %squeeze3A : f32 to vector<16xf32>
        %mul3A_719 = arith.mulf %get3A_717, %broadcast_in_dim3A_718 : vector<16xf32>
        %swap3A_720 = arith.constant 1 : i32
        %swap3A_721 = arith.index_cast %swap3A_720 : i32 to index
        %swap3A_722 = arith.index_cast %scan3A_681 : i32 to index
        %swap3A_723 = arith.constant 0 : index
        %swap3A_724 = tpu.vector_load %arg12[%swap3A_721, %swap3A_722, %swap3A_723] {strides = array<i32>} : memref<2x40x136xf32, #tpu.memory_space<vmem>>, vector<1x1x16xf32>,
        %swap3A_725 = vector.shape_cast %swap3A_724 : vector<1x1x16xf32> to vector<16xf32>
        %swap3A_726 = vector.shape_cast %mul3A_719 : vector<16xf32> to vector<1x1x16xf32>
        tpu.vector_store %arg12[%swap3A_721, %swap3A_722, %swap3A_723], %swap3A_726 {strides = array<i32>} : memref<2x40x136xf32, #tpu.memory_space<vmem>>, vector<1x1x16xf32>,
        %add3A_727 = arith.constant 40 : i32
        %add3A_728 = arith.addi %add3A_727, %scan3A_681 : i32
        %get3A_729 = arith.constant 1 : i32
        %get3A_730 = arith.index_cast %get3A_729 : i32 to index
        %get3A_731 = arith.index_cast %add3A_728 : i32 to index
        %get3A_732 = arith.constant 16 : index
        %get3A_733 = tpu.vector_load %arg10[%get3A_730, %get3A_731, %get3A_732] {strides = array<i32>} : memref<2x80x136xf32, #tpu.memory_space<vmem>>, vector<1x1x16xf32>,
        %get3A_734 = vector.shape_cast %get3A_733 : vector<1x1x16xf32> to vector<16xf32>
        %slice3A_735 = vector.extract_strided_slice %exp3A {offsets = [9], sizes = [1], strides = [1]} : vector<16xf32> to vector<1xf32>
        %squeeze3A_736 = vector.extract %slice3A_735[0] : f32 from vector<1xf32>
        %broadcast_in_dim3A_737 = vector.broadcast %squeeze3A_736 : f32 to vector<16xf32>
        %mul3A_738 = arith.mulf %get3A_734, %broadcast_in_dim3A_737 : vector<16xf32>
        %swap3A_739 = arith.constant 1 : i32
        %swap3A_740 = arith.index_cast %swap3A_739 : i32 to index
        %swap3A_741 = arith.index_cast %scan3A_681 : i32 to index
        %swap3A_742 = arith.constant 16 : index
        %swap3A_743 = tpu.vector_load %arg12[%swap3A_740, %swap3A_741, %swap3A_742] {strides = array<i32>} : memref<2x40x136xf32, #tpu.memory_space<vmem>>, vector<1x1x16xf32>,
        %swap3A_744 = vector.shape_cast %swap3A_743 : vector<1x1x16xf32> to vector<16xf32>
        %swap3A_745 = vector.shape_cast %mul3A_738 : vector<16xf32> to vector<1x1x16xf32>
        tpu.vector_store %arg12[%swap3A_740, %swap3A_741, %swap3A_742], %swap3A_745 {strides = array<i32>} : memref<2x40x136xf32, #tpu.memory_space<vmem>>, vector<1x1x16xf32>,
        %add3A_746 = arith.constant 40 : i32
        %add3A_747 = arith.addi %add3A_746, %scan3A_681 : i32
        %get3A_748 = arith.constant 1 : i32
        %get3A_749 = arith.index_cast %get3A_748 : i32 to index
        %get3A_750 = arith.index_cast %add3A_747 : i32 to index
        %get3A_751 = arith.constant 32 : index
        %get3A_752 = tpu.vector_load %arg10[%get3A_749, %get3A_750, %get3A_751] {strides = array<i32>} : memref<2x80x136xf32, #tpu.memory_space<vmem>>, vector<1x1x16xf32>,
        %get3A_753 = vector.shape_cast %get3A_752 : vector<1x1x16xf32> to vector<16xf32>
        %slice3A_754 = vector.extract_strided_slice %exp3A {offsets = [10], sizes = [1], strides = [1]} : vector<16xf32> to vector<1xf32>
        %squeeze3A_755 = vector.extract %slice3A_754[0] : f32 from vector<1xf32>
        %broadcast_in_dim3A_756 = vector.broadcast %squeeze3A_755 : f32 to vector<16xf32>
        %mul3A_757 = arith.mulf %get3A_753, %broadcast_in_dim3A_756 : vector<16xf32>
        %swap3A_758 = arith.constant 1 : i32
        %swap3A_759 = arith.index_cast %swap3A_758 : i32 to index
        %swap3A_760 = arith.index_cast %scan3A_681 : i32 to index
        %swap3A_761 = arith.constant 32 : index
        %swap3A_762 = tpu.vector_load %arg12[%swap3A_759, %swap3A_760, %swap3A_761] {strides = array<i32>} : memref<2x40x136xf32, #tpu.memory_space<vmem>>, vector<1x1x16xf32>,
        %swap3A_763 = vector.shape_cast %swap3A_762 : vector<1x1x16xf32> to vector<16xf32>
        %swap3A_764 = vector.shape_cast %mul3A_757 : vector<16xf32> to vector<1x1x16xf32>
        tpu.vector_store %arg12[%swap3A_759, %swap3A_760, %swap3A_761], %swap3A_764 {strides = array<i32>} : memref<2x40x136xf32, #tpu.memory_space<vmem>>, vector<1x1x16xf32>,
        %add3A_765 = arith.constant 40 : i32
        %add3A_766 = arith.addi %add3A_765, %scan3A_681 : i32
        %get3A_767 = arith.constant 1 : i32
        %get3A_768 = arith.index_cast %get3A_767 : i32 to index
        %get3A_769 = arith.index_cast %add3A_766 : i32 to index
        %get3A_770 = arith.constant 48 : index
        %get3A_771 = tpu.vector_load %arg10[%get3A_768, %get3A_769, %get3A_770] {strides = array<i32>} : memref<2x80x136xf32, #tpu.memory_space<vmem>>, vector<1x1x16xf32>,
        %get3A_772 = vector.shape_cast %get3A_771 : vector<1x1x16xf32> to vector<16xf32>
        %slice3A_773 = vector.extract_strided_slice %exp3A {offsets = [11], sizes = [1], strides = [1]} : vector<16xf32> to vector<1xf32>
        %squeeze3A_774 = vector.extract %slice3A_773[0] : f32 from vector<1xf32>
        %broadcast_in_dim3A_775 = vector.broadcast %squeeze3A_774 : f32 to vector<16xf32>
        %mul3A_776 = arith.mulf %get3A_772, %broadcast_in_dim3A_775 : vector<16xf32>
        %swap3A_777 = arith.constant 1 : i32
        %swap3A_778 = arith.index_cast %swap3A_777 : i32 to index
        %swap3A_779 = arith.index_cast %scan3A_681 : i32 to index
        %swap3A_780 = arith.constant 48 : index
        %swap3A_781 = tpu.vector_load %arg12[%swap3A_778, %swap3A_779, %swap3A_780] {strides = array<i32>} : memref<2x40x136xf32, #tpu.memory_space<vmem>>, vector<1x1x16xf32>,
        %swap3A_782 = vector.shape_cast %swap3A_781 : vector<1x1x16xf32> to vector<16xf32>
        %swap3A_783 = vector.shape_cast %mul3A_776 : vector<16xf32> to vector<1x1x16xf32>
        tpu.vector_store %arg12[%swap3A_778, %swap3A_779, %swap3A_780], %swap3A_783 {strides = array<i32>} : memref<2x40x136xf32, #tpu.memory_space<vmem>>, vector<1x1x16xf32>,
        %add3A_784 = arith.constant 40 : i32
        %add3A_785 = arith.addi %add3A_784, %scan3A_681 : i32
        %get3A_786 = arith.constant 1 : i32
        %get3A_787 = arith.index_cast %get3A_786 : i32 to index
        %get3A_788 = arith.index_cast %add3A_785 : i32 to index
        %get3A_789 = arith.constant 64 : index
        %get3A_790 = tpu.vector_load %arg10[%get3A_787, %get3A_788, %get3A_789] {strides = array<i32>} : memref<2x80x136xf32, #tpu.memory_space<vmem>>, vector<1x1x16xf32>,
        %get3A_791 = vector.shape_cast %get3A_790 : vector<1x1x16xf32> to vector<16xf32>
        %slice3A_792 = vector.extract_strided_slice %exp3A {offsets = [12], sizes = [1], strides = [1]} : vector<16xf32> to vector<1xf32>
        %squeeze3A_793 = vector.extract %slice3A_792[0] : f32 from vector<1xf32>
        %broadcast_in_dim3A_794 = vector.broadcast %squeeze3A_793 : f32 to vector<16xf32>
        %mul3A_795 = arith.mulf %get3A_791, %broadcast_in_dim3A_794 : vector<16xf32>
        %swap3A_796 = arith.constant 1 : i32
        %swap3A_797 = arith.index_cast %swap3A_796 : i32 to index
        %swap3A_798 = arith.index_cast %scan3A_681 : i32 to index
        %swap3A_799 = arith.constant 64 : index
        %swap3A_800 = tpu.vector_load %arg12[%swap3A_797, %swap3A_798, %swap3A_799] {strides = array<i32>} : memref<2x40x136xf32, #tpu.memory_space<vmem>>, vector<1x1x16xf32>,
        %swap3A_801 = vector.shape_cast %swap3A_800 : vector<1x1x16xf32> to vector<16xf32>
        %swap3A_802 = vector.shape_cast %mul3A_795 : vector<16xf32> to vector<1x1x16xf32>
        tpu.vector_store %arg12[%swap3A_797, %swap3A_798, %swap3A_799], %swap3A_802 {strides = array<i32>} : memref<2x40x136xf32, #tpu.memory_space<vmem>>, vector<1x1x16xf32>,
        %add3A_803 = arith.constant 40 : i32
        %add3A_804 = arith.addi %add3A_803, %scan3A_681 : i32
        %get3A_805 = arith.constant 1 : i32
        %get3A_806 = arith.index_cast %get3A_805 : i32 to index
        %get3A_807 = arith.index_cast %add3A_804 : i32 to index
        %get3A_808 = arith.constant 80 : index
        %get3A_809 = tpu.vector_load %arg10[%get3A_806, %get3A_807, %get3A_808] {strides = array<i32>} : memref<2x80x136xf32, #tpu.memory_space<vmem>>, vector<1x1x16xf32>,
        %get3A_810 = vector.shape_cast %get3A_809 : vector<1x1x16xf32> to vector<16xf32>
        %slice3A_811 = vector.extract_strided_slice %exp3A {offsets = [13], sizes = [1], strides = [1]} : vector<16xf32> to vector<1xf32>
        %squeeze3A_812 = vector.extract %slice3A_811[0] : f32 from vector<1xf32>
        %broadcast_in_dim3A_813 = vector.broadcast %squeeze3A_812 : f32 to vector<16xf32>
        %mul3A_814 = arith.mulf %get3A_810, %broadcast_in_dim3A_813 : vector<16xf32>
        %swap3A_815 = arith.constant 1 : i32
        %swap3A_816 = arith.index_cast %swap3A_815 : i32 to index
        %swap3A_817 = arith.index_cast %scan3A_681 : i32 to index
        %swap3A_818 = arith.constant 80 : index
        %swap3A_819 = tpu.vector_load %arg12[%swap3A_816, %swap3A_817, %swap3A_818] {strides = array<i32>} : memref<2x40x136xf32, #tpu.memory_space<vmem>>, vector<1x1x16xf32>,
        %swap3A_820 = vector.shape_cast %swap3A_819 : vector<1x1x16xf32> to vector<16xf32>
        %swap3A_821 = vector.shape_cast %mul3A_814 : vector<16xf32> to vector<1x1x16xf32>
        tpu.vector_store %arg12[%swap3A_816, %swap3A_817, %swap3A_818], %swap3A_821 {strides = array<i32>} : memref<2x40x136xf32, #tpu.memory_space<vmem>>, vector<1x1x16xf32>,
        %add3A_822 = arith.constant 40 : i32
        %add3A_823 = arith.addi %add3A_822, %scan3A_681 : i32
        %get3A_824 = arith.constant 1 : i32
        %get3A_825 = arith.index_cast %get3A_824 : i32 to index
        %get3A_826 = arith.index_cast %add3A_823 : i32 to index
        %get3A_827 = arith.constant 96 : index
        %get3A_828 = tpu.vector_load %arg10[%get3A_825, %get3A_826, %get3A_827] {strides = array<i32>} : memref<2x80x136xf32, #tpu.memory_space<vmem>>, vector<1x1x16xf32>,
        %get3A_829 = vector.shape_cast %get3A_828 : vector<1x1x16xf32> to vector<16xf32>
        %slice3A_830 = vector.extract_strided_slice %exp3A {offsets = [14], sizes = [1], strides = [1]} : vector<16xf32> to vector<1xf32>
        %squeeze3A_831 = vector.extract %slice3A_830[0] : f32 from vector<1xf32>
        %broadcast_in_dim3A_832 = vector.broadcast %squeeze3A_831 : f32 to vector<16xf32>
        %mul3A_833 = arith.mulf %get3A_829, %broadcast_in_dim3A_832 : vector<16xf32>
        %swap3A_834 = arith.constant 1 : i32
        %swap3A_835 = arith.index_cast %swap3A_834 : i32 to index
        %swap3A_836 = arith.index_cast %scan3A_681 : i32 to index
        %swap3A_837 = arith.constant 96 : index
        %swap3A_838 = tpu.vector_load %arg12[%swap3A_835, %swap3A_836, %swap3A_837] {strides = array<i32>} : memref<2x40x136xf32, #tpu.memory_space<vmem>>, vector<1x1x16xf32>,
        %swap3A_839 = vector.shape_cast %swap3A_838 : vector<1x1x16xf32> to vector<16xf32>
        %swap3A_840 = vector.shape_cast %mul3A_833 : vector<16xf32> to vector<1x1x16xf32>
        tpu.vector_store %arg12[%swap3A_835, %swap3A_836, %swap3A_837], %swap3A_840 {strides = array<i32>} : memref<2x40x136xf32, #tpu.memory_space<vmem>>, vector<1x1x16xf32>,
        %add3A_841 = arith.constant 40 : i32
        %add3A_842 = arith.addi %add3A_841, %scan3A_681 : i32
        %get3A_843 = arith.constant 1 : i32
        %get3A_844 = arith.index_cast %get3A_843 : i32 to index
        %get3A_845 = arith.index_cast %add3A_842 : i32 to index
        %get3A_846 = arith.constant 112 : index
        %get3A_847 = tpu.vector_load %arg10[%get3A_844, %get3A_845, %get3A_846] {strides = array<i32>} : memref<2x80x136xf32, #tpu.memory_space<vmem>>, vector<1x1x16xf32>,
        %get3A_848 = vector.shape_cast %get3A_847 : vector<1x1x16xf32> to vector<16xf32>
        %slice3A_849 = vector.extract_strided_slice %exp3A {offsets = [15], sizes = [1], strides = [1]} : vector<16xf32> to vector<1xf32>
        %squeeze3A_850 = vector.extract %slice3A_849[0] : f32 from vector<1xf32>
        %broadcast_in_dim3A_851 = vector.broadcast %squeeze3A_850 : f32 to vector<16xf32>
        %mul3A_852 = arith.mulf %get3A_848, %broadcast_in_dim3A_851 : vector<16xf32>
        %swap3A_853 = arith.constant 1 : i32
        %swap3A_854 = arith.index_cast %swap3A_853 : i32 to index
        %swap3A_855 = arith.index_cast %scan3A_681 : i32 to index
        %swap3A_856 = arith.constant 112 : index
        %swap3A_857 = tpu.vector_load %arg12[%swap3A_854, %swap3A_855, %swap3A_856] {strides = array<i32>} : memref<2x40x136xf32, #tpu.memory_space<vmem>>, vector<1x1x16xf32>,
        %swap3A_858 = vector.shape_cast %swap3A_857 : vector<1x1x16xf32> to vector<16xf32>
        %swap3A_859 = vector.shape_cast %mul3A_852 : vector<16xf32> to vector<1x1x16xf32>
        tpu.vector_store %arg12[%swap3A_854, %swap3A_855, %swap3A_856], %swap3A_859 {strides = array<i32>} : memref<2x40x136xf32, #tpu.memory_space<vmem>>, vector<1x1x16xf32>,
      }
      %scan3A_666 = arith.constant 40 : i32
      %dma_start3A_667 = arith.constant 1 : i32
      %dma_start3A_668 = arith.constant 1 : i32
      %dma_start3A_669 = arith.constant 0 : i32
      %dma_start3A_670 = arith.constant 0 : i32
      %dma_start3A_671 = tpu.memref_slice %arg12[%dma_start3A_667, %dma_start3A_669, %dma_start3A_670] : memref<2x40x136xf32, #tpu.memory_space<vmem>> -> memref<1x40x136xf32, #tpu.memory_space<vmem>>
      %dma_start3A_672 = tpu.memref_squeeze %dma_start3A_671 : memref<1x40x136xf32, #tpu.memory_space<vmem>> -> memref<40x136xf32, #tpu.memory_space<vmem>>
      %dma_start3A_673 = arith.constant 40 : i32
      %dma_start3A_674 = tpu.memref_slice %arg9[%add3A_468, %dma_start3A_673] : memref<63x80xi32, #tpu.memory_space<vmem>> -> memref<1x40xi32, #tpu.memory_space<vmem>>
      %dma_start3A_675 = tpu.memref_squeeze %dma_start3A_674 : memref<1x40xi32, #tpu.memory_space<vmem>> -> memref<40xi32, #tpu.memory_space<vmem>>
      %dma_start3A_676 = arith.constant 0 : i32
      %dma_start3A_677 = arith.constant 0 : i32
      %dma_start3A_678 = tpu.memref_slice %arg7[%dma_start3A_676, %dma_start3A_677] : memref<10000x136xf32, #tpu.memory_space<vmem_shared>> -> memref<10000x136xf32, #tpu.memory_space<vmem_shared>>
      %dma_start3A_679 = tpu.memref_slice %arg16[%dma_start3A_668] : memref<2x!tpu.dma_semaphore, #tpu.memory_space<semaphore_mem>> -> memref<1x!tpu.dma_semaphore, #tpu.memory_space<semaphore_mem>>
      %dma_start3A_680 = tpu.memref_squeeze %dma_start3A_679 : memref<1x!tpu.dma_semaphore, #tpu.memory_space<semaphore_mem>> -> memref<!tpu.dma_semaphore, #tpu.memory_space<semaphore_mem>>
      tpu.enqueue_indirect_dma source(%dma_start3A_672 : memref<40x136xf32, #tpu.memory_space<vmem>>) target(%dma_start3A_678 : memref<10000x136xf32, #tpu.memory_space<vmem_shared>>) offsets(%dma_start3A_675 : memref<40xi32, #tpu.memory_space<vmem>>) semaphore(%dma_start3A_680 : memref<!tpu.dma_semaphore, #tpu.memory_space<semaphore_mem>>) {add = true}
    }
    %scan3A_87 = arith.constant 31 : i32
    %dma_wait3A = arith.constant 0 : i32
    %dma_wait3A_88 = arith.constant 0 : i32
    %dma_wait3A_89 = arith.constant 0 : i32
    %dma_wait3A_90 = arith.constant 0 : i32
    %dma_wait3A_91 = arith.constant 0 : i32
    %dma_wait3A_92 = tpu.memref_slice %arg10[%dma_wait3A_88, %dma_wait3A_90, %dma_wait3A_91] : memref<2x80x136xf32, #tpu.memory_space<vmem>> -> memref<1x80x136xf32, #tpu.memory_space<vmem>>
    %dma_wait3A_93 = tpu.memref_squeeze %dma_wait3A_92 : memref<1x80x136xf32, #tpu.memory_space<vmem>> -> memref<80x136xf32, #tpu.memory_space<vmem>>
    %dma_wait3A_94 = arith.constant 0 : i32
    %dma_wait3A_95 = tpu.memref_slice %arg8[%dma_wait3A, %dma_wait3A_94] : memref<63x80xi32, #tpu.memory_space<vmem>> -> memref<1x80xi32, #tpu.memory_space<vmem>>
    %dma_wait3A_96 = tpu.memref_squeeze %dma_wait3A_95 : memref<1x80xi32, #tpu.memory_space<vmem>> -> memref<80xi32, #tpu.memory_space<vmem>>
    %dma_wait3A_97 = arith.constant 0 : i32
    %dma_wait3A_98 = arith.constant 0 : i32
    %dma_wait3A_99 = tpu.memref_slice %arg2[%dma_wait3A_97, %dma_wait3A_98] : memref<10000x136xf32, #tpu.memory_space<hbm>> -> memref<10000x136xf32, #tpu.memory_space<hbm>>
    %dma_wait3A_100 = tpu.memref_slice %arg14[%dma_wait3A_89] : memref<2x!tpu.dma_semaphore, #tpu.memory_space<semaphore_mem>> -> memref<1x!tpu.dma_semaphore, #tpu.memory_space<semaphore_mem>>
    %dma_wait3A_101 = tpu.memref_squeeze %dma_wait3A_100 : memref<1x!tpu.dma_semaphore, #tpu.memory_space<semaphore_mem>> -> memref<!tpu.dma_semaphore, #tpu.memory_space<semaphore_mem>>
    tpu.wait_indirect_dma semaphore(%dma_wait3A_101 : memref<!tpu.dma_semaphore, #tpu.memory_space<semaphore_mem>>) src(%dma_wait3A_99 : memref<10000x136xf32, #tpu.memory_space<hbm>>) dst(%dma_wait3A_93 : memref<80x136xf32, #tpu.memory_space<vmem>>)
    %dma_wait3A_102 = arith.constant 0 : i32
    %dma_wait3A_103 = arith.constant 0 : i32
    %dma_wait3A_104 = arith.constant 0 : i32
    %dma_wait3A_105 = arith.constant 0 : i32
    %dma_wait3A_106 = arith.constant 0 : i32
    %dma_wait3A_107 = tpu.memref_slice %arg11[%dma_wait3A_103, %dma_wait3A_105, %dma_wait3A_106] : memref<2x80x16xf32, #tpu.memory_space<vmem>> -> memref<1x80x16xf32, #tpu.memory_space<vmem>>
    %dma_wait3A_108 = tpu.memref_squeeze %dma_wait3A_107 : memref<1x80x16xf32, #tpu.memory_space<vmem>> -> memref<80x16xf32, #tpu.memory_space<vmem>>
    %dma_wait3A_109 = arith.constant 0 : i32
    %dma_wait3A_110 = tpu.memref_slice %arg9[%dma_wait3A_102, %dma_wait3A_109] : memref<63x80xi32, #tpu.memory_space<vmem>> -> memref<1x80xi32, #tpu.memory_space<vmem>>
    %dma_wait3A_111 = tpu.memref_squeeze %dma_wait3A_110 : memref<1x80xi32, #tpu.memory_space<vmem>> -> memref<80xi32, #tpu.memory_space<vmem>>
    %dma_wait3A_112 = arith.constant 0 : i32
    %dma_wait3A_113 = arith.constant 0 : i32
    %dma_wait3A_114 = tpu.memref_slice %arg3[%dma_wait3A_112, %dma_wait3A_113] : memref<10000x16xf32, #tpu.memory_space<hbm>> -> memref<10000x16xf32, #tpu.memory_space<hbm>>
    %dma_wait3A_115 = tpu.memref_slice %arg15[%dma_wait3A_104] : memref<2x!tpu.dma_semaphore, #tpu.memory_space<semaphore_mem>> -> memref<1x!tpu.dma_semaphore, #tpu.memory_space<semaphore_mem>>
    %dma_wait3A_116 = tpu.memref_squeeze %dma_wait3A_115 : memref<1x!tpu.dma_semaphore, #tpu.memory_space<semaphore_mem>> -> memref<!tpu.dma_semaphore, #tpu.memory_space<semaphore_mem>>
    tpu.wait_indirect_dma semaphore(%dma_wait3A_116 : memref<!tpu.dma_semaphore, #tpu.memory_space<semaphore_mem>>) src(%dma_wait3A_114 : memref<10000x16xf32, #tpu.memory_space<hbm>>) dst(%dma_wait3A_108 : memref<80x16xf32, #tpu.memory_space<vmem>>)
    %dma_wait3A_117 = arith.constant 0 : i32
    %dma_wait3A_118 = arith.constant 0 : i32
    %dma_wait3A_119 = arith.constant 0 : i32
    %dma_wait3A_120 = arith.constant 0 : i32
    %dma_wait3A_121 = tpu.memref_slice %arg12[%dma_wait3A_117, %dma_wait3A_119, %dma_wait3A_120] : memref<2x40x136xf32, #tpu.memory_space<vmem>> -> memref<1x40x136xf32, #tpu.memory_space<vmem>>
    %dma_wait3A_122 = tpu.memref_squeeze %dma_wait3A_121 : memref<1x40x136xf32, #tpu.memory_space<vmem>> -> memref<40x136xf32, #tpu.memory_space<vmem>>
    %dma_wait3A_123 = arith.constant 0 : i32
    %dma_wait3A_124 = arith.constant 0 : i32
    %dma_wait3A_125 = tpu.memref_slice %arg7[%dma_wait3A_123, %dma_wait3A_124] : memref<10000x136xf32, #tpu.memory_space<vmem_shared>> -> memref<10000x136xf32, #tpu.memory_space<vmem_shared>>
    %dma_wait3A_126 = tpu.memref_slice %arg16[%dma_wait3A_118] : memref<2x!tpu.dma_semaphore, #tpu.memory_space<semaphore_mem>> -> memref<1x!tpu.dma_semaphore, #tpu.memory_space<semaphore_mem>>
    %dma_wait3A_127 = tpu.memref_squeeze %dma_wait3A_126 : memref<1x!tpu.dma_semaphore, #tpu.memory_space<semaphore_mem>> -> memref<!tpu.dma_semaphore, #tpu.memory_space<semaphore_mem>>
    tpu.wait_indirect_dma semaphore(%dma_wait3A_127 : memref<!tpu.dma_semaphore, #tpu.memory_space<semaphore_mem>>) src(%dma_wait3A_122 : memref<40x136xf32, #tpu.memory_space<vmem>>) dst(%dma_wait3A_125 : memref<10000x136xf32, #tpu.memory_space<vmem_shared>>)
    %scan3A_128 = arith.constant 0 : i32
    %scan3A_129 = arith.constant 40 : i32
    %scan3A_130 = arith.addi %scan3A_128, %scan3A_129 : i32
    %scan3A_131 = arith.constant 1 : i32
    scf.for %scan3A_464 = %scan3A_128 to %scan3A_130 step %scan3A_131  : i32 {
      %add3A_465 = arith.constant 0 : i32
      %add3A_466 = arith.addi %add3A_465, %scan3A_464 : i32
      %get3A = arith.constant 0 : i32
      %get3A_467 = arith.index_cast %get3A : i32 to index
      %get3A_468 = arith.index_cast %add3A_466 : i32 to index
      %get3A_469 = arith.constant 120 : index
      %get3A_470 = tpu.vector_load %arg10[%get3A_467, %get3A_468, %get3A_469] {strides = array<i32>} : memref<2x80x136xf32, #tpu.memory_space<vmem>>, vector<1x1x16xf32>,
      %get3A_471 = vector.shape_cast %get3A_470 : vector<1x1x16xf32> to vector<16xf32>
      %add3A_472 = arith.constant 0 : i32
      %add3A_473 = arith.addi %add3A_472, %scan3A_464 : i32
      %get3A_474 = arith.constant 0 : i32
      %get3A_475 = arith.index_cast %get3A_474 : i32 to index
      %get3A_476 = arith.index_cast %add3A_473 : i32 to index
      %get3A_477 = arith.constant 0 : index
      %get3A_478 = tpu.vector_load %arg11[%get3A_475, %get3A_476, %get3A_477] {strides = array<i32>} : memref<2x80x16xf32, #tpu.memory_space<vmem>>, vector<1x1x16xf32>,
      %get3A_479 = vector.shape_cast %get3A_478 : vector<1x1x16xf32> to vector<16xf32>
      %add3A_480 = arith.addf %get3A_471, %get3A_479 : vector<16xf32>
      %ge3A = arith.constant 0.000000e+00 : f32
      %ge3A_481 = vector.broadcast %ge3A : f32 to vector<16xf32>
      %ge3A_482 = arith.cmpf oge, %add3A_480, %ge3A_481 : vector<16xf32>
      %mul3A_483 = arith.constant 2.000000e-01 : f32
      %mul3A_484 = vector.broadcast %mul3A_483 : f32 to vector<16xf32>
      %mul3A_485 = arith.mulf %add3A_480, %mul3A_484 : vector<16xf32>
      %select_n3A = arith.select %ge3A_482, %add3A_480, %mul3A_485 : vector<16xi1>, vector<16xf32>
      %exp3A = math.exp %select_n3A : vector<16xf32>
      %swap3A_486 = arith.constant 0 : i32
      %swap3A_487 = arith.index_cast %swap3A_486 : i32 to index
      %swap3A_488 = arith.index_cast %scan3A_464 : i32 to index
      %swap3A_489 = arith.constant 120 : index
      %swap3A_490 = tpu.vector_load %arg12[%swap3A_487, %swap3A_488, %swap3A_489] {strides = array<i32>} : memref<2x40x136xf32, #tpu.memory_space<vmem>>, vector<1x1x16xf32>,
      %swap3A_491 = vector.shape_cast %swap3A_490 : vector<1x1x16xf32> to vector<16xf32>
      %swap3A_492 = vector.shape_cast %exp3A : vector<16xf32> to vector<1x1x16xf32>
      tpu.vector_store %arg12[%swap3A_487, %swap3A_488, %swap3A_489], %swap3A_492 {strides = array<i32>} : memref<2x40x136xf32, #tpu.memory_space<vmem>>, vector<1x1x16xf32>,
      %add3A_493 = arith.constant 0 : i32
      %add3A_494 = arith.addi %add3A_493, %scan3A_464 : i32
      %get3A_495 = arith.constant 0 : i32
      %get3A_496 = arith.index_cast %get3A_495 : i32 to index
      %get3A_497 = arith.index_cast %add3A_494 : i32 to index
      %get3A_498 = arith.constant 0 : index
      %get3A_499 = tpu.vector_load %arg10[%get3A_496, %get3A_497, %get3A_498] {strides = array<i32>} : memref<2x80x136xf32, #tpu.memory_space<vmem>>, vector<1x1x16xf32>,
      %get3A_500 = vector.shape_cast %get3A_499 : vector<1x1x16xf32> to vector<16xf32>
      %slice3A = vector.extract_strided_slice %exp3A {offsets = [8], sizes = [1], strides = [1]} : vector<16xf32> to vector<1xf32>
      %squeeze3A = vector.extract %slice3A[0] : f32 from vector<1xf32>
      %broadcast_in_dim3A_501 = vector.broadcast %squeeze3A : f32 to vector<16xf32>
      %mul3A_502 = arith.mulf %get3A_500, %broadcast_in_dim3A_501 : vector<16xf32>
      %swap3A_503 = arith.constant 0 : i32
      %swap3A_504 = arith.index_cast %swap3A_503 : i32 to index
      %swap3A_505 = arith.index_cast %scan3A_464 : i32 to index
      %swap3A_506 = arith.constant 0 : index
      %swap3A_507 = tpu.vector_load %arg12[%swap3A_504, %swap3A_505, %swap3A_506] {strides = array<i32>} : memref<2x40x136xf32, #tpu.memory_space<vmem>>, vector<1x1x16xf32>,
      %swap3A_508 = vector.shape_cast %swap3A_507 : vector<1x1x16xf32> to vector<16xf32>
      %swap3A_509 = vector.shape_cast %mul3A_502 : vector<16xf32> to vector<1x1x16xf32>
      tpu.vector_store %arg12[%swap3A_504, %swap3A_505, %swap3A_506], %swap3A_509 {strides = array<i32>} : memref<2x40x136xf32, #tpu.memory_space<vmem>>, vector<1x1x16xf32>,
      %add3A_510 = arith.constant 0 : i32
      %add3A_511 = arith.addi %add3A_510, %scan3A_464 : i32
      %get3A_512 = arith.constant 0 : i32
      %get3A_513 = arith.index_cast %get3A_512 : i32 to index
      %get3A_514 = arith.index_cast %add3A_511 : i32 to index
      %get3A_515 = arith.constant 16 : index
      %get3A_516 = tpu.vector_load %arg10[%get3A_513, %get3A_514, %get3A_515] {strides = array<i32>} : memref<2x80x136xf32, #tpu.memory_space<vmem>>, vector<1x1x16xf32>,
      %get3A_517 = vector.shape_cast %get3A_516 : vector<1x1x16xf32> to vector<16xf32>
      %slice3A_518 = vector.extract_strided_slice %exp3A {offsets = [9], sizes = [1], strides = [1]} : vector<16xf32> to vector<1xf32>
      %squeeze3A_519 = vector.extract %slice3A_518[0] : f32 from vector<1xf32>
      %broadcast_in_dim3A_520 = vector.broadcast %squeeze3A_519 : f32 to vector<16xf32>
      %mul3A_521 = arith.mulf %get3A_517, %broadcast_in_dim3A_520 : vector<16xf32>
      %swap3A_522 = arith.constant 0 : i32
      %swap3A_523 = arith.index_cast %swap3A_522 : i32 to index
      %swap3A_524 = arith.index_cast %scan3A_464 : i32 to index
      %swap3A_525 = arith.constant 16 : index
      %swap3A_526 = tpu.vector_load %arg12[%swap3A_523, %swap3A_524, %swap3A_525] {strides = array<i32>} : memref<2x40x136xf32, #tpu.memory_space<vmem>>, vector<1x1x16xf32>,
      %swap3A_527 = vector.shape_cast %swap3A_526 : vector<1x1x16xf32> to vector<16xf32>
      %swap3A_528 = vector.shape_cast %mul3A_521 : vector<16xf32> to vector<1x1x16xf32>
      tpu.vector_store %arg12[%swap3A_523, %swap3A_524, %swap3A_525], %swap3A_528 {strides = array<i32>} : memref<2x40x136xf32, #tpu.memory_space<vmem>>, vector<1x1x16xf32>,
      %add3A_529 = arith.constant 0 : i32
      %add3A_530 = arith.addi %add3A_529, %scan3A_464 : i32
      %get3A_531 = arith.constant 0 : i32
      %get3A_532 = arith.index_cast %get3A_531 : i32 to index
      %get3A_533 = arith.index_cast %add3A_530 : i32 to index
      %get3A_534 = arith.constant 32 : index
      %get3A_535 = tpu.vector_load %arg10[%get3A_532, %get3A_533, %get3A_534] {strides = array<i32>} : memref<2x80x136xf32, #tpu.memory_space<vmem>>, vector<1x1x16xf32>,
      %get3A_536 = vector.shape_cast %get3A_535 : vector<1x1x16xf32> to vector<16xf32>
      %slice3A_537 = vector.extract_strided_slice %exp3A {offsets = [10], sizes = [1], strides = [1]} : vector<16xf32> to vector<1xf32>
      %squeeze3A_538 = vector.extract %slice3A_537[0] : f32 from vector<1xf32>
      %broadcast_in_dim3A_539 = vector.broadcast %squeeze3A_538 : f32 to vector<16xf32>
      %mul3A_540 = arith.mulf %get3A_536, %broadcast_in_dim3A_539 : vector<16xf32>
      %swap3A_541 = arith.constant 0 : i32
      %swap3A_542 = arith.index_cast %swap3A_541 : i32 to index
      %swap3A_543 = arith.index_cast %scan3A_464 : i32 to index
      %swap3A_544 = arith.constant 32 : index
      %swap3A_545 = tpu.vector_load %arg12[%swap3A_542, %swap3A_543, %swap3A_544] {strides = array<i32>} : memref<2x40x136xf32, #tpu.memory_space<vmem>>, vector<1x1x16xf32>,
      %swap3A_546 = vector.shape_cast %swap3A_545 : vector<1x1x16xf32> to vector<16xf32>
      %swap3A_547 = vector.shape_cast %mul3A_540 : vector<16xf32> to vector<1x1x16xf32>
      tpu.vector_store %arg12[%swap3A_542, %swap3A_543, %swap3A_544], %swap3A_547 {strides = array<i32>} : memref<2x40x136xf32, #tpu.memory_space<vmem>>, vector<1x1x16xf32>,
      %add3A_548 = arith.constant 0 : i32
      %add3A_549 = arith.addi %add3A_548, %scan3A_464 : i32
      %get3A_550 = arith.constant 0 : i32
      %get3A_551 = arith.index_cast %get3A_550 : i32 to index
      %get3A_552 = arith.index_cast %add3A_549 : i32 to index
      %get3A_553 = arith.constant 48 : index
      %get3A_554 = tpu.vector_load %arg10[%get3A_551, %get3A_552, %get3A_553] {strides = array<i32>} : memref<2x80x136xf32, #tpu.memory_space<vmem>>, vector<1x1x16xf32>,
      %get3A_555 = vector.shape_cast %get3A_554 : vector<1x1x16xf32> to vector<16xf32>
      %slice3A_556 = vector.extract_strided_slice %exp3A {offsets = [11], sizes = [1], strides = [1]} : vector<16xf32> to vector<1xf32>
      %squeeze3A_557 = vector.extract %slice3A_556[0] : f32 from vector<1xf32>
      %broadcast_in_dim3A_558 = vector.broadcast %squeeze3A_557 : f32 to vector<16xf32>
      %mul3A_559 = arith.mulf %get3A_555, %broadcast_in_dim3A_558 : vector<16xf32>
      %swap3A_560 = arith.constant 0 : i32
      %swap3A_561 = arith.index_cast %swap3A_560 : i32 to index
      %swap3A_562 = arith.index_cast %scan3A_464 : i32 to index
      %swap3A_563 = arith.constant 48 : index
      %swap3A_564 = tpu.vector_load %arg12[%swap3A_561, %swap3A_562, %swap3A_563] {strides = array<i32>} : memref<2x40x136xf32, #tpu.memory_space<vmem>>, vector<1x1x16xf32>,
      %swap3A_565 = vector.shape_cast %swap3A_564 : vector<1x1x16xf32> to vector<16xf32>
      %swap3A_566 = vector.shape_cast %mul3A_559 : vector<16xf32> to vector<1x1x16xf32>
      tpu.vector_store %arg12[%swap3A_561, %swap3A_562, %swap3A_563], %swap3A_566 {strides = array<i32>} : memref<2x40x136xf32, #tpu.memory_space<vmem>>, vector<1x1x16xf32>,
      %add3A_567 = arith.constant 0 : i32
      %add3A_568 = arith.addi %add3A_567, %scan3A_464 : i32
      %get3A_569 = arith.constant 0 : i32
      %get3A_570 = arith.index_cast %get3A_569 : i32 to index
      %get3A_571 = arith.index_cast %add3A_568 : i32 to index
      %get3A_572 = arith.constant 64 : index
      %get3A_573 = tpu.vector_load %arg10[%get3A_570, %get3A_571, %get3A_572] {strides = array<i32>} : memref<2x80x136xf32, #tpu.memory_space<vmem>>, vector<1x1x16xf32>,
      %get3A_574 = vector.shape_cast %get3A_573 : vector<1x1x16xf32> to vector<16xf32>
      %slice3A_575 = vector.extract_strided_slice %exp3A {offsets = [12], sizes = [1], strides = [1]} : vector<16xf32> to vector<1xf32>
      %squeeze3A_576 = vector.extract %slice3A_575[0] : f32 from vector<1xf32>
      %broadcast_in_dim3A_577 = vector.broadcast %squeeze3A_576 : f32 to vector<16xf32>
      %mul3A_578 = arith.mulf %get3A_574, %broadcast_in_dim3A_577 : vector<16xf32>
      %swap3A_579 = arith.constant 0 : i32
      %swap3A_580 = arith.index_cast %swap3A_579 : i32 to index
      %swap3A_581 = arith.index_cast %scan3A_464 : i32 to index
      %swap3A_582 = arith.constant 64 : index
      %swap3A_583 = tpu.vector_load %arg12[%swap3A_580, %swap3A_581, %swap3A_582] {strides = array<i32>} : memref<2x40x136xf32, #tpu.memory_space<vmem>>, vector<1x1x16xf32>,
      %swap3A_584 = vector.shape_cast %swap3A_583 : vector<1x1x16xf32> to vector<16xf32>
      %swap3A_585 = vector.shape_cast %mul3A_578 : vector<16xf32> to vector<1x1x16xf32>
      tpu.vector_store %arg12[%swap3A_580, %swap3A_581, %swap3A_582], %swap3A_585 {strides = array<i32>} : memref<2x40x136xf32, #tpu.memory_space<vmem>>, vector<1x1x16xf32>,
      %add3A_586 = arith.constant 0 : i32
      %add3A_587 = arith.addi %add3A_586, %scan3A_464 : i32
      %get3A_588 = arith.constant 0 : i32
      %get3A_589 = arith.index_cast %get3A_588 : i32 to index
      %get3A_590 = arith.index_cast %add3A_587 : i32 to index
      %get3A_591 = arith.constant 80 : index
      %get3A_592 = tpu.vector_load %arg10[%get3A_589, %get3A_590, %get3A_591] {strides = array<i32>} : memref<2x80x136xf32, #tpu.memory_space<vmem>>, vector<1x1x16xf32>,
      %get3A_593 = vector.shape_cast %get3A_592 : vector<1x1x16xf32> to vector<16xf32>
      %slice3A_594 = vector.extract_strided_slice %exp3A {offsets = [13], sizes = [1], strides = [1]} : vector<16xf32> to vector<1xf32>
      %squeeze3A_595 = vector.extract %slice3A_594[0] : f32 from vector<1xf32>
      %broadcast_in_dim3A_596 = vector.broadcast %squeeze3A_595 : f32 to vector<16xf32>
      %mul3A_597 = arith.mulf %get3A_593, %broadcast_in_dim3A_596 : vector<16xf32>
      %swap3A_598 = arith.constant 0 : i32
      %swap3A_599 = arith.index_cast %swap3A_598 : i32 to index
      %swap3A_600 = arith.index_cast %scan3A_464 : i32 to index
      %swap3A_601 = arith.constant 80 : index
      %swap3A_602 = tpu.vector_load %arg12[%swap3A_599, %swap3A_600, %swap3A_601] {strides = array<i32>} : memref<2x40x136xf32, #tpu.memory_space<vmem>>, vector<1x1x16xf32>,
      %swap3A_603 = vector.shape_cast %swap3A_602 : vector<1x1x16xf32> to vector<16xf32>
      %swap3A_604 = vector.shape_cast %mul3A_597 : vector<16xf32> to vector<1x1x16xf32>
      tpu.vector_store %arg12[%swap3A_599, %swap3A_600, %swap3A_601], %swap3A_604 {strides = array<i32>} : memref<2x40x136xf32, #tpu.memory_space<vmem>>, vector<1x1x16xf32>,
      %add3A_605 = arith.constant 0 : i32
      %add3A_606 = arith.addi %add3A_605, %scan3A_464 : i32
      %get3A_607 = arith.constant 0 : i32
      %get3A_608 = arith.index_cast %get3A_607 : i32 to index
      %get3A_609 = arith.index_cast %add3A_606 : i32 to index
      %get3A_610 = arith.constant 96 : index
      %get3A_611 = tpu.vector_load %arg10[%get3A_608, %get3A_609, %get3A_610] {strides = array<i32>} : memref<2x80x136xf32, #tpu.memory_space<vmem>>, vector<1x1x16xf32>,
      %get3A_612 = vector.shape_cast %get3A_611 : vector<1x1x16xf32> to vector<16xf32>
      %slice3A_613 = vector.extract_strided_slice %exp3A {offsets = [14], sizes = [1], strides = [1]} : vector<16xf32> to vector<1xf32>
      %squeeze3A_614 = vector.extract %slice3A_613[0] : f32 from vector<1xf32>
      %broadcast_in_dim3A_615 = vector.broadcast %squeeze3A_614 : f32 to vector<16xf32>
      %mul3A_616 = arith.mulf %get3A_612, %broadcast_in_dim3A_615 : vector<16xf32>
      %swap3A_617 = arith.constant 0 : i32
      %swap3A_618 = arith.index_cast %swap3A_617 : i32 to index
      %swap3A_619 = arith.index_cast %scan3A_464 : i32 to index
      %swap3A_620 = arith.constant 96 : index
      %swap3A_621 = tpu.vector_load %arg12[%swap3A_618, %swap3A_619, %swap3A_620] {strides = array<i32>} : memref<2x40x136xf32, #tpu.memory_space<vmem>>, vector<1x1x16xf32>,
      %swap3A_622 = vector.shape_cast %swap3A_621 : vector<1x1x16xf32> to vector<16xf32>
      %swap3A_623 = vector.shape_cast %mul3A_616 : vector<16xf32> to vector<1x1x16xf32>
      tpu.vector_store %arg12[%swap3A_618, %swap3A_619, %swap3A_620], %swap3A_623 {strides = array<i32>} : memref<2x40x136xf32, #tpu.memory_space<vmem>>, vector<1x1x16xf32>,
      %add3A_624 = arith.constant 0 : i32
      %add3A_625 = arith.addi %add3A_624, %scan3A_464 : i32
      %get3A_626 = arith.constant 0 : i32
      %get3A_627 = arith.index_cast %get3A_626 : i32 to index
      %get3A_628 = arith.index_cast %add3A_625 : i32 to index
      %get3A_629 = arith.constant 112 : index
      %get3A_630 = tpu.vector_load %arg10[%get3A_627, %get3A_628, %get3A_629] {strides = array<i32>} : memref<2x80x136xf32, #tpu.memory_space<vmem>>, vector<1x1x16xf32>,
      %get3A_631 = vector.shape_cast %get3A_630 : vector<1x1x16xf32> to vector<16xf32>
      %slice3A_632 = vector.extract_strided_slice %exp3A {offsets = [15], sizes = [1], strides = [1]} : vector<16xf32> to vector<1xf32>
      %squeeze3A_633 = vector.extract %slice3A_632[0] : f32 from vector<1xf32>
      %broadcast_in_dim3A_634 = vector.broadcast %squeeze3A_633 : f32 to vector<16xf32>
      %mul3A_635 = arith.mulf %get3A_631, %broadcast_in_dim3A_634 : vector<16xf32>
      %swap3A_636 = arith.constant 0 : i32
      %swap3A_637 = arith.index_cast %swap3A_636 : i32 to index
      %swap3A_638 = arith.index_cast %scan3A_464 : i32 to index
      %swap3A_639 = arith.constant 112 : index
      %swap3A_640 = tpu.vector_load %arg12[%swap3A_637, %swap3A_638, %swap3A_639] {strides = array<i32>} : memref<2x40x136xf32, #tpu.memory_space<vmem>>, vector<1x1x16xf32>,
      %swap3A_641 = vector.shape_cast %swap3A_640 : vector<1x1x16xf32> to vector<16xf32>
      %swap3A_642 = vector.shape_cast %mul3A_635 : vector<16xf32> to vector<1x1x16xf32>
      tpu.vector_store %arg12[%swap3A_637, %swap3A_638, %swap3A_639], %swap3A_642 {strides = array<i32>} : memref<2x40x136xf32, #tpu.memory_space<vmem>>, vector<1x1x16xf32>,
    }
    %scan3A_132 = arith.constant 40 : i32
    %dma_start3A_133 = arith.constant 0 : i32
    %dma_start3A_134 = arith.constant 62 : i32
    %dma_start3A_135 = arith.constant 0 : i32
    %dma_start3A_136 = arith.constant 0 : i32
    %dma_start3A_137 = arith.constant 0 : i32
    %dma_start3A_138 = tpu.memref_slice %arg12[%dma_start3A_133, %dma_start3A_136, %dma_start3A_137] : memref<2x40x136xf32, #tpu.memory_space<vmem>> -> memref<1x40x136xf32, #tpu.memory_space<vmem>>
    %dma_start3A_139 = tpu.memref_squeeze %dma_start3A_138 : memref<1x40x136xf32, #tpu.memory_space<vmem>> -> memref<40x136xf32, #tpu.memory_space<vmem>>
    %dma_start3A_140 = arith.constant 0 : i32
    %dma_start3A_141 = tpu.memref_slice %arg9[%dma_start3A_134, %dma_start3A_140] : memref<63x80xi32, #tpu.memory_space<vmem>> -> memref<1x40xi32, #tpu.memory_space<vmem>>
    %dma_start3A_142 = tpu.memref_squeeze %dma_start3A_141 : memref<1x40xi32, #tpu.memory_space<vmem>> -> memref<40xi32, #tpu.memory_space<vmem>>
    %dma_start3A_143 = arith.constant 0 : i32
    %dma_start3A_144 = arith.constant 0 : i32
    %dma_start3A_145 = tpu.memref_slice %arg7[%dma_start3A_143, %dma_start3A_144] : memref<10000x136xf32, #tpu.memory_space<vmem_shared>> -> memref<10000x136xf32, #tpu.memory_space<vmem_shared>>
    %dma_start3A_146 = tpu.memref_slice %arg16[%dma_start3A_135] : memref<2x!tpu.dma_semaphore, #tpu.memory_space<semaphore_mem>> -> memref<1x!tpu.dma_semaphore, #tpu.memory_space<semaphore_mem>>
    %dma_start3A_147 = tpu.memref_squeeze %dma_start3A_146 : memref<1x!tpu.dma_semaphore, #tpu.memory_space<semaphore_mem>> -> memref<!tpu.dma_semaphore, #tpu.memory_space<semaphore_mem>>
    tpu.enqueue_indirect_dma source(%dma_start3A_139 : memref<40x136xf32, #tpu.memory_space<vmem>>) target(%dma_start3A_145 : memref<10000x136xf32, #tpu.memory_space<vmem_shared>>) offsets(%dma_start3A_142 : memref<40xi32, #tpu.memory_space<vmem>>) semaphore(%dma_start3A_147 : memref<!tpu.dma_semaphore, #tpu.memory_space<semaphore_mem>>) {add = true}
    %dma_wait3A_148 = arith.constant 1 : i32
    %dma_wait3A_149 = arith.constant 1 : i32
    %dma_wait3A_150 = arith.constant 0 : i32
    %dma_wait3A_151 = arith.constant 0 : i32
    %dma_wait3A_152 = tpu.memref_slice %arg12[%dma_wait3A_148, %dma_wait3A_150, %dma_wait3A_151] : memref<2x40x136xf32, #tpu.memory_space<vmem>> -> memref<1x40x136xf32, #tpu.memory_space<vmem>>
    %dma_wait3A_153 = tpu.memref_squeeze %dma_wait3A_152 : memref<1x40x136xf32, #tpu.memory_space<vmem>> -> memref<40x136xf32, #tpu.memory_space<vmem>>
    %dma_wait3A_154 = arith.constant 0 : i32
    %dma_wait3A_155 = arith.constant 0 : i32
    %dma_wait3A_156 = tpu.memref_slice %arg7[%dma_wait3A_154, %dma_wait3A_155] : memref<10000x136xf32, #tpu.memory_space<vmem_shared>> -> memref<10000x136xf32, #tpu.memory_space<vmem_shared>>
    %dma_wait3A_157 = tpu.memref_slice %arg16[%dma_wait3A_149] : memref<2x!tpu.dma_semaphore, #tpu.memory_space<semaphore_mem>> -> memref<1x!tpu.dma_semaphore, #tpu.memory_space<semaphore_mem>>
    %dma_wait3A_158 = tpu.memref_squeeze %dma_wait3A_157 : memref<1x!tpu.dma_semaphore, #tpu.memory_space<semaphore_mem>> -> memref<!tpu.dma_semaphore, #tpu.memory_space<semaphore_mem>>
    tpu.wait_indirect_dma semaphore(%dma_wait3A_158 : memref<!tpu.dma_semaphore, #tpu.memory_space<semaphore_mem>>) src(%dma_wait3A_153 : memref<40x136xf32, #tpu.memory_space<vmem>>) dst(%dma_wait3A_156 : memref<10000x136xf32, #tpu.memory_space<vmem_shared>>)
    %scan3A_159 = arith.constant 0 : i32
    %scan3A_160 = arith.constant 40 : i32
    %scan3A_161 = arith.addi %scan3A_159, %scan3A_160 : i32
    %scan3A_162 = arith.constant 1 : i32
    scf.for %scan3A_464 = %scan3A_159 to %scan3A_161 step %scan3A_162  : i32 {
      %add3A_465 = arith.constant 40 : i32
      %add3A_466 = arith.addi %add3A_465, %scan3A_464 : i32
      %get3A = arith.constant 0 : i32
      %get3A_467 = arith.index_cast %get3A : i32 to index
      %get3A_468 = arith.index_cast %add3A_466 : i32 to index
      %get3A_469 = arith.constant 120 : index
      %get3A_470 = tpu.vector_load %arg10[%get3A_467, %get3A_468, %get3A_469] {strides = array<i32>} : memref<2x80x136xf32, #tpu.memory_space<vmem>>, vector<1x1x16xf32>,
      %get3A_471 = vector.shape_cast %get3A_470 : vector<1x1x16xf32> to vector<16xf32>
      %add3A_472 = arith.constant 40 : i32
      %add3A_473 = arith.addi %add3A_472, %scan3A_464 : i32
      %get3A_474 = arith.constant 0 : i32
      %get3A_475 = arith.index_cast %get3A_474 : i32 to index
      %get3A_476 = arith.index_cast %add3A_473 : i32 to index
      %get3A_477 = arith.constant 0 : index
      %get3A_478 = tpu.vector_load %arg11[%get3A_475, %get3A_476, %get3A_477] {strides = array<i32>} : memref<2x80x16xf32, #tpu.memory_space<vmem>>, vector<1x1x16xf32>,
      %get3A_479 = vector.shape_cast %get3A_478 : vector<1x1x16xf32> to vector<16xf32>
      %add3A_480 = arith.addf %get3A_471, %get3A_479 : vector<16xf32>
      %ge3A = arith.constant 0.000000e+00 : f32
      %ge3A_481 = vector.broadcast %ge3A : f32 to vector<16xf32>
      %ge3A_482 = arith.cmpf oge, %add3A_480, %ge3A_481 : vector<16xf32>
      %mul3A_483 = arith.constant 2.000000e-01 : f32
      %mul3A_484 = vector.broadcast %mul3A_483 : f32 to vector<16xf32>
      %mul3A_485 = arith.mulf %add3A_480, %mul3A_484 : vector<16xf32>
      %select_n3A = arith.select %ge3A_482, %add3A_480, %mul3A_485 : vector<16xi1>, vector<16xf32>
      %exp3A = math.exp %select_n3A : vector<16xf32>
      %swap3A_486 = arith.constant 1 : i32
      %swap3A_487 = arith.index_cast %swap3A_486 : i32 to index
      %swap3A_488 = arith.index_cast %scan3A_464 : i32 to index
      %swap3A_489 = arith.constant 120 : index
      %swap3A_490 = tpu.vector_load %arg12[%swap3A_487, %swap3A_488, %swap3A_489] {strides = array<i32>} : memref<2x40x136xf32, #tpu.memory_space<vmem>>, vector<1x1x16xf32>,
      %swap3A_491 = vector.shape_cast %swap3A_490 : vector<1x1x16xf32> to vector<16xf32>
      %swap3A_492 = vector.shape_cast %exp3A : vector<16xf32> to vector<1x1x16xf32>
      tpu.vector_store %arg12[%swap3A_487, %swap3A_488, %swap3A_489], %swap3A_492 {strides = array<i32>} : memref<2x40x136xf32, #tpu.memory_space<vmem>>, vector<1x1x16xf32>,
      %add3A_493 = arith.constant 40 : i32
      %add3A_494 = arith.addi %add3A_493, %scan3A_464 : i32
      %get3A_495 = arith.constant 0 : i32
      %get3A_496 = arith.index_cast %get3A_495 : i32 to index
      %get3A_497 = arith.index_cast %add3A_494 : i32 to index
      %get3A_498 = arith.constant 0 : index
      %get3A_499 = tpu.vector_load %arg10[%get3A_496, %get3A_497, %get3A_498] {strides = array<i32>} : memref<2x80x136xf32, #tpu.memory_space<vmem>>, vector<1x1x16xf32>,
      %get3A_500 = vector.shape_cast %get3A_499 : vector<1x1x16xf32> to vector<16xf32>
      %slice3A = vector.extract_strided_slice %exp3A {offsets = [8], sizes = [1], strides = [1]} : vector<16xf32> to vector<1xf32>
      %squeeze3A = vector.extract %slice3A[0] : f32 from vector<1xf32>
      %broadcast_in_dim3A_501 = vector.broadcast %squeeze3A : f32 to vector<16xf32>
      %mul3A_502 = arith.mulf %get3A_500, %broadcast_in_dim3A_501 : vector<16xf32>
      %swap3A_503 = arith.constant 1 : i32
      %swap3A_504 = arith.index_cast %swap3A_503 : i32 to index
      %swap3A_505 = arith.index_cast %scan3A_464 : i32 to index
      %swap3A_506 = arith.constant 0 : index
      %swap3A_507 = tpu.vector_load %arg12[%swap3A_504, %swap3A_505, %swap3A_506] {strides = array<i32>} : memref<2x40x136xf32, #tpu.memory_space<vmem>>, vector<1x1x16xf32>,
      %swap3A_508 = vector.shape_cast %swap3A_507 : vector<1x1x16xf32> to vector<16xf32>
      %swap3A_509 = vector.shape_cast %mul3A_502 : vector<16xf32> to vector<1x1x16xf32>
      tpu.vector_store %arg12[%swap3A_504, %swap3A_505, %swap3A_506], %swap3A_509 {strides = array<i32>} : memref<2x40x136xf32, #tpu.memory_space<vmem>>, vector<1x1x16xf32>,
      %add3A_510 = arith.constant 40 : i32
      %add3A_511 = arith.addi %add3A_510, %scan3A_464 : i32
      %get3A_512 = arith.constant 0 : i32
      %get3A_513 = arith.index_cast %get3A_512 : i32 to index
      %get3A_514 = arith.index_cast %add3A_511 : i32 to index
      %get3A_515 = arith.constant 16 : index
      %get3A_516 = tpu.vector_load %arg10[%get3A_513, %get3A_514, %get3A_515] {strides = array<i32>} : memref<2x80x136xf32, #tpu.memory_space<vmem>>, vector<1x1x16xf32>,
      %get3A_517 = vector.shape_cast %get3A_516 : vector<1x1x16xf32> to vector<16xf32>
      %slice3A_518 = vector.extract_strided_slice %exp3A {offsets = [9], sizes = [1], strides = [1]} : vector<16xf32> to vector<1xf32>
      %squeeze3A_519 = vector.extract %slice3A_518[0] : f32 from vector<1xf32>
      %broadcast_in_dim3A_520 = vector.broadcast %squeeze3A_519 : f32 to vector<16xf32>
      %mul3A_521 = arith.mulf %get3A_517, %broadcast_in_dim3A_520 : vector<16xf32>
      %swap3A_522 = arith.constant 1 : i32
      %swap3A_523 = arith.index_cast %swap3A_522 : i32 to index
      %swap3A_524 = arith.index_cast %scan3A_464 : i32 to index
      %swap3A_525 = arith.constant 16 : index
      %swap3A_526 = tpu.vector_load %arg12[%swap3A_523, %swap3A_524, %swap3A_525] {strides = array<i32>} : memref<2x40x136xf32, #tpu.memory_space<vmem>>, vector<1x1x16xf32>,
      %swap3A_527 = vector.shape_cast %swap3A_526 : vector<1x1x16xf32> to vector<16xf32>
      %swap3A_528 = vector.shape_cast %mul3A_521 : vector<16xf32> to vector<1x1x16xf32>
      tpu.vector_store %arg12[%swap3A_523, %swap3A_524, %swap3A_525], %swap3A_528 {strides = array<i32>} : memref<2x40x136xf32, #tpu.memory_space<vmem>>, vector<1x1x16xf32>,
      %add3A_529 = arith.constant 40 : i32
      %add3A_530 = arith.addi %add3A_529, %scan3A_464 : i32
      %get3A_531 = arith.constant 0 : i32
      %get3A_532 = arith.index_cast %get3A_531 : i32 to index
      %get3A_533 = arith.index_cast %add3A_530 : i32 to index
      %get3A_534 = arith.constant 32 : index
      %get3A_535 = tpu.vector_load %arg10[%get3A_532, %get3A_533, %get3A_534] {strides = array<i32>} : memref<2x80x136xf32, #tpu.memory_space<vmem>>, vector<1x1x16xf32>,
      %get3A_536 = vector.shape_cast %get3A_535 : vector<1x1x16xf32> to vector<16xf32>
      %slice3A_537 = vector.extract_strided_slice %exp3A {offsets = [10], sizes = [1], strides = [1]} : vector<16xf32> to vector<1xf32>
      %squeeze3A_538 = vector.extract %slice3A_537[0] : f32 from vector<1xf32>
      %broadcast_in_dim3A_539 = vector.broadcast %squeeze3A_538 : f32 to vector<16xf32>
      %mul3A_540 = arith.mulf %get3A_536, %broadcast_in_dim3A_539 : vector<16xf32>
      %swap3A_541 = arith.constant 1 : i32
      %swap3A_542 = arith.index_cast %swap3A_541 : i32 to index
      %swap3A_543 = arith.index_cast %scan3A_464 : i32 to index
      %swap3A_544 = arith.constant 32 : index
      %swap3A_545 = tpu.vector_load %arg12[%swap3A_542, %swap3A_543, %swap3A_544] {strides = array<i32>} : memref<2x40x136xf32, #tpu.memory_space<vmem>>, vector<1x1x16xf32>,
      %swap3A_546 = vector.shape_cast %swap3A_545 : vector<1x1x16xf32> to vector<16xf32>
      %swap3A_547 = vector.shape_cast %mul3A_540 : vector<16xf32> to vector<1x1x16xf32>
      tpu.vector_store %arg12[%swap3A_542, %swap3A_543, %swap3A_544], %swap3A_547 {strides = array<i32>} : memref<2x40x136xf32, #tpu.memory_space<vmem>>, vector<1x1x16xf32>,
      %add3A_548 = arith.constant 40 : i32
      %add3A_549 = arith.addi %add3A_548, %scan3A_464 : i32
      %get3A_550 = arith.constant 0 : i32
      %get3A_551 = arith.index_cast %get3A_550 : i32 to index
      %get3A_552 = arith.index_cast %add3A_549 : i32 to index
      %get3A_553 = arith.constant 48 : index
      %get3A_554 = tpu.vector_load %arg10[%get3A_551, %get3A_552, %get3A_553] {strides = array<i32>} : memref<2x80x136xf32, #tpu.memory_space<vmem>>, vector<1x1x16xf32>,
      %get3A_555 = vector.shape_cast %get3A_554 : vector<1x1x16xf32> to vector<16xf32>
      %slice3A_556 = vector.extract_strided_slice %exp3A {offsets = [11], sizes = [1], strides = [1]} : vector<16xf32> to vector<1xf32>
      %squeeze3A_557 = vector.extract %slice3A_556[0] : f32 from vector<1xf32>
      %broadcast_in_dim3A_558 = vector.broadcast %squeeze3A_557 : f32 to vector<16xf32>
      %mul3A_559 = arith.mulf %get3A_555, %broadcast_in_dim3A_558 : vector<16xf32>
      %swap3A_560 = arith.constant 1 : i32
      %swap3A_561 = arith.index_cast %swap3A_560 : i32 to index
      %swap3A_562 = arith.index_cast %scan3A_464 : i32 to index
      %swap3A_563 = arith.constant 48 : index
      %swap3A_564 = tpu.vector_load %arg12[%swap3A_561, %swap3A_562, %swap3A_563] {strides = array<i32>} : memref<2x40x136xf32, #tpu.memory_space<vmem>>, vector<1x1x16xf32>,
      %swap3A_565 = vector.shape_cast %swap3A_564 : vector<1x1x16xf32> to vector<16xf32>
      %swap3A_566 = vector.shape_cast %mul3A_559 : vector<16xf32> to vector<1x1x16xf32>
      tpu.vector_store %arg12[%swap3A_561, %swap3A_562, %swap3A_563], %swap3A_566 {strides = array<i32>} : memref<2x40x136xf32, #tpu.memory_space<vmem>>, vector<1x1x16xf32>,
      %add3A_567 = arith.constant 40 : i32
      %add3A_568 = arith.addi %add3A_567, %scan3A_464 : i32
      %get3A_569 = arith.constant 0 : i32
      %get3A_570 = arith.index_cast %get3A_569 : i32 to index
      %get3A_571 = arith.index_cast %add3A_568 : i32 to index
      %get3A_572 = arith.constant 64 : index
      %get3A_573 = tpu.vector_load %arg10[%get3A_570, %get3A_571, %get3A_572] {strides = array<i32>} : memref<2x80x136xf32, #tpu.memory_space<vmem>>, vector<1x1x16xf32>,
      %get3A_574 = vector.shape_cast %get3A_573 : vector<1x1x16xf32> to vector<16xf32>
      %slice3A_575 = vector.extract_strided_slice %exp3A {offsets = [12], sizes = [1], strides = [1]} : vector<16xf32> to vector<1xf32>
      %squeeze3A_576 = vector.extract %slice3A_575[0] : f32 from vector<1xf32>
      %broadcast_in_dim3A_577 = vector.broadcast %squeeze3A_576 : f32 to vector<16xf32>
      %mul3A_578 = arith.mulf %get3A_574, %broadcast_in_dim3A_577 : vector<16xf32>
      %swap3A_579 = arith.constant 1 : i32
      %swap3A_580 = arith.index_cast %swap3A_579 : i32 to index
      %swap3A_581 = arith.index_cast %scan3A_464 : i32 to index
      %swap3A_582 = arith.constant 64 : index
      %swap3A_583 = tpu.vector_load %arg12[%swap3A_580, %swap3A_581, %swap3A_582] {strides = array<i32>} : memref<2x40x136xf32, #tpu.memory_space<vmem>>, vector<1x1x16xf32>,
      %swap3A_584 = vector.shape_cast %swap3A_583 : vector<1x1x16xf32> to vector<16xf32>
      %swap3A_585 = vector.shape_cast %mul3A_578 : vector<16xf32> to vector<1x1x16xf32>
      tpu.vector_store %arg12[%swap3A_580, %swap3A_581, %swap3A_582], %swap3A_585 {strides = array<i32>} : memref<2x40x136xf32, #tpu.memory_space<vmem>>, vector<1x1x16xf32>,
      %add3A_586 = arith.constant 40 : i32
      %add3A_587 = arith.addi %add3A_586, %scan3A_464 : i32
      %get3A_588 = arith.constant 0 : i32
      %get3A_589 = arith.index_cast %get3A_588 : i32 to index
      %get3A_590 = arith.index_cast %add3A_587 : i32 to index
      %get3A_591 = arith.constant 80 : index
      %get3A_592 = tpu.vector_load %arg10[%get3A_589, %get3A_590, %get3A_591] {strides = array<i32>} : memref<2x80x136xf32, #tpu.memory_space<vmem>>, vector<1x1x16xf32>,
      %get3A_593 = vector.shape_cast %get3A_592 : vector<1x1x16xf32> to vector<16xf32>
      %slice3A_594 = vector.extract_strided_slice %exp3A {offsets = [13], sizes = [1], strides = [1]} : vector<16xf32> to vector<1xf32>
      %squeeze3A_595 = vector.extract %slice3A_594[0] : f32 from vector<1xf32>
      %broadcast_in_dim3A_596 = vector.broadcast %squeeze3A_595 : f32 to vector<16xf32>
      %mul3A_597 = arith.mulf %get3A_593, %broadcast_in_dim3A_596 : vector<16xf32>
      %swap3A_598 = arith.constant 1 : i32
      %swap3A_599 = arith.index_cast %swap3A_598 : i32 to index
      %swap3A_600 = arith.index_cast %scan3A_464 : i32 to index
      %swap3A_601 = arith.constant 80 : index
      %swap3A_602 = tpu.vector_load %arg12[%swap3A_599, %swap3A_600, %swap3A_601] {strides = array<i32>} : memref<2x40x136xf32, #tpu.memory_space<vmem>>, vector<1x1x16xf32>,
      %swap3A_603 = vector.shape_cast %swap3A_602 : vector<1x1x16xf32> to vector<16xf32>
      %swap3A_604 = vector.shape_cast %mul3A_597 : vector<16xf32> to vector<1x1x16xf32>
      tpu.vector_store %arg12[%swap3A_599, %swap3A_600, %swap3A_601], %swap3A_604 {strides = array<i32>} : memref<2x40x136xf32, #tpu.memory_space<vmem>>, vector<1x1x16xf32>,
      %add3A_605 = arith.constant 40 : i32
      %add3A_606 = arith.addi %add3A_605, %scan3A_464 : i32
      %get3A_607 = arith.constant 0 : i32
      %get3A_608 = arith.index_cast %get3A_607 : i32 to index
      %get3A_609 = arith.index_cast %add3A_606 : i32 to index
      %get3A_610 = arith.constant 96 : index
      %get3A_611 = tpu.vector_load %arg10[%get3A_608, %get3A_609, %get3A_610] {strides = array<i32>} : memref<2x80x136xf32, #tpu.memory_space<vmem>>, vector<1x1x16xf32>,
      %get3A_612 = vector.shape_cast %get3A_611 : vector<1x1x16xf32> to vector<16xf32>
      %slice3A_613 = vector.extract_strided_slice %exp3A {offsets = [14], sizes = [1], strides = [1]} : vector<16xf32> to vector<1xf32>
      %squeeze3A_614 = vector.extract %slice3A_613[0] : f32 from vector<1xf32>
      %broadcast_in_dim3A_615 = vector.broadcast %squeeze3A_614 : f32 to vector<16xf32>
      %mul3A_616 = arith.mulf %get3A_612, %broadcast_in_dim3A_615 : vector<16xf32>
      %swap3A_617 = arith.constant 1 : i32
      %swap3A_618 = arith.index_cast %swap3A_617 : i32 to index
      %swap3A_619 = arith.index_cast %scan3A_464 : i32 to index
      %swap3A_620 = arith.constant 96 : index
      %swap3A_621 = tpu.vector_load %arg12[%swap3A_618, %swap3A_619, %swap3A_620] {strides = array<i32>} : memref<2x40x136xf32, #tpu.memory_space<vmem>>, vector<1x1x16xf32>,
      %swap3A_622 = vector.shape_cast %swap3A_621 : vector<1x1x16xf32> to vector<16xf32>
      %swap3A_623 = vector.shape_cast %mul3A_616 : vector<16xf32> to vector<1x1x16xf32>
      tpu.vector_store %arg12[%swap3A_618, %swap3A_619, %swap3A_620], %swap3A_623 {strides = array<i32>} : memref<2x40x136xf32, #tpu.memory_space<vmem>>, vector<1x1x16xf32>,
      %add3A_624 = arith.constant 40 : i32
      %add3A_625 = arith.addi %add3A_624, %scan3A_464 : i32
      %get3A_626 = arith.constant 0 : i32
      %get3A_627 = arith.index_cast %get3A_626 : i32 to index
      %get3A_628 = arith.index_cast %add3A_625 : i32 to index
      %get3A_629 = arith.constant 112 : index
      %get3A_630 = tpu.vector_load %arg10[%get3A_627, %get3A_628, %get3A_629] {strides = array<i32>} : memref<2x80x136xf32, #tpu.memory_space<vmem>>, vector<1x1x16xf32>,
      %get3A_631 = vector.shape_cast %get3A_630 : vector<1x1x16xf32> to vector<16xf32>
      %slice3A_632 = vector.extract_strided_slice %exp3A {offsets = [15], sizes = [1], strides = [1]} : vector<16xf32> to vector<1xf32>
      %squeeze3A_633 = vector.extract %slice3A_632[0] : f32 from vector<1xf32>
      %broadcast_in_dim3A_634 = vector.broadcast %squeeze3A_633 : f32 to vector<16xf32>
      %mul3A_635 = arith.mulf %get3A_631, %broadcast_in_dim3A_634 : vector<16xf32>
      %swap3A_636 = arith.constant 1 : i32
      %swap3A_637 = arith.index_cast %swap3A_636 : i32 to index
      %swap3A_638 = arith.index_cast %scan3A_464 : i32 to index
      %swap3A_639 = arith.constant 112 : index
      %swap3A_640 = tpu.vector_load %arg12[%swap3A_637, %swap3A_638, %swap3A_639] {strides = array<i32>} : memref<2x40x136xf32, #tpu.memory_space<vmem>>, vector<1x1x16xf32>,
      %swap3A_641 = vector.shape_cast %swap3A_640 : vector<1x1x16xf32> to vector<16xf32>
      %swap3A_642 = vector.shape_cast %mul3A_635 : vector<16xf32> to vector<1x1x16xf32>
      tpu.vector_store %arg12[%swap3A_637, %swap3A_638, %swap3A_639], %swap3A_642 {strides = array<i32>} : memref<2x40x136xf32, #tpu.memory_space<vmem>>, vector<1x1x16xf32>,
    }
    %scan3A_163 = arith.constant 40 : i32
    %dma_start3A_164 = arith.constant 1 : i32
    %dma_start3A_165 = arith.constant 62 : i32
    %dma_start3A_166 = arith.constant 1 : i32
    %dma_start3A_167 = arith.constant 0 : i32
    %dma_start3A_168 = arith.constant 0 : i32
    %dma_start3A_169 = tpu.memref_slice %arg12[%dma_start3A_164, %dma_start3A_167, %dma_start3A_168] : memref<2x40x136xf32, #tpu.memory_space<vmem>> -> memref<1x40x136xf32, #tpu.memory_space<vmem>>
    %dma_start3A_170 = tpu.memref_squeeze %dma_start3A_169 : memref<1x40x136xf32, #tpu.memory_space<vmem>> -> memref<40x136xf32, #tpu.memory_space<vmem>>
    %dma_start3A_171 = arith.constant 40 : i32
    %dma_start3A_172 = tpu.memref_slice %arg9[%dma_start3A_165, %dma_start3A_171] : memref<63x80xi32, #tpu.memory_space<vmem>> -> memref<1x40xi32, #tpu.memory_space<vmem>>
    %dma_start3A_173 = tpu.memref_squeeze %dma_start3A_172 : memref<1x40xi32, #tpu.memory_space<vmem>> -> memref<40xi32, #tpu.memory_space<vmem>>
    %dma_start3A_174 = arith.constant 0 : i32
    %dma_start3A_175 = arith.constant 0 : i32
    %dma_start3A_176 = tpu.memref_slice %arg7[%dma_start3A_174, %dma_start3A_175] : memref<10000x136xf32, #tpu.memory_space<vmem_shared>> -> memref<10000x136xf32, #tpu.memory_space<vmem_shared>>
    %dma_start3A_177 = tpu.memref_slice %arg16[%dma_start3A_166] : memref<2x!tpu.dma_semaphore, #tpu.memory_space<semaphore_mem>> -> memref<1x!tpu.dma_semaphore, #tpu.memory_space<semaphore_mem>>
    %dma_start3A_178 = tpu.memref_squeeze %dma_start3A_177 : memref<1x!tpu.dma_semaphore, #tpu.memory_space<semaphore_mem>> -> memref<!tpu.dma_semaphore, #tpu.memory_space<semaphore_mem>>
    tpu.enqueue_indirect_dma source(%dma_start3A_170 : memref<40x136xf32, #tpu.memory_space<vmem>>) target(%dma_start3A_176 : memref<10000x136xf32, #tpu.memory_space<vmem_shared>>) offsets(%dma_start3A_173 : memref<40xi32, #tpu.memory_space<vmem>>) semaphore(%dma_start3A_178 : memref<!tpu.dma_semaphore, #tpu.memory_space<semaphore_mem>>) {add = true}
    %mul3A_179 = arith.constant 125 : i32
    %mul3A_180 = arith.muli %add3A, %mul3A_179 : i32
    %add3A_181 = arith.constant 63 : i32
    %add3A_182 = arith.addi %mul3A_180, %add3A_181 : i32
    "tpu.region"() ({
      %run_scoped3A = tpu.sem_alloc : memref<!tpu.dma_semaphore, #tpu.memory_space<semaphore_mem>>
      %dma_start3A_464 = arith.constant 0 : i32
      %dma_start3A_465 = arith.constant 0 : i32
      %dma_start3A_466 = tpu.memref_slice %arg8[%dma_start3A_464, %dma_start3A_465] : memref<63x80xi32, #tpu.memory_space<vmem>> -> memref<62x80xi32, #tpu.memory_space<vmem>>
      %dma_start3A_467 = arith.constant 0 : i32
      %dma_start3A_468 = tpu.memref_slice %arg4[%add3A_182, %dma_start3A_467] : memref<4000x80xi32, #tpu.memory_space<hbm>> -> memref<62x80xi32, #tpu.memory_space<hbm>>
      %dma_start3A_469 = arith.constant 0 : i32
      %dma_start3A_470 = arith.constant 0 : i32
      %dma_start3A_471 = tpu.memref_slice %arg8[%dma_start3A_469, %dma_start3A_470] : memref<63x80xi32, #tpu.memory_space<vmem>> -> memref<62x80xi32, #tpu.memory_space<vmem>>
      %dma_start3A_472 = arith.constant 0 : i32
      %dma_start3A_473 = tpu.memref_slice %arg4[%add3A_182, %dma_start3A_472] : memref<4000x80xi32, #tpu.memory_space<hbm>> -> memref<62x80xi32, #tpu.memory_space<hbm>>
      tpu.enqueue_dma source(%dma_start3A_473 : memref<62x80xi32, #tpu.memory_space<hbm>>) target(%dma_start3A_471 : memref<62x80xi32, #tpu.memory_space<vmem>>) target_semaphore(%run_scoped3A : memref<!tpu.dma_semaphore, #tpu.memory_space<semaphore_mem>>)
      %dma_wait3A_474 = arith.constant 0 : i32
      %dma_wait3A_475 = arith.constant 0 : i32
      %dma_wait3A_476 = tpu.memref_slice %arg8[%dma_wait3A_474, %dma_wait3A_475] : memref<63x80xi32, #tpu.memory_space<vmem>> -> memref<62x80xi32, #tpu.memory_space<vmem>>
      %dma_wait3A_477 = arith.constant 0 : i32
      %dma_wait3A_478 = tpu.memref_slice %arg4[%add3A_182, %dma_wait3A_477] : memref<4000x80xi32, #tpu.memory_space<hbm>> -> memref<62x80xi32, #tpu.memory_space<hbm>>
      %dma_wait3A_479 = arith.constant 0 : i32
      %dma_wait3A_480 = arith.constant 0 : i32
      %dma_wait3A_481 = tpu.memref_slice %arg8[%dma_wait3A_479, %dma_wait3A_480] : memref<63x80xi32, #tpu.memory_space<vmem>> -> memref<62x80xi32, #tpu.memory_space<vmem>>
      %dma_wait3A_482 = arith.constant 0 : i32
      %dma_wait3A_483 = tpu.memref_slice %arg4[%add3A_182, %dma_wait3A_482] : memref<4000x80xi32, #tpu.memory_space<hbm>> -> memref<62x80xi32, #tpu.memory_space<hbm>>
      tpu.wait_dma2 semaphore(%run_scoped3A : memref<!tpu.dma_semaphore, #tpu.memory_space<semaphore_mem>>) src(%dma_wait3A_483 : memref<62x80xi32, #tpu.memory_space<hbm>>) dst(%dma_wait3A_481 : memref<62x80xi32, #tpu.memory_space<vmem>>)
      tpu.yield
    }) : () -> ()
    %mul3A_183 = arith.constant 125 : i32
    %mul3A_184 = arith.muli %add3A, %mul3A_183 : i32
    %add3A_185 = arith.constant 63 : i32
    %add3A_186 = arith.addi %mul3A_184, %add3A_185 : i32
    "tpu.region"() ({
      %run_scoped3A = tpu.sem_alloc : memref<!tpu.dma_semaphore, #tpu.memory_space<semaphore_mem>>
      %dma_start3A_464 = arith.constant 0 : i32
      %dma_start3A_465 = arith.constant 0 : i32
      %dma_start3A_466 = tpu.memref_slice %arg9[%dma_start3A_464, %dma_start3A_465] : memref<63x80xi32, #tpu.memory_space<vmem>> -> memref<62x80xi32, #tpu.memory_space<vmem>>
      %dma_start3A_467 = arith.constant 0 : i32
      %dma_start3A_468 = tpu.memref_slice %arg5[%add3A_186, %dma_start3A_467] : memref<4000x80xi32, #tpu.memory_space<hbm>> -> memref<62x80xi32, #tpu.memory_space<hbm>>
      %dma_start3A_469 = arith.constant 0 : i32
      %dma_start3A_470 = arith.constant 0 : i32
      %dma_start3A_471 = tpu.memref_slice %arg9[%dma_start3A_469, %dma_start3A_470] : memref<63x80xi32, #tpu.memory_space<vmem>> -> memref<62x80xi32, #tpu.memory_space<vmem>>
      %dma_start3A_472 = arith.constant 0 : i32
      %dma_start3A_473 = tpu.memref_slice %arg5[%add3A_186, %dma_start3A_472] : memref<4000x80xi32, #tpu.memory_space<hbm>> -> memref<62x80xi32, #tpu.memory_space<hbm>>
      tpu.enqueue_dma source(%dma_start3A_473 : memref<62x80xi32, #tpu.memory_space<hbm>>) target(%dma_start3A_471 : memref<62x80xi32, #tpu.memory_space<vmem>>) target_semaphore(%run_scoped3A : memref<!tpu.dma_semaphore, #tpu.memory_space<semaphore_mem>>)
      %dma_wait3A_474 = arith.constant 0 : i32
      %dma_wait3A_475 = arith.constant 0 : i32
      %dma_wait3A_476 = tpu.memref_slice %arg9[%dma_wait3A_474, %dma_wait3A_475] : memref<63x80xi32, #tpu.memory_space<vmem>> -> memref<62x80xi32, #tpu.memory_space<vmem>>
      %dma_wait3A_477 = arith.constant 0 : i32
      %dma_wait3A_478 = tpu.memref_slice %arg5[%add3A_186, %dma_wait3A_477] : memref<4000x80xi32, #tpu.memory_space<hbm>> -> memref<62x80xi32, #tpu.memory_space<hbm>>
      %dma_wait3A_479 = arith.constant 0 : i32
      %dma_wait3A_480 = arith.constant 0 : i32
      %dma_wait3A_481 = tpu.memref_slice %arg9[%dma_wait3A_479, %dma_wait3A_480] : memref<63x80xi32, #tpu.memory_space<vmem>> -> memref<62x80xi32, #tpu.memory_space<vmem>>
      %dma_wait3A_482 = arith.constant 0 : i32
      %dma_wait3A_483 = tpu.memref_slice %arg5[%add3A_186, %dma_wait3A_482] : memref<4000x80xi32, #tpu.memory_space<hbm>> -> memref<62x80xi32, #tpu.memory_space<hbm>>
      tpu.wait_dma2 semaphore(%run_scoped3A : memref<!tpu.dma_semaphore, #tpu.memory_space<semaphore_mem>>) src(%dma_wait3A_483 : memref<62x80xi32, #tpu.memory_space<hbm>>) dst(%dma_wait3A_481 : memref<62x80xi32, #tpu.memory_space<vmem>>)
      tpu.yield
    }) : () -> ()
    %dma_start3A_187 = arith.constant 0 : i32
    %dma_start3A_188 = arith.constant 0 : i32
    %dma_start3A_189 = arith.constant 0 : i32
    %dma_start3A_190 = arith.constant 0 : i32
    %dma_start3A_191 = arith.constant 0 : i32
    %dma_start3A_192 = tpu.memref_slice %arg10[%dma_start3A_188, %dma_start3A_190, %dma_start3A_191] : memref<2x80x136xf32, #tpu.memory_space<vmem>> -> memref<1x80x136xf32, #tpu.memory_space<vmem>>
    %dma_start3A_193 = tpu.memref_squeeze %dma_start3A_192 : memref<1x80x136xf32, #tpu.memory_space<vmem>> -> memref<80x136xf32, #tpu.memory_space<vmem>>
    %dma_start3A_194 = arith.constant 0 : i32
    %dma_start3A_195 = tpu.memref_slice %arg8[%dma_start3A_187, %dma_start3A_194] : memref<63x80xi32, #tpu.memory_space<vmem>> -> memref<1x80xi32, #tpu.memory_space<vmem>>
    %dma_start3A_196 = tpu.memref_squeeze %dma_start3A_195 : memref<1x80xi32, #tpu.memory_space<vmem>> -> memref<80xi32, #tpu.memory_space<vmem>>
    %dma_start3A_197 = arith.constant 0 : i32
    %dma_start3A_198 = arith.constant 0 : i32
    %dma_start3A_199 = tpu.memref_slice %arg2[%dma_start3A_197, %dma_start3A_198] : memref<10000x136xf32, #tpu.memory_space<hbm>> -> memref<10000x136xf32, #tpu.memory_space<hbm>>
    %dma_start3A_200 = tpu.memref_slice %arg14[%dma_start3A_189] : memref<2x!tpu.dma_semaphore, #tpu.memory_space<semaphore_mem>> -> memref<1x!tpu.dma_semaphore, #tpu.memory_space<semaphore_mem>>
    %dma_start3A_201 = tpu.memref_squeeze %dma_start3A_200 : memref<1x!tpu.dma_semaphore, #tpu.memory_space<semaphore_mem>> -> memref<!tpu.dma_semaphore, #tpu.memory_space<semaphore_mem>>
    tpu.enqueue_indirect_dma source(%dma_start3A_199 : memref<10000x136xf32, #tpu.memory_space<hbm>>) target(%dma_start3A_193 : memref<80x136xf32, #tpu.memory_space<vmem>>) offsets(%dma_start3A_196 : memref<80xi32, #tpu.memory_space<vmem>>) semaphore(%dma_start3A_201 : memref<!tpu.dma_semaphore, #tpu.memory_space<semaphore_mem>>)
    %dma_start3A_202 = arith.constant 0 : i32
    %dma_start3A_203 = arith.constant 0 : i32
    %dma_start3A_204 = arith.constant 0 : i32
    %dma_start3A_205 = arith.constant 0 : i32
    %dma_start3A_206 = arith.constant 0 : i32
    %dma_start3A_207 = tpu.memref_slice %arg11[%dma_start3A_203, %dma_start3A_205, %dma_start3A_206] : memref<2x80x16xf32, #tpu.memory_space<vmem>> -> memref<1x80x16xf32, #tpu.memory_space<vmem>>
    %dma_start3A_208 = tpu.memref_squeeze %dma_start3A_207 : memref<1x80x16xf32, #tpu.memory_space<vmem>> -> memref<80x16xf32, #tpu.memory_space<vmem>>
    %dma_start3A_209 = arith.constant 0 : i32
    %dma_start3A_210 = tpu.memref_slice %arg9[%dma_start3A_202, %dma_start3A_209] : memref<63x80xi32, #tpu.memory_space<vmem>> -> memref<1x80xi32, #tpu.memory_space<vmem>>
    %dma_start3A_211 = tpu.memref_squeeze %dma_start3A_210 : memref<1x80xi32, #tpu.memory_space<vmem>> -> memref<80xi32, #tpu.memory_space<vmem>>
    %dma_start3A_212 = arith.constant 0 : i32
    %dma_start3A_213 = arith.constant 0 : i32
    %dma_start3A_214 = tpu.memref_slice %arg3[%dma_start3A_212, %dma_start3A_213] : memref<10000x16xf32, #tpu.memory_space<hbm>> -> memref<10000x16xf32, #tpu.memory_space<hbm>>
    %dma_start3A_215 = tpu.memref_slice %arg15[%dma_start3A_204] : memref<2x!tpu.dma_semaphore, #tpu.memory_space<semaphore_mem>> -> memref<1x!tpu.dma_semaphore, #tpu.memory_space<semaphore_mem>>
    %dma_start3A_216 = tpu.memref_squeeze %dma_start3A_215 : memref<1x!tpu.dma_semaphore, #tpu.memory_space<semaphore_mem>> -> memref<!tpu.dma_semaphore, #tpu.memory_space<semaphore_mem>>
    tpu.enqueue_indirect_dma source(%dma_start3A_214 : memref<10000x16xf32, #tpu.memory_space<hbm>>) target(%dma_start3A_208 : memref<80x16xf32, #tpu.memory_space<vmem>>) offsets(%dma_start3A_211 : memref<80xi32, #tpu.memory_space<vmem>>) semaphore(%dma_start3A_216 : memref<!tpu.dma_semaphore, #tpu.memory_space<semaphore_mem>>)
    %scan3A_217 = arith.constant 0 : i32
    %scan3A_218 = arith.constant 30 : i32
    %scan3A_219 = arith.addi %scan3A_217, %scan3A_218 : i32
    %scan3A_220 = arith.constant 1 : i32
    scf.for %scan3A_464 = %scan3A_217 to %scan3A_219 step %scan3A_220  : i32 {
      %mul3A_465 = arith.constant 2 : i32
      %mul3A_466 = arith.muli %mul3A_465, %scan3A_464 : i32
      %add3A_467 = arith.constant 1 : i32
      %add3A_468 = arith.addi %mul3A_466, %add3A_467 : i32
      %dma_start3A_469 = arith.constant 1 : i32
      %dma_start3A_470 = arith.constant 1 : i32
      %dma_start3A_471 = arith.constant 0 : i32
      %dma_start3A_472 = arith.constant 0 : i32
      %dma_start3A_473 = tpu.memref_slice %arg10[%dma_start3A_469, %dma_start3A_471, %dma_start3A_472] : memref<2x80x136xf32, #tpu.memory_space<vmem>> -> memref<1x80x136xf32, #tpu.memory_space<vmem>>
      %dma_start3A_474 = tpu.memref_squeeze %dma_start3A_473 : memref<1x80x136xf32, #tpu.memory_space<vmem>> -> memref<80x136xf32, #tpu.memory_space<vmem>>
      %dma_start3A_475 = arith.constant 0 : i32
      %dma_start3A_476 = tpu.memref_slice %arg8[%add3A_468, %dma_start3A_475] : memref<63x80xi32, #tpu.memory_space<vmem>> -> memref<1x80xi32, #tpu.memory_space<vmem>>
      %dma_start3A_477 = tpu.memref_squeeze %dma_start3A_476 : memref<1x80xi32, #tpu.memory_space<vmem>> -> memref<80xi32, #tpu.memory_space<vmem>>
      %dma_start3A_478 = arith.constant 0 : i32
      %dma_start3A_479 = arith.constant 0 : i32
      %dma_start3A_480 = tpu.memref_slice %arg2[%dma_start3A_478, %dma_start3A_479] : memref<10000x136xf32, #tpu.memory_space<hbm>> -> memref<10000x136xf32, #tpu.memory_space<hbm>>
      %dma_start3A_481 = tpu.memref_slice %arg14[%dma_start3A_470] : memref<2x!tpu.dma_semaphore, #tpu.memory_space<semaphore_mem>> -> memref<1x!tpu.dma_semaphore, #tpu.memory_space<semaphore_mem>>
      %dma_start3A_482 = tpu.memref_squeeze %dma_start3A_481 : memref<1x!tpu.dma_semaphore, #tpu.memory_space<semaphore_mem>> -> memref<!tpu.dma_semaphore, #tpu.memory_space<semaphore_mem>>
      tpu.enqueue_indirect_dma source(%dma_start3A_480 : memref<10000x136xf32, #tpu.memory_space<hbm>>) target(%dma_start3A_474 : memref<80x136xf32, #tpu.memory_space<vmem>>) offsets(%dma_start3A_477 : memref<80xi32, #tpu.memory_space<vmem>>) semaphore(%dma_start3A_482 : memref<!tpu.dma_semaphore, #tpu.memory_space<semaphore_mem>>)
      %dma_start3A_483 = arith.constant 1 : i32
      %dma_start3A_484 = arith.constant 1 : i32
      %dma_start3A_485 = arith.constant 0 : i32
      %dma_start3A_486 = arith.constant 0 : i32
      %dma_start3A_487 = tpu.memref_slice %arg11[%dma_start3A_483, %dma_start3A_485, %dma_start3A_486] : memref<2x80x16xf32, #tpu.memory_space<vmem>> -> memref<1x80x16xf32, #tpu.memory_space<vmem>>
      %dma_start3A_488 = tpu.memref_squeeze %dma_start3A_487 : memref<1x80x16xf32, #tpu.memory_space<vmem>> -> memref<80x16xf32, #tpu.memory_space<vmem>>
      %dma_start3A_489 = arith.constant 0 : i32
      %dma_start3A_490 = tpu.memref_slice %arg9[%add3A_468, %dma_start3A_489] : memref<63x80xi32, #tpu.memory_space<vmem>> -> memref<1x80xi32, #tpu.memory_space<vmem>>
      %dma_start3A_491 = tpu.memref_squeeze %dma_start3A_490 : memref<1x80xi32, #tpu.memory_space<vmem>> -> memref<80xi32, #tpu.memory_space<vmem>>
      %dma_start3A_492 = arith.constant 0 : i32
      %dma_start3A_493 = arith.constant 0 : i32
      %dma_start3A_494 = tpu.memref_slice %arg3[%dma_start3A_492, %dma_start3A_493] : memref<10000x16xf32, #tpu.memory_space<hbm>> -> memref<10000x16xf32, #tpu.memory_space<hbm>>
      %dma_start3A_495 = tpu.memref_slice %arg15[%dma_start3A_484] : memref<2x!tpu.dma_semaphore, #tpu.memory_space<semaphore_mem>> -> memref<1x!tpu.dma_semaphore, #tpu.memory_space<semaphore_mem>>
      %dma_start3A_496 = tpu.memref_squeeze %dma_start3A_495 : memref<1x!tpu.dma_semaphore, #tpu.memory_space<semaphore_mem>> -> memref<!tpu.dma_semaphore, #tpu.memory_space<semaphore_mem>>
      tpu.enqueue_indirect_dma source(%dma_start3A_494 : memref<10000x16xf32, #tpu.memory_space<hbm>>) target(%dma_start3A_488 : memref<80x16xf32, #tpu.memory_space<vmem>>) offsets(%dma_start3A_491 : memref<80xi32, #tpu.memory_space<vmem>>) semaphore(%dma_start3A_496 : memref<!tpu.dma_semaphore, #tpu.memory_space<semaphore_mem>>)
      %dma_wait3A_497 = arith.constant 0 : i32
      %dma_wait3A_498 = arith.constant 0 : i32
      %dma_wait3A_499 = arith.constant 0 : i32
      %dma_wait3A_500 = arith.constant 0 : i32
      %dma_wait3A_501 = arith.constant 0 : i32
      %dma_wait3A_502 = tpu.memref_slice %arg10[%dma_wait3A_498, %dma_wait3A_500, %dma_wait3A_501] : memref<2x80x136xf32, #tpu.memory_space<vmem>> -> memref<1x80x136xf32, #tpu.memory_space<vmem>>
      %dma_wait3A_503 = tpu.memref_squeeze %dma_wait3A_502 : memref<1x80x136xf32, #tpu.memory_space<vmem>> -> memref<80x136xf32, #tpu.memory_space<vmem>>
      %dma_wait3A_504 = arith.constant 0 : i32
      %dma_wait3A_505 = tpu.memref_slice %arg8[%dma_wait3A_497, %dma_wait3A_504] : memref<63x80xi32, #tpu.memory_space<vmem>> -> memref<1x80xi32, #tpu.memory_space<vmem>>
      %dma_wait3A_506 = tpu.memref_squeeze %dma_wait3A_505 : memref<1x80xi32, #tpu.memory_space<vmem>> -> memref<80xi32, #tpu.memory_space<vmem>>
      %dma_wait3A_507 = arith.constant 0 : i32
      %dma_wait3A_508 = arith.constant 0 : i32
      %dma_wait3A_509 = tpu.memref_slice %arg2[%dma_wait3A_507, %dma_wait3A_508] : memref<10000x136xf32, #tpu.memory_space<hbm>> -> memref<10000x136xf32, #tpu.memory_space<hbm>>
      %dma_wait3A_510 = tpu.memref_slice %arg14[%dma_wait3A_499] : memref<2x!tpu.dma_semaphore, #tpu.memory_space<semaphore_mem>> -> memref<1x!tpu.dma_semaphore, #tpu.memory_space<semaphore_mem>>
      %dma_wait3A_511 = tpu.memref_squeeze %dma_wait3A_510 : memref<1x!tpu.dma_semaphore, #tpu.memory_space<semaphore_mem>> -> memref<!tpu.dma_semaphore, #tpu.memory_space<semaphore_mem>>
      tpu.wait_indirect_dma semaphore(%dma_wait3A_511 : memref<!tpu.dma_semaphore, #tpu.memory_space<semaphore_mem>>) src(%dma_wait3A_509 : memref<10000x136xf32, #tpu.memory_space<hbm>>) dst(%dma_wait3A_503 : memref<80x136xf32, #tpu.memory_space<vmem>>)
      %dma_wait3A_512 = arith.constant 0 : i32
      %dma_wait3A_513 = arith.constant 0 : i32
      %dma_wait3A_514 = arith.constant 0 : i32
      %dma_wait3A_515 = arith.constant 0 : i32
      %dma_wait3A_516 = arith.constant 0 : i32
      %dma_wait3A_517 = tpu.memref_slice %arg11[%dma_wait3A_513, %dma_wait3A_515, %dma_wait3A_516] : memref<2x80x16xf32, #tpu.memory_space<vmem>> -> memref<1x80x16xf32, #tpu.memory_space<vmem>>
      %dma_wait3A_518 = tpu.memref_squeeze %dma_wait3A_517 : memref<1x80x16xf32, #tpu.memory_space<vmem>> -> memref<80x16xf32, #tpu.memory_space<vmem>>
      %dma_wait3A_519 = arith.constant 0 : i32
      %dma_wait3A_520 = tpu.memref_slice %arg9[%dma_wait3A_512, %dma_wait3A_519] : memref<63x80xi32, #tpu.memory_space<vmem>> -> memref<1x80xi32, #tpu.memory_space<vmem>>
      %dma_wait3A_521 = tpu.memref_squeeze %dma_wait3A_520 : memref<1x80xi32, #tpu.memory_space<vmem>> -> memref<80xi32, #tpu.memory_space<vmem>>
      %dma_wait3A_522 = arith.constant 0 : i32
      %dma_wait3A_523 = arith.constant 0 : i32
      %dma_wait3A_524 = tpu.memref_slice %arg3[%dma_wait3A_522, %dma_wait3A_523] : memref<10000x16xf32, #tpu.memory_space<hbm>> -> memref<10000x16xf32, #tpu.memory_space<hbm>>
      %dma_wait3A_525 = tpu.memref_slice %arg15[%dma_wait3A_514] : memref<2x!tpu.dma_semaphore, #tpu.memory_space<semaphore_mem>> -> memref<1x!tpu.dma_semaphore, #tpu.memory_space<semaphore_mem>>
      %dma_wait3A_526 = tpu.memref_squeeze %dma_wait3A_525 : memref<1x!tpu.dma_semaphore, #tpu.memory_space<semaphore_mem>> -> memref<!tpu.dma_semaphore, #tpu.memory_space<semaphore_mem>>
      tpu.wait_indirect_dma semaphore(%dma_wait3A_526 : memref<!tpu.dma_semaphore, #tpu.memory_space<semaphore_mem>>) src(%dma_wait3A_524 : memref<10000x16xf32, #tpu.memory_space<hbm>>) dst(%dma_wait3A_518 : memref<80x16xf32, #tpu.memory_space<vmem>>)
      %dma_wait3A_527 = arith.constant 0 : i32
      %dma_wait3A_528 = arith.constant 0 : i32
      %dma_wait3A_529 = arith.constant 0 : i32
      %dma_wait3A_530 = arith.constant 0 : i32
      %dma_wait3A_531 = tpu.memref_slice %arg12[%dma_wait3A_527, %dma_wait3A_529, %dma_wait3A_530] : memref<2x40x136xf32, #tpu.memory_space<vmem>> -> memref<1x40x136xf32, #tpu.memory_space<vmem>>
      %dma_wait3A_532 = tpu.memref_squeeze %dma_wait3A_531 : memref<1x40x136xf32, #tpu.memory_space<vmem>> -> memref<40x136xf32, #tpu.memory_space<vmem>>
      %dma_wait3A_533 = arith.constant 0 : i32
      %dma_wait3A_534 = arith.constant 0 : i32
      %dma_wait3A_535 = tpu.memref_slice %arg7[%dma_wait3A_533, %dma_wait3A_534] : memref<10000x136xf32, #tpu.memory_space<vmem_shared>> -> memref<10000x136xf32, #tpu.memory_space<vmem_shared>>
      %dma_wait3A_536 = tpu.memref_slice %arg16[%dma_wait3A_528] : memref<2x!tpu.dma_semaphore, #tpu.memory_space<semaphore_mem>> -> memref<1x!tpu.dma_semaphore, #tpu.memory_space<semaphore_mem>>
      %dma_wait3A_537 = tpu.memref_squeeze %dma_wait3A_536 : memref<1x!tpu.dma_semaphore, #tpu.memory_space<semaphore_mem>> -> memref<!tpu.dma_semaphore, #tpu.memory_space<semaphore_mem>>
      tpu.wait_indirect_dma semaphore(%dma_wait3A_537 : memref<!tpu.dma_semaphore, #tpu.memory_space<semaphore_mem>>) src(%dma_wait3A_532 : memref<40x136xf32, #tpu.memory_space<vmem>>) dst(%dma_wait3A_535 : memref<10000x136xf32, #tpu.memory_space<vmem_shared>>)
      %scan3A_538 = arith.constant 0 : i32
      %scan3A_539 = arith.constant 40 : i32
      %scan3A_540 = arith.addi %scan3A_538, %scan3A_539 : i32
      %scan3A_541 = arith.constant 1 : i32
      scf.for %scan3A_681 = %scan3A_538 to %scan3A_540 step %scan3A_541  : i32 {
        %add3A_682 = arith.constant 0 : i32
        %add3A_683 = arith.addi %add3A_682, %scan3A_681 : i32
        %get3A = arith.constant 0 : i32
        %get3A_684 = arith.index_cast %get3A : i32 to index
        %get3A_685 = arith.index_cast %add3A_683 : i32 to index
        %get3A_686 = arith.constant 120 : index
        %get3A_687 = tpu.vector_load %arg10[%get3A_684, %get3A_685, %get3A_686] {strides = array<i32>} : memref<2x80x136xf32, #tpu.memory_space<vmem>>, vector<1x1x16xf32>,
        %get3A_688 = vector.shape_cast %get3A_687 : vector<1x1x16xf32> to vector<16xf32>
        %add3A_689 = arith.constant 0 : i32
        %add3A_690 = arith.addi %add3A_689, %scan3A_681 : i32
        %get3A_691 = arith.constant 0 : i32
        %get3A_692 = arith.index_cast %get3A_691 : i32 to index
        %get3A_693 = arith.index_cast %add3A_690 : i32 to index
        %get3A_694 = arith.constant 0 : index
        %get3A_695 = tpu.vector_load %arg11[%get3A_692, %get3A_693, %get3A_694] {strides = array<i32>} : memref<2x80x16xf32, #tpu.memory_space<vmem>>, vector<1x1x16xf32>,
        %get3A_696 = vector.shape_cast %get3A_695 : vector<1x1x16xf32> to vector<16xf32>
        %add3A_697 = arith.addf %get3A_688, %get3A_696 : vector<16xf32>
        %ge3A = arith.constant 0.000000e+00 : f32
        %ge3A_698 = vector.broadcast %ge3A : f32 to vector<16xf32>
        %ge3A_699 = arith.cmpf oge, %add3A_697, %ge3A_698 : vector<16xf32>
        %mul3A_700 = arith.constant 2.000000e-01 : f32
        %mul3A_701 = vector.broadcast %mul3A_700 : f32 to vector<16xf32>
        %mul3A_702 = arith.mulf %add3A_697, %mul3A_701 : vector<16xf32>
        %select_n3A = arith.select %ge3A_699, %add3A_697, %mul3A_702 : vector<16xi1>, vector<16xf32>
        %exp3A = math.exp %select_n3A : vector<16xf32>
        %swap3A_703 = arith.constant 0 : i32
        %swap3A_704 = arith.index_cast %swap3A_703 : i32 to index
        %swap3A_705 = arith.index_cast %scan3A_681 : i32 to index
        %swap3A_706 = arith.constant 120 : index
        %swap3A_707 = tpu.vector_load %arg12[%swap3A_704, %swap3A_705, %swap3A_706] {strides = array<i32>} : memref<2x40x136xf32, #tpu.memory_space<vmem>>, vector<1x1x16xf32>,
        %swap3A_708 = vector.shape_cast %swap3A_707 : vector<1x1x16xf32> to vector<16xf32>
        %swap3A_709 = vector.shape_cast %exp3A : vector<16xf32> to vector<1x1x16xf32>
        tpu.vector_store %arg12[%swap3A_704, %swap3A_705, %swap3A_706], %swap3A_709 {strides = array<i32>} : memref<2x40x136xf32, #tpu.memory_space<vmem>>, vector<1x1x16xf32>,
        %add3A_710 = arith.constant 0 : i32
        %add3A_711 = arith.addi %add3A_710, %scan3A_681 : i32
        %get3A_712 = arith.constant 0 : i32
        %get3A_713 = arith.index_cast %get3A_712 : i32 to index
        %get3A_714 = arith.index_cast %add3A_711 : i32 to index
        %get3A_715 = arith.constant 0 : index
        %get3A_716 = tpu.vector_load %arg10[%get3A_713, %get3A_714, %get3A_715] {strides = array<i32>} : memref<2x80x136xf32, #tpu.memory_space<vmem>>, vector<1x1x16xf32>,
        %get3A_717 = vector.shape_cast %get3A_716 : vector<1x1x16xf32> to vector<16xf32>
        %slice3A = vector.extract_strided_slice %exp3A {offsets = [8], sizes = [1], strides = [1]} : vector<16xf32> to vector<1xf32>
        %squeeze3A = vector.extract %slice3A[0] : f32 from vector<1xf32>
        %broadcast_in_dim3A_718 = vector.broadcast %squeeze3A : f32 to vector<16xf32>
        %mul3A_719 = arith.mulf %get3A_717, %broadcast_in_dim3A_718 : vector<16xf32>
        %swap3A_720 = arith.constant 0 : i32
        %swap3A_721 = arith.index_cast %swap3A_720 : i32 to index
        %swap3A_722 = arith.index_cast %scan3A_681 : i32 to index
        %swap3A_723 = arith.constant 0 : index
        %swap3A_724 = tpu.vector_load %arg12[%swap3A_721, %swap3A_722, %swap3A_723] {strides = array<i32>} : memref<2x40x136xf32, #tpu.memory_space<vmem>>, vector<1x1x16xf32>,
        %swap3A_725 = vector.shape_cast %swap3A_724 : vector<1x1x16xf32> to vector<16xf32>
        %swap3A_726 = vector.shape_cast %mul3A_719 : vector<16xf32> to vector<1x1x16xf32>
        tpu.vector_store %arg12[%swap3A_721, %swap3A_722, %swap3A_723], %swap3A_726 {strides = array<i32>} : memref<2x40x136xf32, #tpu.memory_space<vmem>>, vector<1x1x16xf32>,
        %add3A_727 = arith.constant 0 : i32
        %add3A_728 = arith.addi %add3A_727, %scan3A_681 : i32
        %get3A_729 = arith.constant 0 : i32
        %get3A_730 = arith.index_cast %get3A_729 : i32 to index
        %get3A_731 = arith.index_cast %add3A_728 : i32 to index
        %get3A_732 = arith.constant 16 : index
        %get3A_733 = tpu.vector_load %arg10[%get3A_730, %get3A_731, %get3A_732] {strides = array<i32>} : memref<2x80x136xf32, #tpu.memory_space<vmem>>, vector<1x1x16xf32>,
        %get3A_734 = vector.shape_cast %get3A_733 : vector<1x1x16xf32> to vector<16xf32>
        %slice3A_735 = vector.extract_strided_slice %exp3A {offsets = [9], sizes = [1], strides = [1]} : vector<16xf32> to vector<1xf32>
        %squeeze3A_736 = vector.extract %slice3A_735[0] : f32 from vector<1xf32>
        %broadcast_in_dim3A_737 = vector.broadcast %squeeze3A_736 : f32 to vector<16xf32>
        %mul3A_738 = arith.mulf %get3A_734, %broadcast_in_dim3A_737 : vector<16xf32>
        %swap3A_739 = arith.constant 0 : i32
        %swap3A_740 = arith.index_cast %swap3A_739 : i32 to index
        %swap3A_741 = arith.index_cast %scan3A_681 : i32 to index
        %swap3A_742 = arith.constant 16 : index
        %swap3A_743 = tpu.vector_load %arg12[%swap3A_740, %swap3A_741, %swap3A_742] {strides = array<i32>} : memref<2x40x136xf32, #tpu.memory_space<vmem>>, vector<1x1x16xf32>,
        %swap3A_744 = vector.shape_cast %swap3A_743 : vector<1x1x16xf32> to vector<16xf32>
        %swap3A_745 = vector.shape_cast %mul3A_738 : vector<16xf32> to vector<1x1x16xf32>
        tpu.vector_store %arg12[%swap3A_740, %swap3A_741, %swap3A_742], %swap3A_745 {strides = array<i32>} : memref<2x40x136xf32, #tpu.memory_space<vmem>>, vector<1x1x16xf32>,
        %add3A_746 = arith.constant 0 : i32
        %add3A_747 = arith.addi %add3A_746, %scan3A_681 : i32
        %get3A_748 = arith.constant 0 : i32
        %get3A_749 = arith.index_cast %get3A_748 : i32 to index
        %get3A_750 = arith.index_cast %add3A_747 : i32 to index
        %get3A_751 = arith.constant 32 : index
        %get3A_752 = tpu.vector_load %arg10[%get3A_749, %get3A_750, %get3A_751] {strides = array<i32>} : memref<2x80x136xf32, #tpu.memory_space<vmem>>, vector<1x1x16xf32>,
        %get3A_753 = vector.shape_cast %get3A_752 : vector<1x1x16xf32> to vector<16xf32>
        %slice3A_754 = vector.extract_strided_slice %exp3A {offsets = [10], sizes = [1], strides = [1]} : vector<16xf32> to vector<1xf32>
        %squeeze3A_755 = vector.extract %slice3A_754[0] : f32 from vector<1xf32>
        %broadcast_in_dim3A_756 = vector.broadcast %squeeze3A_755 : f32 to vector<16xf32>
        %mul3A_757 = arith.mulf %get3A_753, %broadcast_in_dim3A_756 : vector<16xf32>
        %swap3A_758 = arith.constant 0 : i32
        %swap3A_759 = arith.index_cast %swap3A_758 : i32 to index
        %swap3A_760 = arith.index_cast %scan3A_681 : i32 to index
        %swap3A_761 = arith.constant 32 : index
        %swap3A_762 = tpu.vector_load %arg12[%swap3A_759, %swap3A_760, %swap3A_761] {strides = array<i32>} : memref<2x40x136xf32, #tpu.memory_space<vmem>>, vector<1x1x16xf32>,
        %swap3A_763 = vector.shape_cast %swap3A_762 : vector<1x1x16xf32> to vector<16xf32>
        %swap3A_764 = vector.shape_cast %mul3A_757 : vector<16xf32> to vector<1x1x16xf32>
        tpu.vector_store %arg12[%swap3A_759, %swap3A_760, %swap3A_761], %swap3A_764 {strides = array<i32>} : memref<2x40x136xf32, #tpu.memory_space<vmem>>, vector<1x1x16xf32>,
        %add3A_765 = arith.constant 0 : i32
        %add3A_766 = arith.addi %add3A_765, %scan3A_681 : i32
        %get3A_767 = arith.constant 0 : i32
        %get3A_768 = arith.index_cast %get3A_767 : i32 to index
        %get3A_769 = arith.index_cast %add3A_766 : i32 to index
        %get3A_770 = arith.constant 48 : index
        %get3A_771 = tpu.vector_load %arg10[%get3A_768, %get3A_769, %get3A_770] {strides = array<i32>} : memref<2x80x136xf32, #tpu.memory_space<vmem>>, vector<1x1x16xf32>,
        %get3A_772 = vector.shape_cast %get3A_771 : vector<1x1x16xf32> to vector<16xf32>
        %slice3A_773 = vector.extract_strided_slice %exp3A {offsets = [11], sizes = [1], strides = [1]} : vector<16xf32> to vector<1xf32>
        %squeeze3A_774 = vector.extract %slice3A_773[0] : f32 from vector<1xf32>
        %broadcast_in_dim3A_775 = vector.broadcast %squeeze3A_774 : f32 to vector<16xf32>
        %mul3A_776 = arith.mulf %get3A_772, %broadcast_in_dim3A_775 : vector<16xf32>
        %swap3A_777 = arith.constant 0 : i32
        %swap3A_778 = arith.index_cast %swap3A_777 : i32 to index
        %swap3A_779 = arith.index_cast %scan3A_681 : i32 to index
        %swap3A_780 = arith.constant 48 : index
        %swap3A_781 = tpu.vector_load %arg12[%swap3A_778, %swap3A_779, %swap3A_780] {strides = array<i32>} : memref<2x40x136xf32, #tpu.memory_space<vmem>>, vector<1x1x16xf32>,
        %swap3A_782 = vector.shape_cast %swap3A_781 : vector<1x1x16xf32> to vector<16xf32>
        %swap3A_783 = vector.shape_cast %mul3A_776 : vector<16xf32> to vector<1x1x16xf32>
        tpu.vector_store %arg12[%swap3A_778, %swap3A_779, %swap3A_780], %swap3A_783 {strides = array<i32>} : memref<2x40x136xf32, #tpu.memory_space<vmem>>, vector<1x1x16xf32>,
        %add3A_784 = arith.constant 0 : i32
        %add3A_785 = arith.addi %add3A_784, %scan3A_681 : i32
        %get3A_786 = arith.constant 0 : i32
        %get3A_787 = arith.index_cast %get3A_786 : i32 to index
        %get3A_788 = arith.index_cast %add3A_785 : i32 to index
        %get3A_789 = arith.constant 64 : index
        %get3A_790 = tpu.vector_load %arg10[%get3A_787, %get3A_788, %get3A_789] {strides = array<i32>} : memref<2x80x136xf32, #tpu.memory_space<vmem>>, vector<1x1x16xf32>,
        %get3A_791 = vector.shape_cast %get3A_790 : vector<1x1x16xf32> to vector<16xf32>
        %slice3A_792 = vector.extract_strided_slice %exp3A {offsets = [12], sizes = [1], strides = [1]} : vector<16xf32> to vector<1xf32>
        %squeeze3A_793 = vector.extract %slice3A_792[0] : f32 from vector<1xf32>
        %broadcast_in_dim3A_794 = vector.broadcast %squeeze3A_793 : f32 to vector<16xf32>
        %mul3A_795 = arith.mulf %get3A_791, %broadcast_in_dim3A_794 : vector<16xf32>
        %swap3A_796 = arith.constant 0 : i32
        %swap3A_797 = arith.index_cast %swap3A_796 : i32 to index
        %swap3A_798 = arith.index_cast %scan3A_681 : i32 to index
        %swap3A_799 = arith.constant 64 : index
        %swap3A_800 = tpu.vector_load %arg12[%swap3A_797, %swap3A_798, %swap3A_799] {strides = array<i32>} : memref<2x40x136xf32, #tpu.memory_space<vmem>>, vector<1x1x16xf32>,
        %swap3A_801 = vector.shape_cast %swap3A_800 : vector<1x1x16xf32> to vector<16xf32>
        %swap3A_802 = vector.shape_cast %mul3A_795 : vector<16xf32> to vector<1x1x16xf32>
        tpu.vector_store %arg12[%swap3A_797, %swap3A_798, %swap3A_799], %swap3A_802 {strides = array<i32>} : memref<2x40x136xf32, #tpu.memory_space<vmem>>, vector<1x1x16xf32>,
        %add3A_803 = arith.constant 0 : i32
        %add3A_804 = arith.addi %add3A_803, %scan3A_681 : i32
        %get3A_805 = arith.constant 0 : i32
        %get3A_806 = arith.index_cast %get3A_805 : i32 to index
        %get3A_807 = arith.index_cast %add3A_804 : i32 to index
        %get3A_808 = arith.constant 80 : index
        %get3A_809 = tpu.vector_load %arg10[%get3A_806, %get3A_807, %get3A_808] {strides = array<i32>} : memref<2x80x136xf32, #tpu.memory_space<vmem>>, vector<1x1x16xf32>,
        %get3A_810 = vector.shape_cast %get3A_809 : vector<1x1x16xf32> to vector<16xf32>
        %slice3A_811 = vector.extract_strided_slice %exp3A {offsets = [13], sizes = [1], strides = [1]} : vector<16xf32> to vector<1xf32>
        %squeeze3A_812 = vector.extract %slice3A_811[0] : f32 from vector<1xf32>
        %broadcast_in_dim3A_813 = vector.broadcast %squeeze3A_812 : f32 to vector<16xf32>
        %mul3A_814 = arith.mulf %get3A_810, %broadcast_in_dim3A_813 : vector<16xf32>
        %swap3A_815 = arith.constant 0 : i32
        %swap3A_816 = arith.index_cast %swap3A_815 : i32 to index
        %swap3A_817 = arith.index_cast %scan3A_681 : i32 to index
        %swap3A_818 = arith.constant 80 : index
        %swap3A_819 = tpu.vector_load %arg12[%swap3A_816, %swap3A_817, %swap3A_818] {strides = array<i32>} : memref<2x40x136xf32, #tpu.memory_space<vmem>>, vector<1x1x16xf32>,
        %swap3A_820 = vector.shape_cast %swap3A_819 : vector<1x1x16xf32> to vector<16xf32>
        %swap3A_821 = vector.shape_cast %mul3A_814 : vector<16xf32> to vector<1x1x16xf32>
        tpu.vector_store %arg12[%swap3A_816, %swap3A_817, %swap3A_818], %swap3A_821 {strides = array<i32>} : memref<2x40x136xf32, #tpu.memory_space<vmem>>, vector<1x1x16xf32>,
        %add3A_822 = arith.constant 0 : i32
        %add3A_823 = arith.addi %add3A_822, %scan3A_681 : i32
        %get3A_824 = arith.constant 0 : i32
        %get3A_825 = arith.index_cast %get3A_824 : i32 to index
        %get3A_826 = arith.index_cast %add3A_823 : i32 to index
        %get3A_827 = arith.constant 96 : index
        %get3A_828 = tpu.vector_load %arg10[%get3A_825, %get3A_826, %get3A_827] {strides = array<i32>} : memref<2x80x136xf32, #tpu.memory_space<vmem>>, vector<1x1x16xf32>,
        %get3A_829 = vector.shape_cast %get3A_828 : vector<1x1x16xf32> to vector<16xf32>
        %slice3A_830 = vector.extract_strided_slice %exp3A {offsets = [14], sizes = [1], strides = [1]} : vector<16xf32> to vector<1xf32>
        %squeeze3A_831 = vector.extract %slice3A_830[0] : f32 from vector<1xf32>
        %broadcast_in_dim3A_832 = vector.broadcast %squeeze3A_831 : f32 to vector<16xf32>
        %mul3A_833 = arith.mulf %get3A_829, %broadcast_in_dim3A_832 : vector<16xf32>
        %swap3A_834 = arith.constant 0 : i32
        %swap3A_835 = arith.index_cast %swap3A_834 : i32 to index
        %swap3A_836 = arith.index_cast %scan3A_681 : i32 to index
        %swap3A_837 = arith.constant 96 : index
        %swap3A_838 = tpu.vector_load %arg12[%swap3A_835, %swap3A_836, %swap3A_837] {strides = array<i32>} : memref<2x40x136xf32, #tpu.memory_space<vmem>>, vector<1x1x16xf32>,
        %swap3A_839 = vector.shape_cast %swap3A_838 : vector<1x1x16xf32> to vector<16xf32>
        %swap3A_840 = vector.shape_cast %mul3A_833 : vector<16xf32> to vector<1x1x16xf32>
        tpu.vector_store %arg12[%swap3A_835, %swap3A_836, %swap3A_837], %swap3A_840 {strides = array<i32>} : memref<2x40x136xf32, #tpu.memory_space<vmem>>, vector<1x1x16xf32>,
        %add3A_841 = arith.constant 0 : i32
        %add3A_842 = arith.addi %add3A_841, %scan3A_681 : i32
        %get3A_843 = arith.constant 0 : i32
        %get3A_844 = arith.index_cast %get3A_843 : i32 to index
        %get3A_845 = arith.index_cast %add3A_842 : i32 to index
        %get3A_846 = arith.constant 112 : index
        %get3A_847 = tpu.vector_load %arg10[%get3A_844, %get3A_845, %get3A_846] {strides = array<i32>} : memref<2x80x136xf32, #tpu.memory_space<vmem>>, vector<1x1x16xf32>,
        %get3A_848 = vector.shape_cast %get3A_847 : vector<1x1x16xf32> to vector<16xf32>
        %slice3A_849 = vector.extract_strided_slice %exp3A {offsets = [15], sizes = [1], strides = [1]} : vector<16xf32> to vector<1xf32>
        %squeeze3A_850 = vector.extract %slice3A_849[0] : f32 from vector<1xf32>
        %broadcast_in_dim3A_851 = vector.broadcast %squeeze3A_850 : f32 to vector<16xf32>
        %mul3A_852 = arith.mulf %get3A_848, %broadcast_in_dim3A_851 : vector<16xf32>
        %swap3A_853 = arith.constant 0 : i32
        %swap3A_854 = arith.index_cast %swap3A_853 : i32 to index
        %swap3A_855 = arith.index_cast %scan3A_681 : i32 to index
        %swap3A_856 = arith.constant 112 : index
        %swap3A_857 = tpu.vector_load %arg12[%swap3A_854, %swap3A_855, %swap3A_856] {strides = array<i32>} : memref<2x40x136xf32, #tpu.memory_space<vmem>>, vector<1x1x16xf32>,
        %swap3A_858 = vector.shape_cast %swap3A_857 : vector<1x1x16xf32> to vector<16xf32>
        %swap3A_859 = vector.shape_cast %mul3A_852 : vector<16xf32> to vector<1x1x16xf32>
        tpu.vector_store %arg12[%swap3A_854, %swap3A_855, %swap3A_856], %swap3A_859 {strides = array<i32>} : memref<2x40x136xf32, #tpu.memory_space<vmem>>, vector<1x1x16xf32>,
      }
      %scan3A_542 = arith.constant 40 : i32
      %dma_start3A_543 = arith.constant 0 : i32
      %dma_start3A_544 = arith.constant 0 : i32
      %dma_start3A_545 = arith.constant 0 : i32
      %dma_start3A_546 = arith.constant 0 : i32
      %dma_start3A_547 = tpu.memref_slice %arg12[%dma_start3A_543, %dma_start3A_545, %dma_start3A_546] : memref<2x40x136xf32, #tpu.memory_space<vmem>> -> memref<1x40x136xf32, #tpu.memory_space<vmem>>
      %dma_start3A_548 = tpu.memref_squeeze %dma_start3A_547 : memref<1x40x136xf32, #tpu.memory_space<vmem>> -> memref<40x136xf32, #tpu.memory_space<vmem>>
      %dma_start3A_549 = arith.constant 0 : i32
      %dma_start3A_550 = tpu.memref_slice %arg9[%mul3A_466, %dma_start3A_549] : memref<63x80xi32, #tpu.memory_space<vmem>> -> memref<1x40xi32, #tpu.memory_space<vmem>>
      %dma_start3A_551 = tpu.memref_squeeze %dma_start3A_550 : memref<1x40xi32, #tpu.memory_space<vmem>> -> memref<40xi32, #tpu.memory_space<vmem>>
      %dma_start3A_552 = arith.constant 0 : i32
      %dma_start3A_553 = arith.constant 0 : i32
      %dma_start3A_554 = tpu.memref_slice %arg7[%dma_start3A_552, %dma_start3A_553] : memref<10000x136xf32, #tpu.memory_space<vmem_shared>> -> memref<10000x136xf32, #tpu.memory_space<vmem_shared>>
      %dma_start3A_555 = tpu.memref_slice %arg16[%dma_start3A_544] : memref<2x!tpu.dma_semaphore, #tpu.memory_space<semaphore_mem>> -> memref<1x!tpu.dma_semaphore, #tpu.memory_space<semaphore_mem>>
      %dma_start3A_556 = tpu.memref_squeeze %dma_start3A_555 : memref<1x!tpu.dma_semaphore, #tpu.memory_space<semaphore_mem>> -> memref<!tpu.dma_semaphore, #tpu.memory_space<semaphore_mem>>
      tpu.enqueue_indirect_dma source(%dma_start3A_548 : memref<40x136xf32, #tpu.memory_space<vmem>>) target(%dma_start3A_554 : memref<10000x136xf32, #tpu.memory_space<vmem_shared>>) offsets(%dma_start3A_551 : memref<40xi32, #tpu.memory_space<vmem>>) semaphore(%dma_start3A_556 : memref<!tpu.dma_semaphore, #tpu.memory_space<semaphore_mem>>) {add = true}
      %dma_wait3A_557 = arith.constant 1 : i32
      %dma_wait3A_558 = arith.constant 1 : i32
      %dma_wait3A_559 = arith.constant 0 : i32
      %dma_wait3A_560 = arith.constant 0 : i32
      %dma_wait3A_561 = tpu.memref_slice %arg12[%dma_wait3A_557, %dma_wait3A_559, %dma_wait3A_560] : memref<2x40x136xf32, #tpu.memory_space<vmem>> -> memref<1x40x136xf32, #tpu.memory_space<vmem>>
      %dma_wait3A_562 = tpu.memref_squeeze %dma_wait3A_561 : memref<1x40x136xf32, #tpu.memory_space<vmem>> -> memref<40x136xf32, #tpu.memory_space<vmem>>
      %dma_wait3A_563 = arith.constant 0 : i32
      %dma_wait3A_564 = arith.constant 0 : i32
      %dma_wait3A_565 = tpu.memref_slice %arg7[%dma_wait3A_563, %dma_wait3A_564] : memref<10000x136xf32, #tpu.memory_space<vmem_shared>> -> memref<10000x136xf32, #tpu.memory_space<vmem_shared>>
      %dma_wait3A_566 = tpu.memref_slice %arg16[%dma_wait3A_558] : memref<2x!tpu.dma_semaphore, #tpu.memory_space<semaphore_mem>> -> memref<1x!tpu.dma_semaphore, #tpu.memory_space<semaphore_mem>>
      %dma_wait3A_567 = tpu.memref_squeeze %dma_wait3A_566 : memref<1x!tpu.dma_semaphore, #tpu.memory_space<semaphore_mem>> -> memref<!tpu.dma_semaphore, #tpu.memory_space<semaphore_mem>>
      tpu.wait_indirect_dma semaphore(%dma_wait3A_567 : memref<!tpu.dma_semaphore, #tpu.memory_space<semaphore_mem>>) src(%dma_wait3A_562 : memref<40x136xf32, #tpu.memory_space<vmem>>) dst(%dma_wait3A_565 : memref<10000x136xf32, #tpu.memory_space<vmem_shared>>)
      %scan3A_568 = arith.constant 0 : i32
      %scan3A_569 = arith.constant 40 : i32
      %scan3A_570 = arith.addi %scan3A_568, %scan3A_569 : i32
      %scan3A_571 = arith.constant 1 : i32
      scf.for %scan3A_681 = %scan3A_568 to %scan3A_570 step %scan3A_571  : i32 {
        %add3A_682 = arith.constant 40 : i32
        %add3A_683 = arith.addi %add3A_682, %scan3A_681 : i32
        %get3A = arith.constant 0 : i32
        %get3A_684 = arith.index_cast %get3A : i32 to index
        %get3A_685 = arith.index_cast %add3A_683 : i32 to index
        %get3A_686 = arith.constant 120 : index
        %get3A_687 = tpu.vector_load %arg10[%get3A_684, %get3A_685, %get3A_686] {strides = array<i32>} : memref<2x80x136xf32, #tpu.memory_space<vmem>>, vector<1x1x16xf32>,
        %get3A_688 = vector.shape_cast %get3A_687 : vector<1x1x16xf32> to vector<16xf32>
        %add3A_689 = arith.constant 40 : i32
        %add3A_690 = arith.addi %add3A_689, %scan3A_681 : i32
        %get3A_691 = arith.constant 0 : i32
        %get3A_692 = arith.index_cast %get3A_691 : i32 to index
        %get3A_693 = arith.index_cast %add3A_690 : i32 to index
        %get3A_694 = arith.constant 0 : index
        %get3A_695 = tpu.vector_load %arg11[%get3A_692, %get3A_693, %get3A_694] {strides = array<i32>} : memref<2x80x16xf32, #tpu.memory_space<vmem>>, vector<1x1x16xf32>,
        %get3A_696 = vector.shape_cast %get3A_695 : vector<1x1x16xf32> to vector<16xf32>
        %add3A_697 = arith.addf %get3A_688, %get3A_696 : vector<16xf32>
        %ge3A = arith.constant 0.000000e+00 : f32
        %ge3A_698 = vector.broadcast %ge3A : f32 to vector<16xf32>
        %ge3A_699 = arith.cmpf oge, %add3A_697, %ge3A_698 : vector<16xf32>
        %mul3A_700 = arith.constant 2.000000e-01 : f32
        %mul3A_701 = vector.broadcast %mul3A_700 : f32 to vector<16xf32>
        %mul3A_702 = arith.mulf %add3A_697, %mul3A_701 : vector<16xf32>
        %select_n3A = arith.select %ge3A_699, %add3A_697, %mul3A_702 : vector<16xi1>, vector<16xf32>
        %exp3A = math.exp %select_n3A : vector<16xf32>
        %swap3A_703 = arith.constant 1 : i32
        %swap3A_704 = arith.index_cast %swap3A_703 : i32 to index
        %swap3A_705 = arith.index_cast %scan3A_681 : i32 to index
        %swap3A_706 = arith.constant 120 : index
        %swap3A_707 = tpu.vector_load %arg12[%swap3A_704, %swap3A_705, %swap3A_706] {strides = array<i32>} : memref<2x40x136xf32, #tpu.memory_space<vmem>>, vector<1x1x16xf32>,
        %swap3A_708 = vector.shape_cast %swap3A_707 : vector<1x1x16xf32> to vector<16xf32>
        %swap3A_709 = vector.shape_cast %exp3A : vector<16xf32> to vector<1x1x16xf32>
        tpu.vector_store %arg12[%swap3A_704, %swap3A_705, %swap3A_706], %swap3A_709 {strides = array<i32>} : memref<2x40x136xf32, #tpu.memory_space<vmem>>, vector<1x1x16xf32>,
        %add3A_710 = arith.constant 40 : i32
        %add3A_711 = arith.addi %add3A_710, %scan3A_681 : i32
        %get3A_712 = arith.constant 0 : i32
        %get3A_713 = arith.index_cast %get3A_712 : i32 to index
        %get3A_714 = arith.index_cast %add3A_711 : i32 to index
        %get3A_715 = arith.constant 0 : index
        %get3A_716 = tpu.vector_load %arg10[%get3A_713, %get3A_714, %get3A_715] {strides = array<i32>} : memref<2x80x136xf32, #tpu.memory_space<vmem>>, vector<1x1x16xf32>,
        %get3A_717 = vector.shape_cast %get3A_716 : vector<1x1x16xf32> to vector<16xf32>
        %slice3A = vector.extract_strided_slice %exp3A {offsets = [8], sizes = [1], strides = [1]} : vector<16xf32> to vector<1xf32>
        %squeeze3A = vector.extract %slice3A[0] : f32 from vector<1xf32>
        %broadcast_in_dim3A_718 = vector.broadcast %squeeze3A : f32 to vector<16xf32>
        %mul3A_719 = arith.mulf %get3A_717, %broadcast_in_dim3A_718 : vector<16xf32>
        %swap3A_720 = arith.constant 1 : i32
        %swap3A_721 = arith.index_cast %swap3A_720 : i32 to index
        %swap3A_722 = arith.index_cast %scan3A_681 : i32 to index
        %swap3A_723 = arith.constant 0 : index
        %swap3A_724 = tpu.vector_load %arg12[%swap3A_721, %swap3A_722, %swap3A_723] {strides = array<i32>} : memref<2x40x136xf32, #tpu.memory_space<vmem>>, vector<1x1x16xf32>,
        %swap3A_725 = vector.shape_cast %swap3A_724 : vector<1x1x16xf32> to vector<16xf32>
        %swap3A_726 = vector.shape_cast %mul3A_719 : vector<16xf32> to vector<1x1x16xf32>
        tpu.vector_store %arg12[%swap3A_721, %swap3A_722, %swap3A_723], %swap3A_726 {strides = array<i32>} : memref<2x40x136xf32, #tpu.memory_space<vmem>>, vector<1x1x16xf32>,
        %add3A_727 = arith.constant 40 : i32
        %add3A_728 = arith.addi %add3A_727, %scan3A_681 : i32
        %get3A_729 = arith.constant 0 : i32
        %get3A_730 = arith.index_cast %get3A_729 : i32 to index
        %get3A_731 = arith.index_cast %add3A_728 : i32 to index
        %get3A_732 = arith.constant 16 : index
        %get3A_733 = tpu.vector_load %arg10[%get3A_730, %get3A_731, %get3A_732] {strides = array<i32>} : memref<2x80x136xf32, #tpu.memory_space<vmem>>, vector<1x1x16xf32>,
        %get3A_734 = vector.shape_cast %get3A_733 : vector<1x1x16xf32> to vector<16xf32>
        %slice3A_735 = vector.extract_strided_slice %exp3A {offsets = [9], sizes = [1], strides = [1]} : vector<16xf32> to vector<1xf32>
        %squeeze3A_736 = vector.extract %slice3A_735[0] : f32 from vector<1xf32>
        %broadcast_in_dim3A_737 = vector.broadcast %squeeze3A_736 : f32 to vector<16xf32>
        %mul3A_738 = arith.mulf %get3A_734, %broadcast_in_dim3A_737 : vector<16xf32>
        %swap3A_739 = arith.constant 1 : i32
        %swap3A_740 = arith.index_cast %swap3A_739 : i32 to index
        %swap3A_741 = arith.index_cast %scan3A_681 : i32 to index
        %swap3A_742 = arith.constant 16 : index
        %swap3A_743 = tpu.vector_load %arg12[%swap3A_740, %swap3A_741, %swap3A_742] {strides = array<i32>} : memref<2x40x136xf32, #tpu.memory_space<vmem>>, vector<1x1x16xf32>,
        %swap3A_744 = vector.shape_cast %swap3A_743 : vector<1x1x16xf32> to vector<16xf32>
        %swap3A_745 = vector.shape_cast %mul3A_738 : vector<16xf32> to vector<1x1x16xf32>
        tpu.vector_store %arg12[%swap3A_740, %swap3A_741, %swap3A_742], %swap3A_745 {strides = array<i32>} : memref<2x40x136xf32, #tpu.memory_space<vmem>>, vector<1x1x16xf32>,
        %add3A_746 = arith.constant 40 : i32
        %add3A_747 = arith.addi %add3A_746, %scan3A_681 : i32
        %get3A_748 = arith.constant 0 : i32
        %get3A_749 = arith.index_cast %get3A_748 : i32 to index
        %get3A_750 = arith.index_cast %add3A_747 : i32 to index
        %get3A_751 = arith.constant 32 : index
        %get3A_752 = tpu.vector_load %arg10[%get3A_749, %get3A_750, %get3A_751] {strides = array<i32>} : memref<2x80x136xf32, #tpu.memory_space<vmem>>, vector<1x1x16xf32>,
        %get3A_753 = vector.shape_cast %get3A_752 : vector<1x1x16xf32> to vector<16xf32>
        %slice3A_754 = vector.extract_strided_slice %exp3A {offsets = [10], sizes = [1], strides = [1]} : vector<16xf32> to vector<1xf32>
        %squeeze3A_755 = vector.extract %slice3A_754[0] : f32 from vector<1xf32>
        %broadcast_in_dim3A_756 = vector.broadcast %squeeze3A_755 : f32 to vector<16xf32>
        %mul3A_757 = arith.mulf %get3A_753, %broadcast_in_dim3A_756 : vector<16xf32>
        %swap3A_758 = arith.constant 1 : i32
        %swap3A_759 = arith.index_cast %swap3A_758 : i32 to index
        %swap3A_760 = arith.index_cast %scan3A_681 : i32 to index
        %swap3A_761 = arith.constant 32 : index
        %swap3A_762 = tpu.vector_load %arg12[%swap3A_759, %swap3A_760, %swap3A_761] {strides = array<i32>} : memref<2x40x136xf32, #tpu.memory_space<vmem>>, vector<1x1x16xf32>,
        %swap3A_763 = vector.shape_cast %swap3A_762 : vector<1x1x16xf32> to vector<16xf32>
        %swap3A_764 = vector.shape_cast %mul3A_757 : vector<16xf32> to vector<1x1x16xf32>
        tpu.vector_store %arg12[%swap3A_759, %swap3A_760, %swap3A_761], %swap3A_764 {strides = array<i32>} : memref<2x40x136xf32, #tpu.memory_space<vmem>>, vector<1x1x16xf32>,
        %add3A_765 = arith.constant 40 : i32
        %add3A_766 = arith.addi %add3A_765, %scan3A_681 : i32
        %get3A_767 = arith.constant 0 : i32
        %get3A_768 = arith.index_cast %get3A_767 : i32 to index
        %get3A_769 = arith.index_cast %add3A_766 : i32 to index
        %get3A_770 = arith.constant 48 : index
        %get3A_771 = tpu.vector_load %arg10[%get3A_768, %get3A_769, %get3A_770] {strides = array<i32>} : memref<2x80x136xf32, #tpu.memory_space<vmem>>, vector<1x1x16xf32>,
        %get3A_772 = vector.shape_cast %get3A_771 : vector<1x1x16xf32> to vector<16xf32>
        %slice3A_773 = vector.extract_strided_slice %exp3A {offsets = [11], sizes = [1], strides = [1]} : vector<16xf32> to vector<1xf32>
        %squeeze3A_774 = vector.extract %slice3A_773[0] : f32 from vector<1xf32>
        %broadcast_in_dim3A_775 = vector.broadcast %squeeze3A_774 : f32 to vector<16xf32>
        %mul3A_776 = arith.mulf %get3A_772, %broadcast_in_dim3A_775 : vector<16xf32>
        %swap3A_777 = arith.constant 1 : i32
        %swap3A_778 = arith.index_cast %swap3A_777 : i32 to index
        %swap3A_779 = arith.index_cast %scan3A_681 : i32 to index
        %swap3A_780 = arith.constant 48 : index
        %swap3A_781 = tpu.vector_load %arg12[%swap3A_778, %swap3A_779, %swap3A_780] {strides = array<i32>} : memref<2x40x136xf32, #tpu.memory_space<vmem>>, vector<1x1x16xf32>,
        %swap3A_782 = vector.shape_cast %swap3A_781 : vector<1x1x16xf32> to vector<16xf32>
        %swap3A_783 = vector.shape_cast %mul3A_776 : vector<16xf32> to vector<1x1x16xf32>
        tpu.vector_store %arg12[%swap3A_778, %swap3A_779, %swap3A_780], %swap3A_783 {strides = array<i32>} : memref<2x40x136xf32, #tpu.memory_space<vmem>>, vector<1x1x16xf32>,
        %add3A_784 = arith.constant 40 : i32
        %add3A_785 = arith.addi %add3A_784, %scan3A_681 : i32
        %get3A_786 = arith.constant 0 : i32
        %get3A_787 = arith.index_cast %get3A_786 : i32 to index
        %get3A_788 = arith.index_cast %add3A_785 : i32 to index
        %get3A_789 = arith.constant 64 : index
        %get3A_790 = tpu.vector_load %arg10[%get3A_787, %get3A_788, %get3A_789] {strides = array<i32>} : memref<2x80x136xf32, #tpu.memory_space<vmem>>, vector<1x1x16xf32>,
        %get3A_791 = vector.shape_cast %get3A_790 : vector<1x1x16xf32> to vector<16xf32>
        %slice3A_792 = vector.extract_strided_slice %exp3A {offsets = [12], sizes = [1], strides = [1]} : vector<16xf32> to vector<1xf32>
        %squeeze3A_793 = vector.extract %slice3A_792[0] : f32 from vector<1xf32>
        %broadcast_in_dim3A_794 = vector.broadcast %squeeze3A_793 : f32 to vector<16xf32>
        %mul3A_795 = arith.mulf %get3A_791, %broadcast_in_dim3A_794 : vector<16xf32>
        %swap3A_796 = arith.constant 1 : i32
        %swap3A_797 = arith.index_cast %swap3A_796 : i32 to index
        %swap3A_798 = arith.index_cast %scan3A_681 : i32 to index
        %swap3A_799 = arith.constant 64 : index
        %swap3A_800 = tpu.vector_load %arg12[%swap3A_797, %swap3A_798, %swap3A_799] {strides = array<i32>} : memref<2x40x136xf32, #tpu.memory_space<vmem>>, vector<1x1x16xf32>,
        %swap3A_801 = vector.shape_cast %swap3A_800 : vector<1x1x16xf32> to vector<16xf32>
        %swap3A_802 = vector.shape_cast %mul3A_795 : vector<16xf32> to vector<1x1x16xf32>
        tpu.vector_store %arg12[%swap3A_797, %swap3A_798, %swap3A_799], %swap3A_802 {strides = array<i32>} : memref<2x40x136xf32, #tpu.memory_space<vmem>>, vector<1x1x16xf32>,
        %add3A_803 = arith.constant 40 : i32
        %add3A_804 = arith.addi %add3A_803, %scan3A_681 : i32
        %get3A_805 = arith.constant 0 : i32
        %get3A_806 = arith.index_cast %get3A_805 : i32 to index
        %get3A_807 = arith.index_cast %add3A_804 : i32 to index
        %get3A_808 = arith.constant 80 : index
        %get3A_809 = tpu.vector_load %arg10[%get3A_806, %get3A_807, %get3A_808] {strides = array<i32>} : memref<2x80x136xf32, #tpu.memory_space<vmem>>, vector<1x1x16xf32>,
        %get3A_810 = vector.shape_cast %get3A_809 : vector<1x1x16xf32> to vector<16xf32>
        %slice3A_811 = vector.extract_strided_slice %exp3A {offsets = [13], sizes = [1], strides = [1]} : vector<16xf32> to vector<1xf32>
        %squeeze3A_812 = vector.extract %slice3A_811[0] : f32 from vector<1xf32>
        %broadcast_in_dim3A_813 = vector.broadcast %squeeze3A_812 : f32 to vector<16xf32>
        %mul3A_814 = arith.mulf %get3A_810, %broadcast_in_dim3A_813 : vector<16xf32>
        %swap3A_815 = arith.constant 1 : i32
        %swap3A_816 = arith.index_cast %swap3A_815 : i32 to index
        %swap3A_817 = arith.index_cast %scan3A_681 : i32 to index
        %swap3A_818 = arith.constant 80 : index
        %swap3A_819 = tpu.vector_load %arg12[%swap3A_816, %swap3A_817, %swap3A_818] {strides = array<i32>} : memref<2x40x136xf32, #tpu.memory_space<vmem>>, vector<1x1x16xf32>,
        %swap3A_820 = vector.shape_cast %swap3A_819 : vector<1x1x16xf32> to vector<16xf32>
        %swap3A_821 = vector.shape_cast %mul3A_814 : vector<16xf32> to vector<1x1x16xf32>
        tpu.vector_store %arg12[%swap3A_816, %swap3A_817, %swap3A_818], %swap3A_821 {strides = array<i32>} : memref<2x40x136xf32, #tpu.memory_space<vmem>>, vector<1x1x16xf32>,
        %add3A_822 = arith.constant 40 : i32
        %add3A_823 = arith.addi %add3A_822, %scan3A_681 : i32
        %get3A_824 = arith.constant 0 : i32
        %get3A_825 = arith.index_cast %get3A_824 : i32 to index
        %get3A_826 = arith.index_cast %add3A_823 : i32 to index
        %get3A_827 = arith.constant 96 : index
        %get3A_828 = tpu.vector_load %arg10[%get3A_825, %get3A_826, %get3A_827] {strides = array<i32>} : memref<2x80x136xf32, #tpu.memory_space<vmem>>, vector<1x1x16xf32>,
        %get3A_829 = vector.shape_cast %get3A_828 : vector<1x1x16xf32> to vector<16xf32>
        %slice3A_830 = vector.extract_strided_slice %exp3A {offsets = [14], sizes = [1], strides = [1]} : vector<16xf32> to vector<1xf32>
        %squeeze3A_831 = vector.extract %slice3A_830[0] : f32 from vector<1xf32>
        %broadcast_in_dim3A_832 = vector.broadcast %squeeze3A_831 : f32 to vector<16xf32>
        %mul3A_833 = arith.mulf %get3A_829, %broadcast_in_dim3A_832 : vector<16xf32>
        %swap3A_834 = arith.constant 1 : i32
        %swap3A_835 = arith.index_cast %swap3A_834 : i32 to index
        %swap3A_836 = arith.index_cast %scan3A_681 : i32 to index
        %swap3A_837 = arith.constant 96 : index
        %swap3A_838 = tpu.vector_load %arg12[%swap3A_835, %swap3A_836, %swap3A_837] {strides = array<i32>} : memref<2x40x136xf32, #tpu.memory_space<vmem>>, vector<1x1x16xf32>,
        %swap3A_839 = vector.shape_cast %swap3A_838 : vector<1x1x16xf32> to vector<16xf32>
        %swap3A_840 = vector.shape_cast %mul3A_833 : vector<16xf32> to vector<1x1x16xf32>
        tpu.vector_store %arg12[%swap3A_835, %swap3A_836, %swap3A_837], %swap3A_840 {strides = array<i32>} : memref<2x40x136xf32, #tpu.memory_space<vmem>>, vector<1x1x16xf32>,
        %add3A_841 = arith.constant 40 : i32
        %add3A_842 = arith.addi %add3A_841, %scan3A_681 : i32
        %get3A_843 = arith.constant 0 : i32
        %get3A_844 = arith.index_cast %get3A_843 : i32 to index
        %get3A_845 = arith.index_cast %add3A_842 : i32 to index
        %get3A_846 = arith.constant 112 : index
        %get3A_847 = tpu.vector_load %arg10[%get3A_844, %get3A_845, %get3A_846] {strides = array<i32>} : memref<2x80x136xf32, #tpu.memory_space<vmem>>, vector<1x1x16xf32>,
        %get3A_848 = vector.shape_cast %get3A_847 : vector<1x1x16xf32> to vector<16xf32>
        %slice3A_849 = vector.extract_strided_slice %exp3A {offsets = [15], sizes = [1], strides = [1]} : vector<16xf32> to vector<1xf32>
        %squeeze3A_850 = vector.extract %slice3A_849[0] : f32 from vector<1xf32>
        %broadcast_in_dim3A_851 = vector.broadcast %squeeze3A_850 : f32 to vector<16xf32>
        %mul3A_852 = arith.mulf %get3A_848, %broadcast_in_dim3A_851 : vector<16xf32>
        %swap3A_853 = arith.constant 1 : i32
        %swap3A_854 = arith.index_cast %swap3A_853 : i32 to index
        %swap3A_855 = arith.index_cast %scan3A_681 : i32 to index
        %swap3A_856 = arith.constant 112 : index
        %swap3A_857 = tpu.vector_load %arg12[%swap3A_854, %swap3A_855, %swap3A_856] {strides = array<i32>} : memref<2x40x136xf32, #tpu.memory_space<vmem>>, vector<1x1x16xf32>,
        %swap3A_858 = vector.shape_cast %swap3A_857 : vector<1x1x16xf32> to vector<16xf32>
        %swap3A_859 = vector.shape_cast %mul3A_852 : vector<16xf32> to vector<1x1x16xf32>
        tpu.vector_store %arg12[%swap3A_854, %swap3A_855, %swap3A_856], %swap3A_859 {strides = array<i32>} : memref<2x40x136xf32, #tpu.memory_space<vmem>>, vector<1x1x16xf32>,
      }
      %scan3A_572 = arith.constant 40 : i32
      %dma_start3A_573 = arith.constant 1 : i32
      %dma_start3A_574 = arith.constant 1 : i32
      %dma_start3A_575 = arith.constant 0 : i32
      %dma_start3A_576 = arith.constant 0 : i32
      %dma_start3A_577 = tpu.memref_slice %arg12[%dma_start3A_573, %dma_start3A_575, %dma_start3A_576] : memref<2x40x136xf32, #tpu.memory_space<vmem>> -> memref<1x40x136xf32, #tpu.memory_space<vmem>>
      %dma_start3A_578 = tpu.memref_squeeze %dma_start3A_577 : memref<1x40x136xf32, #tpu.memory_space<vmem>> -> memref<40x136xf32, #tpu.memory_space<vmem>>
      %dma_start3A_579 = arith.constant 40 : i32
      %dma_start3A_580 = tpu.memref_slice %arg9[%mul3A_466, %dma_start3A_579] : memref<63x80xi32, #tpu.memory_space<vmem>> -> memref<1x40xi32, #tpu.memory_space<vmem>>
      %dma_start3A_581 = tpu.memref_squeeze %dma_start3A_580 : memref<1x40xi32, #tpu.memory_space<vmem>> -> memref<40xi32, #tpu.memory_space<vmem>>
      %dma_start3A_582 = arith.constant 0 : i32
      %dma_start3A_583 = arith.constant 0 : i32
      %dma_start3A_584 = tpu.memref_slice %arg7[%dma_start3A_582, %dma_start3A_583] : memref<10000x136xf32, #tpu.memory_space<vmem_shared>> -> memref<10000x136xf32, #tpu.memory_space<vmem_shared>>
      %dma_start3A_585 = tpu.memref_slice %arg16[%dma_start3A_574] : memref<2x!tpu.dma_semaphore, #tpu.memory_space<semaphore_mem>> -> memref<1x!tpu.dma_semaphore, #tpu.memory_space<semaphore_mem>>
      %dma_start3A_586 = tpu.memref_squeeze %dma_start3A_585 : memref<1x!tpu.dma_semaphore, #tpu.memory_space<semaphore_mem>> -> memref<!tpu.dma_semaphore, #tpu.memory_space<semaphore_mem>>
      tpu.enqueue_indirect_dma source(%dma_start3A_578 : memref<40x136xf32, #tpu.memory_space<vmem>>) target(%dma_start3A_584 : memref<10000x136xf32, #tpu.memory_space<vmem_shared>>) offsets(%dma_start3A_581 : memref<40xi32, #tpu.memory_space<vmem>>) semaphore(%dma_start3A_586 : memref<!tpu.dma_semaphore, #tpu.memory_space<semaphore_mem>>) {add = true}
      %add3A_587 = arith.constant 2 : i32
      %add3A_588 = arith.addi %mul3A_466, %add3A_587 : i32
      %lt3A = arith.constant 62 : i32
      %lt3A_589 = arith.cmpi slt, %add3A_588, %lt3A : i32
      %convert_element_type3A = arith.extui %lt3A_589 : i1 to i32
      %cond3A = arith.constant 0 : i32
      %cond3A_590 = arith.cmpi ne, %convert_element_type3A, %cond3A : i32
      scf.if %cond3A_590 {
        %add3A_681 = arith.constant 2 : i32
        %add3A_682 = arith.addi %mul3A_466, %add3A_681 : i32
        %dma_start3A_683 = arith.constant 0 : i32
        %dma_start3A_684 = arith.constant 0 : i32
        %dma_start3A_685 = arith.constant 0 : i32
        %dma_start3A_686 = arith.constant 0 : i32
        %dma_start3A_687 = tpu.memref_slice %arg10[%dma_start3A_683, %dma_start3A_685, %dma_start3A_686] : memref<2x80x136xf32, #tpu.memory_space<vmem>> -> memref<1x80x136xf32, #tpu.memory_space<vmem>>
        %dma_start3A_688 = tpu.memref_squeeze %dma_start3A_687 : memref<1x80x136xf32, #tpu.memory_space<vmem>> -> memref<80x136xf32, #tpu.memory_space<vmem>>
        %dma_start3A_689 = arith.constant 0 : i32
        %dma_start3A_690 = tpu.memref_slice %arg8[%add3A_682, %dma_start3A_689] : memref<63x80xi32, #tpu.memory_space<vmem>> -> memref<1x80xi32, #tpu.memory_space<vmem>>
        %dma_start3A_691 = tpu.memref_squeeze %dma_start3A_690 : memref<1x80xi32, #tpu.memory_space<vmem>> -> memref<80xi32, #tpu.memory_space<vmem>>
        %dma_start3A_692 = arith.constant 0 : i32
        %dma_start3A_693 = arith.constant 0 : i32
        %dma_start3A_694 = tpu.memref_slice %arg2[%dma_start3A_692, %dma_start3A_693] : memref<10000x136xf32, #tpu.memory_space<hbm>> -> memref<10000x136xf32, #tpu.memory_space<hbm>>
        %dma_start3A_695 = tpu.memref_slice %arg14[%dma_start3A_684] : memref<2x!tpu.dma_semaphore, #tpu.memory_space<semaphore_mem>> -> memref<1x!tpu.dma_semaphore, #tpu.memory_space<semaphore_mem>>
        %dma_start3A_696 = tpu.memref_squeeze %dma_start3A_695 : memref<1x!tpu.dma_semaphore, #tpu.memory_space<semaphore_mem>> -> memref<!tpu.dma_semaphore, #tpu.memory_space<semaphore_mem>>
        tpu.enqueue_indirect_dma source(%dma_start3A_694 : memref<10000x136xf32, #tpu.memory_space<hbm>>) target(%dma_start3A_688 : memref<80x136xf32, #tpu.memory_space<vmem>>) offsets(%dma_start3A_691 : memref<80xi32, #tpu.memory_space<vmem>>) semaphore(%dma_start3A_696 : memref<!tpu.dma_semaphore, #tpu.memory_space<semaphore_mem>>)
        %dma_start3A_697 = arith.constant 0 : i32
        %dma_start3A_698 = arith.constant 0 : i32
        %dma_start3A_699 = arith.constant 0 : i32
        %dma_start3A_700 = arith.constant 0 : i32
        %dma_start3A_701 = tpu.memref_slice %arg11[%dma_start3A_697, %dma_start3A_699, %dma_start3A_700] : memref<2x80x16xf32, #tpu.memory_space<vmem>> -> memref<1x80x16xf32, #tpu.memory_space<vmem>>
        %dma_start3A_702 = tpu.memref_squeeze %dma_start3A_701 : memref<1x80x16xf32, #tpu.memory_space<vmem>> -> memref<80x16xf32, #tpu.memory_space<vmem>>
        %dma_start3A_703 = arith.constant 0 : i32
        %dma_start3A_704 = tpu.memref_slice %arg9[%add3A_682, %dma_start3A_703] : memref<63x80xi32, #tpu.memory_space<vmem>> -> memref<1x80xi32, #tpu.memory_space<vmem>>
        %dma_start3A_705 = tpu.memref_squeeze %dma_start3A_704 : memref<1x80xi32, #tpu.memory_space<vmem>> -> memref<80xi32, #tpu.memory_space<vmem>>
        %dma_start3A_706 = arith.constant 0 : i32
        %dma_start3A_707 = arith.constant 0 : i32
        %dma_start3A_708 = tpu.memref_slice %arg3[%dma_start3A_706, %dma_start3A_707] : memref<10000x16xf32, #tpu.memory_space<hbm>> -> memref<10000x16xf32, #tpu.memory_space<hbm>>
        %dma_start3A_709 = tpu.memref_slice %arg15[%dma_start3A_698] : memref<2x!tpu.dma_semaphore, #tpu.memory_space<semaphore_mem>> -> memref<1x!tpu.dma_semaphore, #tpu.memory_space<semaphore_mem>>
        %dma_start3A_710 = tpu.memref_squeeze %dma_start3A_709 : memref<1x!tpu.dma_semaphore, #tpu.memory_space<semaphore_mem>> -> memref<!tpu.dma_semaphore, #tpu.memory_space<semaphore_mem>>
        tpu.enqueue_indirect_dma source(%dma_start3A_708 : memref<10000x16xf32, #tpu.memory_space<hbm>>) target(%dma_start3A_702 : memref<80x16xf32, #tpu.memory_space<vmem>>) offsets(%dma_start3A_705 : memref<80xi32, #tpu.memory_space<vmem>>) semaphore(%dma_start3A_710 : memref<!tpu.dma_semaphore, #tpu.memory_space<semaphore_mem>>)
      } else {
      }
      %dma_wait3A_591 = arith.constant 0 : i32
      %dma_wait3A_592 = arith.constant 1 : i32
      %dma_wait3A_593 = arith.constant 1 : i32
      %dma_wait3A_594 = arith.constant 0 : i32
      %dma_wait3A_595 = arith.constant 0 : i32
      %dma_wait3A_596 = tpu.memref_slice %arg10[%dma_wait3A_592, %dma_wait3A_594, %dma_wait3A_595] : memref<2x80x136xf32, #tpu.memory_space<vmem>> -> memref<1x80x136xf32, #tpu.memory_space<vmem>>
      %dma_wait3A_597 = tpu.memref_squeeze %dma_wait3A_596 : memref<1x80x136xf32, #tpu.memory_space<vmem>> -> memref<80x136xf32, #tpu.memory_space<vmem>>
      %dma_wait3A_598 = arith.constant 0 : i32
      %dma_wait3A_599 = tpu.memref_slice %arg8[%dma_wait3A_591, %dma_wait3A_598] : memref<63x80xi32, #tpu.memory_space<vmem>> -> memref<1x80xi32, #tpu.memory_space<vmem>>
      %dma_wait3A_600 = tpu.memref_squeeze %dma_wait3A_599 : memref<1x80xi32, #tpu.memory_space<vmem>> -> memref<80xi32, #tpu.memory_space<vmem>>
      %dma_wait3A_601 = arith.constant 0 : i32
      %dma_wait3A_602 = arith.constant 0 : i32
      %dma_wait3A_603 = tpu.memref_slice %arg2[%dma_wait3A_601, %dma_wait3A_602] : memref<10000x136xf32, #tpu.memory_space<hbm>> -> memref<10000x136xf32, #tpu.memory_space<hbm>>
      %dma_wait3A_604 = tpu.memref_slice %arg14[%dma_wait3A_593] : memref<2x!tpu.dma_semaphore, #tpu.memory_space<semaphore_mem>> -> memref<1x!tpu.dma_semaphore, #tpu.memory_space<semaphore_mem>>
      %dma_wait3A_605 = tpu.memref_squeeze %dma_wait3A_604 : memref<1x!tpu.dma_semaphore, #tpu.memory_space<semaphore_mem>> -> memref<!tpu.dma_semaphore, #tpu.memory_space<semaphore_mem>>
      tpu.wait_indirect_dma semaphore(%dma_wait3A_605 : memref<!tpu.dma_semaphore, #tpu.memory_space<semaphore_mem>>) src(%dma_wait3A_603 : memref<10000x136xf32, #tpu.memory_space<hbm>>) dst(%dma_wait3A_597 : memref<80x136xf32, #tpu.memory_space<vmem>>)
      %dma_wait3A_606 = arith.constant 0 : i32
      %dma_wait3A_607 = arith.constant 1 : i32
      %dma_wait3A_608 = arith.constant 1 : i32
      %dma_wait3A_609 = arith.constant 0 : i32
      %dma_wait3A_610 = arith.constant 0 : i32
      %dma_wait3A_611 = tpu.memref_slice %arg11[%dma_wait3A_607, %dma_wait3A_609, %dma_wait3A_610] : memref<2x80x16xf32, #tpu.memory_space<vmem>> -> memref<1x80x16xf32, #tpu.memory_space<vmem>>
      %dma_wait3A_612 = tpu.memref_squeeze %dma_wait3A_611 : memref<1x80x16xf32, #tpu.memory_space<vmem>> -> memref<80x16xf32, #tpu.memory_space<vmem>>
      %dma_wait3A_613 = arith.constant 0 : i32
      %dma_wait3A_614 = tpu.memref_slice %arg9[%dma_wait3A_606, %dma_wait3A_613] : memref<63x80xi32, #tpu.memory_space<vmem>> -> memref<1x80xi32, #tpu.memory_space<vmem>>
      %dma_wait3A_615 = tpu.memref_squeeze %dma_wait3A_614 : memref<1x80xi32, #tpu.memory_space<vmem>> -> memref<80xi32, #tpu.memory_space<vmem>>
      %dma_wait3A_616 = arith.constant 0 : i32
      %dma_wait3A_617 = arith.constant 0 : i32
      %dma_wait3A_618 = tpu.memref_slice %arg3[%dma_wait3A_616, %dma_wait3A_617] : memref<10000x16xf32, #tpu.memory_space<hbm>> -> memref<10000x16xf32, #tpu.memory_space<hbm>>
      %dma_wait3A_619 = tpu.memref_slice %arg15[%dma_wait3A_608] : memref<2x!tpu.dma_semaphore, #tpu.memory_space<semaphore_mem>> -> memref<1x!tpu.dma_semaphore, #tpu.memory_space<semaphore_mem>>
      %dma_wait3A_620 = tpu.memref_squeeze %dma_wait3A_619 : memref<1x!tpu.dma_semaphore, #tpu.memory_space<semaphore_mem>> -> memref<!tpu.dma_semaphore, #tpu.memory_space<semaphore_mem>>
      tpu.wait_indirect_dma semaphore(%dma_wait3A_620 : memref<!tpu.dma_semaphore, #tpu.memory_space<semaphore_mem>>) src(%dma_wait3A_618 : memref<10000x16xf32, #tpu.memory_space<hbm>>) dst(%dma_wait3A_612 : memref<80x16xf32, #tpu.memory_space<vmem>>)
      %dma_wait3A_621 = arith.constant 0 : i32
      %dma_wait3A_622 = arith.constant 0 : i32
      %dma_wait3A_623 = arith.constant 0 : i32
      %dma_wait3A_624 = arith.constant 0 : i32
      %dma_wait3A_625 = tpu.memref_slice %arg12[%dma_wait3A_621, %dma_wait3A_623, %dma_wait3A_624] : memref<2x40x136xf32, #tpu.memory_space<vmem>> -> memref<1x40x136xf32, #tpu.memory_space<vmem>>
      %dma_wait3A_626 = tpu.memref_squeeze %dma_wait3A_625 : memref<1x40x136xf32, #tpu.memory_space<vmem>> -> memref<40x136xf32, #tpu.memory_space<vmem>>
      %dma_wait3A_627 = arith.constant 0 : i32
      %dma_wait3A_628 = arith.constant 0 : i32
      %dma_wait3A_629 = tpu.memref_slice %arg7[%dma_wait3A_627, %dma_wait3A_628] : memref<10000x136xf32, #tpu.memory_space<vmem_shared>> -> memref<10000x136xf32, #tpu.memory_space<vmem_shared>>
      %dma_wait3A_630 = tpu.memref_slice %arg16[%dma_wait3A_622] : memref<2x!tpu.dma_semaphore, #tpu.memory_space<semaphore_mem>> -> memref<1x!tpu.dma_semaphore, #tpu.memory_space<semaphore_mem>>
      %dma_wait3A_631 = tpu.memref_squeeze %dma_wait3A_630 : memref<1x!tpu.dma_semaphore, #tpu.memory_space<semaphore_mem>> -> memref<!tpu.dma_semaphore, #tpu.memory_space<semaphore_mem>>
      tpu.wait_indirect_dma semaphore(%dma_wait3A_631 : memref<!tpu.dma_semaphore, #tpu.memory_space<semaphore_mem>>) src(%dma_wait3A_626 : memref<40x136xf32, #tpu.memory_space<vmem>>) dst(%dma_wait3A_629 : memref<10000x136xf32, #tpu.memory_space<vmem_shared>>)
      %scan3A_632 = arith.constant 0 : i32
      %scan3A_633 = arith.constant 40 : i32
      %scan3A_634 = arith.addi %scan3A_632, %scan3A_633 : i32
      %scan3A_635 = arith.constant 1 : i32
      scf.for %scan3A_681 = %scan3A_632 to %scan3A_634 step %scan3A_635  : i32 {
        %add3A_682 = arith.constant 0 : i32
        %add3A_683 = arith.addi %add3A_682, %scan3A_681 : i32
        %get3A = arith.constant 1 : i32
        %get3A_684 = arith.index_cast %get3A : i32 to index
        %get3A_685 = arith.index_cast %add3A_683 : i32 to index
        %get3A_686 = arith.constant 120 : index
        %get3A_687 = tpu.vector_load %arg10[%get3A_684, %get3A_685, %get3A_686] {strides = array<i32>} : memref<2x80x136xf32, #tpu.memory_space<vmem>>, vector<1x1x16xf32>,
        %get3A_688 = vector.shape_cast %get3A_687 : vector<1x1x16xf32> to vector<16xf32>
        %add3A_689 = arith.constant 0 : i32
        %add3A_690 = arith.addi %add3A_689, %scan3A_681 : i32
        %get3A_691 = arith.constant 1 : i32
        %get3A_692 = arith.index_cast %get3A_691 : i32 to index
        %get3A_693 = arith.index_cast %add3A_690 : i32 to index
        %get3A_694 = arith.constant 0 : index
        %get3A_695 = tpu.vector_load %arg11[%get3A_692, %get3A_693, %get3A_694] {strides = array<i32>} : memref<2x80x16xf32, #tpu.memory_space<vmem>>, vector<1x1x16xf32>,
        %get3A_696 = vector.shape_cast %get3A_695 : vector<1x1x16xf32> to vector<16xf32>
        %add3A_697 = arith.addf %get3A_688, %get3A_696 : vector<16xf32>
        %ge3A = arith.constant 0.000000e+00 : f32
        %ge3A_698 = vector.broadcast %ge3A : f32 to vector<16xf32>
        %ge3A_699 = arith.cmpf oge, %add3A_697, %ge3A_698 : vector<16xf32>
        %mul3A_700 = arith.constant 2.000000e-01 : f32
        %mul3A_701 = vector.broadcast %mul3A_700 : f32 to vector<16xf32>
        %mul3A_702 = arith.mulf %add3A_697, %mul3A_701 : vector<16xf32>
        %select_n3A = arith.select %ge3A_699, %add3A_697, %mul3A_702 : vector<16xi1>, vector<16xf32>
        %exp3A = math.exp %select_n3A : vector<16xf32>
        %swap3A_703 = arith.constant 0 : i32
        %swap3A_704 = arith.index_cast %swap3A_703 : i32 to index
        %swap3A_705 = arith.index_cast %scan3A_681 : i32 to index
        %swap3A_706 = arith.constant 120 : index
        %swap3A_707 = tpu.vector_load %arg12[%swap3A_704, %swap3A_705, %swap3A_706] {strides = array<i32>} : memref<2x40x136xf32, #tpu.memory_space<vmem>>, vector<1x1x16xf32>,
        %swap3A_708 = vector.shape_cast %swap3A_707 : vector<1x1x16xf32> to vector<16xf32>
        %swap3A_709 = vector.shape_cast %exp3A : vector<16xf32> to vector<1x1x16xf32>
        tpu.vector_store %arg12[%swap3A_704, %swap3A_705, %swap3A_706], %swap3A_709 {strides = array<i32>} : memref<2x40x136xf32, #tpu.memory_space<vmem>>, vector<1x1x16xf32>,
        %add3A_710 = arith.constant 0 : i32
        %add3A_711 = arith.addi %add3A_710, %scan3A_681 : i32
        %get3A_712 = arith.constant 1 : i32
        %get3A_713 = arith.index_cast %get3A_712 : i32 to index
        %get3A_714 = arith.index_cast %add3A_711 : i32 to index
        %get3A_715 = arith.constant 0 : index
        %get3A_716 = tpu.vector_load %arg10[%get3A_713, %get3A_714, %get3A_715] {strides = array<i32>} : memref<2x80x136xf32, #tpu.memory_space<vmem>>, vector<1x1x16xf32>,
        %get3A_717 = vector.shape_cast %get3A_716 : vector<1x1x16xf32> to vector<16xf32>
        %slice3A = vector.extract_strided_slice %exp3A {offsets = [8], sizes = [1], strides = [1]} : vector<16xf32> to vector<1xf32>
        %squeeze3A = vector.extract %slice3A[0] : f32 from vector<1xf32>
        %broadcast_in_dim3A_718 = vector.broadcast %squeeze3A : f32 to vector<16xf32>
        %mul3A_719 = arith.mulf %get3A_717, %broadcast_in_dim3A_718 : vector<16xf32>
        %swap3A_720 = arith.constant 0 : i32
        %swap3A_721 = arith.index_cast %swap3A_720 : i32 to index
        %swap3A_722 = arith.index_cast %scan3A_681 : i32 to index
        %swap3A_723 = arith.constant 0 : index
        %swap3A_724 = tpu.vector_load %arg12[%swap3A_721, %swap3A_722, %swap3A_723] {strides = array<i32>} : memref<2x40x136xf32, #tpu.memory_space<vmem>>, vector<1x1x16xf32>,
        %swap3A_725 = vector.shape_cast %swap3A_724 : vector<1x1x16xf32> to vector<16xf32>
        %swap3A_726 = vector.shape_cast %mul3A_719 : vector<16xf32> to vector<1x1x16xf32>
        tpu.vector_store %arg12[%swap3A_721, %swap3A_722, %swap3A_723], %swap3A_726 {strides = array<i32>} : memref<2x40x136xf32, #tpu.memory_space<vmem>>, vector<1x1x16xf32>,
        %add3A_727 = arith.constant 0 : i32
        %add3A_728 = arith.addi %add3A_727, %scan3A_681 : i32
        %get3A_729 = arith.constant 1 : i32
        %get3A_730 = arith.index_cast %get3A_729 : i32 to index
        %get3A_731 = arith.index_cast %add3A_728 : i32 to index
        %get3A_732 = arith.constant 16 : index
        %get3A_733 = tpu.vector_load %arg10[%get3A_730, %get3A_731, %get3A_732] {strides = array<i32>} : memref<2x80x136xf32, #tpu.memory_space<vmem>>, vector<1x1x16xf32>,
        %get3A_734 = vector.shape_cast %get3A_733 : vector<1x1x16xf32> to vector<16xf32>
        %slice3A_735 = vector.extract_strided_slice %exp3A {offsets = [9], sizes = [1], strides = [1]} : vector<16xf32> to vector<1xf32>
        %squeeze3A_736 = vector.extract %slice3A_735[0] : f32 from vector<1xf32>
        %broadcast_in_dim3A_737 = vector.broadcast %squeeze3A_736 : f32 to vector<16xf32>
        %mul3A_738 = arith.mulf %get3A_734, %broadcast_in_dim3A_737 : vector<16xf32>
        %swap3A_739 = arith.constant 0 : i32
        %swap3A_740 = arith.index_cast %swap3A_739 : i32 to index
        %swap3A_741 = arith.index_cast %scan3A_681 : i32 to index
        %swap3A_742 = arith.constant 16 : index
        %swap3A_743 = tpu.vector_load %arg12[%swap3A_740, %swap3A_741, %swap3A_742] {strides = array<i32>} : memref<2x40x136xf32, #tpu.memory_space<vmem>>, vector<1x1x16xf32>,
        %swap3A_744 = vector.shape_cast %swap3A_743 : vector<1x1x16xf32> to vector<16xf32>
        %swap3A_745 = vector.shape_cast %mul3A_738 : vector<16xf32> to vector<1x1x16xf32>
        tpu.vector_store %arg12[%swap3A_740, %swap3A_741, %swap3A_742], %swap3A_745 {strides = array<i32>} : memref<2x40x136xf32, #tpu.memory_space<vmem>>, vector<1x1x16xf32>,
        %add3A_746 = arith.constant 0 : i32
        %add3A_747 = arith.addi %add3A_746, %scan3A_681 : i32
        %get3A_748 = arith.constant 1 : i32
        %get3A_749 = arith.index_cast %get3A_748 : i32 to index
        %get3A_750 = arith.index_cast %add3A_747 : i32 to index
        %get3A_751 = arith.constant 32 : index
        %get3A_752 = tpu.vector_load %arg10[%get3A_749, %get3A_750, %get3A_751] {strides = array<i32>} : memref<2x80x136xf32, #tpu.memory_space<vmem>>, vector<1x1x16xf32>,
        %get3A_753 = vector.shape_cast %get3A_752 : vector<1x1x16xf32> to vector<16xf32>
        %slice3A_754 = vector.extract_strided_slice %exp3A {offsets = [10], sizes = [1], strides = [1]} : vector<16xf32> to vector<1xf32>
        %squeeze3A_755 = vector.extract %slice3A_754[0] : f32 from vector<1xf32>
        %broadcast_in_dim3A_756 = vector.broadcast %squeeze3A_755 : f32 to vector<16xf32>
        %mul3A_757 = arith.mulf %get3A_753, %broadcast_in_dim3A_756 : vector<16xf32>
        %swap3A_758 = arith.constant 0 : i32
        %swap3A_759 = arith.index_cast %swap3A_758 : i32 to index
        %swap3A_760 = arith.index_cast %scan3A_681 : i32 to index
        %swap3A_761 = arith.constant 32 : index
        %swap3A_762 = tpu.vector_load %arg12[%swap3A_759, %swap3A_760, %swap3A_761] {strides = array<i32>} : memref<2x40x136xf32, #tpu.memory_space<vmem>>, vector<1x1x16xf32>,
        %swap3A_763 = vector.shape_cast %swap3A_762 : vector<1x1x16xf32> to vector<16xf32>
        %swap3A_764 = vector.shape_cast %mul3A_757 : vector<16xf32> to vector<1x1x16xf32>
        tpu.vector_store %arg12[%swap3A_759, %swap3A_760, %swap3A_761], %swap3A_764 {strides = array<i32>} : memref<2x40x136xf32, #tpu.memory_space<vmem>>, vector<1x1x16xf32>,
        %add3A_765 = arith.constant 0 : i32
        %add3A_766 = arith.addi %add3A_765, %scan3A_681 : i32
        %get3A_767 = arith.constant 1 : i32
        %get3A_768 = arith.index_cast %get3A_767 : i32 to index
        %get3A_769 = arith.index_cast %add3A_766 : i32 to index
        %get3A_770 = arith.constant 48 : index
        %get3A_771 = tpu.vector_load %arg10[%get3A_768, %get3A_769, %get3A_770] {strides = array<i32>} : memref<2x80x136xf32, #tpu.memory_space<vmem>>, vector<1x1x16xf32>,
        %get3A_772 = vector.shape_cast %get3A_771 : vector<1x1x16xf32> to vector<16xf32>
        %slice3A_773 = vector.extract_strided_slice %exp3A {offsets = [11], sizes = [1], strides = [1]} : vector<16xf32> to vector<1xf32>
        %squeeze3A_774 = vector.extract %slice3A_773[0] : f32 from vector<1xf32>
        %broadcast_in_dim3A_775 = vector.broadcast %squeeze3A_774 : f32 to vector<16xf32>
        %mul3A_776 = arith.mulf %get3A_772, %broadcast_in_dim3A_775 : vector<16xf32>
        %swap3A_777 = arith.constant 0 : i32
        %swap3A_778 = arith.index_cast %swap3A_777 : i32 to index
        %swap3A_779 = arith.index_cast %scan3A_681 : i32 to index
        %swap3A_780 = arith.constant 48 : index
        %swap3A_781 = tpu.vector_load %arg12[%swap3A_778, %swap3A_779, %swap3A_780] {strides = array<i32>} : memref<2x40x136xf32, #tpu.memory_space<vmem>>, vector<1x1x16xf32>,
        %swap3A_782 = vector.shape_cast %swap3A_781 : vector<1x1x16xf32> to vector<16xf32>
        %swap3A_783 = vector.shape_cast %mul3A_776 : vector<16xf32> to vector<1x1x16xf32>
        tpu.vector_store %arg12[%swap3A_778, %swap3A_779, %swap3A_780], %swap3A_783 {strides = array<i32>} : memref<2x40x136xf32, #tpu.memory_space<vmem>>, vector<1x1x16xf32>,
        %add3A_784 = arith.constant 0 : i32
        %add3A_785 = arith.addi %add3A_784, %scan3A_681 : i32
        %get3A_786 = arith.constant 1 : i32
        %get3A_787 = arith.index_cast %get3A_786 : i32 to index
        %get3A_788 = arith.index_cast %add3A_785 : i32 to index
        %get3A_789 = arith.constant 64 : index
        %get3A_790 = tpu.vector_load %arg10[%get3A_787, %get3A_788, %get3A_789] {strides = array<i32>} : memref<2x80x136xf32, #tpu.memory_space<vmem>>, vector<1x1x16xf32>,
        %get3A_791 = vector.shape_cast %get3A_790 : vector<1x1x16xf32> to vector<16xf32>
        %slice3A_792 = vector.extract_strided_slice %exp3A {offsets = [12], sizes = [1], strides = [1]} : vector<16xf32> to vector<1xf32>
        %squeeze3A_793 = vector.extract %slice3A_792[0] : f32 from vector<1xf32>
        %broadcast_in_dim3A_794 = vector.broadcast %squeeze3A_793 : f32 to vector<16xf32>
        %mul3A_795 = arith.mulf %get3A_791, %broadcast_in_dim3A_794 : vector<16xf32>
        %swap3A_796 = arith.constant 0 : i32
        %swap3A_797 = arith.index_cast %swap3A_796 : i32 to index
        %swap3A_798 = arith.index_cast %scan3A_681 : i32 to index
        %swap3A_799 = arith.constant 64 : index
        %swap3A_800 = tpu.vector_load %arg12[%swap3A_797, %swap3A_798, %swap3A_799] {strides = array<i32>} : memref<2x40x136xf32, #tpu.memory_space<vmem>>, vector<1x1x16xf32>,
        %swap3A_801 = vector.shape_cast %swap3A_800 : vector<1x1x16xf32> to vector<16xf32>
        %swap3A_802 = vector.shape_cast %mul3A_795 : vector<16xf32> to vector<1x1x16xf32>
        tpu.vector_store %arg12[%swap3A_797, %swap3A_798, %swap3A_799], %swap3A_802 {strides = array<i32>} : memref<2x40x136xf32, #tpu.memory_space<vmem>>, vector<1x1x16xf32>,
        %add3A_803 = arith.constant 0 : i32
        %add3A_804 = arith.addi %add3A_803, %scan3A_681 : i32
        %get3A_805 = arith.constant 1 : i32
        %get3A_806 = arith.index_cast %get3A_805 : i32 to index
        %get3A_807 = arith.index_cast %add3A_804 : i32 to index
        %get3A_808 = arith.constant 80 : index
        %get3A_809 = tpu.vector_load %arg10[%get3A_806, %get3A_807, %get3A_808] {strides = array<i32>} : memref<2x80x136xf32, #tpu.memory_space<vmem>>, vector<1x1x16xf32>,
        %get3A_810 = vector.shape_cast %get3A_809 : vector<1x1x16xf32> to vector<16xf32>
        %slice3A_811 = vector.extract_strided_slice %exp3A {offsets = [13], sizes = [1], strides = [1]} : vector<16xf32> to vector<1xf32>
        %squeeze3A_812 = vector.extract %slice3A_811[0] : f32 from vector<1xf32>
        %broadcast_in_dim3A_813 = vector.broadcast %squeeze3A_812 : f32 to vector<16xf32>
        %mul3A_814 = arith.mulf %get3A_810, %broadcast_in_dim3A_813 : vector<16xf32>
        %swap3A_815 = arith.constant 0 : i32
        %swap3A_816 = arith.index_cast %swap3A_815 : i32 to index
        %swap3A_817 = arith.index_cast %scan3A_681 : i32 to index
        %swap3A_818 = arith.constant 80 : index
        %swap3A_819 = tpu.vector_load %arg12[%swap3A_816, %swap3A_817, %swap3A_818] {strides = array<i32>} : memref<2x40x136xf32, #tpu.memory_space<vmem>>, vector<1x1x16xf32>,
        %swap3A_820 = vector.shape_cast %swap3A_819 : vector<1x1x16xf32> to vector<16xf32>
        %swap3A_821 = vector.shape_cast %mul3A_814 : vector<16xf32> to vector<1x1x16xf32>
        tpu.vector_store %arg12[%swap3A_816, %swap3A_817, %swap3A_818], %swap3A_821 {strides = array<i32>} : memref<2x40x136xf32, #tpu.memory_space<vmem>>, vector<1x1x16xf32>,
        %add3A_822 = arith.constant 0 : i32
        %add3A_823 = arith.addi %add3A_822, %scan3A_681 : i32
        %get3A_824 = arith.constant 1 : i32
        %get3A_825 = arith.index_cast %get3A_824 : i32 to index
        %get3A_826 = arith.index_cast %add3A_823 : i32 to index
        %get3A_827 = arith.constant 96 : index
        %get3A_828 = tpu.vector_load %arg10[%get3A_825, %get3A_826, %get3A_827] {strides = array<i32>} : memref<2x80x136xf32, #tpu.memory_space<vmem>>, vector<1x1x16xf32>,
        %get3A_829 = vector.shape_cast %get3A_828 : vector<1x1x16xf32> to vector<16xf32>
        %slice3A_830 = vector.extract_strided_slice %exp3A {offsets = [14], sizes = [1], strides = [1]} : vector<16xf32> to vector<1xf32>
        %squeeze3A_831 = vector.extract %slice3A_830[0] : f32 from vector<1xf32>
        %broadcast_in_dim3A_832 = vector.broadcast %squeeze3A_831 : f32 to vector<16xf32>
        %mul3A_833 = arith.mulf %get3A_829, %broadcast_in_dim3A_832 : vector<16xf32>
        %swap3A_834 = arith.constant 0 : i32
        %swap3A_835 = arith.index_cast %swap3A_834 : i32 to index
        %swap3A_836 = arith.index_cast %scan3A_681 : i32 to index
        %swap3A_837 = arith.constant 96 : index
        %swap3A_838 = tpu.vector_load %arg12[%swap3A_835, %swap3A_836, %swap3A_837] {strides = array<i32>} : memref<2x40x136xf32, #tpu.memory_space<vmem>>, vector<1x1x16xf32>,
        %swap3A_839 = vector.shape_cast %swap3A_838 : vector<1x1x16xf32> to vector<16xf32>
        %swap3A_840 = vector.shape_cast %mul3A_833 : vector<16xf32> to vector<1x1x16xf32>
        tpu.vector_store %arg12[%swap3A_835, %swap3A_836, %swap3A_837], %swap3A_840 {strides = array<i32>} : memref<2x40x136xf32, #tpu.memory_space<vmem>>, vector<1x1x16xf32>,
        %add3A_841 = arith.constant 0 : i32
        %add3A_842 = arith.addi %add3A_841, %scan3A_681 : i32
        %get3A_843 = arith.constant 1 : i32
        %get3A_844 = arith.index_cast %get3A_843 : i32 to index
        %get3A_845 = arith.index_cast %add3A_842 : i32 to index
        %get3A_846 = arith.constant 112 : index
        %get3A_847 = tpu.vector_load %arg10[%get3A_844, %get3A_845, %get3A_846] {strides = array<i32>} : memref<2x80x136xf32, #tpu.memory_space<vmem>>, vector<1x1x16xf32>,
        %get3A_848 = vector.shape_cast %get3A_847 : vector<1x1x16xf32> to vector<16xf32>
        %slice3A_849 = vector.extract_strided_slice %exp3A {offsets = [15], sizes = [1], strides = [1]} : vector<16xf32> to vector<1xf32>
        %squeeze3A_850 = vector.extract %slice3A_849[0] : f32 from vector<1xf32>
        %broadcast_in_dim3A_851 = vector.broadcast %squeeze3A_850 : f32 to vector<16xf32>
        %mul3A_852 = arith.mulf %get3A_848, %broadcast_in_dim3A_851 : vector<16xf32>
        %swap3A_853 = arith.constant 0 : i32
        %swap3A_854 = arith.index_cast %swap3A_853 : i32 to index
        %swap3A_855 = arith.index_cast %scan3A_681 : i32 to index
        %swap3A_856 = arith.constant 112 : index
        %swap3A_857 = tpu.vector_load %arg12[%swap3A_854, %swap3A_855, %swap3A_856] {strides = array<i32>} : memref<2x40x136xf32, #tpu.memory_space<vmem>>, vector<1x1x16xf32>,
        %swap3A_858 = vector.shape_cast %swap3A_857 : vector<1x1x16xf32> to vector<16xf32>
        %swap3A_859 = vector.shape_cast %mul3A_852 : vector<16xf32> to vector<1x1x16xf32>
        tpu.vector_store %arg12[%swap3A_854, %swap3A_855, %swap3A_856], %swap3A_859 {strides = array<i32>} : memref<2x40x136xf32, #tpu.memory_space<vmem>>, vector<1x1x16xf32>,
      }
      %scan3A_636 = arith.constant 40 : i32
      %dma_start3A_637 = arith.constant 0 : i32
      %dma_start3A_638 = arith.constant 0 : i32
      %dma_start3A_639 = arith.constant 0 : i32
      %dma_start3A_640 = arith.constant 0 : i32
      %dma_start3A_641 = tpu.memref_slice %arg12[%dma_start3A_637, %dma_start3A_639, %dma_start3A_640] : memref<2x40x136xf32, #tpu.memory_space<vmem>> -> memref<1x40x136xf32, #tpu.memory_space<vmem>>
      %dma_start3A_642 = tpu.memref_squeeze %dma_start3A_641 : memref<1x40x136xf32, #tpu.memory_space<vmem>> -> memref<40x136xf32, #tpu.memory_space<vmem>>
      %dma_start3A_643 = arith.constant 0 : i32
      %dma_start3A_644 = tpu.memref_slice %arg9[%add3A_468, %dma_start3A_643] : memref<63x80xi32, #tpu.memory_space<vmem>> -> memref<1x40xi32, #tpu.memory_space<vmem>>
      %dma_start3A_645 = tpu.memref_squeeze %dma_start3A_644 : memref<1x40xi32, #tpu.memory_space<vmem>> -> memref<40xi32, #tpu.memory_space<vmem>>
      %dma_start3A_646 = arith.constant 0 : i32
      %dma_start3A_647 = arith.constant 0 : i32
      %dma_start3A_648 = tpu.memref_slice %arg7[%dma_start3A_646, %dma_start3A_647] : memref<10000x136xf32, #tpu.memory_space<vmem_shared>> -> memref<10000x136xf32, #tpu.memory_space<vmem_shared>>
      %dma_start3A_649 = tpu.memref_slice %arg16[%dma_start3A_638] : memref<2x!tpu.dma_semaphore, #tpu.memory_space<semaphore_mem>> -> memref<1x!tpu.dma_semaphore, #tpu.memory_space<semaphore_mem>>
      %dma_start3A_650 = tpu.memref_squeeze %dma_start3A_649 : memref<1x!tpu.dma_semaphore, #tpu.memory_space<semaphore_mem>> -> memref<!tpu.dma_semaphore, #tpu.memory_space<semaphore_mem>>
      tpu.enqueue_indirect_dma source(%dma_start3A_642 : memref<40x136xf32, #tpu.memory_space<vmem>>) target(%dma_start3A_648 : memref<10000x136xf32, #tpu.memory_space<vmem_shared>>) offsets(%dma_start3A_645 : memref<40xi32, #tpu.memory_space<vmem>>) semaphore(%dma_start3A_650 : memref<!tpu.dma_semaphore, #tpu.memory_space<semaphore_mem>>) {add = true}
      %dma_wait3A_651 = arith.constant 1 : i32
      %dma_wait3A_652 = arith.constant 1 : i32
      %dma_wait3A_653 = arith.constant 0 : i32
      %dma_wait3A_654 = arith.constant 0 : i32
      %dma_wait3A_655 = tpu.memref_slice %arg12[%dma_wait3A_651, %dma_wait3A_653, %dma_wait3A_654] : memref<2x40x136xf32, #tpu.memory_space<vmem>> -> memref<1x40x136xf32, #tpu.memory_space<vmem>>
      %dma_wait3A_656 = tpu.memref_squeeze %dma_wait3A_655 : memref<1x40x136xf32, #tpu.memory_space<vmem>> -> memref<40x136xf32, #tpu.memory_space<vmem>>
      %dma_wait3A_657 = arith.constant 0 : i32
      %dma_wait3A_658 = arith.constant 0 : i32
      %dma_wait3A_659 = tpu.memref_slice %arg7[%dma_wait3A_657, %dma_wait3A_658] : memref<10000x136xf32, #tpu.memory_space<vmem_shared>> -> memref<10000x136xf32, #tpu.memory_space<vmem_shared>>
      %dma_wait3A_660 = tpu.memref_slice %arg16[%dma_wait3A_652] : memref<2x!tpu.dma_semaphore, #tpu.memory_space<semaphore_mem>> -> memref<1x!tpu.dma_semaphore, #tpu.memory_space<semaphore_mem>>
      %dma_wait3A_661 = tpu.memref_squeeze %dma_wait3A_660 : memref<1x!tpu.dma_semaphore, #tpu.memory_space<semaphore_mem>> -> memref<!tpu.dma_semaphore, #tpu.memory_space<semaphore_mem>>
      tpu.wait_indirect_dma semaphore(%dma_wait3A_661 : memref<!tpu.dma_semaphore, #tpu.memory_space<semaphore_mem>>) src(%dma_wait3A_656 : memref<40x136xf32, #tpu.memory_space<vmem>>) dst(%dma_wait3A_659 : memref<10000x136xf32, #tpu.memory_space<vmem_shared>>)
      %scan3A_662 = arith.constant 0 : i32
      %scan3A_663 = arith.constant 40 : i32
      %scan3A_664 = arith.addi %scan3A_662, %scan3A_663 : i32
      %scan3A_665 = arith.constant 1 : i32
      scf.for %scan3A_681 = %scan3A_662 to %scan3A_664 step %scan3A_665  : i32 {
        %add3A_682 = arith.constant 40 : i32
        %add3A_683 = arith.addi %add3A_682, %scan3A_681 : i32
        %get3A = arith.constant 1 : i32
        %get3A_684 = arith.index_cast %get3A : i32 to index
        %get3A_685 = arith.index_cast %add3A_683 : i32 to index
        %get3A_686 = arith.constant 120 : index
        %get3A_687 = tpu.vector_load %arg10[%get3A_684, %get3A_685, %get3A_686] {strides = array<i32>} : memref<2x80x136xf32, #tpu.memory_space<vmem>>, vector<1x1x16xf32>,
        %get3A_688 = vector.shape_cast %get3A_687 : vector<1x1x16xf32> to vector<16xf32>
        %add3A_689 = arith.constant 40 : i32
        %add3A_690 = arith.addi %add3A_689, %scan3A_681 : i32
        %get3A_691 = arith.constant 1 : i32
        %get3A_692 = arith.index_cast %get3A_691 : i32 to index
        %get3A_693 = arith.index_cast %add3A_690 : i32 to index
        %get3A_694 = arith.constant 0 : index
        %get3A_695 = tpu.vector_load %arg11[%get3A_692, %get3A_693, %get3A_694] {strides = array<i32>} : memref<2x80x16xf32, #tpu.memory_space<vmem>>, vector<1x1x16xf32>,
        %get3A_696 = vector.shape_cast %get3A_695 : vector<1x1x16xf32> to vector<16xf32>
        %add3A_697 = arith.addf %get3A_688, %get3A_696 : vector<16xf32>
        %ge3A = arith.constant 0.000000e+00 : f32
        %ge3A_698 = vector.broadcast %ge3A : f32 to vector<16xf32>
        %ge3A_699 = arith.cmpf oge, %add3A_697, %ge3A_698 : vector<16xf32>
        %mul3A_700 = arith.constant 2.000000e-01 : f32
        %mul3A_701 = vector.broadcast %mul3A_700 : f32 to vector<16xf32>
        %mul3A_702 = arith.mulf %add3A_697, %mul3A_701 : vector<16xf32>
        %select_n3A = arith.select %ge3A_699, %add3A_697, %mul3A_702 : vector<16xi1>, vector<16xf32>
        %exp3A = math.exp %select_n3A : vector<16xf32>
        %swap3A_703 = arith.constant 1 : i32
        %swap3A_704 = arith.index_cast %swap3A_703 : i32 to index
        %swap3A_705 = arith.index_cast %scan3A_681 : i32 to index
        %swap3A_706 = arith.constant 120 : index
        %swap3A_707 = tpu.vector_load %arg12[%swap3A_704, %swap3A_705, %swap3A_706] {strides = array<i32>} : memref<2x40x136xf32, #tpu.memory_space<vmem>>, vector<1x1x16xf32>,
        %swap3A_708 = vector.shape_cast %swap3A_707 : vector<1x1x16xf32> to vector<16xf32>
        %swap3A_709 = vector.shape_cast %exp3A : vector<16xf32> to vector<1x1x16xf32>
        tpu.vector_store %arg12[%swap3A_704, %swap3A_705, %swap3A_706], %swap3A_709 {strides = array<i32>} : memref<2x40x136xf32, #tpu.memory_space<vmem>>, vector<1x1x16xf32>,
        %add3A_710 = arith.constant 40 : i32
        %add3A_711 = arith.addi %add3A_710, %scan3A_681 : i32
        %get3A_712 = arith.constant 1 : i32
        %get3A_713 = arith.index_cast %get3A_712 : i32 to index
        %get3A_714 = arith.index_cast %add3A_711 : i32 to index
        %get3A_715 = arith.constant 0 : index
        %get3A_716 = tpu.vector_load %arg10[%get3A_713, %get3A_714, %get3A_715] {strides = array<i32>} : memref<2x80x136xf32, #tpu.memory_space<vmem>>, vector<1x1x16xf32>,
        %get3A_717 = vector.shape_cast %get3A_716 : vector<1x1x16xf32> to vector<16xf32>
        %slice3A = vector.extract_strided_slice %exp3A {offsets = [8], sizes = [1], strides = [1]} : vector<16xf32> to vector<1xf32>
        %squeeze3A = vector.extract %slice3A[0] : f32 from vector<1xf32>
        %broadcast_in_dim3A_718 = vector.broadcast %squeeze3A : f32 to vector<16xf32>
        %mul3A_719 = arith.mulf %get3A_717, %broadcast_in_dim3A_718 : vector<16xf32>
        %swap3A_720 = arith.constant 1 : i32
        %swap3A_721 = arith.index_cast %swap3A_720 : i32 to index
        %swap3A_722 = arith.index_cast %scan3A_681 : i32 to index
        %swap3A_723 = arith.constant 0 : index
        %swap3A_724 = tpu.vector_load %arg12[%swap3A_721, %swap3A_722, %swap3A_723] {strides = array<i32>} : memref<2x40x136xf32, #tpu.memory_space<vmem>>, vector<1x1x16xf32>,
        %swap3A_725 = vector.shape_cast %swap3A_724 : vector<1x1x16xf32> to vector<16xf32>
        %swap3A_726 = vector.shape_cast %mul3A_719 : vector<16xf32> to vector<1x1x16xf32>
        tpu.vector_store %arg12[%swap3A_721, %swap3A_722, %swap3A_723], %swap3A_726 {strides = array<i32>} : memref<2x40x136xf32, #tpu.memory_space<vmem>>, vector<1x1x16xf32>,
        %add3A_727 = arith.constant 40 : i32
        %add3A_728 = arith.addi %add3A_727, %scan3A_681 : i32
        %get3A_729 = arith.constant 1 : i32
        %get3A_730 = arith.index_cast %get3A_729 : i32 to index
        %get3A_731 = arith.index_cast %add3A_728 : i32 to index
        %get3A_732 = arith.constant 16 : index
        %get3A_733 = tpu.vector_load %arg10[%get3A_730, %get3A_731, %get3A_732] {strides = array<i32>} : memref<2x80x136xf32, #tpu.memory_space<vmem>>, vector<1x1x16xf32>,
        %get3A_734 = vector.shape_cast %get3A_733 : vector<1x1x16xf32> to vector<16xf32>
        %slice3A_735 = vector.extract_strided_slice %exp3A {offsets = [9], sizes = [1], strides = [1]} : vector<16xf32> to vector<1xf32>
        %squeeze3A_736 = vector.extract %slice3A_735[0] : f32 from vector<1xf32>
        %broadcast_in_dim3A_737 = vector.broadcast %squeeze3A_736 : f32 to vector<16xf32>
        %mul3A_738 = arith.mulf %get3A_734, %broadcast_in_dim3A_737 : vector<16xf32>
        %swap3A_739 = arith.constant 1 : i32
        %swap3A_740 = arith.index_cast %swap3A_739 : i32 to index
        %swap3A_741 = arith.index_cast %scan3A_681 : i32 to index
        %swap3A_742 = arith.constant 16 : index
        %swap3A_743 = tpu.vector_load %arg12[%swap3A_740, %swap3A_741, %swap3A_742] {strides = array<i32>} : memref<2x40x136xf32, #tpu.memory_space<vmem>>, vector<1x1x16xf32>,
        %swap3A_744 = vector.shape_cast %swap3A_743 : vector<1x1x16xf32> to vector<16xf32>
        %swap3A_745 = vector.shape_cast %mul3A_738 : vector<16xf32> to vector<1x1x16xf32>
        tpu.vector_store %arg12[%swap3A_740, %swap3A_741, %swap3A_742], %swap3A_745 {strides = array<i32>} : memref<2x40x136xf32, #tpu.memory_space<vmem>>, vector<1x1x16xf32>,
        %add3A_746 = arith.constant 40 : i32
        %add3A_747 = arith.addi %add3A_746, %scan3A_681 : i32
        %get3A_748 = arith.constant 1 : i32
        %get3A_749 = arith.index_cast %get3A_748 : i32 to index
        %get3A_750 = arith.index_cast %add3A_747 : i32 to index
        %get3A_751 = arith.constant 32 : index
        %get3A_752 = tpu.vector_load %arg10[%get3A_749, %get3A_750, %get3A_751] {strides = array<i32>} : memref<2x80x136xf32, #tpu.memory_space<vmem>>, vector<1x1x16xf32>,
        %get3A_753 = vector.shape_cast %get3A_752 : vector<1x1x16xf32> to vector<16xf32>
        %slice3A_754 = vector.extract_strided_slice %exp3A {offsets = [10], sizes = [1], strides = [1]} : vector<16xf32> to vector<1xf32>
        %squeeze3A_755 = vector.extract %slice3A_754[0] : f32 from vector<1xf32>
        %broadcast_in_dim3A_756 = vector.broadcast %squeeze3A_755 : f32 to vector<16xf32>
        %mul3A_757 = arith.mulf %get3A_753, %broadcast_in_dim3A_756 : vector<16xf32>
        %swap3A_758 = arith.constant 1 : i32
        %swap3A_759 = arith.index_cast %swap3A_758 : i32 to index
        %swap3A_760 = arith.index_cast %scan3A_681 : i32 to index
        %swap3A_761 = arith.constant 32 : index
        %swap3A_762 = tpu.vector_load %arg12[%swap3A_759, %swap3A_760, %swap3A_761] {strides = array<i32>} : memref<2x40x136xf32, #tpu.memory_space<vmem>>, vector<1x1x16xf32>,
        %swap3A_763 = vector.shape_cast %swap3A_762 : vector<1x1x16xf32> to vector<16xf32>
        %swap3A_764 = vector.shape_cast %mul3A_757 : vector<16xf32> to vector<1x1x16xf32>
        tpu.vector_store %arg12[%swap3A_759, %swap3A_760, %swap3A_761], %swap3A_764 {strides = array<i32>} : memref<2x40x136xf32, #tpu.memory_space<vmem>>, vector<1x1x16xf32>,
        %add3A_765 = arith.constant 40 : i32
        %add3A_766 = arith.addi %add3A_765, %scan3A_681 : i32
        %get3A_767 = arith.constant 1 : i32
        %get3A_768 = arith.index_cast %get3A_767 : i32 to index
        %get3A_769 = arith.index_cast %add3A_766 : i32 to index
        %get3A_770 = arith.constant 48 : index
        %get3A_771 = tpu.vector_load %arg10[%get3A_768, %get3A_769, %get3A_770] {strides = array<i32>} : memref<2x80x136xf32, #tpu.memory_space<vmem>>, vector<1x1x16xf32>,
        %get3A_772 = vector.shape_cast %get3A_771 : vector<1x1x16xf32> to vector<16xf32>
        %slice3A_773 = vector.extract_strided_slice %exp3A {offsets = [11], sizes = [1], strides = [1]} : vector<16xf32> to vector<1xf32>
        %squeeze3A_774 = vector.extract %slice3A_773[0] : f32 from vector<1xf32>
        %broadcast_in_dim3A_775 = vector.broadcast %squeeze3A_774 : f32 to vector<16xf32>
        %mul3A_776 = arith.mulf %get3A_772, %broadcast_in_dim3A_775 : vector<16xf32>
        %swap3A_777 = arith.constant 1 : i32
        %swap3A_778 = arith.index_cast %swap3A_777 : i32 to index
        %swap3A_779 = arith.index_cast %scan3A_681 : i32 to index
        %swap3A_780 = arith.constant 48 : index
        %swap3A_781 = tpu.vector_load %arg12[%swap3A_778, %swap3A_779, %swap3A_780] {strides = array<i32>} : memref<2x40x136xf32, #tpu.memory_space<vmem>>, vector<1x1x16xf32>,
        %swap3A_782 = vector.shape_cast %swap3A_781 : vector<1x1x16xf32> to vector<16xf32>
        %swap3A_783 = vector.shape_cast %mul3A_776 : vector<16xf32> to vector<1x1x16xf32>
        tpu.vector_store %arg12[%swap3A_778, %swap3A_779, %swap3A_780], %swap3A_783 {strides = array<i32>} : memref<2x40x136xf32, #tpu.memory_space<vmem>>, vector<1x1x16xf32>,
        %add3A_784 = arith.constant 40 : i32
        %add3A_785 = arith.addi %add3A_784, %scan3A_681 : i32
        %get3A_786 = arith.constant 1 : i32
        %get3A_787 = arith.index_cast %get3A_786 : i32 to index
        %get3A_788 = arith.index_cast %add3A_785 : i32 to index
        %get3A_789 = arith.constant 64 : index
        %get3A_790 = tpu.vector_load %arg10[%get3A_787, %get3A_788, %get3A_789] {strides = array<i32>} : memref<2x80x136xf32, #tpu.memory_space<vmem>>, vector<1x1x16xf32>,
        %get3A_791 = vector.shape_cast %get3A_790 : vector<1x1x16xf32> to vector<16xf32>
        %slice3A_792 = vector.extract_strided_slice %exp3A {offsets = [12], sizes = [1], strides = [1]} : vector<16xf32> to vector<1xf32>
        %squeeze3A_793 = vector.extract %slice3A_792[0] : f32 from vector<1xf32>
        %broadcast_in_dim3A_794 = vector.broadcast %squeeze3A_793 : f32 to vector<16xf32>
        %mul3A_795 = arith.mulf %get3A_791, %broadcast_in_dim3A_794 : vector<16xf32>
        %swap3A_796 = arith.constant 1 : i32
        %swap3A_797 = arith.index_cast %swap3A_796 : i32 to index
        %swap3A_798 = arith.index_cast %scan3A_681 : i32 to index
        %swap3A_799 = arith.constant 64 : index
        %swap3A_800 = tpu.vector_load %arg12[%swap3A_797, %swap3A_798, %swap3A_799] {strides = array<i32>} : memref<2x40x136xf32, #tpu.memory_space<vmem>>, vector<1x1x16xf32>,
        %swap3A_801 = vector.shape_cast %swap3A_800 : vector<1x1x16xf32> to vector<16xf32>
        %swap3A_802 = vector.shape_cast %mul3A_795 : vector<16xf32> to vector<1x1x16xf32>
        tpu.vector_store %arg12[%swap3A_797, %swap3A_798, %swap3A_799], %swap3A_802 {strides = array<i32>} : memref<2x40x136xf32, #tpu.memory_space<vmem>>, vector<1x1x16xf32>,
        %add3A_803 = arith.constant 40 : i32
        %add3A_804 = arith.addi %add3A_803, %scan3A_681 : i32
        %get3A_805 = arith.constant 1 : i32
        %get3A_806 = arith.index_cast %get3A_805 : i32 to index
        %get3A_807 = arith.index_cast %add3A_804 : i32 to index
        %get3A_808 = arith.constant 80 : index
        %get3A_809 = tpu.vector_load %arg10[%get3A_806, %get3A_807, %get3A_808] {strides = array<i32>} : memref<2x80x136xf32, #tpu.memory_space<vmem>>, vector<1x1x16xf32>,
        %get3A_810 = vector.shape_cast %get3A_809 : vector<1x1x16xf32> to vector<16xf32>
        %slice3A_811 = vector.extract_strided_slice %exp3A {offsets = [13], sizes = [1], strides = [1]} : vector<16xf32> to vector<1xf32>
        %squeeze3A_812 = vector.extract %slice3A_811[0] : f32 from vector<1xf32>
        %broadcast_in_dim3A_813 = vector.broadcast %squeeze3A_812 : f32 to vector<16xf32>
        %mul3A_814 = arith.mulf %get3A_810, %broadcast_in_dim3A_813 : vector<16xf32>
        %swap3A_815 = arith.constant 1 : i32
        %swap3A_816 = arith.index_cast %swap3A_815 : i32 to index
        %swap3A_817 = arith.index_cast %scan3A_681 : i32 to index
        %swap3A_818 = arith.constant 80 : index
        %swap3A_819 = tpu.vector_load %arg12[%swap3A_816, %swap3A_817, %swap3A_818] {strides = array<i32>} : memref<2x40x136xf32, #tpu.memory_space<vmem>>, vector<1x1x16xf32>,
        %swap3A_820 = vector.shape_cast %swap3A_819 : vector<1x1x16xf32> to vector<16xf32>
        %swap3A_821 = vector.shape_cast %mul3A_814 : vector<16xf32> to vector<1x1x16xf32>
        tpu.vector_store %arg12[%swap3A_816, %swap3A_817, %swap3A_818], %swap3A_821 {strides = array<i32>} : memref<2x40x136xf32, #tpu.memory_space<vmem>>, vector<1x1x16xf32>,
        %add3A_822 = arith.constant 40 : i32
        %add3A_823 = arith.addi %add3A_822, %scan3A_681 : i32
        %get3A_824 = arith.constant 1 : i32
        %get3A_825 = arith.index_cast %get3A_824 : i32 to index
        %get3A_826 = arith.index_cast %add3A_823 : i32 to index
        %get3A_827 = arith.constant 96 : index
        %get3A_828 = tpu.vector_load %arg10[%get3A_825, %get3A_826, %get3A_827] {strides = array<i32>} : memref<2x80x136xf32, #tpu.memory_space<vmem>>, vector<1x1x16xf32>,
        %get3A_829 = vector.shape_cast %get3A_828 : vector<1x1x16xf32> to vector<16xf32>
        %slice3A_830 = vector.extract_strided_slice %exp3A {offsets = [14], sizes = [1], strides = [1]} : vector<16xf32> to vector<1xf32>
        %squeeze3A_831 = vector.extract %slice3A_830[0] : f32 from vector<1xf32>
        %broadcast_in_dim3A_832 = vector.broadcast %squeeze3A_831 : f32 to vector<16xf32>
        %mul3A_833 = arith.mulf %get3A_829, %broadcast_in_dim3A_832 : vector<16xf32>
        %swap3A_834 = arith.constant 1 : i32
        %swap3A_835 = arith.index_cast %swap3A_834 : i32 to index
        %swap3A_836 = arith.index_cast %scan3A_681 : i32 to index
        %swap3A_837 = arith.constant 96 : index
        %swap3A_838 = tpu.vector_load %arg12[%swap3A_835, %swap3A_836, %swap3A_837] {strides = array<i32>} : memref<2x40x136xf32, #tpu.memory_space<vmem>>, vector<1x1x16xf32>,
        %swap3A_839 = vector.shape_cast %swap3A_838 : vector<1x1x16xf32> to vector<16xf32>
        %swap3A_840 = vector.shape_cast %mul3A_833 : vector<16xf32> to vector<1x1x16xf32>
        tpu.vector_store %arg12[%swap3A_835, %swap3A_836, %swap3A_837], %swap3A_840 {strides = array<i32>} : memref<2x40x136xf32, #tpu.memory_space<vmem>>, vector<1x1x16xf32>,
        %add3A_841 = arith.constant 40 : i32
        %add3A_842 = arith.addi %add3A_841, %scan3A_681 : i32
        %get3A_843 = arith.constant 1 : i32
        %get3A_844 = arith.index_cast %get3A_843 : i32 to index
        %get3A_845 = arith.index_cast %add3A_842 : i32 to index
        %get3A_846 = arith.constant 112 : index
        %get3A_847 = tpu.vector_load %arg10[%get3A_844, %get3A_845, %get3A_846] {strides = array<i32>} : memref<2x80x136xf32, #tpu.memory_space<vmem>>, vector<1x1x16xf32>,
        %get3A_848 = vector.shape_cast %get3A_847 : vector<1x1x16xf32> to vector<16xf32>
        %slice3A_849 = vector.extract_strided_slice %exp3A {offsets = [15], sizes = [1], strides = [1]} : vector<16xf32> to vector<1xf32>
        %squeeze3A_850 = vector.extract %slice3A_849[0] : f32 from vector<1xf32>
        %broadcast_in_dim3A_851 = vector.broadcast %squeeze3A_850 : f32 to vector<16xf32>
        %mul3A_852 = arith.mulf %get3A_848, %broadcast_in_dim3A_851 : vector<16xf32>
        %swap3A_853 = arith.constant 1 : i32
        %swap3A_854 = arith.index_cast %swap3A_853 : i32 to index
        %swap3A_855 = arith.index_cast %scan3A_681 : i32 to index
        %swap3A_856 = arith.constant 112 : index
        %swap3A_857 = tpu.vector_load %arg12[%swap3A_854, %swap3A_855, %swap3A_856] {strides = array<i32>} : memref<2x40x136xf32, #tpu.memory_space<vmem>>, vector<1x1x16xf32>,
        %swap3A_858 = vector.shape_cast %swap3A_857 : vector<1x1x16xf32> to vector<16xf32>
        %swap3A_859 = vector.shape_cast %mul3A_852 : vector<16xf32> to vector<1x1x16xf32>
        tpu.vector_store %arg12[%swap3A_854, %swap3A_855, %swap3A_856], %swap3A_859 {strides = array<i32>} : memref<2x40x136xf32, #tpu.memory_space<vmem>>, vector<1x1x16xf32>,
      }
      %scan3A_666 = arith.constant 40 : i32
      %dma_start3A_667 = arith.constant 1 : i32
      %dma_start3A_668 = arith.constant 1 : i32
      %dma_start3A_669 = arith.constant 0 : i32
      %dma_start3A_670 = arith.constant 0 : i32
      %dma_start3A_671 = tpu.memref_slice %arg12[%dma_start3A_667, %dma_start3A_669, %dma_start3A_670] : memref<2x40x136xf32, #tpu.memory_space<vmem>> -> memref<1x40x136xf32, #tpu.memory_space<vmem>>
      %dma_start3A_672 = tpu.memref_squeeze %dma_start3A_671 : memref<1x40x136xf32, #tpu.memory_space<vmem>> -> memref<40x136xf32, #tpu.memory_space<vmem>>
      %dma_start3A_673 = arith.constant 40 : i32
      %dma_start3A_674 = tpu.memref_slice %arg9[%add3A_468, %dma_start3A_673] : memref<63x80xi32, #tpu.memory_space<vmem>> -> memref<1x40xi32, #tpu.memory_space<vmem>>
      %dma_start3A_675 = tpu.memref_squeeze %dma_start3A_674 : memref<1x40xi32, #tpu.memory_space<vmem>> -> memref<40xi32, #tpu.memory_space<vmem>>
      %dma_start3A_676 = arith.constant 0 : i32
      %dma_start3A_677 = arith.constant 0 : i32
      %dma_start3A_678 = tpu.memref_slice %arg7[%dma_start3A_676, %dma_start3A_677] : memref<10000x136xf32, #tpu.memory_space<vmem_shared>> -> memref<10000x136xf32, #tpu.memory_space<vmem_shared>>
      %dma_start3A_679 = tpu.memref_slice %arg16[%dma_start3A_668] : memref<2x!tpu.dma_semaphore, #tpu.memory_space<semaphore_mem>> -> memref<1x!tpu.dma_semaphore, #tpu.memory_space<semaphore_mem>>
      %dma_start3A_680 = tpu.memref_squeeze %dma_start3A_679 : memref<1x!tpu.dma_semaphore, #tpu.memory_space<semaphore_mem>> -> memref<!tpu.dma_semaphore, #tpu.memory_space<semaphore_mem>>
      tpu.enqueue_indirect_dma source(%dma_start3A_672 : memref<40x136xf32, #tpu.memory_space<vmem>>) target(%dma_start3A_678 : memref<10000x136xf32, #tpu.memory_space<vmem_shared>>) offsets(%dma_start3A_675 : memref<40xi32, #tpu.memory_space<vmem>>) semaphore(%dma_start3A_680 : memref<!tpu.dma_semaphore, #tpu.memory_space<semaphore_mem>>) {add = true}
    }
    %scan3A_221 = arith.constant 30 : i32
    %dma_wait3A_222 = arith.constant 0 : i32
    %dma_wait3A_223 = arith.constant 0 : i32
    %dma_wait3A_224 = arith.constant 0 : i32
    %dma_wait3A_225 = arith.constant 0 : i32
    %dma_wait3A_226 = arith.constant 0 : i32
    %dma_wait3A_227 = tpu.memref_slice %arg10[%dma_wait3A_223, %dma_wait3A_225, %dma_wait3A_226] : memref<2x80x136xf32, #tpu.memory_space<vmem>> -> memref<1x80x136xf32, #tpu.memory_space<vmem>>
    %dma_wait3A_228 = tpu.memref_squeeze %dma_wait3A_227 : memref<1x80x136xf32, #tpu.memory_space<vmem>> -> memref<80x136xf32, #tpu.memory_space<vmem>>
    %dma_wait3A_229 = arith.constant 0 : i32
    %dma_wait3A_230 = tpu.memref_slice %arg8[%dma_wait3A_222, %dma_wait3A_229] : memref<63x80xi32, #tpu.memory_space<vmem>> -> memref<1x80xi32, #tpu.memory_space<vmem>>
    %dma_wait3A_231 = tpu.memref_squeeze %dma_wait3A_230 : memref<1x80xi32, #tpu.memory_space<vmem>> -> memref<80xi32, #tpu.memory_space<vmem>>
    %dma_wait3A_232 = arith.constant 0 : i32
    %dma_wait3A_233 = arith.constant 0 : i32
    %dma_wait3A_234 = tpu.memref_slice %arg2[%dma_wait3A_232, %dma_wait3A_233] : memref<10000x136xf32, #tpu.memory_space<hbm>> -> memref<10000x136xf32, #tpu.memory_space<hbm>>
    %dma_wait3A_235 = tpu.memref_slice %arg14[%dma_wait3A_224] : memref<2x!tpu.dma_semaphore, #tpu.memory_space<semaphore_mem>> -> memref<1x!tpu.dma_semaphore, #tpu.memory_space<semaphore_mem>>
    %dma_wait3A_236 = tpu.memref_squeeze %dma_wait3A_235 : memref<1x!tpu.dma_semaphore, #tpu.memory_space<semaphore_mem>> -> memref<!tpu.dma_semaphore, #tpu.memory_space<semaphore_mem>>
    tpu.wait_indirect_dma semaphore(%dma_wait3A_236 : memref<!tpu.dma_semaphore, #tpu.memory_space<semaphore_mem>>) src(%dma_wait3A_234 : memref<10000x136xf32, #tpu.memory_space<hbm>>) dst(%dma_wait3A_228 : memref<80x136xf32, #tpu.memory_space<vmem>>)
    %dma_wait3A_237 = arith.constant 0 : i32
    %dma_wait3A_238 = arith.constant 0 : i32
    %dma_wait3A_239 = arith.constant 0 : i32
    %dma_wait3A_240 = arith.constant 0 : i32
    %dma_wait3A_241 = arith.constant 0 : i32
    %dma_wait3A_242 = tpu.memref_slice %arg11[%dma_wait3A_238, %dma_wait3A_240, %dma_wait3A_241] : memref<2x80x16xf32, #tpu.memory_space<vmem>> -> memref<1x80x16xf32, #tpu.memory_space<vmem>>
    %dma_wait3A_243 = tpu.memref_squeeze %dma_wait3A_242 : memref<1x80x16xf32, #tpu.memory_space<vmem>> -> memref<80x16xf32, #tpu.memory_space<vmem>>
    %dma_wait3A_244 = arith.constant 0 : i32
    %dma_wait3A_245 = tpu.memref_slice %arg9[%dma_wait3A_237, %dma_wait3A_244] : memref<63x80xi32, #tpu.memory_space<vmem>> -> memref<1x80xi32, #tpu.memory_space<vmem>>
    %dma_wait3A_246 = tpu.memref_squeeze %dma_wait3A_245 : memref<1x80xi32, #tpu.memory_space<vmem>> -> memref<80xi32, #tpu.memory_space<vmem>>
    %dma_wait3A_247 = arith.constant 0 : i32
    %dma_wait3A_248 = arith.constant 0 : i32
    %dma_wait3A_249 = tpu.memref_slice %arg3[%dma_wait3A_247, %dma_wait3A_248] : memref<10000x16xf32, #tpu.memory_space<hbm>> -> memref<10000x16xf32, #tpu.memory_space<hbm>>
    %dma_wait3A_250 = tpu.memref_slice %arg15[%dma_wait3A_239] : memref<2x!tpu.dma_semaphore, #tpu.memory_space<semaphore_mem>> -> memref<1x!tpu.dma_semaphore, #tpu.memory_space<semaphore_mem>>
    %dma_wait3A_251 = tpu.memref_squeeze %dma_wait3A_250 : memref<1x!tpu.dma_semaphore, #tpu.memory_space<semaphore_mem>> -> memref<!tpu.dma_semaphore, #tpu.memory_space<semaphore_mem>>
    tpu.wait_indirect_dma semaphore(%dma_wait3A_251 : memref<!tpu.dma_semaphore, #tpu.memory_space<semaphore_mem>>) src(%dma_wait3A_249 : memref<10000x16xf32, #tpu.memory_space<hbm>>) dst(%dma_wait3A_243 : memref<80x16xf32, #tpu.memory_space<vmem>>)
    %dma_wait3A_252 = arith.constant 0 : i32
    %dma_wait3A_253 = arith.constant 0 : i32
    %dma_wait3A_254 = arith.constant 0 : i32
    %dma_wait3A_255 = arith.constant 0 : i32
    %dma_wait3A_256 = tpu.memref_slice %arg12[%dma_wait3A_252, %dma_wait3A_254, %dma_wait3A_255] : memref<2x40x136xf32, #tpu.memory_space<vmem>> -> memref<1x40x136xf32, #tpu.memory_space<vmem>>
    %dma_wait3A_257 = tpu.memref_squeeze %dma_wait3A_256 : memref<1x40x136xf32, #tpu.memory_space<vmem>> -> memref<40x136xf32, #tpu.memory_space<vmem>>
    %dma_wait3A_258 = arith.constant 0 : i32
    %dma_wait3A_259 = arith.constant 0 : i32
    %dma_wait3A_260 = tpu.memref_slice %arg7[%dma_wait3A_258, %dma_wait3A_259] : memref<10000x136xf32, #tpu.memory_space<vmem_shared>> -> memref<10000x136xf32, #tpu.memory_space<vmem_shared>>
    %dma_wait3A_261 = tpu.memref_slice %arg16[%dma_wait3A_253] : memref<2x!tpu.dma_semaphore, #tpu.memory_space<semaphore_mem>> -> memref<1x!tpu.dma_semaphore, #tpu.memory_space<semaphore_mem>>
    %dma_wait3A_262 = tpu.memref_squeeze %dma_wait3A_261 : memref<1x!tpu.dma_semaphore, #tpu.memory_space<semaphore_mem>> -> memref<!tpu.dma_semaphore, #tpu.memory_space<semaphore_mem>>
    tpu.wait_indirect_dma semaphore(%dma_wait3A_262 : memref<!tpu.dma_semaphore, #tpu.memory_space<semaphore_mem>>) src(%dma_wait3A_257 : memref<40x136xf32, #tpu.memory_space<vmem>>) dst(%dma_wait3A_260 : memref<10000x136xf32, #tpu.memory_space<vmem_shared>>)
    %scan3A_263 = arith.constant 0 : i32
    %scan3A_264 = arith.constant 40 : i32
    %scan3A_265 = arith.addi %scan3A_263, %scan3A_264 : i32
    %scan3A_266 = arith.constant 1 : i32
    scf.for %scan3A_464 = %scan3A_263 to %scan3A_265 step %scan3A_266  : i32 {
      %add3A_465 = arith.constant 0 : i32
      %add3A_466 = arith.addi %add3A_465, %scan3A_464 : i32
      %get3A = arith.constant 0 : i32
      %get3A_467 = arith.index_cast %get3A : i32 to index
      %get3A_468 = arith.index_cast %add3A_466 : i32 to index
      %get3A_469 = arith.constant 120 : index
      %get3A_470 = tpu.vector_load %arg10[%get3A_467, %get3A_468, %get3A_469] {strides = array<i32>} : memref<2x80x136xf32, #tpu.memory_space<vmem>>, vector<1x1x16xf32>,
      %get3A_471 = vector.shape_cast %get3A_470 : vector<1x1x16xf32> to vector<16xf32>
      %add3A_472 = arith.constant 0 : i32
      %add3A_473 = arith.addi %add3A_472, %scan3A_464 : i32
      %get3A_474 = arith.constant 0 : i32
      %get3A_475 = arith.index_cast %get3A_474 : i32 to index
      %get3A_476 = arith.index_cast %add3A_473 : i32 to index
      %get3A_477 = arith.constant 0 : index
      %get3A_478 = tpu.vector_load %arg11[%get3A_475, %get3A_476, %get3A_477] {strides = array<i32>} : memref<2x80x16xf32, #tpu.memory_space<vmem>>, vector<1x1x16xf32>,
      %get3A_479 = vector.shape_cast %get3A_478 : vector<1x1x16xf32> to vector<16xf32>
      %add3A_480 = arith.addf %get3A_471, %get3A_479 : vector<16xf32>
      %ge3A = arith.constant 0.000000e+00 : f32
      %ge3A_481 = vector.broadcast %ge3A : f32 to vector<16xf32>
      %ge3A_482 = arith.cmpf oge, %add3A_480, %ge3A_481 : vector<16xf32>
      %mul3A_483 = arith.constant 2.000000e-01 : f32
      %mul3A_484 = vector.broadcast %mul3A_483 : f32 to vector<16xf32>
      %mul3A_485 = arith.mulf %add3A_480, %mul3A_484 : vector<16xf32>
      %select_n3A = arith.select %ge3A_482, %add3A_480, %mul3A_485 : vector<16xi1>, vector<16xf32>
      %exp3A = math.exp %select_n3A : vector<16xf32>
      %swap3A_486 = arith.constant 0 : i32
      %swap3A_487 = arith.index_cast %swap3A_486 : i32 to index
      %swap3A_488 = arith.index_cast %scan3A_464 : i32 to index
      %swap3A_489 = arith.constant 120 : index
      %swap3A_490 = tpu.vector_load %arg12[%swap3A_487, %swap3A_488, %swap3A_489] {strides = array<i32>} : memref<2x40x136xf32, #tpu.memory_space<vmem>>, vector<1x1x16xf32>,
      %swap3A_491 = vector.shape_cast %swap3A_490 : vector<1x1x16xf32> to vector<16xf32>
      %swap3A_492 = vector.shape_cast %exp3A : vector<16xf32> to vector<1x1x16xf32>
      tpu.vector_store %arg12[%swap3A_487, %swap3A_488, %swap3A_489], %swap3A_492 {strides = array<i32>} : memref<2x40x136xf32, #tpu.memory_space<vmem>>, vector<1x1x16xf32>,
      %add3A_493 = arith.constant 0 : i32
      %add3A_494 = arith.addi %add3A_493, %scan3A_464 : i32
      %get3A_495 = arith.constant 0 : i32
      %get3A_496 = arith.index_cast %get3A_495 : i32 to index
      %get3A_497 = arith.index_cast %add3A_494 : i32 to index
      %get3A_498 = arith.constant 0 : index
      %get3A_499 = tpu.vector_load %arg10[%get3A_496, %get3A_497, %get3A_498] {strides = array<i32>} : memref<2x80x136xf32, #tpu.memory_space<vmem>>, vector<1x1x16xf32>,
      %get3A_500 = vector.shape_cast %get3A_499 : vector<1x1x16xf32> to vector<16xf32>
      %slice3A = vector.extract_strided_slice %exp3A {offsets = [8], sizes = [1], strides = [1]} : vector<16xf32> to vector<1xf32>
      %squeeze3A = vector.extract %slice3A[0] : f32 from vector<1xf32>
      %broadcast_in_dim3A_501 = vector.broadcast %squeeze3A : f32 to vector<16xf32>
      %mul3A_502 = arith.mulf %get3A_500, %broadcast_in_dim3A_501 : vector<16xf32>
      %swap3A_503 = arith.constant 0 : i32
      %swap3A_504 = arith.index_cast %swap3A_503 : i32 to index
      %swap3A_505 = arith.index_cast %scan3A_464 : i32 to index
      %swap3A_506 = arith.constant 0 : index
      %swap3A_507 = tpu.vector_load %arg12[%swap3A_504, %swap3A_505, %swap3A_506] {strides = array<i32>} : memref<2x40x136xf32, #tpu.memory_space<vmem>>, vector<1x1x16xf32>,
      %swap3A_508 = vector.shape_cast %swap3A_507 : vector<1x1x16xf32> to vector<16xf32>
      %swap3A_509 = vector.shape_cast %mul3A_502 : vector<16xf32> to vector<1x1x16xf32>
      tpu.vector_store %arg12[%swap3A_504, %swap3A_505, %swap3A_506], %swap3A_509 {strides = array<i32>} : memref<2x40x136xf32, #tpu.memory_space<vmem>>, vector<1x1x16xf32>,
      %add3A_510 = arith.constant 0 : i32
      %add3A_511 = arith.addi %add3A_510, %scan3A_464 : i32
      %get3A_512 = arith.constant 0 : i32
      %get3A_513 = arith.index_cast %get3A_512 : i32 to index
      %get3A_514 = arith.index_cast %add3A_511 : i32 to index
      %get3A_515 = arith.constant 16 : index
      %get3A_516 = tpu.vector_load %arg10[%get3A_513, %get3A_514, %get3A_515] {strides = array<i32>} : memref<2x80x136xf32, #tpu.memory_space<vmem>>, vector<1x1x16xf32>,
      %get3A_517 = vector.shape_cast %get3A_516 : vector<1x1x16xf32> to vector<16xf32>
      %slice3A_518 = vector.extract_strided_slice %exp3A {offsets = [9], sizes = [1], strides = [1]} : vector<16xf32> to vector<1xf32>
      %squeeze3A_519 = vector.extract %slice3A_518[0] : f32 from vector<1xf32>
      %broadcast_in_dim3A_520 = vector.broadcast %squeeze3A_519 : f32 to vector<16xf32>
      %mul3A_521 = arith.mulf %get3A_517, %broadcast_in_dim3A_520 : vector<16xf32>
      %swap3A_522 = arith.constant 0 : i32
      %swap3A_523 = arith.index_cast %swap3A_522 : i32 to index
      %swap3A_524 = arith.index_cast %scan3A_464 : i32 to index
      %swap3A_525 = arith.constant 16 : index
      %swap3A_526 = tpu.vector_load %arg12[%swap3A_523, %swap3A_524, %swap3A_525] {strides = array<i32>} : memref<2x40x136xf32, #tpu.memory_space<vmem>>, vector<1x1x16xf32>,
      %swap3A_527 = vector.shape_cast %swap3A_526 : vector<1x1x16xf32> to vector<16xf32>
      %swap3A_528 = vector.shape_cast %mul3A_521 : vector<16xf32> to vector<1x1x16xf32>
      tpu.vector_store %arg12[%swap3A_523, %swap3A_524, %swap3A_525], %swap3A_528 {strides = array<i32>} : memref<2x40x136xf32, #tpu.memory_space<vmem>>, vector<1x1x16xf32>,
      %add3A_529 = arith.constant 0 : i32
      %add3A_530 = arith.addi %add3A_529, %scan3A_464 : i32
      %get3A_531 = arith.constant 0 : i32
      %get3A_532 = arith.index_cast %get3A_531 : i32 to index
      %get3A_533 = arith.index_cast %add3A_530 : i32 to index
      %get3A_534 = arith.constant 32 : index
      %get3A_535 = tpu.vector_load %arg10[%get3A_532, %get3A_533, %get3A_534] {strides = array<i32>} : memref<2x80x136xf32, #tpu.memory_space<vmem>>, vector<1x1x16xf32>,
      %get3A_536 = vector.shape_cast %get3A_535 : vector<1x1x16xf32> to vector<16xf32>
      %slice3A_537 = vector.extract_strided_slice %exp3A {offsets = [10], sizes = [1], strides = [1]} : vector<16xf32> to vector<1xf32>
      %squeeze3A_538 = vector.extract %slice3A_537[0] : f32 from vector<1xf32>
      %broadcast_in_dim3A_539 = vector.broadcast %squeeze3A_538 : f32 to vector<16xf32>
      %mul3A_540 = arith.mulf %get3A_536, %broadcast_in_dim3A_539 : vector<16xf32>
      %swap3A_541 = arith.constant 0 : i32
      %swap3A_542 = arith.index_cast %swap3A_541 : i32 to index
      %swap3A_543 = arith.index_cast %scan3A_464 : i32 to index
      %swap3A_544 = arith.constant 32 : index
      %swap3A_545 = tpu.vector_load %arg12[%swap3A_542, %swap3A_543, %swap3A_544] {strides = array<i32>} : memref<2x40x136xf32, #tpu.memory_space<vmem>>, vector<1x1x16xf32>,
      %swap3A_546 = vector.shape_cast %swap3A_545 : vector<1x1x16xf32> to vector<16xf32>
      %swap3A_547 = vector.shape_cast %mul3A_540 : vector<16xf32> to vector<1x1x16xf32>
      tpu.vector_store %arg12[%swap3A_542, %swap3A_543, %swap3A_544], %swap3A_547 {strides = array<i32>} : memref<2x40x136xf32, #tpu.memory_space<vmem>>, vector<1x1x16xf32>,
      %add3A_548 = arith.constant 0 : i32
      %add3A_549 = arith.addi %add3A_548, %scan3A_464 : i32
      %get3A_550 = arith.constant 0 : i32
      %get3A_551 = arith.index_cast %get3A_550 : i32 to index
      %get3A_552 = arith.index_cast %add3A_549 : i32 to index
      %get3A_553 = arith.constant 48 : index
      %get3A_554 = tpu.vector_load %arg10[%get3A_551, %get3A_552, %get3A_553] {strides = array<i32>} : memref<2x80x136xf32, #tpu.memory_space<vmem>>, vector<1x1x16xf32>,
      %get3A_555 = vector.shape_cast %get3A_554 : vector<1x1x16xf32> to vector<16xf32>
      %slice3A_556 = vector.extract_strided_slice %exp3A {offsets = [11], sizes = [1], strides = [1]} : vector<16xf32> to vector<1xf32>
      %squeeze3A_557 = vector.extract %slice3A_556[0] : f32 from vector<1xf32>
      %broadcast_in_dim3A_558 = vector.broadcast %squeeze3A_557 : f32 to vector<16xf32>
      %mul3A_559 = arith.mulf %get3A_555, %broadcast_in_dim3A_558 : vector<16xf32>
      %swap3A_560 = arith.constant 0 : i32
      %swap3A_561 = arith.index_cast %swap3A_560 : i32 to index
      %swap3A_562 = arith.index_cast %scan3A_464 : i32 to index
      %swap3A_563 = arith.constant 48 : index
      %swap3A_564 = tpu.vector_load %arg12[%swap3A_561, %swap3A_562, %swap3A_563] {strides = array<i32>} : memref<2x40x136xf32, #tpu.memory_space<vmem>>, vector<1x1x16xf32>,
      %swap3A_565 = vector.shape_cast %swap3A_564 : vector<1x1x16xf32> to vector<16xf32>
      %swap3A_566 = vector.shape_cast %mul3A_559 : vector<16xf32> to vector<1x1x16xf32>
      tpu.vector_store %arg12[%swap3A_561, %swap3A_562, %swap3A_563], %swap3A_566 {strides = array<i32>} : memref<2x40x136xf32, #tpu.memory_space<vmem>>, vector<1x1x16xf32>,
      %add3A_567 = arith.constant 0 : i32
      %add3A_568 = arith.addi %add3A_567, %scan3A_464 : i32
      %get3A_569 = arith.constant 0 : i32
      %get3A_570 = arith.index_cast %get3A_569 : i32 to index
      %get3A_571 = arith.index_cast %add3A_568 : i32 to index
      %get3A_572 = arith.constant 64 : index
      %get3A_573 = tpu.vector_load %arg10[%get3A_570, %get3A_571, %get3A_572] {strides = array<i32>} : memref<2x80x136xf32, #tpu.memory_space<vmem>>, vector<1x1x16xf32>,
      %get3A_574 = vector.shape_cast %get3A_573 : vector<1x1x16xf32> to vector<16xf32>
      %slice3A_575 = vector.extract_strided_slice %exp3A {offsets = [12], sizes = [1], strides = [1]} : vector<16xf32> to vector<1xf32>
      %squeeze3A_576 = vector.extract %slice3A_575[0] : f32 from vector<1xf32>
      %broadcast_in_dim3A_577 = vector.broadcast %squeeze3A_576 : f32 to vector<16xf32>
      %mul3A_578 = arith.mulf %get3A_574, %broadcast_in_dim3A_577 : vector<16xf32>
      %swap3A_579 = arith.constant 0 : i32
      %swap3A_580 = arith.index_cast %swap3A_579 : i32 to index
      %swap3A_581 = arith.index_cast %scan3A_464 : i32 to index
      %swap3A_582 = arith.constant 64 : index
      %swap3A_583 = tpu.vector_load %arg12[%swap3A_580, %swap3A_581, %swap3A_582] {strides = array<i32>} : memref<2x40x136xf32, #tpu.memory_space<vmem>>, vector<1x1x16xf32>,
      %swap3A_584 = vector.shape_cast %swap3A_583 : vector<1x1x16xf32> to vector<16xf32>
      %swap3A_585 = vector.shape_cast %mul3A_578 : vector<16xf32> to vector<1x1x16xf32>
      tpu.vector_store %arg12[%swap3A_580, %swap3A_581, %swap3A_582], %swap3A_585 {strides = array<i32>} : memref<2x40x136xf32, #tpu.memory_space<vmem>>, vector<1x1x16xf32>,
      %add3A_586 = arith.constant 0 : i32
      %add3A_587 = arith.addi %add3A_586, %scan3A_464 : i32
      %get3A_588 = arith.constant 0 : i32
      %get3A_589 = arith.index_cast %get3A_588 : i32 to index
      %get3A_590 = arith.index_cast %add3A_587 : i32 to index
      %get3A_591 = arith.constant 80 : index
      %get3A_592 = tpu.vector_load %arg10[%get3A_589, %get3A_590, %get3A_591] {strides = array<i32>} : memref<2x80x136xf32, #tpu.memory_space<vmem>>, vector<1x1x16xf32>,
      %get3A_593 = vector.shape_cast %get3A_592 : vector<1x1x16xf32> to vector<16xf32>
      %slice3A_594 = vector.extract_strided_slice %exp3A {offsets = [13], sizes = [1], strides = [1]} : vector<16xf32> to vector<1xf32>
      %squeeze3A_595 = vector.extract %slice3A_594[0] : f32 from vector<1xf32>
      %broadcast_in_dim3A_596 = vector.broadcast %squeeze3A_595 : f32 to vector<16xf32>
      %mul3A_597 = arith.mulf %get3A_593, %broadcast_in_dim3A_596 : vector<16xf32>
      %swap3A_598 = arith.constant 0 : i32
      %swap3A_599 = arith.index_cast %swap3A_598 : i32 to index
      %swap3A_600 = arith.index_cast %scan3A_464 : i32 to index
      %swap3A_601 = arith.constant 80 : index
      %swap3A_602 = tpu.vector_load %arg12[%swap3A_599, %swap3A_600, %swap3A_601] {strides = array<i32>} : memref<2x40x136xf32, #tpu.memory_space<vmem>>, vector<1x1x16xf32>,
      %swap3A_603 = vector.shape_cast %swap3A_602 : vector<1x1x16xf32> to vector<16xf32>
      %swap3A_604 = vector.shape_cast %mul3A_597 : vector<16xf32> to vector<1x1x16xf32>
      tpu.vector_store %arg12[%swap3A_599, %swap3A_600, %swap3A_601], %swap3A_604 {strides = array<i32>} : memref<2x40x136xf32, #tpu.memory_space<vmem>>, vector<1x1x16xf32>,
      %add3A_605 = arith.constant 0 : i32
      %add3A_606 = arith.addi %add3A_605, %scan3A_464 : i32
      %get3A_607 = arith.constant 0 : i32
      %get3A_608 = arith.index_cast %get3A_607 : i32 to index
      %get3A_609 = arith.index_cast %add3A_606 : i32 to index
      %get3A_610 = arith.constant 96 : index
      %get3A_611 = tpu.vector_load %arg10[%get3A_608, %get3A_609, %get3A_610] {strides = array<i32>} : memref<2x80x136xf32, #tpu.memory_space<vmem>>, vector<1x1x16xf32>,
      %get3A_612 = vector.shape_cast %get3A_611 : vector<1x1x16xf32> to vector<16xf32>
      %slice3A_613 = vector.extract_strided_slice %exp3A {offsets = [14], sizes = [1], strides = [1]} : vector<16xf32> to vector<1xf32>
      %squeeze3A_614 = vector.extract %slice3A_613[0] : f32 from vector<1xf32>
      %broadcast_in_dim3A_615 = vector.broadcast %squeeze3A_614 : f32 to vector<16xf32>
      %mul3A_616 = arith.mulf %get3A_612, %broadcast_in_dim3A_615 : vector<16xf32>
      %swap3A_617 = arith.constant 0 : i32
      %swap3A_618 = arith.index_cast %swap3A_617 : i32 to index
      %swap3A_619 = arith.index_cast %scan3A_464 : i32 to index
      %swap3A_620 = arith.constant 96 : index
      %swap3A_621 = tpu.vector_load %arg12[%swap3A_618, %swap3A_619, %swap3A_620] {strides = array<i32>} : memref<2x40x136xf32, #tpu.memory_space<vmem>>, vector<1x1x16xf32>,
      %swap3A_622 = vector.shape_cast %swap3A_621 : vector<1x1x16xf32> to vector<16xf32>
      %swap3A_623 = vector.shape_cast %mul3A_616 : vector<16xf32> to vector<1x1x16xf32>
      tpu.vector_store %arg12[%swap3A_618, %swap3A_619, %swap3A_620], %swap3A_623 {strides = array<i32>} : memref<2x40x136xf32, #tpu.memory_space<vmem>>, vector<1x1x16xf32>,
      %add3A_624 = arith.constant 0 : i32
      %add3A_625 = arith.addi %add3A_624, %scan3A_464 : i32
      %get3A_626 = arith.constant 0 : i32
      %get3A_627 = arith.index_cast %get3A_626 : i32 to index
      %get3A_628 = arith.index_cast %add3A_625 : i32 to index
      %get3A_629 = arith.constant 112 : index
      %get3A_630 = tpu.vector_load %arg10[%get3A_627, %get3A_628, %get3A_629] {strides = array<i32>} : memref<2x80x136xf32, #tpu.memory_space<vmem>>, vector<1x1x16xf32>,
      %get3A_631 = vector.shape_cast %get3A_630 : vector<1x1x16xf32> to vector<16xf32>
      %slice3A_632 = vector.extract_strided_slice %exp3A {offsets = [15], sizes = [1], strides = [1]} : vector<16xf32> to vector<1xf32>
      %squeeze3A_633 = vector.extract %slice3A_632[0] : f32 from vector<1xf32>
      %broadcast_in_dim3A_634 = vector.broadcast %squeeze3A_633 : f32 to vector<16xf32>
      %mul3A_635 = arith.mulf %get3A_631, %broadcast_in_dim3A_634 : vector<16xf32>
      %swap3A_636 = arith.constant 0 : i32
      %swap3A_637 = arith.index_cast %swap3A_636 : i32 to index
      %swap3A_638 = arith.index_cast %scan3A_464 : i32 to index
      %swap3A_639 = arith.constant 112 : index
      %swap3A_640 = tpu.vector_load %arg12[%swap3A_637, %swap3A_638, %swap3A_639] {strides = array<i32>} : memref<2x40x136xf32, #tpu.memory_space<vmem>>, vector<1x1x16xf32>,
      %swap3A_641 = vector.shape_cast %swap3A_640 : vector<1x1x16xf32> to vector<16xf32>
      %swap3A_642 = vector.shape_cast %mul3A_635 : vector<16xf32> to vector<1x1x16xf32>
      tpu.vector_store %arg12[%swap3A_637, %swap3A_638, %swap3A_639], %swap3A_642 {strides = array<i32>} : memref<2x40x136xf32, #tpu.memory_space<vmem>>, vector<1x1x16xf32>,
    }
    %scan3A_267 = arith.constant 40 : i32
    %dma_start3A_268 = arith.constant 0 : i32
    %dma_start3A_269 = arith.constant 60 : i32
    %dma_start3A_270 = arith.constant 0 : i32
    %dma_start3A_271 = arith.constant 0 : i32
    %dma_start3A_272 = arith.constant 0 : i32
    %dma_start3A_273 = tpu.memref_slice %arg12[%dma_start3A_268, %dma_start3A_271, %dma_start3A_272] : memref<2x40x136xf32, #tpu.memory_space<vmem>> -> memref<1x40x136xf32, #tpu.memory_space<vmem>>
    %dma_start3A_274 = tpu.memref_squeeze %dma_start3A_273 : memref<1x40x136xf32, #tpu.memory_space<vmem>> -> memref<40x136xf32, #tpu.memory_space<vmem>>
    %dma_start3A_275 = arith.constant 0 : i32
    %dma_start3A_276 = tpu.memref_slice %arg9[%dma_start3A_269, %dma_start3A_275] : memref<63x80xi32, #tpu.memory_space<vmem>> -> memref<1x40xi32, #tpu.memory_space<vmem>>
    %dma_start3A_277 = tpu.memref_squeeze %dma_start3A_276 : memref<1x40xi32, #tpu.memory_space<vmem>> -> memref<40xi32, #tpu.memory_space<vmem>>
    %dma_start3A_278 = arith.constant 0 : i32
    %dma_start3A_279 = arith.constant 0 : i32
    %dma_start3A_280 = tpu.memref_slice %arg7[%dma_start3A_278, %dma_start3A_279] : memref<10000x136xf32, #tpu.memory_space<vmem_shared>> -> memref<10000x136xf32, #tpu.memory_space<vmem_shared>>
    %dma_start3A_281 = tpu.memref_slice %arg16[%dma_start3A_270] : memref<2x!tpu.dma_semaphore, #tpu.memory_space<semaphore_mem>> -> memref<1x!tpu.dma_semaphore, #tpu.memory_space<semaphore_mem>>
    %dma_start3A_282 = tpu.memref_squeeze %dma_start3A_281 : memref<1x!tpu.dma_semaphore, #tpu.memory_space<semaphore_mem>> -> memref<!tpu.dma_semaphore, #tpu.memory_space<semaphore_mem>>
    tpu.enqueue_indirect_dma source(%dma_start3A_274 : memref<40x136xf32, #tpu.memory_space<vmem>>) target(%dma_start3A_280 : memref<10000x136xf32, #tpu.memory_space<vmem_shared>>) offsets(%dma_start3A_277 : memref<40xi32, #tpu.memory_space<vmem>>) semaphore(%dma_start3A_282 : memref<!tpu.dma_semaphore, #tpu.memory_space<semaphore_mem>>) {add = true}
    %dma_wait3A_283 = arith.constant 1 : i32
    %dma_wait3A_284 = arith.constant 1 : i32
    %dma_wait3A_285 = arith.constant 0 : i32
    %dma_wait3A_286 = arith.constant 0 : i32
    %dma_wait3A_287 = tpu.memref_slice %arg12[%dma_wait3A_283, %dma_wait3A_285, %dma_wait3A_286] : memref<2x40x136xf32, #tpu.memory_space<vmem>> -> memref<1x40x136xf32, #tpu.memory_space<vmem>>
    %dma_wait3A_288 = tpu.memref_squeeze %dma_wait3A_287 : memref<1x40x136xf32, #tpu.memory_space<vmem>> -> memref<40x136xf32, #tpu.memory_space<vmem>>
    %dma_wait3A_289 = arith.constant 0 : i32
    %dma_wait3A_290 = arith.constant 0 : i32
    %dma_wait3A_291 = tpu.memref_slice %arg7[%dma_wait3A_289, %dma_wait3A_290] : memref<10000x136xf32, #tpu.memory_space<vmem_shared>> -> memref<10000x136xf32, #tpu.memory_space<vmem_shared>>
    %dma_wait3A_292 = tpu.memref_slice %arg16[%dma_wait3A_284] : memref<2x!tpu.dma_semaphore, #tpu.memory_space<semaphore_mem>> -> memref<1x!tpu.dma_semaphore, #tpu.memory_space<semaphore_mem>>
    %dma_wait3A_293 = tpu.memref_squeeze %dma_wait3A_292 : memref<1x!tpu.dma_semaphore, #tpu.memory_space<semaphore_mem>> -> memref<!tpu.dma_semaphore, #tpu.memory_space<semaphore_mem>>
    tpu.wait_indirect_dma semaphore(%dma_wait3A_293 : memref<!tpu.dma_semaphore, #tpu.memory_space<semaphore_mem>>) src(%dma_wait3A_288 : memref<40x136xf32, #tpu.memory_space<vmem>>) dst(%dma_wait3A_291 : memref<10000x136xf32, #tpu.memory_space<vmem_shared>>)
    %scan3A_294 = arith.constant 0 : i32
    %scan3A_295 = arith.constant 40 : i32
    %scan3A_296 = arith.addi %scan3A_294, %scan3A_295 : i32
    %scan3A_297 = arith.constant 1 : i32
    scf.for %scan3A_464 = %scan3A_294 to %scan3A_296 step %scan3A_297  : i32 {
      %add3A_465 = arith.constant 40 : i32
      %add3A_466 = arith.addi %add3A_465, %scan3A_464 : i32
      %get3A = arith.constant 0 : i32
      %get3A_467 = arith.index_cast %get3A : i32 to index
      %get3A_468 = arith.index_cast %add3A_466 : i32 to index
      %get3A_469 = arith.constant 120 : index
      %get3A_470 = tpu.vector_load %arg10[%get3A_467, %get3A_468, %get3A_469] {strides = array<i32>} : memref<2x80x136xf32, #tpu.memory_space<vmem>>, vector<1x1x16xf32>,
      %get3A_471 = vector.shape_cast %get3A_470 : vector<1x1x16xf32> to vector<16xf32>
      %add3A_472 = arith.constant 40 : i32
      %add3A_473 = arith.addi %add3A_472, %scan3A_464 : i32
      %get3A_474 = arith.constant 0 : i32
      %get3A_475 = arith.index_cast %get3A_474 : i32 to index
      %get3A_476 = arith.index_cast %add3A_473 : i32 to index
      %get3A_477 = arith.constant 0 : index
      %get3A_478 = tpu.vector_load %arg11[%get3A_475, %get3A_476, %get3A_477] {strides = array<i32>} : memref<2x80x16xf32, #tpu.memory_space<vmem>>, vector<1x1x16xf32>,
      %get3A_479 = vector.shape_cast %get3A_478 : vector<1x1x16xf32> to vector<16xf32>
      %add3A_480 = arith.addf %get3A_471, %get3A_479 : vector<16xf32>
      %ge3A = arith.constant 0.000000e+00 : f32
      %ge3A_481 = vector.broadcast %ge3A : f32 to vector<16xf32>
      %ge3A_482 = arith.cmpf oge, %add3A_480, %ge3A_481 : vector<16xf32>
      %mul3A_483 = arith.constant 2.000000e-01 : f32
      %mul3A_484 = vector.broadcast %mul3A_483 : f32 to vector<16xf32>
      %mul3A_485 = arith.mulf %add3A_480, %mul3A_484 : vector<16xf32>
      %select_n3A = arith.select %ge3A_482, %add3A_480, %mul3A_485 : vector<16xi1>, vector<16xf32>
      %exp3A = math.exp %select_n3A : vector<16xf32>
      %swap3A_486 = arith.constant 1 : i32
      %swap3A_487 = arith.index_cast %swap3A_486 : i32 to index
      %swap3A_488 = arith.index_cast %scan3A_464 : i32 to index
      %swap3A_489 = arith.constant 120 : index
      %swap3A_490 = tpu.vector_load %arg12[%swap3A_487, %swap3A_488, %swap3A_489] {strides = array<i32>} : memref<2x40x136xf32, #tpu.memory_space<vmem>>, vector<1x1x16xf32>,
      %swap3A_491 = vector.shape_cast %swap3A_490 : vector<1x1x16xf32> to vector<16xf32>
      %swap3A_492 = vector.shape_cast %exp3A : vector<16xf32> to vector<1x1x16xf32>
      tpu.vector_store %arg12[%swap3A_487, %swap3A_488, %swap3A_489], %swap3A_492 {strides = array<i32>} : memref<2x40x136xf32, #tpu.memory_space<vmem>>, vector<1x1x16xf32>,
      %add3A_493 = arith.constant 40 : i32
      %add3A_494 = arith.addi %add3A_493, %scan3A_464 : i32
      %get3A_495 = arith.constant 0 : i32
      %get3A_496 = arith.index_cast %get3A_495 : i32 to index
      %get3A_497 = arith.index_cast %add3A_494 : i32 to index
      %get3A_498 = arith.constant 0 : index
      %get3A_499 = tpu.vector_load %arg10[%get3A_496, %get3A_497, %get3A_498] {strides = array<i32>} : memref<2x80x136xf32, #tpu.memory_space<vmem>>, vector<1x1x16xf32>,
      %get3A_500 = vector.shape_cast %get3A_499 : vector<1x1x16xf32> to vector<16xf32>
      %slice3A = vector.extract_strided_slice %exp3A {offsets = [8], sizes = [1], strides = [1]} : vector<16xf32> to vector<1xf32>
      %squeeze3A = vector.extract %slice3A[0] : f32 from vector<1xf32>
      %broadcast_in_dim3A_501 = vector.broadcast %squeeze3A : f32 to vector<16xf32>
      %mul3A_502 = arith.mulf %get3A_500, %broadcast_in_dim3A_501 : vector<16xf32>
      %swap3A_503 = arith.constant 1 : i32
      %swap3A_504 = arith.index_cast %swap3A_503 : i32 to index
      %swap3A_505 = arith.index_cast %scan3A_464 : i32 to index
      %swap3A_506 = arith.constant 0 : index
      %swap3A_507 = tpu.vector_load %arg12[%swap3A_504, %swap3A_505, %swap3A_506] {strides = array<i32>} : memref<2x40x136xf32, #tpu.memory_space<vmem>>, vector<1x1x16xf32>,
      %swap3A_508 = vector.shape_cast %swap3A_507 : vector<1x1x16xf32> to vector<16xf32>
      %swap3A_509 = vector.shape_cast %mul3A_502 : vector<16xf32> to vector<1x1x16xf32>
      tpu.vector_store %arg12[%swap3A_504, %swap3A_505, %swap3A_506], %swap3A_509 {strides = array<i32>} : memref<2x40x136xf32, #tpu.memory_space<vmem>>, vector<1x1x16xf32>,
      %add3A_510 = arith.constant 40 : i32
      %add3A_511 = arith.addi %add3A_510, %scan3A_464 : i32
      %get3A_512 = arith.constant 0 : i32
      %get3A_513 = arith.index_cast %get3A_512 : i32 to index
      %get3A_514 = arith.index_cast %add3A_511 : i32 to index
      %get3A_515 = arith.constant 16 : index
      %get3A_516 = tpu.vector_load %arg10[%get3A_513, %get3A_514, %get3A_515] {strides = array<i32>} : memref<2x80x136xf32, #tpu.memory_space<vmem>>, vector<1x1x16xf32>,
      %get3A_517 = vector.shape_cast %get3A_516 : vector<1x1x16xf32> to vector<16xf32>
      %slice3A_518 = vector.extract_strided_slice %exp3A {offsets = [9], sizes = [1], strides = [1]} : vector<16xf32> to vector<1xf32>
      %squeeze3A_519 = vector.extract %slice3A_518[0] : f32 from vector<1xf32>
      %broadcast_in_dim3A_520 = vector.broadcast %squeeze3A_519 : f32 to vector<16xf32>
      %mul3A_521 = arith.mulf %get3A_517, %broadcast_in_dim3A_520 : vector<16xf32>
      %swap3A_522 = arith.constant 1 : i32
      %swap3A_523 = arith.index_cast %swap3A_522 : i32 to index
      %swap3A_524 = arith.index_cast %scan3A_464 : i32 to index
      %swap3A_525 = arith.constant 16 : index
      %swap3A_526 = tpu.vector_load %arg12[%swap3A_523, %swap3A_524, %swap3A_525] {strides = array<i32>} : memref<2x40x136xf32, #tpu.memory_space<vmem>>, vector<1x1x16xf32>,
      %swap3A_527 = vector.shape_cast %swap3A_526 : vector<1x1x16xf32> to vector<16xf32>
      %swap3A_528 = vector.shape_cast %mul3A_521 : vector<16xf32> to vector<1x1x16xf32>
      tpu.vector_store %arg12[%swap3A_523, %swap3A_524, %swap3A_525], %swap3A_528 {strides = array<i32>} : memref<2x40x136xf32, #tpu.memory_space<vmem>>, vector<1x1x16xf32>,
      %add3A_529 = arith.constant 40 : i32
      %add3A_530 = arith.addi %add3A_529, %scan3A_464 : i32
      %get3A_531 = arith.constant 0 : i32
      %get3A_532 = arith.index_cast %get3A_531 : i32 to index
      %get3A_533 = arith.index_cast %add3A_530 : i32 to index
      %get3A_534 = arith.constant 32 : index
      %get3A_535 = tpu.vector_load %arg10[%get3A_532, %get3A_533, %get3A_534] {strides = array<i32>} : memref<2x80x136xf32, #tpu.memory_space<vmem>>, vector<1x1x16xf32>,
      %get3A_536 = vector.shape_cast %get3A_535 : vector<1x1x16xf32> to vector<16xf32>
      %slice3A_537 = vector.extract_strided_slice %exp3A {offsets = [10], sizes = [1], strides = [1]} : vector<16xf32> to vector<1xf32>
      %squeeze3A_538 = vector.extract %slice3A_537[0] : f32 from vector<1xf32>
      %broadcast_in_dim3A_539 = vector.broadcast %squeeze3A_538 : f32 to vector<16xf32>
      %mul3A_540 = arith.mulf %get3A_536, %broadcast_in_dim3A_539 : vector<16xf32>
      %swap3A_541 = arith.constant 1 : i32
      %swap3A_542 = arith.index_cast %swap3A_541 : i32 to index
      %swap3A_543 = arith.index_cast %scan3A_464 : i32 to index
      %swap3A_544 = arith.constant 32 : index
      %swap3A_545 = tpu.vector_load %arg12[%swap3A_542, %swap3A_543, %swap3A_544] {strides = array<i32>} : memref<2x40x136xf32, #tpu.memory_space<vmem>>, vector<1x1x16xf32>,
      %swap3A_546 = vector.shape_cast %swap3A_545 : vector<1x1x16xf32> to vector<16xf32>
      %swap3A_547 = vector.shape_cast %mul3A_540 : vector<16xf32> to vector<1x1x16xf32>
      tpu.vector_store %arg12[%swap3A_542, %swap3A_543, %swap3A_544], %swap3A_547 {strides = array<i32>} : memref<2x40x136xf32, #tpu.memory_space<vmem>>, vector<1x1x16xf32>,
      %add3A_548 = arith.constant 40 : i32
      %add3A_549 = arith.addi %add3A_548, %scan3A_464 : i32
      %get3A_550 = arith.constant 0 : i32
      %get3A_551 = arith.index_cast %get3A_550 : i32 to index
      %get3A_552 = arith.index_cast %add3A_549 : i32 to index
      %get3A_553 = arith.constant 48 : index
      %get3A_554 = tpu.vector_load %arg10[%get3A_551, %get3A_552, %get3A_553] {strides = array<i32>} : memref<2x80x136xf32, #tpu.memory_space<vmem>>, vector<1x1x16xf32>,
      %get3A_555 = vector.shape_cast %get3A_554 : vector<1x1x16xf32> to vector<16xf32>
      %slice3A_556 = vector.extract_strided_slice %exp3A {offsets = [11], sizes = [1], strides = [1]} : vector<16xf32> to vector<1xf32>
      %squeeze3A_557 = vector.extract %slice3A_556[0] : f32 from vector<1xf32>
      %broadcast_in_dim3A_558 = vector.broadcast %squeeze3A_557 : f32 to vector<16xf32>
      %mul3A_559 = arith.mulf %get3A_555, %broadcast_in_dim3A_558 : vector<16xf32>
      %swap3A_560 = arith.constant 1 : i32
      %swap3A_561 = arith.index_cast %swap3A_560 : i32 to index
      %swap3A_562 = arith.index_cast %scan3A_464 : i32 to index
      %swap3A_563 = arith.constant 48 : index
      %swap3A_564 = tpu.vector_load %arg12[%swap3A_561, %swap3A_562, %swap3A_563] {strides = array<i32>} : memref<2x40x136xf32, #tpu.memory_space<vmem>>, vector<1x1x16xf32>,
      %swap3A_565 = vector.shape_cast %swap3A_564 : vector<1x1x16xf32> to vector<16xf32>
      %swap3A_566 = vector.shape_cast %mul3A_559 : vector<16xf32> to vector<1x1x16xf32>
      tpu.vector_store %arg12[%swap3A_561, %swap3A_562, %swap3A_563], %swap3A_566 {strides = array<i32>} : memref<2x40x136xf32, #tpu.memory_space<vmem>>, vector<1x1x16xf32>,
      %add3A_567 = arith.constant 40 : i32
      %add3A_568 = arith.addi %add3A_567, %scan3A_464 : i32
      %get3A_569 = arith.constant 0 : i32
      %get3A_570 = arith.index_cast %get3A_569 : i32 to index
      %get3A_571 = arith.index_cast %add3A_568 : i32 to index
      %get3A_572 = arith.constant 64 : index
      %get3A_573 = tpu.vector_load %arg10[%get3A_570, %get3A_571, %get3A_572] {strides = array<i32>} : memref<2x80x136xf32, #tpu.memory_space<vmem>>, vector<1x1x16xf32>,
      %get3A_574 = vector.shape_cast %get3A_573 : vector<1x1x16xf32> to vector<16xf32>
      %slice3A_575 = vector.extract_strided_slice %exp3A {offsets = [12], sizes = [1], strides = [1]} : vector<16xf32> to vector<1xf32>
      %squeeze3A_576 = vector.extract %slice3A_575[0] : f32 from vector<1xf32>
      %broadcast_in_dim3A_577 = vector.broadcast %squeeze3A_576 : f32 to vector<16xf32>
      %mul3A_578 = arith.mulf %get3A_574, %broadcast_in_dim3A_577 : vector<16xf32>
      %swap3A_579 = arith.constant 1 : i32
      %swap3A_580 = arith.index_cast %swap3A_579 : i32 to index
      %swap3A_581 = arith.index_cast %scan3A_464 : i32 to index
      %swap3A_582 = arith.constant 64 : index
      %swap3A_583 = tpu.vector_load %arg12[%swap3A_580, %swap3A_581, %swap3A_582] {strides = array<i32>} : memref<2x40x136xf32, #tpu.memory_space<vmem>>, vector<1x1x16xf32>,
      %swap3A_584 = vector.shape_cast %swap3A_583 : vector<1x1x16xf32> to vector<16xf32>
      %swap3A_585 = vector.shape_cast %mul3A_578 : vector<16xf32> to vector<1x1x16xf32>
      tpu.vector_store %arg12[%swap3A_580, %swap3A_581, %swap3A_582], %swap3A_585 {strides = array<i32>} : memref<2x40x136xf32, #tpu.memory_space<vmem>>, vector<1x1x16xf32>,
      %add3A_586 = arith.constant 40 : i32
      %add3A_587 = arith.addi %add3A_586, %scan3A_464 : i32
      %get3A_588 = arith.constant 0 : i32
      %get3A_589 = arith.index_cast %get3A_588 : i32 to index
      %get3A_590 = arith.index_cast %add3A_587 : i32 to index
      %get3A_591 = arith.constant 80 : index
      %get3A_592 = tpu.vector_load %arg10[%get3A_589, %get3A_590, %get3A_591] {strides = array<i32>} : memref<2x80x136xf32, #tpu.memory_space<vmem>>, vector<1x1x16xf32>,
      %get3A_593 = vector.shape_cast %get3A_592 : vector<1x1x16xf32> to vector<16xf32>
      %slice3A_594 = vector.extract_strided_slice %exp3A {offsets = [13], sizes = [1], strides = [1]} : vector<16xf32> to vector<1xf32>
      %squeeze3A_595 = vector.extract %slice3A_594[0] : f32 from vector<1xf32>
      %broadcast_in_dim3A_596 = vector.broadcast %squeeze3A_595 : f32 to vector<16xf32>
      %mul3A_597 = arith.mulf %get3A_593, %broadcast_in_dim3A_596 : vector<16xf32>
      %swap3A_598 = arith.constant 1 : i32
      %swap3A_599 = arith.index_cast %swap3A_598 : i32 to index
      %swap3A_600 = arith.index_cast %scan3A_464 : i32 to index
      %swap3A_601 = arith.constant 80 : index
      %swap3A_602 = tpu.vector_load %arg12[%swap3A_599, %swap3A_600, %swap3A_601] {strides = array<i32>} : memref<2x40x136xf32, #tpu.memory_space<vmem>>, vector<1x1x16xf32>,
      %swap3A_603 = vector.shape_cast %swap3A_602 : vector<1x1x16xf32> to vector<16xf32>
      %swap3A_604 = vector.shape_cast %mul3A_597 : vector<16xf32> to vector<1x1x16xf32>
      tpu.vector_store %arg12[%swap3A_599, %swap3A_600, %swap3A_601], %swap3A_604 {strides = array<i32>} : memref<2x40x136xf32, #tpu.memory_space<vmem>>, vector<1x1x16xf32>,
      %add3A_605 = arith.constant 40 : i32
      %add3A_606 = arith.addi %add3A_605, %scan3A_464 : i32
      %get3A_607 = arith.constant 0 : i32
      %get3A_608 = arith.index_cast %get3A_607 : i32 to index
      %get3A_609 = arith.index_cast %add3A_606 : i32 to index
      %get3A_610 = arith.constant 96 : index
      %get3A_611 = tpu.vector_load %arg10[%get3A_608, %get3A_609, %get3A_610] {strides = array<i32>} : memref<2x80x136xf32, #tpu.memory_space<vmem>>, vector<1x1x16xf32>,
      %get3A_612 = vector.shape_cast %get3A_611 : vector<1x1x16xf32> to vector<16xf32>
      %slice3A_613 = vector.extract_strided_slice %exp3A {offsets = [14], sizes = [1], strides = [1]} : vector<16xf32> to vector<1xf32>
      %squeeze3A_614 = vector.extract %slice3A_613[0] : f32 from vector<1xf32>
      %broadcast_in_dim3A_615 = vector.broadcast %squeeze3A_614 : f32 to vector<16xf32>
      %mul3A_616 = arith.mulf %get3A_612, %broadcast_in_dim3A_615 : vector<16xf32>
      %swap3A_617 = arith.constant 1 : i32
      %swap3A_618 = arith.index_cast %swap3A_617 : i32 to index
      %swap3A_619 = arith.index_cast %scan3A_464 : i32 to index
      %swap3A_620 = arith.constant 96 : index
      %swap3A_621 = tpu.vector_load %arg12[%swap3A_618, %swap3A_619, %swap3A_620] {strides = array<i32>} : memref<2x40x136xf32, #tpu.memory_space<vmem>>, vector<1x1x16xf32>,
      %swap3A_622 = vector.shape_cast %swap3A_621 : vector<1x1x16xf32> to vector<16xf32>
      %swap3A_623 = vector.shape_cast %mul3A_616 : vector<16xf32> to vector<1x1x16xf32>
      tpu.vector_store %arg12[%swap3A_618, %swap3A_619, %swap3A_620], %swap3A_623 {strides = array<i32>} : memref<2x40x136xf32, #tpu.memory_space<vmem>>, vector<1x1x16xf32>,
      %add3A_624 = arith.constant 40 : i32
      %add3A_625 = arith.addi %add3A_624, %scan3A_464 : i32
      %get3A_626 = arith.constant 0 : i32
      %get3A_627 = arith.index_cast %get3A_626 : i32 to index
      %get3A_628 = arith.index_cast %add3A_625 : i32 to index
      %get3A_629 = arith.constant 112 : index
      %get3A_630 = tpu.vector_load %arg10[%get3A_627, %get3A_628, %get3A_629] {strides = array<i32>} : memref<2x80x136xf32, #tpu.memory_space<vmem>>, vector<1x1x16xf32>,
      %get3A_631 = vector.shape_cast %get3A_630 : vector<1x1x16xf32> to vector<16xf32>
      %slice3A_632 = vector.extract_strided_slice %exp3A {offsets = [15], sizes = [1], strides = [1]} : vector<16xf32> to vector<1xf32>
      %squeeze3A_633 = vector.extract %slice3A_632[0] : f32 from vector<1xf32>
      %broadcast_in_dim3A_634 = vector.broadcast %squeeze3A_633 : f32 to vector<16xf32>
      %mul3A_635 = arith.mulf %get3A_631, %broadcast_in_dim3A_634 : vector<16xf32>
      %swap3A_636 = arith.constant 1 : i32
      %swap3A_637 = arith.index_cast %swap3A_636 : i32 to index
      %swap3A_638 = arith.index_cast %scan3A_464 : i32 to index
      %swap3A_639 = arith.constant 112 : index
      %swap3A_640 = tpu.vector_load %arg12[%swap3A_637, %swap3A_638, %swap3A_639] {strides = array<i32>} : memref<2x40x136xf32, #tpu.memory_space<vmem>>, vector<1x1x16xf32>,
      %swap3A_641 = vector.shape_cast %swap3A_640 : vector<1x1x16xf32> to vector<16xf32>
      %swap3A_642 = vector.shape_cast %mul3A_635 : vector<16xf32> to vector<1x1x16xf32>
      tpu.vector_store %arg12[%swap3A_637, %swap3A_638, %swap3A_639], %swap3A_642 {strides = array<i32>} : memref<2x40x136xf32, #tpu.memory_space<vmem>>, vector<1x1x16xf32>,
    }
    %scan3A_298 = arith.constant 40 : i32
    %dma_start3A_299 = arith.constant 1 : i32
    %dma_start3A_300 = arith.constant 60 : i32
    %dma_start3A_301 = arith.constant 1 : i32
    %dma_start3A_302 = arith.constant 0 : i32
    %dma_start3A_303 = arith.constant 0 : i32
    %dma_start3A_304 = tpu.memref_slice %arg12[%dma_start3A_299, %dma_start3A_302, %dma_start3A_303] : memref<2x40x136xf32, #tpu.memory_space<vmem>> -> memref<1x40x136xf32, #tpu.memory_space<vmem>>
    %dma_start3A_305 = tpu.memref_squeeze %dma_start3A_304 : memref<1x40x136xf32, #tpu.memory_space<vmem>> -> memref<40x136xf32, #tpu.memory_space<vmem>>
    %dma_start3A_306 = arith.constant 40 : i32
    %dma_start3A_307 = tpu.memref_slice %arg9[%dma_start3A_300, %dma_start3A_306] : memref<63x80xi32, #tpu.memory_space<vmem>> -> memref<1x40xi32, #tpu.memory_space<vmem>>
    %dma_start3A_308 = tpu.memref_squeeze %dma_start3A_307 : memref<1x40xi32, #tpu.memory_space<vmem>> -> memref<40xi32, #tpu.memory_space<vmem>>
    %dma_start3A_309 = arith.constant 0 : i32
    %dma_start3A_310 = arith.constant 0 : i32
    %dma_start3A_311 = tpu.memref_slice %arg7[%dma_start3A_309, %dma_start3A_310] : memref<10000x136xf32, #tpu.memory_space<vmem_shared>> -> memref<10000x136xf32, #tpu.memory_space<vmem_shared>>
    %dma_start3A_312 = tpu.memref_slice %arg16[%dma_start3A_301] : memref<2x!tpu.dma_semaphore, #tpu.memory_space<semaphore_mem>> -> memref<1x!tpu.dma_semaphore, #tpu.memory_space<semaphore_mem>>
    %dma_start3A_313 = tpu.memref_squeeze %dma_start3A_312 : memref<1x!tpu.dma_semaphore, #tpu.memory_space<semaphore_mem>> -> memref<!tpu.dma_semaphore, #tpu.memory_space<semaphore_mem>>
    tpu.enqueue_indirect_dma source(%dma_start3A_305 : memref<40x136xf32, #tpu.memory_space<vmem>>) target(%dma_start3A_311 : memref<10000x136xf32, #tpu.memory_space<vmem_shared>>) offsets(%dma_start3A_308 : memref<40xi32, #tpu.memory_space<vmem>>) semaphore(%dma_start3A_313 : memref<!tpu.dma_semaphore, #tpu.memory_space<semaphore_mem>>) {add = true}
    %dma_start3A_314 = arith.constant 61 : i32
    %dma_start3A_315 = arith.constant 1 : i32
    %dma_start3A_316 = arith.constant 1 : i32
    %dma_start3A_317 = arith.constant 0 : i32
    %dma_start3A_318 = arith.constant 0 : i32
    %dma_start3A_319 = tpu.memref_slice %arg10[%dma_start3A_315, %dma_start3A_317, %dma_start3A_318] : memref<2x80x136xf32, #tpu.memory_space<vmem>> -> memref<1x80x136xf32, #tpu.memory_space<vmem>>
    %dma_start3A_320 = tpu.memref_squeeze %dma_start3A_319 : memref<1x80x136xf32, #tpu.memory_space<vmem>> -> memref<80x136xf32, #tpu.memory_space<vmem>>
    %dma_start3A_321 = arith.constant 0 : i32
    %dma_start3A_322 = tpu.memref_slice %arg8[%dma_start3A_314, %dma_start3A_321] : memref<63x80xi32, #tpu.memory_space<vmem>> -> memref<1x80xi32, #tpu.memory_space<vmem>>
    %dma_start3A_323 = tpu.memref_squeeze %dma_start3A_322 : memref<1x80xi32, #tpu.memory_space<vmem>> -> memref<80xi32, #tpu.memory_space<vmem>>
    %dma_start3A_324 = arith.constant 0 : i32
    %dma_start3A_325 = arith.constant 0 : i32
    %dma_start3A_326 = tpu.memref_slice %arg2[%dma_start3A_324, %dma_start3A_325] : memref<10000x136xf32, #tpu.memory_space<hbm>> -> memref<10000x136xf32, #tpu.memory_space<hbm>>
    %dma_start3A_327 = tpu.memref_slice %arg14[%dma_start3A_316] : memref<2x!tpu.dma_semaphore, #tpu.memory_space<semaphore_mem>> -> memref<1x!tpu.dma_semaphore, #tpu.memory_space<semaphore_mem>>
    %dma_start3A_328 = tpu.memref_squeeze %dma_start3A_327 : memref<1x!tpu.dma_semaphore, #tpu.memory_space<semaphore_mem>> -> memref<!tpu.dma_semaphore, #tpu.memory_space<semaphore_mem>>
    tpu.enqueue_indirect_dma source(%dma_start3A_326 : memref<10000x136xf32, #tpu.memory_space<hbm>>) target(%dma_start3A_320 : memref<80x136xf32, #tpu.memory_space<vmem>>) offsets(%dma_start3A_323 : memref<80xi32, #tpu.memory_space<vmem>>) semaphore(%dma_start3A_328 : memref<!tpu.dma_semaphore, #tpu.memory_space<semaphore_mem>>)
    %dma_start3A_329 = arith.constant 61 : i32
    %dma_start3A_330 = arith.constant 1 : i32
    %dma_start3A_331 = arith.constant 1 : i32
    %dma_start3A_332 = arith.constant 0 : i32
    %dma_start3A_333 = arith.constant 0 : i32
    %dma_start3A_334 = tpu.memref_slice %arg11[%dma_start3A_330, %dma_start3A_332, %dma_start3A_333] : memref<2x80x16xf32, #tpu.memory_space<vmem>> -> memref<1x80x16xf32, #tpu.memory_space<vmem>>
    %dma_start3A_335 = tpu.memref_squeeze %dma_start3A_334 : memref<1x80x16xf32, #tpu.memory_space<vmem>> -> memref<80x16xf32, #tpu.memory_space<vmem>>
    %dma_start3A_336 = arith.constant 0 : i32
    %dma_start3A_337 = tpu.memref_slice %arg9[%dma_start3A_329, %dma_start3A_336] : memref<63x80xi32, #tpu.memory_space<vmem>> -> memref<1x80xi32, #tpu.memory_space<vmem>>
    %dma_start3A_338 = tpu.memref_squeeze %dma_start3A_337 : memref<1x80xi32, #tpu.memory_space<vmem>> -> memref<80xi32, #tpu.memory_space<vmem>>
    %dma_start3A_339 = arith.constant 0 : i32
    %dma_start3A_340 = arith.constant 0 : i32
    %dma_start3A_341 = tpu.memref_slice %arg3[%dma_start3A_339, %dma_start3A_340] : memref<10000x16xf32, #tpu.memory_space<hbm>> -> memref<10000x16xf32, #tpu.memory_space<hbm>>
    %dma_start3A_342 = tpu.memref_slice %arg15[%dma_start3A_331] : memref<2x!tpu.dma_semaphore, #tpu.memory_space<semaphore_mem>> -> memref<1x!tpu.dma_semaphore, #tpu.memory_space<semaphore_mem>>
    %dma_start3A_343 = tpu.memref_squeeze %dma_start3A_342 : memref<1x!tpu.dma_semaphore, #tpu.memory_space<semaphore_mem>> -> memref<!tpu.dma_semaphore, #tpu.memory_space<semaphore_mem>>
    tpu.enqueue_indirect_dma source(%dma_start3A_341 : memref<10000x16xf32, #tpu.memory_space<hbm>>) target(%dma_start3A_335 : memref<80x16xf32, #tpu.memory_space<vmem>>) offsets(%dma_start3A_338 : memref<80xi32, #tpu.memory_space<vmem>>) semaphore(%dma_start3A_343 : memref<!tpu.dma_semaphore, #tpu.memory_space<semaphore_mem>>)
    %dma_wait3A_344 = arith.constant 0 : i32
    %dma_wait3A_345 = arith.constant 1 : i32
    %dma_wait3A_346 = arith.constant 1 : i32
    %dma_wait3A_347 = arith.constant 0 : i32
    %dma_wait3A_348 = arith.constant 0 : i32
    %dma_wait3A_349 = tpu.memref_slice %arg10[%dma_wait3A_345, %dma_wait3A_347, %dma_wait3A_348] : memref<2x80x136xf32, #tpu.memory_space<vmem>> -> memref<1x80x136xf32, #tpu.memory_space<vmem>>
    %dma_wait3A_350 = tpu.memref_squeeze %dma_wait3A_349 : memref<1x80x136xf32, #tpu.memory_space<vmem>> -> memref<80x136xf32, #tpu.memory_space<vmem>>
    %dma_wait3A_351 = arith.constant 0 : i32
    %dma_wait3A_352 = tpu.memref_slice %arg8[%dma_wait3A_344, %dma_wait3A_351] : memref<63x80xi32, #tpu.memory_space<vmem>> -> memref<1x80xi32, #tpu.memory_space<vmem>>
    %dma_wait3A_353 = tpu.memref_squeeze %dma_wait3A_352 : memref<1x80xi32, #tpu.memory_space<vmem>> -> memref<80xi32, #tpu.memory_space<vmem>>
    %dma_wait3A_354 = arith.constant 0 : i32
    %dma_wait3A_355 = arith.constant 0 : i32
    %dma_wait3A_356 = tpu.memref_slice %arg2[%dma_wait3A_354, %dma_wait3A_355] : memref<10000x136xf32, #tpu.memory_space<hbm>> -> memref<10000x136xf32, #tpu.memory_space<hbm>>
    %dma_wait3A_357 = tpu.memref_slice %arg14[%dma_wait3A_346] : memref<2x!tpu.dma_semaphore, #tpu.memory_space<semaphore_mem>> -> memref<1x!tpu.dma_semaphore, #tpu.memory_space<semaphore_mem>>
    %dma_wait3A_358 = tpu.memref_squeeze %dma_wait3A_357 : memref<1x!tpu.dma_semaphore, #tpu.memory_space<semaphore_mem>> -> memref<!tpu.dma_semaphore, #tpu.memory_space<semaphore_mem>>
    tpu.wait_indirect_dma semaphore(%dma_wait3A_358 : memref<!tpu.dma_semaphore, #tpu.memory_space<semaphore_mem>>) src(%dma_wait3A_356 : memref<10000x136xf32, #tpu.memory_space<hbm>>) dst(%dma_wait3A_350 : memref<80x136xf32, #tpu.memory_space<vmem>>)
    %dma_wait3A_359 = arith.constant 0 : i32
    %dma_wait3A_360 = arith.constant 1 : i32
    %dma_wait3A_361 = arith.constant 1 : i32
    %dma_wait3A_362 = arith.constant 0 : i32
    %dma_wait3A_363 = arith.constant 0 : i32
    %dma_wait3A_364 = tpu.memref_slice %arg11[%dma_wait3A_360, %dma_wait3A_362, %dma_wait3A_363] : memref<2x80x16xf32, #tpu.memory_space<vmem>> -> memref<1x80x16xf32, #tpu.memory_space<vmem>>
    %dma_wait3A_365 = tpu.memref_squeeze %dma_wait3A_364 : memref<1x80x16xf32, #tpu.memory_space<vmem>> -> memref<80x16xf32, #tpu.memory_space<vmem>>
    %dma_wait3A_366 = arith.constant 0 : i32
    %dma_wait3A_367 = tpu.memref_slice %arg9[%dma_wait3A_359, %dma_wait3A_366] : memref<63x80xi32, #tpu.memory_space<vmem>> -> memref<1x80xi32, #tpu.memory_space<vmem>>
    %dma_wait3A_368 = tpu.memref_squeeze %dma_wait3A_367 : memref<1x80xi32, #tpu.memory_space<vmem>> -> memref<80xi32, #tpu.memory_space<vmem>>
    %dma_wait3A_369 = arith.constant 0 : i32
    %dma_wait3A_370 = arith.constant 0 : i32
    %dma_wait3A_371 = tpu.memref_slice %arg3[%dma_wait3A_369, %dma_wait3A_370] : memref<10000x16xf32, #tpu.memory_space<hbm>> -> memref<10000x16xf32, #tpu.memory_space<hbm>>
    %dma_wait3A_372 = tpu.memref_slice %arg15[%dma_wait3A_361] : memref<2x!tpu.dma_semaphore, #tpu.memory_space<semaphore_mem>> -> memref<1x!tpu.dma_semaphore, #tpu.memory_space<semaphore_mem>>
    %dma_wait3A_373 = tpu.memref_squeeze %dma_wait3A_372 : memref<1x!tpu.dma_semaphore, #tpu.memory_space<semaphore_mem>> -> memref<!tpu.dma_semaphore, #tpu.memory_space<semaphore_mem>>
    tpu.wait_indirect_dma semaphore(%dma_wait3A_373 : memref<!tpu.dma_semaphore, #tpu.memory_space<semaphore_mem>>) src(%dma_wait3A_371 : memref<10000x16xf32, #tpu.memory_space<hbm>>) dst(%dma_wait3A_365 : memref<80x16xf32, #tpu.memory_space<vmem>>)
    %dma_wait3A_374 = arith.constant 0 : i32
    %dma_wait3A_375 = arith.constant 0 : i32
    %dma_wait3A_376 = arith.constant 0 : i32
    %dma_wait3A_377 = arith.constant 0 : i32
    %dma_wait3A_378 = tpu.memref_slice %arg12[%dma_wait3A_374, %dma_wait3A_376, %dma_wait3A_377] : memref<2x40x136xf32, #tpu.memory_space<vmem>> -> memref<1x40x136xf32, #tpu.memory_space<vmem>>
    %dma_wait3A_379 = tpu.memref_squeeze %dma_wait3A_378 : memref<1x40x136xf32, #tpu.memory_space<vmem>> -> memref<40x136xf32, #tpu.memory_space<vmem>>
    %dma_wait3A_380 = arith.constant 0 : i32
    %dma_wait3A_381 = arith.constant 0 : i32
    %dma_wait3A_382 = tpu.memref_slice %arg7[%dma_wait3A_380, %dma_wait3A_381] : memref<10000x136xf32, #tpu.memory_space<vmem_shared>> -> memref<10000x136xf32, #tpu.memory_space<vmem_shared>>
    %dma_wait3A_383 = tpu.memref_slice %arg16[%dma_wait3A_375] : memref<2x!tpu.dma_semaphore, #tpu.memory_space<semaphore_mem>> -> memref<1x!tpu.dma_semaphore, #tpu.memory_space<semaphore_mem>>
    %dma_wait3A_384 = tpu.memref_squeeze %dma_wait3A_383 : memref<1x!tpu.dma_semaphore, #tpu.memory_space<semaphore_mem>> -> memref<!tpu.dma_semaphore, #tpu.memory_space<semaphore_mem>>
    tpu.wait_indirect_dma semaphore(%dma_wait3A_384 : memref<!tpu.dma_semaphore, #tpu.memory_space<semaphore_mem>>) src(%dma_wait3A_379 : memref<40x136xf32, #tpu.memory_space<vmem>>) dst(%dma_wait3A_382 : memref<10000x136xf32, #tpu.memory_space<vmem_shared>>)
    %scan3A_385 = arith.constant 0 : i32
    %scan3A_386 = arith.constant 40 : i32
    %scan3A_387 = arith.addi %scan3A_385, %scan3A_386 : i32
    %scan3A_388 = arith.constant 1 : i32
    scf.for %scan3A_464 = %scan3A_385 to %scan3A_387 step %scan3A_388  : i32 {
      %add3A_465 = arith.constant 0 : i32
      %add3A_466 = arith.addi %add3A_465, %scan3A_464 : i32
      %get3A = arith.constant 1 : i32
      %get3A_467 = arith.index_cast %get3A : i32 to index
      %get3A_468 = arith.index_cast %add3A_466 : i32 to index
      %get3A_469 = arith.constant 120 : index
      %get3A_470 = tpu.vector_load %arg10[%get3A_467, %get3A_468, %get3A_469] {strides = array<i32>} : memref<2x80x136xf32, #tpu.memory_space<vmem>>, vector<1x1x16xf32>,
      %get3A_471 = vector.shape_cast %get3A_470 : vector<1x1x16xf32> to vector<16xf32>
      %add3A_472 = arith.constant 0 : i32
      %add3A_473 = arith.addi %add3A_472, %scan3A_464 : i32
      %get3A_474 = arith.constant 1 : i32
      %get3A_475 = arith.index_cast %get3A_474 : i32 to index
      %get3A_476 = arith.index_cast %add3A_473 : i32 to index
      %get3A_477 = arith.constant 0 : index
      %get3A_478 = tpu.vector_load %arg11[%get3A_475, %get3A_476, %get3A_477] {strides = array<i32>} : memref<2x80x16xf32, #tpu.memory_space<vmem>>, vector<1x1x16xf32>,
      %get3A_479 = vector.shape_cast %get3A_478 : vector<1x1x16xf32> to vector<16xf32>
      %add3A_480 = arith.addf %get3A_471, %get3A_479 : vector<16xf32>
      %ge3A = arith.constant 0.000000e+00 : f32
      %ge3A_481 = vector.broadcast %ge3A : f32 to vector<16xf32>
      %ge3A_482 = arith.cmpf oge, %add3A_480, %ge3A_481 : vector<16xf32>
      %mul3A_483 = arith.constant 2.000000e-01 : f32
      %mul3A_484 = vector.broadcast %mul3A_483 : f32 to vector<16xf32>
      %mul3A_485 = arith.mulf %add3A_480, %mul3A_484 : vector<16xf32>
      %select_n3A = arith.select %ge3A_482, %add3A_480, %mul3A_485 : vector<16xi1>, vector<16xf32>
      %exp3A = math.exp %select_n3A : vector<16xf32>
      %swap3A_486 = arith.constant 0 : i32
      %swap3A_487 = arith.index_cast %swap3A_486 : i32 to index
      %swap3A_488 = arith.index_cast %scan3A_464 : i32 to index
      %swap3A_489 = arith.constant 120 : index
      %swap3A_490 = tpu.vector_load %arg12[%swap3A_487, %swap3A_488, %swap3A_489] {strides = array<i32>} : memref<2x40x136xf32, #tpu.memory_space<vmem>>, vector<1x1x16xf32>,
      %swap3A_491 = vector.shape_cast %swap3A_490 : vector<1x1x16xf32> to vector<16xf32>
      %swap3A_492 = vector.shape_cast %exp3A : vector<16xf32> to vector<1x1x16xf32>
      tpu.vector_store %arg12[%swap3A_487, %swap3A_488, %swap3A_489], %swap3A_492 {strides = array<i32>} : memref<2x40x136xf32, #tpu.memory_space<vmem>>, vector<1x1x16xf32>,
      %add3A_493 = arith.constant 0 : i32
      %add3A_494 = arith.addi %add3A_493, %scan3A_464 : i32
      %get3A_495 = arith.constant 1 : i32
      %get3A_496 = arith.index_cast %get3A_495 : i32 to index
      %get3A_497 = arith.index_cast %add3A_494 : i32 to index
      %get3A_498 = arith.constant 0 : index
      %get3A_499 = tpu.vector_load %arg10[%get3A_496, %get3A_497, %get3A_498] {strides = array<i32>} : memref<2x80x136xf32, #tpu.memory_space<vmem>>, vector<1x1x16xf32>,
      %get3A_500 = vector.shape_cast %get3A_499 : vector<1x1x16xf32> to vector<16xf32>
      %slice3A = vector.extract_strided_slice %exp3A {offsets = [8], sizes = [1], strides = [1]} : vector<16xf32> to vector<1xf32>
      %squeeze3A = vector.extract %slice3A[0] : f32 from vector<1xf32>
      %broadcast_in_dim3A_501 = vector.broadcast %squeeze3A : f32 to vector<16xf32>
      %mul3A_502 = arith.mulf %get3A_500, %broadcast_in_dim3A_501 : vector<16xf32>
      %swap3A_503 = arith.constant 0 : i32
      %swap3A_504 = arith.index_cast %swap3A_503 : i32 to index
      %swap3A_505 = arith.index_cast %scan3A_464 : i32 to index
      %swap3A_506 = arith.constant 0 : index
      %swap3A_507 = tpu.vector_load %arg12[%swap3A_504, %swap3A_505, %swap3A_506] {strides = array<i32>} : memref<2x40x136xf32, #tpu.memory_space<vmem>>, vector<1x1x16xf32>,
      %swap3A_508 = vector.shape_cast %swap3A_507 : vector<1x1x16xf32> to vector<16xf32>
      %swap3A_509 = vector.shape_cast %mul3A_502 : vector<16xf32> to vector<1x1x16xf32>
      tpu.vector_store %arg12[%swap3A_504, %swap3A_505, %swap3A_506], %swap3A_509 {strides = array<i32>} : memref<2x40x136xf32, #tpu.memory_space<vmem>>, vector<1x1x16xf32>,
      %add3A_510 = arith.constant 0 : i32
      %add3A_511 = arith.addi %add3A_510, %scan3A_464 : i32
      %get3A_512 = arith.constant 1 : i32
      %get3A_513 = arith.index_cast %get3A_512 : i32 to index
      %get3A_514 = arith.index_cast %add3A_511 : i32 to index
      %get3A_515 = arith.constant 16 : index
      %get3A_516 = tpu.vector_load %arg10[%get3A_513, %get3A_514, %get3A_515] {strides = array<i32>} : memref<2x80x136xf32, #tpu.memory_space<vmem>>, vector<1x1x16xf32>,
      %get3A_517 = vector.shape_cast %get3A_516 : vector<1x1x16xf32> to vector<16xf32>
      %slice3A_518 = vector.extract_strided_slice %exp3A {offsets = [9], sizes = [1], strides = [1]} : vector<16xf32> to vector<1xf32>
      %squeeze3A_519 = vector.extract %slice3A_518[0] : f32 from vector<1xf32>
      %broadcast_in_dim3A_520 = vector.broadcast %squeeze3A_519 : f32 to vector<16xf32>
      %mul3A_521 = arith.mulf %get3A_517, %broadcast_in_dim3A_520 : vector<16xf32>
      %swap3A_522 = arith.constant 0 : i32
      %swap3A_523 = arith.index_cast %swap3A_522 : i32 to index
      %swap3A_524 = arith.index_cast %scan3A_464 : i32 to index
      %swap3A_525 = arith.constant 16 : index
      %swap3A_526 = tpu.vector_load %arg12[%swap3A_523, %swap3A_524, %swap3A_525] {strides = array<i32>} : memref<2x40x136xf32, #tpu.memory_space<vmem>>, vector<1x1x16xf32>,
      %swap3A_527 = vector.shape_cast %swap3A_526 : vector<1x1x16xf32> to vector<16xf32>
      %swap3A_528 = vector.shape_cast %mul3A_521 : vector<16xf32> to vector<1x1x16xf32>
      tpu.vector_store %arg12[%swap3A_523, %swap3A_524, %swap3A_525], %swap3A_528 {strides = array<i32>} : memref<2x40x136xf32, #tpu.memory_space<vmem>>, vector<1x1x16xf32>,
      %add3A_529 = arith.constant 0 : i32
      %add3A_530 = arith.addi %add3A_529, %scan3A_464 : i32
      %get3A_531 = arith.constant 1 : i32
      %get3A_532 = arith.index_cast %get3A_531 : i32 to index
      %get3A_533 = arith.index_cast %add3A_530 : i32 to index
      %get3A_534 = arith.constant 32 : index
      %get3A_535 = tpu.vector_load %arg10[%get3A_532, %get3A_533, %get3A_534] {strides = array<i32>} : memref<2x80x136xf32, #tpu.memory_space<vmem>>, vector<1x1x16xf32>,
      %get3A_536 = vector.shape_cast %get3A_535 : vector<1x1x16xf32> to vector<16xf32>
      %slice3A_537 = vector.extract_strided_slice %exp3A {offsets = [10], sizes = [1], strides = [1]} : vector<16xf32> to vector<1xf32>
      %squeeze3A_538 = vector.extract %slice3A_537[0] : f32 from vector<1xf32>
      %broadcast_in_dim3A_539 = vector.broadcast %squeeze3A_538 : f32 to vector<16xf32>
      %mul3A_540 = arith.mulf %get3A_536, %broadcast_in_dim3A_539 : vector<16xf32>
      %swap3A_541 = arith.constant 0 : i32
      %swap3A_542 = arith.index_cast %swap3A_541 : i32 to index
      %swap3A_543 = arith.index_cast %scan3A_464 : i32 to index
      %swap3A_544 = arith.constant 32 : index
      %swap3A_545 = tpu.vector_load %arg12[%swap3A_542, %swap3A_543, %swap3A_544] {strides = array<i32>} : memref<2x40x136xf32, #tpu.memory_space<vmem>>, vector<1x1x16xf32>,
      %swap3A_546 = vector.shape_cast %swap3A_545 : vector<1x1x16xf32> to vector<16xf32>
      %swap3A_547 = vector.shape_cast %mul3A_540 : vector<16xf32> to vector<1x1x16xf32>
      tpu.vector_store %arg12[%swap3A_542, %swap3A_543, %swap3A_544], %swap3A_547 {strides = array<i32>} : memref<2x40x136xf32, #tpu.memory_space<vmem>>, vector<1x1x16xf32>,
      %add3A_548 = arith.constant 0 : i32
      %add3A_549 = arith.addi %add3A_548, %scan3A_464 : i32
      %get3A_550 = arith.constant 1 : i32
      %get3A_551 = arith.index_cast %get3A_550 : i32 to index
      %get3A_552 = arith.index_cast %add3A_549 : i32 to index
      %get3A_553 = arith.constant 48 : index
      %get3A_554 = tpu.vector_load %arg10[%get3A_551, %get3A_552, %get3A_553] {strides = array<i32>} : memref<2x80x136xf32, #tpu.memory_space<vmem>>, vector<1x1x16xf32>,
      %get3A_555 = vector.shape_cast %get3A_554 : vector<1x1x16xf32> to vector<16xf32>
      %slice3A_556 = vector.extract_strided_slice %exp3A {offsets = [11], sizes = [1], strides = [1]} : vector<16xf32> to vector<1xf32>
      %squeeze3A_557 = vector.extract %slice3A_556[0] : f32 from vector<1xf32>
      %broadcast_in_dim3A_558 = vector.broadcast %squeeze3A_557 : f32 to vector<16xf32>
      %mul3A_559 = arith.mulf %get3A_555, %broadcast_in_dim3A_558 : vector<16xf32>
      %swap3A_560 = arith.constant 0 : i32
      %swap3A_561 = arith.index_cast %swap3A_560 : i32 to index
      %swap3A_562 = arith.index_cast %scan3A_464 : i32 to index
      %swap3A_563 = arith.constant 48 : index
      %swap3A_564 = tpu.vector_load %arg12[%swap3A_561, %swap3A_562, %swap3A_563] {strides = array<i32>} : memref<2x40x136xf32, #tpu.memory_space<vmem>>, vector<1x1x16xf32>,
      %swap3A_565 = vector.shape_cast %swap3A_564 : vector<1x1x16xf32> to vector<16xf32>
      %swap3A_566 = vector.shape_cast %mul3A_559 : vector<16xf32> to vector<1x1x16xf32>
      tpu.vector_store %arg12[%swap3A_561, %swap3A_562, %swap3A_563], %swap3A_566 {strides = array<i32>} : memref<2x40x136xf32, #tpu.memory_space<vmem>>, vector<1x1x16xf32>,
      %add3A_567 = arith.constant 0 : i32
      %add3A_568 = arith.addi %add3A_567, %scan3A_464 : i32
      %get3A_569 = arith.constant 1 : i32
      %get3A_570 = arith.index_cast %get3A_569 : i32 to index
      %get3A_571 = arith.index_cast %add3A_568 : i32 to index
      %get3A_572 = arith.constant 64 : index
      %get3A_573 = tpu.vector_load %arg10[%get3A_570, %get3A_571, %get3A_572] {strides = array<i32>} : memref<2x80x136xf32, #tpu.memory_space<vmem>>, vector<1x1x16xf32>,
      %get3A_574 = vector.shape_cast %get3A_573 : vector<1x1x16xf32> to vector<16xf32>
      %slice3A_575 = vector.extract_strided_slice %exp3A {offsets = [12], sizes = [1], strides = [1]} : vector<16xf32> to vector<1xf32>
      %squeeze3A_576 = vector.extract %slice3A_575[0] : f32 from vector<1xf32>
      %broadcast_in_dim3A_577 = vector.broadcast %squeeze3A_576 : f32 to vector<16xf32>
      %mul3A_578 = arith.mulf %get3A_574, %broadcast_in_dim3A_577 : vector<16xf32>
      %swap3A_579 = arith.constant 0 : i32
      %swap3A_580 = arith.index_cast %swap3A_579 : i32 to index
      %swap3A_581 = arith.index_cast %scan3A_464 : i32 to index
      %swap3A_582 = arith.constant 64 : index
      %swap3A_583 = tpu.vector_load %arg12[%swap3A_580, %swap3A_581, %swap3A_582] {strides = array<i32>} : memref<2x40x136xf32, #tpu.memory_space<vmem>>, vector<1x1x16xf32>,
      %swap3A_584 = vector.shape_cast %swap3A_583 : vector<1x1x16xf32> to vector<16xf32>
      %swap3A_585 = vector.shape_cast %mul3A_578 : vector<16xf32> to vector<1x1x16xf32>
      tpu.vector_store %arg12[%swap3A_580, %swap3A_581, %swap3A_582], %swap3A_585 {strides = array<i32>} : memref<2x40x136xf32, #tpu.memory_space<vmem>>, vector<1x1x16xf32>,
      %add3A_586 = arith.constant 0 : i32
      %add3A_587 = arith.addi %add3A_586, %scan3A_464 : i32
      %get3A_588 = arith.constant 1 : i32
      %get3A_589 = arith.index_cast %get3A_588 : i32 to index
      %get3A_590 = arith.index_cast %add3A_587 : i32 to index
      %get3A_591 = arith.constant 80 : index
      %get3A_592 = tpu.vector_load %arg10[%get3A_589, %get3A_590, %get3A_591] {strides = array<i32>} : memref<2x80x136xf32, #tpu.memory_space<vmem>>, vector<1x1x16xf32>,
      %get3A_593 = vector.shape_cast %get3A_592 : vector<1x1x16xf32> to vector<16xf32>
      %slice3A_594 = vector.extract_strided_slice %exp3A {offsets = [13], sizes = [1], strides = [1]} : vector<16xf32> to vector<1xf32>
      %squeeze3A_595 = vector.extract %slice3A_594[0] : f32 from vector<1xf32>
      %broadcast_in_dim3A_596 = vector.broadcast %squeeze3A_595 : f32 to vector<16xf32>
      %mul3A_597 = arith.mulf %get3A_593, %broadcast_in_dim3A_596 : vector<16xf32>
      %swap3A_598 = arith.constant 0 : i32
      %swap3A_599 = arith.index_cast %swap3A_598 : i32 to index
      %swap3A_600 = arith.index_cast %scan3A_464 : i32 to index
      %swap3A_601 = arith.constant 80 : index
      %swap3A_602 = tpu.vector_load %arg12[%swap3A_599, %swap3A_600, %swap3A_601] {strides = array<i32>} : memref<2x40x136xf32, #tpu.memory_space<vmem>>, vector<1x1x16xf32>,
      %swap3A_603 = vector.shape_cast %swap3A_602 : vector<1x1x16xf32> to vector<16xf32>
      %swap3A_604 = vector.shape_cast %mul3A_597 : vector<16xf32> to vector<1x1x16xf32>
      tpu.vector_store %arg12[%swap3A_599, %swap3A_600, %swap3A_601], %swap3A_604 {strides = array<i32>} : memref<2x40x136xf32, #tpu.memory_space<vmem>>, vector<1x1x16xf32>,
      %add3A_605 = arith.constant 0 : i32
      %add3A_606 = arith.addi %add3A_605, %scan3A_464 : i32
      %get3A_607 = arith.constant 1 : i32
      %get3A_608 = arith.index_cast %get3A_607 : i32 to index
      %get3A_609 = arith.index_cast %add3A_606 : i32 to index
      %get3A_610 = arith.constant 96 : index
      %get3A_611 = tpu.vector_load %arg10[%get3A_608, %get3A_609, %get3A_610] {strides = array<i32>} : memref<2x80x136xf32, #tpu.memory_space<vmem>>, vector<1x1x16xf32>,
      %get3A_612 = vector.shape_cast %get3A_611 : vector<1x1x16xf32> to vector<16xf32>
      %slice3A_613 = vector.extract_strided_slice %exp3A {offsets = [14], sizes = [1], strides = [1]} : vector<16xf32> to vector<1xf32>
      %squeeze3A_614 = vector.extract %slice3A_613[0] : f32 from vector<1xf32>
      %broadcast_in_dim3A_615 = vector.broadcast %squeeze3A_614 : f32 to vector<16xf32>
      %mul3A_616 = arith.mulf %get3A_612, %broadcast_in_dim3A_615 : vector<16xf32>
      %swap3A_617 = arith.constant 0 : i32
      %swap3A_618 = arith.index_cast %swap3A_617 : i32 to index
      %swap3A_619 = arith.index_cast %scan3A_464 : i32 to index
      %swap3A_620 = arith.constant 96 : index
      %swap3A_621 = tpu.vector_load %arg12[%swap3A_618, %swap3A_619, %swap3A_620] {strides = array<i32>} : memref<2x40x136xf32, #tpu.memory_space<vmem>>, vector<1x1x16xf32>,
      %swap3A_622 = vector.shape_cast %swap3A_621 : vector<1x1x16xf32> to vector<16xf32>
      %swap3A_623 = vector.shape_cast %mul3A_616 : vector<16xf32> to vector<1x1x16xf32>
      tpu.vector_store %arg12[%swap3A_618, %swap3A_619, %swap3A_620], %swap3A_623 {strides = array<i32>} : memref<2x40x136xf32, #tpu.memory_space<vmem>>, vector<1x1x16xf32>,
      %add3A_624 = arith.constant 0 : i32
      %add3A_625 = arith.addi %add3A_624, %scan3A_464 : i32
      %get3A_626 = arith.constant 1 : i32
      %get3A_627 = arith.index_cast %get3A_626 : i32 to index
      %get3A_628 = arith.index_cast %add3A_625 : i32 to index
      %get3A_629 = arith.constant 112 : index
      %get3A_630 = tpu.vector_load %arg10[%get3A_627, %get3A_628, %get3A_629] {strides = array<i32>} : memref<2x80x136xf32, #tpu.memory_space<vmem>>, vector<1x1x16xf32>,
      %get3A_631 = vector.shape_cast %get3A_630 : vector<1x1x16xf32> to vector<16xf32>
      %slice3A_632 = vector.extract_strided_slice %exp3A {offsets = [15], sizes = [1], strides = [1]} : vector<16xf32> to vector<1xf32>
      %squeeze3A_633 = vector.extract %slice3A_632[0] : f32 from vector<1xf32>
      %broadcast_in_dim3A_634 = vector.broadcast %squeeze3A_633 : f32 to vector<16xf32>
      %mul3A_635 = arith.mulf %get3A_631, %broadcast_in_dim3A_634 : vector<16xf32>
      %swap3A_636 = arith.constant 0 : i32
      %swap3A_637 = arith.index_cast %swap3A_636 : i32 to index
      %swap3A_638 = arith.index_cast %scan3A_464 : i32 to index
      %swap3A_639 = arith.constant 112 : index
      %swap3A_640 = tpu.vector_load %arg12[%swap3A_637, %swap3A_638, %swap3A_639] {strides = array<i32>} : memref<2x40x136xf32, #tpu.memory_space<vmem>>, vector<1x1x16xf32>,
      %swap3A_641 = vector.shape_cast %swap3A_640 : vector<1x1x16xf32> to vector<16xf32>
      %swap3A_642 = vector.shape_cast %mul3A_635 : vector<16xf32> to vector<1x1x16xf32>
      tpu.vector_store %arg12[%swap3A_637, %swap3A_638, %swap3A_639], %swap3A_642 {strides = array<i32>} : memref<2x40x136xf32, #tpu.memory_space<vmem>>, vector<1x1x16xf32>,
    }
    %scan3A_389 = arith.constant 40 : i32
    %dma_start3A_390 = arith.constant 0 : i32
    %dma_start3A_391 = arith.constant 61 : i32
    %dma_start3A_392 = arith.constant 0 : i32
    %dma_start3A_393 = arith.constant 0 : i32
    %dma_start3A_394 = arith.constant 0 : i32
    %dma_start3A_395 = tpu.memref_slice %arg12[%dma_start3A_390, %dma_start3A_393, %dma_start3A_394] : memref<2x40x136xf32, #tpu.memory_space<vmem>> -> memref<1x40x136xf32, #tpu.memory_space<vmem>>
    %dma_start3A_396 = tpu.memref_squeeze %dma_start3A_395 : memref<1x40x136xf32, #tpu.memory_space<vmem>> -> memref<40x136xf32, #tpu.memory_space<vmem>>
    %dma_start3A_397 = arith.constant 0 : i32
    %dma_start3A_398 = tpu.memref_slice %arg9[%dma_start3A_391, %dma_start3A_397] : memref<63x80xi32, #tpu.memory_space<vmem>> -> memref<1x40xi32, #tpu.memory_space<vmem>>
    %dma_start3A_399 = tpu.memref_squeeze %dma_start3A_398 : memref<1x40xi32, #tpu.memory_space<vmem>> -> memref<40xi32, #tpu.memory_space<vmem>>
    %dma_start3A_400 = arith.constant 0 : i32
    %dma_start3A_401 = arith.constant 0 : i32
    %dma_start3A_402 = tpu.memref_slice %arg7[%dma_start3A_400, %dma_start3A_401] : memref<10000x136xf32, #tpu.memory_space<vmem_shared>> -> memref<10000x136xf32, #tpu.memory_space<vmem_shared>>
    %dma_start3A_403 = tpu.memref_slice %arg16[%dma_start3A_392] : memref<2x!tpu.dma_semaphore, #tpu.memory_space<semaphore_mem>> -> memref<1x!tpu.dma_semaphore, #tpu.memory_space<semaphore_mem>>
    %dma_start3A_404 = tpu.memref_squeeze %dma_start3A_403 : memref<1x!tpu.dma_semaphore, #tpu.memory_space<semaphore_mem>> -> memref<!tpu.dma_semaphore, #tpu.memory_space<semaphore_mem>>
    tpu.enqueue_indirect_dma source(%dma_start3A_396 : memref<40x136xf32, #tpu.memory_space<vmem>>) target(%dma_start3A_402 : memref<10000x136xf32, #tpu.memory_space<vmem_shared>>) offsets(%dma_start3A_399 : memref<40xi32, #tpu.memory_space<vmem>>) semaphore(%dma_start3A_404 : memref<!tpu.dma_semaphore, #tpu.memory_space<semaphore_mem>>) {add = true}
    %dma_wait3A_405 = arith.constant 1 : i32
    %dma_wait3A_406 = arith.constant 1 : i32
    %dma_wait3A_407 = arith.constant 0 : i32
    %dma_wait3A_408 = arith.constant 0 : i32
    %dma_wait3A_409 = tpu.memref_slice %arg12[%dma_wait3A_405, %dma_wait3A_407, %dma_wait3A_408] : memref<2x40x136xf32, #tpu.memory_space<vmem>> -> memref<1x40x136xf32, #tpu.memory_space<vmem>>
    %dma_wait3A_410 = tpu.memref_squeeze %dma_wait3A_409 : memref<1x40x136xf32, #tpu.memory_space<vmem>> -> memref<40x136xf32, #tpu.memory_space<vmem>>
    %dma_wait3A_411 = arith.constant 0 : i32
    %dma_wait3A_412 = arith.constant 0 : i32
    %dma_wait3A_413 = tpu.memref_slice %arg7[%dma_wait3A_411, %dma_wait3A_412] : memref<10000x136xf32, #tpu.memory_space<vmem_shared>> -> memref<10000x136xf32, #tpu.memory_space<vmem_shared>>
    %dma_wait3A_414 = tpu.memref_slice %arg16[%dma_wait3A_406] : memref<2x!tpu.dma_semaphore, #tpu.memory_space<semaphore_mem>> -> memref<1x!tpu.dma_semaphore, #tpu.memory_space<semaphore_mem>>
    %dma_wait3A_415 = tpu.memref_squeeze %dma_wait3A_414 : memref<1x!tpu.dma_semaphore, #tpu.memory_space<semaphore_mem>> -> memref<!tpu.dma_semaphore, #tpu.memory_space<semaphore_mem>>
    tpu.wait_indirect_dma semaphore(%dma_wait3A_415 : memref<!tpu.dma_semaphore, #tpu.memory_space<semaphore_mem>>) src(%dma_wait3A_410 : memref<40x136xf32, #tpu.memory_space<vmem>>) dst(%dma_wait3A_413 : memref<10000x136xf32, #tpu.memory_space<vmem_shared>>)
    %scan3A_416 = arith.constant 0 : i32
    %scan3A_417 = arith.constant 40 : i32
    %scan3A_418 = arith.addi %scan3A_416, %scan3A_417 : i32
    %scan3A_419 = arith.constant 1 : i32
    scf.for %scan3A_464 = %scan3A_416 to %scan3A_418 step %scan3A_419  : i32 {
      %add3A_465 = arith.constant 40 : i32
      %add3A_466 = arith.addi %add3A_465, %scan3A_464 : i32
      %get3A = arith.constant 1 : i32
      %get3A_467 = arith.index_cast %get3A : i32 to index
      %get3A_468 = arith.index_cast %add3A_466 : i32 to index
      %get3A_469 = arith.constant 120 : index
      %get3A_470 = tpu.vector_load %arg10[%get3A_467, %get3A_468, %get3A_469] {strides = array<i32>} : memref<2x80x136xf32, #tpu.memory_space<vmem>>, vector<1x1x16xf32>,
      %get3A_471 = vector.shape_cast %get3A_470 : vector<1x1x16xf32> to vector<16xf32>
      %add3A_472 = arith.constant 40 : i32
      %add3A_473 = arith.addi %add3A_472, %scan3A_464 : i32
      %get3A_474 = arith.constant 1 : i32
      %get3A_475 = arith.index_cast %get3A_474 : i32 to index
      %get3A_476 = arith.index_cast %add3A_473 : i32 to index
      %get3A_477 = arith.constant 0 : index
      %get3A_478 = tpu.vector_load %arg11[%get3A_475, %get3A_476, %get3A_477] {strides = array<i32>} : memref<2x80x16xf32, #tpu.memory_space<vmem>>, vector<1x1x16xf32>,
      %get3A_479 = vector.shape_cast %get3A_478 : vector<1x1x16xf32> to vector<16xf32>
      %add3A_480 = arith.addf %get3A_471, %get3A_479 : vector<16xf32>
      %ge3A = arith.constant 0.000000e+00 : f32
      %ge3A_481 = vector.broadcast %ge3A : f32 to vector<16xf32>
      %ge3A_482 = arith.cmpf oge, %add3A_480, %ge3A_481 : vector<16xf32>
      %mul3A_483 = arith.constant 2.000000e-01 : f32
      %mul3A_484 = vector.broadcast %mul3A_483 : f32 to vector<16xf32>
      %mul3A_485 = arith.mulf %add3A_480, %mul3A_484 : vector<16xf32>
      %select_n3A = arith.select %ge3A_482, %add3A_480, %mul3A_485 : vector<16xi1>, vector<16xf32>
      %exp3A = math.exp %select_n3A : vector<16xf32>
      %swap3A_486 = arith.constant 1 : i32
      %swap3A_487 = arith.index_cast %swap3A_486 : i32 to index
      %swap3A_488 = arith.index_cast %scan3A_464 : i32 to index
      %swap3A_489 = arith.constant 120 : index
      %swap3A_490 = tpu.vector_load %arg12[%swap3A_487, %swap3A_488, %swap3A_489] {strides = array<i32>} : memref<2x40x136xf32, #tpu.memory_space<vmem>>, vector<1x1x16xf32>,
      %swap3A_491 = vector.shape_cast %swap3A_490 : vector<1x1x16xf32> to vector<16xf32>
      %swap3A_492 = vector.shape_cast %exp3A : vector<16xf32> to vector<1x1x16xf32>
      tpu.vector_store %arg12[%swap3A_487, %swap3A_488, %swap3A_489], %swap3A_492 {strides = array<i32>} : memref<2x40x136xf32, #tpu.memory_space<vmem>>, vector<1x1x16xf32>,
      %add3A_493 = arith.constant 40 : i32
      %add3A_494 = arith.addi %add3A_493, %scan3A_464 : i32
      %get3A_495 = arith.constant 1 : i32
      %get3A_496 = arith.index_cast %get3A_495 : i32 to index
      %get3A_497 = arith.index_cast %add3A_494 : i32 to index
      %get3A_498 = arith.constant 0 : index
      %get3A_499 = tpu.vector_load %arg10[%get3A_496, %get3A_497, %get3A_498] {strides = array<i32>} : memref<2x80x136xf32, #tpu.memory_space<vmem>>, vector<1x1x16xf32>,
      %get3A_500 = vector.shape_cast %get3A_499 : vector<1x1x16xf32> to vector<16xf32>
      %slice3A = vector.extract_strided_slice %exp3A {offsets = [8], sizes = [1], strides = [1]} : vector<16xf32> to vector<1xf32>
      %squeeze3A = vector.extract %slice3A[0] : f32 from vector<1xf32>
      %broadcast_in_dim3A_501 = vector.broadcast %squeeze3A : f32 to vector<16xf32>
      %mul3A_502 = arith.mulf %get3A_500, %broadcast_in_dim3A_501 : vector<16xf32>
      %swap3A_503 = arith.constant 1 : i32
      %swap3A_504 = arith.index_cast %swap3A_503 : i32 to index
      %swap3A_505 = arith.index_cast %scan3A_464 : i32 to index
      %swap3A_506 = arith.constant 0 : index
      %swap3A_507 = tpu.vector_load %arg12[%swap3A_504, %swap3A_505, %swap3A_506] {strides = array<i32>} : memref<2x40x136xf32, #tpu.memory_space<vmem>>, vector<1x1x16xf32>,
      %swap3A_508 = vector.shape_cast %swap3A_507 : vector<1x1x16xf32> to vector<16xf32>
      %swap3A_509 = vector.shape_cast %mul3A_502 : vector<16xf32> to vector<1x1x16xf32>
      tpu.vector_store %arg12[%swap3A_504, %swap3A_505, %swap3A_506], %swap3A_509 {strides = array<i32>} : memref<2x40x136xf32, #tpu.memory_space<vmem>>, vector<1x1x16xf32>,
      %add3A_510 = arith.constant 40 : i32
      %add3A_511 = arith.addi %add3A_510, %scan3A_464 : i32
      %get3A_512 = arith.constant 1 : i32
      %get3A_513 = arith.index_cast %get3A_512 : i32 to index
      %get3A_514 = arith.index_cast %add3A_511 : i32 to index
      %get3A_515 = arith.constant 16 : index
      %get3A_516 = tpu.vector_load %arg10[%get3A_513, %get3A_514, %get3A_515] {strides = array<i32>} : memref<2x80x136xf32, #tpu.memory_space<vmem>>, vector<1x1x16xf32>,
      %get3A_517 = vector.shape_cast %get3A_516 : vector<1x1x16xf32> to vector<16xf32>
      %slice3A_518 = vector.extract_strided_slice %exp3A {offsets = [9], sizes = [1], strides = [1]} : vector<16xf32> to vector<1xf32>
      %squeeze3A_519 = vector.extract %slice3A_518[0] : f32 from vector<1xf32>
      %broadcast_in_dim3A_520 = vector.broadcast %squeeze3A_519 : f32 to vector<16xf32>
      %mul3A_521 = arith.mulf %get3A_517, %broadcast_in_dim3A_520 : vector<16xf32>
      %swap3A_522 = arith.constant 1 : i32
      %swap3A_523 = arith.index_cast %swap3A_522 : i32 to index
      %swap3A_524 = arith.index_cast %scan3A_464 : i32 to index
      %swap3A_525 = arith.constant 16 : index
      %swap3A_526 = tpu.vector_load %arg12[%swap3A_523, %swap3A_524, %swap3A_525] {strides = array<i32>} : memref<2x40x136xf32, #tpu.memory_space<vmem>>, vector<1x1x16xf32>,
      %swap3A_527 = vector.shape_cast %swap3A_526 : vector<1x1x16xf32> to vector<16xf32>
      %swap3A_528 = vector.shape_cast %mul3A_521 : vector<16xf32> to vector<1x1x16xf32>
      tpu.vector_store %arg12[%swap3A_523, %swap3A_524, %swap3A_525], %swap3A_528 {strides = array<i32>} : memref<2x40x136xf32, #tpu.memory_space<vmem>>, vector<1x1x16xf32>,
      %add3A_529 = arith.constant 40 : i32
      %add3A_530 = arith.addi %add3A_529, %scan3A_464 : i32
      %get3A_531 = arith.constant 1 : i32
      %get3A_532 = arith.index_cast %get3A_531 : i32 to index
      %get3A_533 = arith.index_cast %add3A_530 : i32 to index
      %get3A_534 = arith.constant 32 : index
      %get3A_535 = tpu.vector_load %arg10[%get3A_532, %get3A_533, %get3A_534] {strides = array<i32>} : memref<2x80x136xf32, #tpu.memory_space<vmem>>, vector<1x1x16xf32>,
      %get3A_536 = vector.shape_cast %get3A_535 : vector<1x1x16xf32> to vector<16xf32>
      %slice3A_537 = vector.extract_strided_slice %exp3A {offsets = [10], sizes = [1], strides = [1]} : vector<16xf32> to vector<1xf32>
      %squeeze3A_538 = vector.extract %slice3A_537[0] : f32 from vector<1xf32>
      %broadcast_in_dim3A_539 = vector.broadcast %squeeze3A_538 : f32 to vector<16xf32>
      %mul3A_540 = arith.mulf %get3A_536, %broadcast_in_dim3A_539 : vector<16xf32>
      %swap3A_541 = arith.constant 1 : i32
      %swap3A_542 = arith.index_cast %swap3A_541 : i32 to index
      %swap3A_543 = arith.index_cast %scan3A_464 : i32 to index
      %swap3A_544 = arith.constant 32 : index
      %swap3A_545 = tpu.vector_load %arg12[%swap3A_542, %swap3A_543, %swap3A_544] {strides = array<i32>} : memref<2x40x136xf32, #tpu.memory_space<vmem>>, vector<1x1x16xf32>,
      %swap3A_546 = vector.shape_cast %swap3A_545 : vector<1x1x16xf32> to vector<16xf32>
      %swap3A_547 = vector.shape_cast %mul3A_540 : vector<16xf32> to vector<1x1x16xf32>
      tpu.vector_store %arg12[%swap3A_542, %swap3A_543, %swap3A_544], %swap3A_547 {strides = array<i32>} : memref<2x40x136xf32, #tpu.memory_space<vmem>>, vector<1x1x16xf32>,
      %add3A_548 = arith.constant 40 : i32
      %add3A_549 = arith.addi %add3A_548, %scan3A_464 : i32
      %get3A_550 = arith.constant 1 : i32
      %get3A_551 = arith.index_cast %get3A_550 : i32 to index
      %get3A_552 = arith.index_cast %add3A_549 : i32 to index
      %get3A_553 = arith.constant 48 : index
      %get3A_554 = tpu.vector_load %arg10[%get3A_551, %get3A_552, %get3A_553] {strides = array<i32>} : memref<2x80x136xf32, #tpu.memory_space<vmem>>, vector<1x1x16xf32>,
      %get3A_555 = vector.shape_cast %get3A_554 : vector<1x1x16xf32> to vector<16xf32>
      %slice3A_556 = vector.extract_strided_slice %exp3A {offsets = [11], sizes = [1], strides = [1]} : vector<16xf32> to vector<1xf32>
      %squeeze3A_557 = vector.extract %slice3A_556[0] : f32 from vector<1xf32>
      %broadcast_in_dim3A_558 = vector.broadcast %squeeze3A_557 : f32 to vector<16xf32>
      %mul3A_559 = arith.mulf %get3A_555, %broadcast_in_dim3A_558 : vector<16xf32>
      %swap3A_560 = arith.constant 1 : i32
      %swap3A_561 = arith.index_cast %swap3A_560 : i32 to index
      %swap3A_562 = arith.index_cast %scan3A_464 : i32 to index
      %swap3A_563 = arith.constant 48 : index
      %swap3A_564 = tpu.vector_load %arg12[%swap3A_561, %swap3A_562, %swap3A_563] {strides = array<i32>} : memref<2x40x136xf32, #tpu.memory_space<vmem>>, vector<1x1x16xf32>,
      %swap3A_565 = vector.shape_cast %swap3A_564 : vector<1x1x16xf32> to vector<16xf32>
      %swap3A_566 = vector.shape_cast %mul3A_559 : vector<16xf32> to vector<1x1x16xf32>
      tpu.vector_store %arg12[%swap3A_561, %swap3A_562, %swap3A_563], %swap3A_566 {strides = array<i32>} : memref<2x40x136xf32, #tpu.memory_space<vmem>>, vector<1x1x16xf32>,
      %add3A_567 = arith.constant 40 : i32
      %add3A_568 = arith.addi %add3A_567, %scan3A_464 : i32
      %get3A_569 = arith.constant 1 : i32
      %get3A_570 = arith.index_cast %get3A_569 : i32 to index
      %get3A_571 = arith.index_cast %add3A_568 : i32 to index
      %get3A_572 = arith.constant 64 : index
      %get3A_573 = tpu.vector_load %arg10[%get3A_570, %get3A_571, %get3A_572] {strides = array<i32>} : memref<2x80x136xf32, #tpu.memory_space<vmem>>, vector<1x1x16xf32>,
      %get3A_574 = vector.shape_cast %get3A_573 : vector<1x1x16xf32> to vector<16xf32>
      %slice3A_575 = vector.extract_strided_slice %exp3A {offsets = [12], sizes = [1], strides = [1]} : vector<16xf32> to vector<1xf32>
      %squeeze3A_576 = vector.extract %slice3A_575[0] : f32 from vector<1xf32>
      %broadcast_in_dim3A_577 = vector.broadcast %squeeze3A_576 : f32 to vector<16xf32>
      %mul3A_578 = arith.mulf %get3A_574, %broadcast_in_dim3A_577 : vector<16xf32>
      %swap3A_579 = arith.constant 1 : i32
      %swap3A_580 = arith.index_cast %swap3A_579 : i32 to index
      %swap3A_581 = arith.index_cast %scan3A_464 : i32 to index
      %swap3A_582 = arith.constant 64 : index
      %swap3A_583 = tpu.vector_load %arg12[%swap3A_580, %swap3A_581, %swap3A_582] {strides = array<i32>} : memref<2x40x136xf32, #tpu.memory_space<vmem>>, vector<1x1x16xf32>,
      %swap3A_584 = vector.shape_cast %swap3A_583 : vector<1x1x16xf32> to vector<16xf32>
      %swap3A_585 = vector.shape_cast %mul3A_578 : vector<16xf32> to vector<1x1x16xf32>
      tpu.vector_store %arg12[%swap3A_580, %swap3A_581, %swap3A_582], %swap3A_585 {strides = array<i32>} : memref<2x40x136xf32, #tpu.memory_space<vmem>>, vector<1x1x16xf32>,
      %add3A_586 = arith.constant 40 : i32
      %add3A_587 = arith.addi %add3A_586, %scan3A_464 : i32
      %get3A_588 = arith.constant 1 : i32
      %get3A_589 = arith.index_cast %get3A_588 : i32 to index
      %get3A_590 = arith.index_cast %add3A_587 : i32 to index
      %get3A_591 = arith.constant 80 : index
      %get3A_592 = tpu.vector_load %arg10[%get3A_589, %get3A_590, %get3A_591] {strides = array<i32>} : memref<2x80x136xf32, #tpu.memory_space<vmem>>, vector<1x1x16xf32>,
      %get3A_593 = vector.shape_cast %get3A_592 : vector<1x1x16xf32> to vector<16xf32>
      %slice3A_594 = vector.extract_strided_slice %exp3A {offsets = [13], sizes = [1], strides = [1]} : vector<16xf32> to vector<1xf32>
      %squeeze3A_595 = vector.extract %slice3A_594[0] : f32 from vector<1xf32>
      %broadcast_in_dim3A_596 = vector.broadcast %squeeze3A_595 : f32 to vector<16xf32>
      %mul3A_597 = arith.mulf %get3A_593, %broadcast_in_dim3A_596 : vector<16xf32>
      %swap3A_598 = arith.constant 1 : i32
      %swap3A_599 = arith.index_cast %swap3A_598 : i32 to index
      %swap3A_600 = arith.index_cast %scan3A_464 : i32 to index
      %swap3A_601 = arith.constant 80 : index
      %swap3A_602 = tpu.vector_load %arg12[%swap3A_599, %swap3A_600, %swap3A_601] {strides = array<i32>} : memref<2x40x136xf32, #tpu.memory_space<vmem>>, vector<1x1x16xf32>,
      %swap3A_603 = vector.shape_cast %swap3A_602 : vector<1x1x16xf32> to vector<16xf32>
      %swap3A_604 = vector.shape_cast %mul3A_597 : vector<16xf32> to vector<1x1x16xf32>
      tpu.vector_store %arg12[%swap3A_599, %swap3A_600, %swap3A_601], %swap3A_604 {strides = array<i32>} : memref<2x40x136xf32, #tpu.memory_space<vmem>>, vector<1x1x16xf32>,
      %add3A_605 = arith.constant 40 : i32
      %add3A_606 = arith.addi %add3A_605, %scan3A_464 : i32
      %get3A_607 = arith.constant 1 : i32
      %get3A_608 = arith.index_cast %get3A_607 : i32 to index
      %get3A_609 = arith.index_cast %add3A_606 : i32 to index
      %get3A_610 = arith.constant 96 : index
      %get3A_611 = tpu.vector_load %arg10[%get3A_608, %get3A_609, %get3A_610] {strides = array<i32>} : memref<2x80x136xf32, #tpu.memory_space<vmem>>, vector<1x1x16xf32>,
      %get3A_612 = vector.shape_cast %get3A_611 : vector<1x1x16xf32> to vector<16xf32>
      %slice3A_613 = vector.extract_strided_slice %exp3A {offsets = [14], sizes = [1], strides = [1]} : vector<16xf32> to vector<1xf32>
      %squeeze3A_614 = vector.extract %slice3A_613[0] : f32 from vector<1xf32>
      %broadcast_in_dim3A_615 = vector.broadcast %squeeze3A_614 : f32 to vector<16xf32>
      %mul3A_616 = arith.mulf %get3A_612, %broadcast_in_dim3A_615 : vector<16xf32>
      %swap3A_617 = arith.constant 1 : i32
      %swap3A_618 = arith.index_cast %swap3A_617 : i32 to index
      %swap3A_619 = arith.index_cast %scan3A_464 : i32 to index
      %swap3A_620 = arith.constant 96 : index
      %swap3A_621 = tpu.vector_load %arg12[%swap3A_618, %swap3A_619, %swap3A_620] {strides = array<i32>} : memref<2x40x136xf32, #tpu.memory_space<vmem>>, vector<1x1x16xf32>,
      %swap3A_622 = vector.shape_cast %swap3A_621 : vector<1x1x16xf32> to vector<16xf32>
      %swap3A_623 = vector.shape_cast %mul3A_616 : vector<16xf32> to vector<1x1x16xf32>
      tpu.vector_store %arg12[%swap3A_618, %swap3A_619, %swap3A_620], %swap3A_623 {strides = array<i32>} : memref<2x40x136xf32, #tpu.memory_space<vmem>>, vector<1x1x16xf32>,
      %add3A_624 = arith.constant 40 : i32
      %add3A_625 = arith.addi %add3A_624, %scan3A_464 : i32
      %get3A_626 = arith.constant 1 : i32
      %get3A_627 = arith.index_cast %get3A_626 : i32 to index
      %get3A_628 = arith.index_cast %add3A_625 : i32 to index
      %get3A_629 = arith.constant 112 : index
      %get3A_630 = tpu.vector_load %arg10[%get3A_627, %get3A_628, %get3A_629] {strides = array<i32>} : memref<2x80x136xf32, #tpu.memory_space<vmem>>, vector<1x1x16xf32>,
      %get3A_631 = vector.shape_cast %get3A_630 : vector<1x1x16xf32> to vector<16xf32>
      %slice3A_632 = vector.extract_strided_slice %exp3A {offsets = [15], sizes = [1], strides = [1]} : vector<16xf32> to vector<1xf32>
      %squeeze3A_633 = vector.extract %slice3A_632[0] : f32 from vector<1xf32>
      %broadcast_in_dim3A_634 = vector.broadcast %squeeze3A_633 : f32 to vector<16xf32>
      %mul3A_635 = arith.mulf %get3A_631, %broadcast_in_dim3A_634 : vector<16xf32>
      %swap3A_636 = arith.constant 1 : i32
      %swap3A_637 = arith.index_cast %swap3A_636 : i32 to index
      %swap3A_638 = arith.index_cast %scan3A_464 : i32 to index
      %swap3A_639 = arith.constant 112 : index
      %swap3A_640 = tpu.vector_load %arg12[%swap3A_637, %swap3A_638, %swap3A_639] {strides = array<i32>} : memref<2x40x136xf32, #tpu.memory_space<vmem>>, vector<1x1x16xf32>,
      %swap3A_641 = vector.shape_cast %swap3A_640 : vector<1x1x16xf32> to vector<16xf32>
      %swap3A_642 = vector.shape_cast %mul3A_635 : vector<16xf32> to vector<1x1x16xf32>
      tpu.vector_store %arg12[%swap3A_637, %swap3A_638, %swap3A_639], %swap3A_642 {strides = array<i32>} : memref<2x40x136xf32, #tpu.memory_space<vmem>>, vector<1x1x16xf32>,
    }
    %scan3A_420 = arith.constant 40 : i32
    %dma_start3A_421 = arith.constant 1 : i32
    %dma_start3A_422 = arith.constant 61 : i32
    %dma_start3A_423 = arith.constant 1 : i32
    %dma_start3A_424 = arith.constant 0 : i32
    %dma_start3A_425 = arith.constant 0 : i32
    %dma_start3A_426 = tpu.memref_slice %arg12[%dma_start3A_421, %dma_start3A_424, %dma_start3A_425] : memref<2x40x136xf32, #tpu.memory_space<vmem>> -> memref<1x40x136xf32, #tpu.memory_space<vmem>>
    %dma_start3A_427 = tpu.memref_squeeze %dma_start3A_426 : memref<1x40x136xf32, #tpu.memory_space<vmem>> -> memref<40x136xf32, #tpu.memory_space<vmem>>
    %dma_start3A_428 = arith.constant 40 : i32
    %dma_start3A_429 = tpu.memref_slice %arg9[%dma_start3A_422, %dma_start3A_428] : memref<63x80xi32, #tpu.memory_space<vmem>> -> memref<1x40xi32, #tpu.memory_space<vmem>>
    %dma_start3A_430 = tpu.memref_squeeze %dma_start3A_429 : memref<1x40xi32, #tpu.memory_space<vmem>> -> memref<40xi32, #tpu.memory_space<vmem>>
    %dma_start3A_431 = arith.constant 0 : i32
    %dma_start3A_432 = arith.constant 0 : i32
    %dma_start3A_433 = tpu.memref_slice %arg7[%dma_start3A_431, %dma_start3A_432] : memref<10000x136xf32, #tpu.memory_space<vmem_shared>> -> memref<10000x136xf32, #tpu.memory_space<vmem_shared>>
    %dma_start3A_434 = tpu.memref_slice %arg16[%dma_start3A_423] : memref<2x!tpu.dma_semaphore, #tpu.memory_space<semaphore_mem>> -> memref<1x!tpu.dma_semaphore, #tpu.memory_space<semaphore_mem>>
    %dma_start3A_435 = tpu.memref_squeeze %dma_start3A_434 : memref<1x!tpu.dma_semaphore, #tpu.memory_space<semaphore_mem>> -> memref<!tpu.dma_semaphore, #tpu.memory_space<semaphore_mem>>
    tpu.enqueue_indirect_dma source(%dma_start3A_427 : memref<40x136xf32, #tpu.memory_space<vmem>>) target(%dma_start3A_433 : memref<10000x136xf32, #tpu.memory_space<vmem_shared>>) offsets(%dma_start3A_430 : memref<40xi32, #tpu.memory_space<vmem>>) semaphore(%dma_start3A_435 : memref<!tpu.dma_semaphore, #tpu.memory_space<semaphore_mem>>) {add = true}
    %dma_wait3A_436 = arith.constant 0 : i32
    %dma_wait3A_437 = arith.constant 0 : i32
    %dma_wait3A_438 = arith.constant 0 : i32
    %dma_wait3A_439 = arith.constant 0 : i32
    %dma_wait3A_440 = tpu.memref_slice %arg12[%dma_wait3A_436, %dma_wait3A_438, %dma_wait3A_439] : memref<2x40x136xf32, #tpu.memory_space<vmem>> -> memref<1x40x136xf32, #tpu.memory_space<vmem>>
    %dma_wait3A_441 = tpu.memref_squeeze %dma_wait3A_440 : memref<1x40x136xf32, #tpu.memory_space<vmem>> -> memref<40x136xf32, #tpu.memory_space<vmem>>
    %dma_wait3A_442 = arith.constant 0 : i32
    %dma_wait3A_443 = arith.constant 0 : i32
    %dma_wait3A_444 = tpu.memref_slice %arg7[%dma_wait3A_442, %dma_wait3A_443] : memref<10000x136xf32, #tpu.memory_space<vmem_shared>> -> memref<10000x136xf32, #tpu.memory_space<vmem_shared>>
    %dma_wait3A_445 = tpu.memref_slice %arg16[%dma_wait3A_437] : memref<2x!tpu.dma_semaphore, #tpu.memory_space<semaphore_mem>> -> memref<1x!tpu.dma_semaphore, #tpu.memory_space<semaphore_mem>>
    %dma_wait3A_446 = tpu.memref_squeeze %dma_wait3A_445 : memref<1x!tpu.dma_semaphore, #tpu.memory_space<semaphore_mem>> -> memref<!tpu.dma_semaphore, #tpu.memory_space<semaphore_mem>>
    tpu.wait_indirect_dma semaphore(%dma_wait3A_446 : memref<!tpu.dma_semaphore, #tpu.memory_space<semaphore_mem>>) src(%dma_wait3A_441 : memref<40x136xf32, #tpu.memory_space<vmem>>) dst(%dma_wait3A_444 : memref<10000x136xf32, #tpu.memory_space<vmem_shared>>)
    %dma_wait3A_447 = arith.constant 1 : i32
    %dma_wait3A_448 = arith.constant 1 : i32
    %dma_wait3A_449 = arith.constant 0 : i32
    %dma_wait3A_450 = arith.constant 0 : i32
    %dma_wait3A_451 = tpu.memref_slice %arg12[%dma_wait3A_447, %dma_wait3A_449, %dma_wait3A_450] : memref<2x40x136xf32, #tpu.memory_space<vmem>> -> memref<1x40x136xf32, #tpu.memory_space<vmem>>
    %dma_wait3A_452 = tpu.memref_squeeze %dma_wait3A_451 : memref<1x40x136xf32, #tpu.memory_space<vmem>> -> memref<40x136xf32, #tpu.memory_space<vmem>>
    %dma_wait3A_453 = arith.constant 0 : i32
    %dma_wait3A_454 = arith.constant 0 : i32
    %dma_wait3A_455 = tpu.memref_slice %arg7[%dma_wait3A_453, %dma_wait3A_454] : memref<10000x136xf32, #tpu.memory_space<vmem_shared>> -> memref<10000x136xf32, #tpu.memory_space<vmem_shared>>
    %dma_wait3A_456 = tpu.memref_slice %arg16[%dma_wait3A_448] : memref<2x!tpu.dma_semaphore, #tpu.memory_space<semaphore_mem>> -> memref<1x!tpu.dma_semaphore, #tpu.memory_space<semaphore_mem>>
    %dma_wait3A_457 = tpu.memref_squeeze %dma_wait3A_456 : memref<1x!tpu.dma_semaphore, #tpu.memory_space<semaphore_mem>> -> memref<!tpu.dma_semaphore, #tpu.memory_space<semaphore_mem>>
    tpu.wait_indirect_dma semaphore(%dma_wait3A_457 : memref<!tpu.dma_semaphore, #tpu.memory_space<semaphore_mem>>) src(%dma_wait3A_452 : memref<40x136xf32, #tpu.memory_space<vmem>>) dst(%dma_wait3A_455 : memref<10000x136xf32, #tpu.memory_space<vmem_shared>>)
    %barrier3A_458 = arith.constant 0 : index
    tpu.barrier barrier_id(%barrier3A_458)
    %scan3A_459 = arith.constant 0 : i32
    %scan3A_460 = arith.constant 8 : i32
    %scan3A_461 = arith.addi %scan3A_459, %scan3A_460 : i32
    %scan3A_462 = arith.constant 1 : i32
    scf.for %scan3A_464 = %scan3A_459 to %scan3A_461 step %scan3A_462  : i32 {
      %mul3A_465 = arith.constant 16 : i32
      %mul3A_466 = arith.muli %scan3A_464, %mul3A_465 : i32
      %add3A_467 = arith.addi %arg1, %mul3A_466 : i32
      %lt3A = arith.constant 125 : i32
      %lt3A_468 = arith.cmpi slt, %add3A_467, %lt3A : i32
      %convert_element_type3A = arith.extui %lt3A_468 : i1 to i32
      %cond3A = arith.constant 0 : i32
      %cond3A_469 = arith.cmpi ne, %convert_element_type3A, %cond3A : i32
      scf.if %cond3A_469 {
        %mul3A_470 = arith.constant 80 : i32
        %mul3A_471 = arith.muli %add3A_467, %mul3A_470 : i32
        %mul3A_472 = arith.constant 80 : i32
        %mul3A_473 = arith.muli %add3A_467, %mul3A_472 : i32
        "tpu.region"() ({
          %run_scoped3A = tpu.sem_alloc : memref<!tpu.dma_semaphore, #tpu.memory_space<semaphore_mem>>
          %dma_start3A_474 = arith.constant 0 : i32
          %dma_start3A_475 = tpu.memref_slice %arg6[%arg0, %mul3A_473, %dma_start3A_474] : memref<2x10000x136xf32, #tpu.memory_space<hbm>> -> memref<1x80x136xf32, #tpu.memory_space<hbm>>
          %dma_start3A_476 = tpu.memref_squeeze %dma_start3A_475 : memref<1x80x136xf32, #tpu.memory_space<hbm>> -> memref<80x136xf32, #tpu.memory_space<hbm>>
          %dma_start3A_477 = arith.constant 0 : i32
          %dma_start3A_478 = tpu.memref_slice %arg7[%mul3A_471, %dma_start3A_477] : memref<10000x136xf32, #tpu.memory_space<vmem_shared>> -> memref<80x136xf32, #tpu.memory_space<vmem_shared>>
          tpu.enqueue_dma source(%dma_start3A_478 : memref<80x136xf32, #tpu.memory_space<vmem_shared>>) target(%dma_start3A_476 : memref<80x136xf32, #tpu.memory_space<hbm>>) target_semaphore(%run_scoped3A : memref<!tpu.dma_semaphore, #tpu.memory_space<semaphore_mem>>)
          %dma_wait3A_479 = arith.constant 0 : i32
          %dma_wait3A_480 = tpu.memref_slice %arg6[%arg0, %mul3A_473, %dma_wait3A_479] : memref<2x10000x136xf32, #tpu.memory_space<hbm>> -> memref<1x80x136xf32, #tpu.memory_space<hbm>>
          %dma_wait3A_481 = tpu.memref_squeeze %dma_wait3A_480 : memref<1x80x136xf32, #tpu.memory_space<hbm>> -> memref<80x136xf32, #tpu.memory_space<hbm>>
          %dma_wait3A_482 = arith.constant 0 : i32
          %dma_wait3A_483 = tpu.memref_slice %arg7[%mul3A_471, %dma_wait3A_482] : memref<10000x136xf32, #tpu.memory_space<vmem_shared>> -> memref<80x136xf32, #tpu.memory_space<vmem_shared>>
          tpu.wait_dma2 semaphore(%run_scoped3A : memref<!tpu.dma_semaphore, #tpu.memory_space<semaphore_mem>>) src(%dma_wait3A_483 : memref<80x136xf32, #tpu.memory_space<vmem_shared>>) dst(%dma_wait3A_481 : memref<80x136xf32, #tpu.memory_space<hbm>>)
          tpu.yield
        }) : () -> ()
      } else {
      }
    }
    %scan3A_463 = arith.constant 8 : i32
    return
  }
}

module attributes {stable_mosaic.version = 14 : i64} {
  func.func @_prep_body(%arg0: i32, %arg1: memref<1000x128xf32, #tpu.memory_space<vmem>>, %arg2: memref<128x128xf32, #tpu.memory_space<vmem>>, %arg3: memref<128x8xf32, #tpu.memory_space<vmem>>, %arg4: memref<128x8xf32, #tpu.memory_space<vmem>>, %arg5: memref<1000x136xf32, #tpu.memory_space<vmem>>, %arg6: memref<1000x16xf32, #tpu.memory_space<vmem>>) attributes {dimension_semantics = [#tpu.dimension_semantics<arbitrary>], iteration_bounds = array<i64: 10>, scalar_prefetch = 0 : i64, scratch_operands = 0 : i64, tpu.core_type = #tpu.core_type<tc>, window_params = [{transform_indices = @transform_0, window_bounds = array<i64: 1000, 128>}, {pipeline_mode = #tpu.pipeline_mode<synchronous>, transform_indices = @transform_1, window_bounds = array<i64: 128, 128>}, {pipeline_mode = #tpu.pipeline_mode<synchronous>, transform_indices = @transform_2, window_bounds = array<i64: 128, 8>}, {pipeline_mode = #tpu.pipeline_mode<synchronous>, transform_indices = @transform_3, window_bounds = array<i64: 128, 8>}, {transform_indices = @transform_4, window_bounds = array<i64: 1000, 136>}, {transform_indices = @transform_5, window_bounds = array<i64: 1000, 16>}]} {
    %get3A = arith.constant 0 : index
    %get3A_0 = arith.constant 0 : index
    %get3A_1 = vector.load %arg1[%get3A, %get3A_0] : memref<1000x128xf32, #tpu.memory_space<vmem>>, vector<1000x128xf32>
    %get3A_2 = arith.constant 0 : index
    %get3A_3 = arith.constant 0 : index
    %get3A_4 = vector.load %arg2[%get3A_2, %get3A_3] : memref<128x128xf32, #tpu.memory_space<vmem>>, vector<128x128xf32>
    %dot_general3A = arith.constant dense<0.000000e+00> : vector<1000x128xf32>
    %dot_general3A_5 = tpu.matmul %get3A_1, %get3A_4, %dot_general3A {dimension_numbers = #tpu.dot_dimension_numbers<[1], [0], [0], [1], [0, 0, 1, 1], [], []>, transpose_lhs_hint = false} : vector<1000x128xf32>, vector<128x128xf32>, vector<1000x128xf32> -> vector<1000x128xf32>
    %get3A_6 = arith.constant 0 : index
    %get3A_7 = arith.constant 0 : index
    %get3A_8 = vector.load %arg3[%get3A_6, %get3A_7] : memref<128x8xf32, #tpu.memory_space<vmem>>, vector<128x8xf32>
    %dot_general3A_9 = arith.constant dense<0.000000e+00> : vector<1000x8xf32>
    %dot_general3A_10 = tpu.matmul %dot_general3A_5, %get3A_8, %dot_general3A_9 {dimension_numbers = #tpu.dot_dimension_numbers<[1], [0], [0], [1], [0, 0, 1, 1], [], []>, transpose_lhs_hint = false} : vector<1000x128xf32>, vector<128x8xf32>, vector<1000x8xf32> -> vector<1000x8xf32>
    %get3A_11 = arith.constant 0 : index
    %get3A_12 = arith.constant 0 : index
    %get3A_13 = vector.load %arg4[%get3A_11, %get3A_12] : memref<128x8xf32, #tpu.memory_space<vmem>>, vector<128x8xf32>
    %dot_general3A_14 = arith.constant dense<0.000000e+00> : vector<1000x8xf32>
    %dot_general3A_15 = tpu.matmul %dot_general3A_5, %get3A_13, %dot_general3A_14 {dimension_numbers = #tpu.dot_dimension_numbers<[1], [0], [0], [1], [0, 0, 1, 1], [], []>, transpose_lhs_hint = false} : vector<1000x128xf32>, vector<128x8xf32>, vector<1000x8xf32> -> vector<1000x8xf32>
    %concatenate3A = tpu.concatenate %dot_general3A_5, %dot_general3A_10 in 1 : vector<1000x128xf32>, vector<1000x8xf32> -> vector<1000x136xf32>
    %swap3A = arith.constant 0 : index
    %swap3A_16 = arith.constant 0 : index
    %swap3A_17 = vector.load %arg5[%swap3A, %swap3A_16] : memref<1000x136xf32, #tpu.memory_space<vmem>>, vector<1000x136xf32>
    tpu.vector_store %arg5[%swap3A, %swap3A_16], %concatenate3A {strides = array<i32>} : memref<1000x136xf32, #tpu.memory_space<vmem>>, vector<1000x136xf32>,
    %broadcast_in_dim3A = arith.constant 0.000000e+00 : f32
    %broadcast_in_dim3A_18 = vector.broadcast %broadcast_in_dim3A : f32 to vector<1000x8xf32>
    %concatenate3A_19 = tpu.concatenate %broadcast_in_dim3A_18, %dot_general3A_15 in 1 : vector<1000x8xf32>, vector<1000x8xf32> -> vector<1000x16xf32>
    %swap3A_20 = arith.constant 0 : index
    %swap3A_21 = arith.constant 0 : index
    %swap3A_22 = vector.load %arg6[%swap3A_20, %swap3A_21] : memref<1000x16xf32, #tpu.memory_space<vmem>>, vector<1000x16xf32>
    tpu.vector_store %arg6[%swap3A_20, %swap3A_21], %concatenate3A_19 {strides = array<i32>} : memref<1000x16xf32, #tpu.memory_space<vmem>>, vector<1000x16xf32>,
    return
  }
  func.func @transform_0(%arg0: i32) -> (i32, i32) {
    %c0_i32 = arith.constant 0 : i32
    %c0_i32_0 = arith.constant 0 : i32
    return %arg0, %c0_i32 : i32, i32
  }
  func.func @transform_1(%arg0: i32) -> (i32, i32) {
    %c0_i32 = arith.constant 0 : i32
    %c0_i32_0 = arith.constant 0 : i32
    %c0_i32_1 = arith.constant 0 : i32
    return %c0_i32, %c0_i32_0 : i32, i32
  }
  func.func @transform_2(%arg0: i32) -> (i32, i32) {
    %c0_i32 = arith.constant 0 : i32
    %c0_i32_0 = arith.constant 0 : i32
    %c0_i32_1 = arith.constant 0 : i32
    return %c0_i32, %c0_i32_0 : i32, i32
  }
  func.func @transform_3(%arg0: i32) -> (i32, i32) {
    %c0_i32 = arith.constant 0 : i32
    %c0_i32_0 = arith.constant 0 : i32
    %c0_i32_1 = arith.constant 0 : i32
    return %c0_i32, %c0_i32_0 : i32, i32
  }
  func.func @transform_4(%arg0: i32) -> (i32, i32) {
    %c0_i32 = arith.constant 0 : i32
    %c0_i32_0 = arith.constant 0 : i32
    return %arg0, %c0_i32 : i32, i32
  }
  func.func @transform_5(%arg0: i32) -> (i32, i32) {
    %c0_i32 = arith.constant 0 : i32
    %c0_i32_0 = arith.constant 0 : i32
    return %arg0, %c0_i32 : i32, i32
  }
}

module attributes {stable_mosaic.version = 14 : i64} {
  func.func @_fin_body(%arg0: i32, %arg1: memref<1000x136xf32, #tpu.memory_space<vmem>>, %arg2: memref<1000x136xf32, #tpu.memory_space<vmem>>, %arg3: memref<1x128xf32, #tpu.memory_space<vmem>>, %arg4: memref<1000x128xf32, #tpu.memory_space<vmem>>) attributes {dimension_semantics = [#tpu.dimension_semantics<arbitrary>], iteration_bounds = array<i64: 10>, scalar_prefetch = 0 : i64, scratch_operands = 0 : i64, tpu.core_type = #tpu.core_type<tc>, window_params = [{transform_indices = @transform_0, window_bounds = array<i64: 1000, 136>}, {transform_indices = @transform_1, window_bounds = array<i64: 1000, 136>}, {pipeline_mode = #tpu.pipeline_mode<synchronous>, transform_indices = @transform_2, window_bounds = array<i64: 1, 128>}, {transform_indices = @transform_3, window_bounds = array<i64: 1000, 128>}]} {
    %get3A = arith.constant 0 : index
    %get3A_0 = arith.constant 0 : index
    %get3A_1 = vector.load %arg1[%get3A, %get3A_0] : memref<1000x136xf32, #tpu.memory_space<vmem>>, vector<1000x136xf32>
    %get3A_2 = arith.constant 0 : index
    %get3A_3 = arith.constant 0 : index
    %get3A_4 = vector.load %arg2[%get3A_2, %get3A_3] : memref<1000x136xf32, #tpu.memory_space<vmem>>, vector<1000x136xf32>
    %slice3A = vector.extract_strided_slice %get3A_1 {offsets = [0, 0], sizes = [1000, 128], strides = [1, 1]} : vector<1000x136xf32> to vector<1000x128xf32>
    %slice3A_5 = vector.extract_strided_slice %get3A_4 {offsets = [0, 0], sizes = [1000, 128], strides = [1, 1]} : vector<1000x136xf32> to vector<1000x128xf32>
    %add3A = arith.addf %slice3A, %slice3A_5 : vector<1000x128xf32>
    %slice3A_6 = vector.extract_strided_slice %get3A_1 {offsets = [0, 128], sizes = [1000, 8], strides = [1, 1]} : vector<1000x136xf32> to vector<1000x8xf32>
    %slice3A_7 = vector.extract_strided_slice %get3A_4 {offsets = [0, 128], sizes = [1000, 8], strides = [1, 1]} : vector<1000x136xf32> to vector<1000x8xf32>
    %add3A_8 = arith.addf %slice3A_6, %slice3A_7 : vector<1000x8xf32>
    %iota3A = tpu.iota {dimensions = array<i32: 0>} : vector<8x128xi32>
    %iota3A_9 = tpu.iota {dimensions = array<i32: 1>} : vector<8x128xi32>
    %jit3A = arith.constant 16 : i32
    %div3A = vector.broadcast %jit3A : i32 to vector<8x128xi32>
    %div3A_10 = arith.divsi %iota3A_9, %div3A : vector<8x128xi32>
    %sign3A = arith.constant 0 : i32
    %sign3A_11 = vector.broadcast %sign3A : i32 to vector<8x128xi32>
    %sign3A_12 = arith.cmpi sgt, %iota3A_9, %sign3A_11 : vector<8x128xi32>
    %sign3A_13 = arith.extui %sign3A_12 : vector<8x128xi1> to vector<8x128xi32>
    %sign3A_14 = arith.constant 0 : i32
    %sign3A_15 = vector.broadcast %sign3A_14 : i32 to vector<8x128xi32>
    %sign3A_16 = arith.cmpi slt, %iota3A_9, %sign3A_15 : vector<8x128xi32>
    %sign3A_17 = arith.extui %sign3A_16 : vector<8x128xi1> to vector<8x128xi32>
    %sign3A_18 = arith.subi %sign3A_13, %sign3A_17 : vector<8x128xi32>
    %sign3A_19 = arith.constant 0 : i32
    %sign3A_20 = arith.cmpi sgt, %jit3A, %sign3A_19 : i32
    %sign3A_21 = arith.extui %sign3A_20 : i1 to i32
    %sign3A_22 = arith.constant 0 : i32
    %sign3A_23 = arith.cmpi slt, %jit3A, %sign3A_22 : i32
    %sign3A_24 = arith.extui %sign3A_23 : i1 to i32
    %sign3A_25 = arith.subi %sign3A_21, %sign3A_24 : i32
    %ne3A = vector.broadcast %sign3A_25 : i32 to vector<8x128xi32>
    %ne3A_26 = arith.cmpi ne, %sign3A_18, %ne3A : vector<8x128xi32>
    %rem3A = vector.broadcast %jit3A : i32 to vector<8x128xi32>
    %rem3A_27 = arith.remsi %iota3A_9, %rem3A : vector<8x128xi32>
    %ne3A_28 = arith.constant 0 : i32
    %ne3A_29 = vector.broadcast %ne3A_28 : i32 to vector<8x128xi32>
    %ne3A_30 = arith.cmpi ne, %rem3A_27, %ne3A_29 : vector<8x128xi32>
    %and3A = arith.andi %ne3A_26, %ne3A_30 : vector<8x128xi1>
    %sub3A = arith.constant 1 : i32
    %sub3A_31 = vector.broadcast %sub3A : i32 to vector<8x128xi32>
    %sub3A_32 = arith.subi %div3A_10, %sub3A_31 : vector<8x128xi32>
    %select_n3A = arith.select %and3A, %sub3A_32, %div3A_10 : vector<8x128xi1>, vector<8x128xi32>
    %eq3A = arith.cmpi eq, %select_n3A, %iota3A : vector<8x128xi32>
    %convert_element_type3A = arith.extui %eq3A : vector<8x128xi1> to vector<8x128xi32>
    %convert_element_type3A_33 = arith.sitofp %convert_element_type3A : vector<8x128xi32> to vector<8x128xf32>
    %dot_general3A = arith.constant dense<0.000000e+00> : vector<1000x128xf32>
    %dot_general3A_34 = tpu.matmul %add3A_8, %convert_element_type3A_33, %dot_general3A {dimension_numbers = #tpu.dot_dimension_numbers<[1], [0], [0], [1], [0, 0, 1, 1], [], []>, transpose_lhs_hint = false} : vector<1000x8xf32>, vector<8x128xf32>, vector<1000x128xf32> -> vector<1000x128xf32>
    %max3A = arith.constant 9.99999935E-39 : f32
    %max3A_35 = vector.broadcast %max3A : f32 to vector<1000x128xf32>
    %max3A_36 = arith.maximumf %dot_general3A_34, %max3A_35 : vector<1000x128xf32>
    %div3A_37 = arith.divf %add3A, %max3A_36 : vector<1000x128xf32>
    %get3A_38 = arith.constant 0 : index
    %get3A_39 = arith.constant 0 : index
    %get3A_40 = vector.load %arg3[%get3A_38, %get3A_39] : memref<1x128xf32, #tpu.memory_space<vmem>>, vector<1x128xf32>
    %add3A_41 = vector.broadcast %get3A_40 : vector<1x128xf32> to vector<1000x128xf32>
    %add3A_42 = arith.addf %div3A_37, %add3A_41 : vector<1000x128xf32>
    %gt3A = arith.constant 0.000000e+00 : f32
    %gt3A_43 = vector.broadcast %gt3A : f32 to vector<1000x128xf32>
    %gt3A_44 = arith.cmpf ogt, %add3A_42, %gt3A_43 : vector<1000x128xf32>
    %exp3A = math.exp %add3A_42 : vector<1000x128xf32>
    %sub3A_45 = arith.constant 1.000000e+00 : f32
    %sub3A_46 = vector.broadcast %sub3A_45 : f32 to vector<1000x128xf32>
    %sub3A_47 = arith.subf %exp3A, %sub3A_46 : vector<1000x128xf32>
    %select_n3A_48 = arith.select %gt3A_44, %add3A_42, %sub3A_47 : vector<1000x128xi1>, vector<1000x128xf32>
    %swap3A = arith.constant 0 : index
    %swap3A_49 = arith.constant 0 : index
    %swap3A_50 = vector.load %arg4[%swap3A, %swap3A_49] : memref<1000x128xf32, #tpu.memory_space<vmem>>, vector<1000x128xf32>
    tpu.vector_store %arg4[%swap3A, %swap3A_49], %select_n3A_48 {strides = array<i32>} : memref<1000x128xf32, #tpu.memory_space<vmem>>, vector<1000x128xf32>,
    return
  }
  func.func @transform_0(%arg0: i32) -> (i32, i32) {
    %c0_i32 = arith.constant 0 : i32
    %c0_i32_0 = arith.constant 0 : i32
    return %arg0, %c0_i32 : i32, i32
  }
  func.func @transform_1(%arg0: i32) -> (i32, i32) {
    %c0_i32 = arith.constant 0 : i32
    %c0_i32_0 = arith.constant 0 : i32
    return %arg0, %c0_i32 : i32, i32
  }
  func.func @transform_2(%arg0: i32) -> (i32, i32) {
    %c0_i32 = arith.constant 0 : i32
    %c0_i32_0 = arith.constant 0 : i32
    %c0_i32_1 = arith.constant 0 : i32
    return %c0_i32, %c0_i32_0 : i32, i32
  }
  func.func @transform_3(%arg0: i32) -> (i32, i32) {
    %c0_i32 = arith.constant 0 : i32
    %c0_i32_0 = arith.constant 0 : i32
    return %arg0, %c0_i32 : i32, i32
  }
}

</mosaic_0001>

<sc_bundles>
// kernel: kernel.5.cloned.1.call-start
scs
__scs_entry_jumppad:
0x0: {  	(pc) =	sbr.rel $0x88, $3  }
0x1: {  	(tag) =	ssettag $0x0;
	lr =	simm.s32 $0x1  }
0x2: {  	[smem:$0x3F9B] =	sst lr;
	_ =	strace $0xD0000000  }
0x3: {  	_ = 	snop  }
0x4: {  	_ = 	snop  }
0x5: {  	_ = 	snop  }
0x6: {  	_ = 	snop  }
0x7: {  	_ = 	snop  }
__scs_overlays_trampoline_lowered:
0x8: {  	[smem:$0x3FAA] =	sst s0  }
0x9: {  	[smem:$0x3FAB] =	sst s1  }
0xa: {  	[smem:$0x3FAC] =	sst s2  }
0xb: {  	[smem:$0x3FAD] =	sst s3  }
0xc: {  	[smem:$0x3FAE] =	sst s4  }
0xd: {  	[smem:$0x3FAF] =	sst s5  }
0xe: {  	[smem:$0x3FB0] =	sst s6  }
0xf: {  	[smem:$0x3FB1] =	sst s7  }
0x10: {  	[smem:$0x3FB2] =	sst s8  }
0x11: {  	[smem:$0x3FB3] =	sst s9;
	s0 =	simm.s32 @!p0 $0x0  }
0x12: {  	s1 =	sld [smem:$0x3F99];
	s0 =	simm.s32 @p0 $0x1  }
0x13: {  	[smem:$0x3FB4] =	sst s0;
	s0 =	simm.s32 @!p1 $0x0  }
0x14: {  	s2 =	sld [smem:$0x3F98];
	s0 =	simm.s32 @p1 $0x1  }
0x15: {  	[smem:$0x3FB5] =	sst s0;
	s0 =	simm.s32 @!p2 $0x0  }
0x16: {  	s3 =	sld [smem:$0x3FDB];
	s0 =	simm.s32 @p2 $0x1  }
0x17: {  	s4 =	simm.s32 $0x1BF5;
	[smem:$0x3FB7] =	sst s0  }
0x18: {  	s0 =	sld [smem:$0x3F9A];
	_ =	swait.ge [sflag:s4], $0x0  }
0x19: {  	s7 =	sld [smem:$0x3F9B]  }
0x1a: {  	s8 =	sadd.s32 $0xFFFFE003, lr  }
0x1b: {  	s9 =	sadd.s32 $0xFFFFFEF7, lr;
	s5 =	simm.s32 $0xFFFFFFFF;
	p2 =	slt.u32 s8, $0xFFFFF086  }
0x1c: {  	p1 =	slt.u32 s9, $0xF7A;
	s5 =	simm.s32 @!p2 $0x0  }
0x1d: {  	s5 =	simm.s32 @p1 $0x1;
	p0 =	seq.s32 s7, s2  }
0x1e: {  	s7 =	smul.u32 @!p0 $0xF7A, s2;
	p2 =	seq.s32 @!p0 s5, $0x0  }
0x1f: {  	s9 =	smul.u32 $0xF7A, s1;
	s8 =	simm.s32 @!p0 $0x1BF5;
	p2 =	por !p2, p0  }
0x20: {  	[sflag:s8] =	ssyncset.s32 @!p0 $0xFFFFF086;
	s6 =	sadd.s32 @!p0 s3, s7;
	s7 =	simm.s32 @!p0 $0x108  }
0x21: {  	s3 =	sadd.s32 s3, s9;
	s6 =	sadd.s32 @!p0 $0x88, s6;
	s7 =	simm.s32 @p2 $0x1082  }
0x22: {  	[simem:s7], [sflag:s8] =	dma.local @!p0 [hbm:s6], $0xF7A  }
0x23: {  	s9 =	sor.u32 $0xD0000000, s2;
	s6 =	simm.s32 $0x108;
	_ =	swait.ge @!p0 [sflag:s8], $0x0  }
0x24: {  	s3 =	sadd.s32 $0x88, s3;
	s6 =	simm.s32 @!p1 $0x1082;
	[sflag:s4] =	ssyncset.s32 $0xFFFFF086  }
0x25: {  	[simem:s6], [sflag:s4] =	dma.local [hbm:s3], $0xF7A  }
0x26: {  	[smem:$0x3F9B] =	sst s1;
	(tag) =	ssettag s2;
	_ =	strace s9  }
0x27: {  	s1 =	sld [smem:$0x3FAB]  }
0x28: {  	s2 =	sld [smem:$0x3FAC]  }
0x29: {  	s4 =	sld [smem:$0x3FAE]  }
0x2a: {  	p0 =	seq.s32 s5, $0x0;
	s5 =	sld [smem:$0x3FAF]  }
0x2b: {  	s6 =	sld [smem:$0x3FB0]  }
0x2c: {  	s7 =	sld [smem:$0x3FB1]  }
0x2d: {  	s3 =	simm.s32 $0x108;
	s8 =	sld [smem:$0x3FB2]  }
0x2e: {  	s3 =	simm.s32 @!p0 $0x1082;
	s9 =	sld [smem:$0x3FB3]  }
0x2f: {  	lr =	sadd.s32 s0, s3;
	s0 =	sld [smem:$0x3FAA]  }
0x30: {  	s3 =	sld [smem:$0x3FAD]  }
0x31: {  	[smem:$0x3FB6] =	sst s10  }
0x32: {  	s10 =	sld [smem:$0x3FB4];
	_ =	sdelay $0x3  }
0x33: {  	p0 =	seq.s32 s10, $0x1;
	s10 =	sld [smem:$0x3FB6];
	_ =	sdelay $0x3  }
0x34: {  	[smem:$0x3FB6] =	sst s10  }
0x35: {  	s10 =	sld [smem:$0x3FB5];
	_ =	sdelay $0x3  }
0x36: {  	p1 =	seq.s32 s10, $0x1;
	s10 =	sld [smem:$0x3FB6];
	_ =	sdelay $0x3  }
0x37: {  	[smem:$0x3FB6] =	sst s10  }
0x38: {  	s10 =	sld [smem:$0x3FB7]  }
0x39: {  	_ = 	snop;
	(pc) =	sbr.ind lr, $3  }
0x3a: {  	_ = 	snop  }
0x3b: {  	_ = 	snop  }
0x3c: {  	p2 =	seq.s32 s10, $0x1;
	s10 =	sld [smem:$0x3FB6]  }
0x3d: {  	_ =	shalt  }
0x3e: {  	_ =	shalt  }
0x3f: {  	_ =	shalt  }
0x40: {  	_ =	shalt  }
0x41: {  	_ =	shalt  }
0x42: {  	_ =	shalt  }
0x43: {  	_ =	shalt  }
0x44: {  	_ =	shalt  }
0x45: {  	_ =	shalt  }
0x46: {  	_ =	shalt  }
0x47: {  	_ =	shalt  }
0x48: {  	_ =	shalt  }
0x49: {  	_ =	shalt  }
0x4a: {  	_ =	shalt  }
0x4b: {  	_ =	shalt  }
0x4c: {  	_ =	shalt  }
0x4d: {  	_ =	shalt  }
0x4e: {  	_ =	shalt  }
0x4f: {  	_ =	shalt  }
0x50: {  	_ =	shalt  }
0x51: {  	_ =	shalt  }
0x52: {  	_ =	shalt  }
0x53: {  	_ =	shalt  }
0x54: {  	_ =	shalt  }
0x55: {  	_ =	shalt  }
0x56: {  	_ =	shalt  }
0x57: {  	_ =	shalt  }
0x58: {  	_ =	shalt  }
0x59: {  	_ =	shalt  }
0x5a: {  	_ =	shalt  }
0x5b: {  	_ =	shalt  }
0x5c: {  	_ =	shalt  }
0x5d: {  	_ =	shalt  }
0x5e: {  	_ =	shalt  }
0x5f: {  	_ =	shalt  }
0x60: {  	_ =	shalt  }
0x61: {  	_ =	shalt  }
0x62: {  	_ =	shalt  }
0x63: {  	_ =	shalt  }
0x64: {  	_ =	shalt  }
0x65: {  	_ =	shalt  }
0x66: {  	_ =	shalt  }
0x67: {  	_ =	shalt  }
0x68: {  	_ =	shalt  }
0x69: {  	_ =	shalt  }
0x6a: {  	_ =	shalt  }
0x6b: {  	_ =	shalt  }
0x6c: {  	_ =	shalt  }
0x6d: {  	_ =	shalt  }
0x6e: {  	_ =	shalt  }
0x6f: {  	_ =	shalt  }
0x70: {  	_ =	shalt  }
0x71: {  	_ =	shalt  }
0x72: {  	_ =	shalt  }
0x73: {  	_ =	shalt  }
0x74: {  	_ =	shalt  }
0x75: {  	_ =	shalt  }
0x76: {  	_ =	shalt  }
0x77: {  	_ =	shalt  }
0x78: {  	_ =	shalt  }
0x79: {  	_ =	shalt  }
0x7a: {  	_ =	shalt  }
0x7b: {  	_ =	shalt  }
0x7c: {  	_ =	shalt  }
0x7d: {  	_ =	shalt  }
0x7e: {  	_ =	shalt  }
0x7f: {  	_ =	shalt  }
0x80: {  	_ =	shalt  }
0x81: {  	_ =	shalt  }
0x82: {  	_ =	shalt  }
0x83: {  	_ =	shalt  }
0x84: {  	_ =	shalt  }
0x85: {  	_ =	shalt  }
0x86: {  	_ =	shalt  }
0x87: {  	_ =	shalt  }
.Lfunc_end0:
.L_simem_size_0:
called_computation_lowered:
.L_overlay_start_0:
0x88: {  	s2 =	sld [smem:$0x3FD9]  }
0x89: {  	s3 =	sld [smem:$0x3FFE];
	_ =	sdelay $0x1  }
0x8a: {  	s1 =	srdreg.scid  }
0x8b: {  	s0 =	sand.u32 $0x1, s1  }
0x8c: {  	s17 =	sshll.u32 s0, $0xA;
	s2 =	sadd.s32 s3, s2  }
0x8d: {  	s2 =	sadd.s32 s2, s17  }
0x8e: {  	[smem:$0x3FC2] =	sst s2  }
0x8f: {  	_ = 	snop  }
0x90: {  	s2 =	sld [smem:$0x3FD0];
	(tm) =	ssettm $0x1  }
0x91: {  	s18 =	sld [smem:$0x3FFB];
	_ =	sdelay $0x3  }
0x92: {  	_ =	strace s18  }
0x93: {  	s3 =	sld [smem:$0x3FFC];
	_ =	sdelay $0x3  }
0x94: {  	_ =	strace s3  }
0x95: {  	s3 =	sld [smem:$0x3FFD];
	_ =	sdelay $0x3  }
0x96: {  	_ =	strace s3  }
0x97: {  	_ =	strace $0x8FFFFFFF  }
0x98: {  	s19 =	sld [smem:$0x3FDB];
	_ =	sdelay $0x1  }
0x99: {  	s4 =	simm.s32 $_scs_section_size  }
0x9a: {  	s5 =	simm.s32 $_size__tile_overlayer_lowered;
	s6 =	simm.s32 $_tile_overlayer_lowered  }
0x9b: {  	s22 =	simm.s32 $0x1BFF;
	s21 =	sshll.u32 s6, $0x1;
	s3 =	sadd.s32 s4, s19  }
0x9c: {  	s7 =	simm.s32 $0x0;
	s20 =	sshll.u32 s5, $0x1;
	s5 =	sadd.s32 s21, s3  }
0x9d: {  	[timem:s7], [sflag:s22] =	dma.local [hbm:s5], s20  }
0x9e: {  	_ =	swait.ge [sflag:s22], s20  }
0x9f: {  	s4 =	ssub.s32 $0x0, s20;
	[sflag:s22] =	ssyncset.done $0x0  }
0xa0: {  	[sflag:s22] =	ssyncadd.s32 s4;
	_ =	sdelay $0x1  }
0xa1: {  	s23 =	simm.s32 $0x1B8B  }
0xa2: {  	_ =	swait.ge [sflag:s23], $0x1  }
0xa3: {  	[sflag:s23] =	ssyncset.done $0x0  }
0xa4: {  	s25 =	simm.s32 $0x1B8E;
	s24 =	sld [smem:$0x3FFE];
	[sflag:s23] =	ssyncadd.s32 $0xFFFFFFFF  }
0xa5: {  	s26 =	simm.s32 $execute0_lowered;
	[smem:$0x3FD2] =	sst s25  }
0xa6: {  	s5 =	sshll.u32 s26, $0x1;
	_ =	strace $0x80000046;
	[dreg:$0x1] =	wrdreg $0xFFFFFFFF  }
0xa7: {  	s28 =	simm.s32 $_size_execute0_lowered;
	s3 =	sadd.s32 s3, s5;
	[dreg:$0x0] =	wrdreg $0x0  }
0xa8: {  	s5 =	sshll.u32 s28, $0x1;
	[dreg:$0x2] =	wrdreg s3  }
0xa9: {  	[dreg:$0x3] =	wrdreg s5  }
0xaa: {  	[dreg:$0x4] =	wrdreg $0xC0  }
0xab: {  	_ =	task [dreg:s7], $0x5FFFF  }
0xac: {  	[dreg:$0x1] =	wrdreg $0xFFFFFFFF  }
0xad: {  	[dreg:$0x0] =	wrdreg $0x60  }
0xae: {  	[dreg:$0x2] =	wrdreg s24  }
0xaf: {  	[dreg:$0x3] =	wrdreg s2  }
0xb0: {  	[dreg:$0x4] =	wrdreg $0x0  }
0xb1: {  	[dreg:$0x5] =	wrdreg $0x9  }
0xb2: {  	_ =	task.clear_ibuf [dreg:s7], $0x6FFFF;
	_ =	strace $0x90000046  }
0xb3: {  	s29 =	simm.s32 $0x9;
	_ =	strace $0x80000048  }
0xb4: {  	_ =	swait.ge [sflag:s29], $0x1  }
0xb5: {  	[sflag:s29] =	ssyncadd.s32 $0xFFFFFFFF  }
0xb6: {  	_ =	strace $0x90000048  }
0xb7: {  	_ =	sfence  }
0xb8: {  	s30 =	sld [smem:$0x0];
	_ =	sdelay $0x2  }
0xb9: {  	s31 =	sshll.u32 s1, $0xD;
	s1 =	sshrl.u32 s1, $0x2  }
0xba: {  	s3 =	sand.u32 $0x4000, s31;
	s1 =	sadd.s32 s1, s30  }
0xbb: {  	s0 =	sor.u32 s3, s0;
	s1 =	sshll.u32 s1, $0x11  }
0xbc: {  	s0 =	sor.u32 s1, s0  }
0xbd: {  	s0 =	sadd.s32 $0x8F2B, s0  }
0xbe: {  	[sflag:s0] =	ssyncadd.remote.s32 $0x1  }
0xbf: {  	_ =	sfence.sel $0xFFFF  }
0xc0: {  	[dreg:$0x0] =	wrdreg $0xFFFFFFFF;
	(pc) =	sbr.abs _section_cstart, $3  }
0xc1: {  	[dreg:$0x1] =	wrdreg $0xFFFFFFFF  }
0xc2: {  	_ =	task.clear_ibuf [dreg:s7], $0x2FFFF;
	_ =	strace $0x9FFFFFFF  }
0xc3: {  	(tm) =	ssettm $0x7FFFFFFF  }
tec
execute0_lowered:
.L_overlay_start_1:
0x0: {  	(tag) =	ssettag $0x1  }
0x1: {  	s0 =	srdreg.scid;
	s2 =	rddreg [dreg:$0x0]  }
0x2: {  	s17 =	stileid.u32;
	s4 =	rddreg [dreg:$0x1]  }
0x3: {  	s1 =	simm.s32 $0x0;
	s28 =	simm.s32 $0x7;
	s29 =	simm.s32 $0x28  }
0x4: {  	s30 =	simm.s32 $0x14C08;
	s31 =	simm.s32 $0x15FB8;
	s0 =	sand.u32 $0x1, s0  }
0x5: {  	[smem:$0x7FF] =	sst s1;
	s10 =	sor.u32 $0x30, s17;
	s3 =	sshll.u32 s0, $0x4  }
0x6: {  	s7 =	sadd.s32 $0x800, s2;
	s15 =	smul.u32 $0x2A80, s10;
	s3 =	sor.u32 s17, s3  }
0x7: {  	s9 =	sadd.s32 $0x39000, s2;
	s5 =	ssub.s32 $0x2, s0;
	s6 =	smul.u32 $0x2710, s3  }
0x8: {  	s11 =	sor.u32 $0x40, s17;
	s8 =	sshrl.u32 s5, $0x1;
	s3 =	smul.u32 $0x4E2, s3  }
0x9: {  	s12 =	sor.u32 $0x50, s17;
	s19 =	smul.u32 $0x2A80, s11;
	s5 =	ssub.s32 s5, s8  }
0xa: {  	s6 =	sshrl.u32 s6, $0x3;
	s20 =	sadd.s32 s7, s3;
	s3 =	sadd.s32 s4, s3  }
0xb: {  	s8 =	sor.u32 $0x20, s17;
	[dreg:$0x5] =	wrdreg s3;
	s21 =	sadd.s32 $0x276, s6  }
0xc: {  	s6 =	sadd.s32 s7, s21;
	s3 =	sadd.s32 s4, s21;
	s4 =	smul.u32 $0x2A80, s8  }
0xd: {  	s18 =	sor.u32 $0x60, s17;
	[dreg:$0x6] =	wrdreg s6;
	s6 =	smul.u32 $0x14C080, s0  }
0xe: {  	[dreg:$0x4] =	wrdreg s20;
	s7 =	sor.u32 $0x10, s17;
	s0 =	smul.u32 $0x2A80, s17  }
0xf: {  	s20 =	sor.u32 $0x70, s17;
	[dreg:$0x7] =	wrdreg s3;
	s3 =	smul.u32 $0x2A80, s7  }
0x10: {  	s21 =	smul.u32 $0x2A80, s18;
	p0 =	sgt.u32 s20, $0x7C;
	s13 =	sadd.s32 s6, s0  }
0x11: {  	s14 =	sadd.s32 s6, s3;
	s23 =	sadd.s32 s6, s4;
	s24 =	sadd.s32 s6, s15  }
0x12: {  	s13 =	sshrl.u32 s13, $0x3;
	s22 =	sshrl.u32 s14, $0x3;
	s14 =	sshrl.u32 s24, $0x3  }
0x13: {  	s26 =	sadd.s32 s6, s19;
	s13 =	sadd.s32 s9, s13;
	s25 =	sadd.s32 s9, s14  }
0x14: {  	s14 =	sshrl.u32 s26, $0x3;
	[dreg:$0x8] =	wrdreg s13;
	s13 =	sadd.s32 s9, s22  }
0x15: {  	s26 =	smul.u32 $0xAA00, s17;
	[dreg:$0x9] =	wrdreg s13;
	s13 =	sshrl.u32 s23, $0x3  }
0x16: {  	[dreg:$0xb] =	wrdreg s25;
	s22 =	smul.u32 $0x2A80, s20;
	s13 =	sadd.s32 s9, s13  }
0x17: {  	s17 =	sadd.s32 $0x34000, s2;
	[dreg:$0xa] =	wrdreg s13;
	s13 =	smul.u32 $0x2A80, s12  }
0x18: {  	s14 =	sadd.s32 s9, s14;
	s25 =	smul.u32 $0xAA00, s7;
	s23 =	sadd.s32 s6, s21  }
0x19: {  	[dreg:$0xc] =	wrdreg s14;
	s24 =	sshrl.u32 s23, $0x3;
	s16 =	sadd.s32 s6, s13  }
0x1a: {  	s23 =	smul.u32 $0xAA00, s8;
	s6 =	sadd.s32 s6, s22;
	s16 =	sshrl.u32 s16, $0x3  }
0x1b: {  	s8 =	smul.u32 $0xAA00, s12;
	s6 =	sshrl.u32 s6, $0x3;
	s14 =	sadd.s32 s9, s16  }
0x1c: {  	s6 =	sadd.s32 s9, s6;
	s16 =	sadd.s32 $0xA600, s2;
	s2 =	sshrl.u32 s23, $0x2  }
0x1d: {  	s23 =	smul.u32 $0xAA00, s18;
	[dreg:$0xd] =	wrdreg s14;
	s14 =	sadd.s32 s9, s24  }
0x1e: {  	[dreg:$0xf] =	wrdreg s6;
	s9 =	smax.u32 s5, $0x1;
	s24 =	sshrl.u32 s26, $0x2  }
0x1f: {  	s6 =	sshrl.u32 s25, $0x2;
	s25 =	smul.u32 $0xAA00, s10;
	[dreg:$0xe] =	wrdreg s14  }
0x20: {  	s26 =	smul.u32 $0xAA00, s11;
	s14 =	rddreg [dreg:$0x2];
	_ =	strace $0x80000047  }
0x21: {  	[dreg:$0x10] =	wrdreg s9;
	s9 =	sadd.s32 s24, s14;
	s10 =	sadd.s32 s6, s14  }
0x22: {  	s7 =	sshrl.u32 s25, $0x2;
	s11 =	sadd.s32 s2, s14;
	s5 =	sshrl.u32 s26, $0x2  }
0x23: {  	s24 =	smul.u32 $0xAA00, s20;
	s26 =	sshrl.u32 s8, $0x2;
	s2 =	sshrl.u32 s23, $0x2  }
0x24: {  	s0 =	sadd.s32 s0, s14;
	s6 =	sadd.s32 s3, s14;
	[dreg:$0x11] =	wrdreg s9  }
0x25: {  	s15 =	sadd.s32 s15, s14;
	s23 =	sadd.s32 s13, s14;
	[dreg:$0x12] =	wrdreg s10  }
0x26: {  	s12 =	sadd.s32 s7, s14;
	s0 =	sshrl.u32 s0, $0x3;
	[dreg:$0x13] =	wrdreg s11  }
0x27: {  	s25 =	sadd.s32 s2, s14;
	s2 =	sshrl.u32 s6, $0x3;
	[dreg:$0x17] =	wrdreg s0  }
0x28: {  	s7 =	sadd.s32 s4, s14;
	s4 =	sshrl.u32 s15, $0x3;
	[dreg:$0x18] =	wrdreg s2  }
0x29: {  	s19 =	sadd.s32 s19, s14;
	s6 =	sshrl.u32 s23, $0x3;
	[dreg:$0x1a] =	wrdreg s4  }
0x2a: {  	s8 =	sadd.s32 s22, s14;
	s9 =	sadd.s32 $0x1540, s9;
	[dreg:$0x1c] =	wrdreg s6  }
0x2b: {  	s18 =	sadd.s32 s5, s14;
	s13 =	sadd.s32 $0x1540, s10;
	[dreg:$0x1f] =	wrdreg s9  }
0x2c: {  	s20 =	sadd.s32 s26, s14;
	s15 =	sadd.s32 $0x1540, s11;
	[smem:$0x7F7] =	sst s13  }
0x2d: {  	s10 =	simm.s32 $0x4;
	s5 =	sshrl.u32 s24, $0x2;
	[smem:$0x7F8] =	sst s15  }
0x2e: {  	s24 =	sadd.s32 s21, s14;
	s3 =	sshrl.u32 s7, $0x3;
	[dreg:$0x14] =	wrdreg s12  }
0x2f: {  	s0 =	sshrl.u32 @!p0 s8, $0x3;
	[dreg:$0x15] =	wrdreg s18;
	s21 =	sadd.s32 $0x1540, s18  }
0x30: {  	[dreg:$0x16] =	wrdreg s20;
	s22 =	sadd.s32 $0x1540, s20;
	s23 =	sadd.s32 $0x1540, s25  }
0x31: {  	s13 =	simm.s32 $0x1D268;
	s15 =	simm.s32 $0x8;
	[dreg:$0x19] =	wrdreg s3  }
0x32: {  	s18 =	simm.s32 $0x1E7A8;
	s2 =	simm.s32 $0x1C868;
	[dreg:$0x1e] =	wrdreg s0  }
0x33: {  	s4 =	simm.s32 $0x1CD68;
	s6 =	simm.s32 $0x3;
	[smem:$0x7FA] =	sst s21  }
0x34: {  	s8 =	simm.s32 $0x6;
	s9 =	simm.s32 $0x2;
	[smem:$0x7FB] =	sst s22  }
0x35: {  	s26 =	sadd.s32 s5, s14;
	s5 =	sshrl.u32 s19, $0x3;
	[smem:$0x7FC] =	sst s23  }
0x36: {  	s7 =	sshrl.u32 s24, $0x3;
	s19 =	sadd.s32 $0x1540, s12;
	[dreg:$0x1b] =	wrdreg s5  }
0x37: {  	s12 =	simm.s32 $0x50;
	s0 =	simm.s32 $0x17368;
	[dreg:$0x1d] =	wrdreg s7  }
0x38: {  	s3 =	simm.s32 $0x19DE8;
	[smem:$0x7F9] =	sst s19;
	s24 =	sadd.s32 $0x1540, s26  }
0x39: {  	v0 =	vimm.f32 $0.0e+00;
	v1 =	vimm.s32 $0x0;
	s5 =	simm.s32 $0x1;
	s7 =	simm.s32 $0x5;
	[smem:$0x7FD] =	sst s24  }
.LBB2_1:
0x3a: {  	s11 =	simm.s32 $0x40  }
0x3b: {  	[tilespmem:s11+$0x1D298] =	vst v0  }
0x3c: {  	[tilespmem:s11+$0x1E7D8] =	vst v0  }
0x3d: {  	s19 =	simm.s32 $0x320;
	[tilespmem:s11+$0x1D2A0] =	vst v0  }
.LBB2_2:
0x3e: {  	p1 =	sne.s32 s19, $0x53E0;
	[tilespmem:s11+$0x1E7E0] =	vst v0  }
0x3f: {  	[tilespmem:s11+$0x1D228] =	vst v0  }
0x40: {  	[tilespmem:s11+$0x1D238] =	vst v0  }
0x41: {  	[tilespmem:s11+$0x1D248] =	vst v0  }
0x42: {  	[tilespmem:s11+$0x1D258] =	vst v0  }
0x43: {  	[tilespmem:s11+$0x1D268] =	vst v0  }
0x44: {  	[tilespmem:s11+$0x1D278] =	vst v0  }
0x45: {  	[tilespmem:s11+$0x1D288] =	vst v0  }
0x46: {  	[tilespmem:s11+$0x1E768] =	vst v0  }
0x47: {  	[tilespmem:s11+$0x1E778] =	vst v0  }
0x48: {  	[tilespmem:s11+$0x1E788] =	vst v0  }
0x49: {  	[tilespmem:s11+$0x1E798] =	vst v0  }
0x4a: {  	[tilespmem:s11+$0x1E7A8] =	vst v0  }
.Ltmp0:
0x4b: {  	[tilespmem:s11+$0x1E7B8] =	vst v0;
	(pc) =	sbr.rel @p1 .LBB2_2-.Ltmp0, $4  }
0x4c: {  	[tilespmem:s11+$0x1E7C8] =	vst v0;
	s11 =	sshra.s32 s19, $0x2  }
0x4d: {  	[tilespmem:s11+$0x1D298] =	vst v0  }
0x4e: {  	[tilespmem:s11+$0x1D2A0] =	vst v0  }
0x4f: {  	s19 =	sadd.s32 $0x220, s19;
	[tilespmem:s11+$0x1E7D8] =	vst v0  }
0x50: {  	[tilespmem:s11+$0x1E7E0] =	vst v0  }
0x51: {  	[tilespmem:s11+$0x1D228] =	vst v0  }
0x52: {  	[tilespmem:s11+$0x1D238] =	vst v0  }
0x53: {  	[tilespmem:s11+$0x1D248] =	vst v0  }
0x54: {  	[tilespmem:s11+$0x1D258] =	vst v0  }
0x55: {  	[tilespmem:s11+$0x1D268] =	vst v0  }
0x56: {  	[tilespmem:s11+$0x1D278] =	vst v0  }
0x57: {  	[tilespmem:s11+$0x1D288] =	vst v0  }
0x58: {  	[tilespmem:s11+$0x1E768] =	vst v0  }
0x59: {  	[tilespmem:s11+$0x1E778] =	vst v0  }
0x5a: {  	[tilespmem:s11+$0x1E788] =	vst v0  }
0x5b: {  	[tilespmem:s11+$0x1E798] =	vst v0  }
0x5c: {  	[tilespmem:s11+$0x1E7A8] =	vst v0  }
0x5d: {  	[tilespmem:s11+$0x1E7B8] =	vst v0  }
0x5e: {  	[tilespmem:s11+$0x1E7C8] =	vst v0;
	s21 =	rddreg [dreg:$0x11]  }
0x5f: {  	[spmem:s21] =	stream.linear.scatter [tilespmem:s13], [sflag:$0x8], $0x1540, $0x38;
	[tilespmem:$0x1FD10] =	vst v63  }
0x60: {  	_ =	swait.ge [sflag:s15], $0x1540  }
0x61: {  	[sflag:s15] =	ssyncset.done $0x0  }
0x62: {  	s22 =	rddreg [dreg:$0x1f];
	[sflag:s15] =	ssyncadd.s32 $0xFFFFEAC0  }
0x63: {  	[spmem:s22] =	stream.linear.scatter [tilespmem:s18], [sflag:$0x7], $0x1540, $0x38;
	[tilespmem:$0x1FD10] =	vst v63  }
0x64: {  	_ =	swait.ge [sflag:s28], $0x1540  }
0x65: {  	[sflag:s28] =	ssyncset.done $0x0  }
0x66: {  	s23 =	rddreg [dreg:$0x12];
	[sflag:s28] =	ssyncadd.s32 $0xFFFFEAC0  }
0x67: {  	[spmem:s23] =	stream.linear.scatter [tilespmem:s13], [sflag:$0x8], $0x1540, $0x38;
	[tilespmem:$0x1FD10] =	vst v63  }
0x68: {  	_ =	swait.ge [sflag:s15], $0x1540  }
0x69: {  	s24 =	sld [smem:$0x7F7]  }
0x6a: {  	[sflag:s15] =	ssyncset.done $0x0  }
0x6b: {  	[sflag:s15] =	ssyncadd.s32 $0xFFFFEAC0  }
0x6c: {  	[spmem:s24] =	stream.linear.scatter [tilespmem:s18], [sflag:$0x7], $0x1540, $0x38;
	[tilespmem:$0x1FD10] =	vst v63  }
0x6d: {  	_ =	swait.ge [sflag:s28], $0x1540  }
0x6e: {  	[sflag:s28] =	ssyncset.done $0x0  }
0x6f: {  	s19 =	rddreg [dreg:$0x13];
	[sflag:s28] =	ssyncadd.s32 $0xFFFFEAC0  }
0x70: {  	[spmem:s19] =	stream.linear.scatter [tilespmem:s13], [sflag:$0x8], $0x1540, $0x38;
	[tilespmem:$0x1FD10] =	vst v63  }
0x71: {  	_ =	swait.ge [sflag:s15], $0x1540  }
0x72: {  	s20 =	sld [smem:$0x7F8]  }
0x73: {  	[sflag:s15] =	ssyncset.done $0x0  }
0x74: {  	[sflag:s15] =	ssyncadd.s32 $0xFFFFEAC0  }
0x75: {  	[spmem:s20] =	stream.linear.scatter [tilespmem:s18], [sflag:$0x7], $0x1540, $0x38;
	[tilespmem:$0x1FD10] =	vst v63  }
0x76: {  	_ =	swait.ge [sflag:s28], $0x1540  }
0x77: {  	[sflag:s28] =	ssyncset.done $0x0  }
0x78: {  	s21 =	rddreg [dreg:$0x14];
	[sflag:s28] =	ssyncadd.s32 $0xFFFFEAC0  }
0x79: {  	[spmem:s21] =	stream.linear.scatter [tilespmem:s13], [sflag:$0x8], $0x1540, $0x38;
	[tilespmem:$0x1FD10] =	vst v63  }
0x7a: {  	_ =	swait.ge [sflag:s15], $0x1540  }
0x7b: {  	s22 =	sld [smem:$0x7F9]  }
0x7c: {  	[sflag:s15] =	ssyncset.done $0x0  }
0x7d: {  	[sflag:s15] =	ssyncadd.s32 $0xFFFFEAC0  }
0x7e: {  	[spmem:s22] =	stream.linear.scatter [tilespmem:s18], [sflag:$0x7], $0x1540, $0x38;
	[tilespmem:$0x1FD10] =	vst v63  }
0x7f: {  	_ =	swait.ge [sflag:s28], $0x1540  }
0x80: {  	[sflag:s28] =	ssyncset.done $0x0  }
0x81: {  	s23 =	rddreg [dreg:$0x15];
	[sflag:s28] =	ssyncadd.s32 $0xFFFFEAC0  }
0x82: {  	[spmem:s23] =	stream.linear.scatter [tilespmem:s13], [sflag:$0x8], $0x1540, $0x38;
	[tilespmem:$0x1FD10] =	vst v63  }
0x83: {  	_ =	swait.ge [sflag:s15], $0x1540  }
0x84: {  	s24 =	sld [smem:$0x7FA]  }
0x85: {  	[sflag:s15] =	ssyncset.done $0x0  }
0x86: {  	[sflag:s15] =	ssyncadd.s32 $0xFFFFEAC0  }
0x87: {  	[spmem:s24] =	stream.linear.scatter [tilespmem:s18], [sflag:$0x7], $0x1540, $0x38;
	[tilespmem:$0x1FD10] =	vst v63  }
0x88: {  	_ =	swait.ge [sflag:s28], $0x1540  }
0x89: {  	[sflag:s28] =	ssyncset.done $0x0  }
0x8a: {  	s19 =	rddreg [dreg:$0x16];
	[sflag:s28] =	ssyncadd.s32 $0xFFFFEAC0  }
0x8b: {  	[spmem:s19] =	stream.linear.scatter [tilespmem:s13], [sflag:$0x8], $0x1540, $0x38;
	[tilespmem:$0x1FD10] =	vst v63  }
0x8c: {  	_ =	swait.ge [sflag:s15], $0x1540  }
0x8d: {  	s20 =	sld [smem:$0x7FB]  }
0x8e: {  	[sflag:s15] =	ssyncset.done $0x0  }
0x8f: {  	[sflag:s15] =	ssyncadd.s32 $0xFFFFEAC0  }
0x90: {  	[spmem:s20] =	stream.linear.scatter [tilespmem:s18], [sflag:$0x7], $0x1540, $0x38;
	[tilespmem:$0x1FD10] =	vst v63  }
0x91: {  	_ =	swait.ge [sflag:s28], $0x1540  }
0x92: {  	[sflag:s28] =	ssyncset.done $0x0  }
0x93: {  	[sflag:s28] =	ssyncadd.s32 $0xFFFFEAC0  }
0x94: {  	[spmem:s25] =	stream.linear.scatter [tilespmem:s13], [sflag:$0x8], $0x1540, $0x38;
	[tilespmem:$0x1FD10] =	vst v63  }
0x95: {  	_ =	swait.ge [sflag:s15], $0x1540  }
0x96: {  	s21 =	sld [smem:$0x7FC]  }
0x97: {  	[sflag:s15] =	ssyncset.done $0x0  }
0x98: {  	[sflag:s15] =	ssyncadd.s32 $0xFFFFEAC0  }
0x99: {  	[spmem:s21] =	stream.linear.scatter [tilespmem:s18], [sflag:$0x7], $0x1540, $0x38;
	[tilespmem:$0x1FD10] =	vst v63  }
0x9a: {  	_ =	swait.ge [sflag:s28], $0x1540  }
0x9b: {  	[sflag:s28] =	ssyncset.done $0x0  }
0x9c: {  	s11 =	simm.s32 @!p0 $0x1D268;
	[sflag:s28] =	ssyncadd.s32 $0xFFFFEAC0  }
0x9d: {  	[spmem:s26] =	stream.linear.scatter @!p0 [tilespmem:s11], [sflag:$0x8], $0x1540, $0x38;
	[tilespmem:$0x1FD10] =	vst v63  }
0x9e: {  	s11 =	simm.s32 @!p0 $0x8  }
0x9f: {  	_ =	swait.ge @!p0 [sflag:s11], $0x1540  }
0xa0: {  	s19 =	sld [smem:$0x7FD]  }
0xa1: {  	[sflag:s11] =	ssyncset.done @!p0 $0x0  }
0xa2: {  	[sflag:s11] =	ssyncadd.s32 @!p0 $0xFFFFEAC0;
	s11 =	simm.s32 @!p0 $0x1E7A8  }
0xa3: {  	[spmem:s19] =	stream.linear.scatter @!p0 [tilespmem:s11], [sflag:$0x7], $0x1540, $0x38;
	[tilespmem:$0x1FD10] =	vst v63  }
0xa4: {  	s11 =	simm.s32 @!p0 $0x7  }
0xa5: {  	_ =	swait.ge @!p0 [sflag:s11], $0x1540  }
0xa6: {  	[sflag:s11] =	ssyncset.done @!p0 $0x0  }
0xa7: {  	[sflag:s11] =	ssyncadd.s32 @!p0 $0xFFFFEAC0  }
0xa8: {  	[bflag:$0x0] =	sbarrier.arrive $0xFFFF  }
0xa9: {  	[tilespmem:$0x1FCE8] =	vst v1  }
0xaa: {  	[tilespmem:$0x1FCF8] =	vst v1  }
0xab: {  	s22 =	simm.s32 $0x1FCE8;
	[tilespmem:$0x1FD00] =	vst v1  }
0xac: {  	[spmem:s14] =	stream.indirect.scatter.add.f32 [tilespmem:s13], [sflag:$0x5], $0x88, s22, s29, $0xb8;
	[tilespmem:$0x1FD10] =	vst v63  }
0xad: {  	_ = 	snop  }
0xae: {  	[spmem:s14] =	stream.indirect.scatter.add.f32 [tilespmem:s18], [sflag:$0x6], $0x88, s22, s29, $0xb8;
	[tilespmem:$0x1FD10] =	vst v63  }
0xaf: {  	s11 =	simm.s32 $0x0;
	s23 =	rddreg [dreg:$0x4]  }
0xb0: {  	[tilespmem:s30], [sflag:$0x7] =	stream.linear.gather [hbm4b:s23+s11], $0x13B0, $0x38;
	[tilespmem:$0x1FD10] =	vst v63  }
0xb1: {  	_ =	swait.ge [sflag:s28], $0x13B0  }
0xb2: {  	[sflag:s28] =	ssyncset.done $0x0  }
0xb3: {  	s24 =	rddreg [dreg:$0x5];
	[sflag:s28] =	ssyncadd.s32 $0xFFFFEC50  }
0xb4: {  	[tilespmem:s31], [sflag:$0x7] =	stream.linear.gather [hbm4b:s24+s11], $0x13B0, $0x38;
	[tilespmem:$0x1FD10] =	vst v63  }
0xb5: {  	_ =	swait.ge [sflag:s28], $0x13B0  }
0xb6: {  	[sflag:s28] =	ssyncset.done $0x0  }
0xb7: {  	[sflag:s28] =	ssyncadd.s32 $0xFFFFEC50  }
0xb8: {  	[tilespmem:s0], [sflag:$0x1] =	stream.indirect.gather [hbm4b:s16+s12], $0x88, s30, s12, $0xb8;
	[tilespmem:$0x1FD10] =	vst v63  }
0xb9: {  	_ = 	snop  }
0xba: {  	[tilespmem:s2], [sflag:$0x3] =	stream.indirect.gather [hbm4b:s17+s12], $0x10, s31, s12, $0xb8;
	[tilespmem:$0x1FD10] =	vst v63  }
.LBB2_4:
0xbb: {  	s19 =	smul.u32 $0xA0, s11;
	_ =	sdelay $0x1  }
0xbc: {  	s20 =	sadd.s32 $0x14C58, s19  }
0xbd: {  	[tilespmem:s3], [sflag:$0x2] =	stream.indirect.gather [hbm4b:s16+s12], $0x88, s20, s12, $0xb8;
	[tilespmem:$0x1FD10] =	vst v63  }
0xbe: {  	s20 =	sadd.s32 $0x16008, s19  }
0xbf: {  	[tilespmem:s4], [sflag:$0x4] =	stream.indirect.gather [hbm4b:s17+s12], $0x10, s20, s12, $0xb8;
	[tilespmem:$0x1FD10] =	vst v63  }
0xc0: {  	_ =	swait.ge [sflag:s5], $0x2A80  }
0xc1: {  	[sflag:s5] =	ssyncset.done $0x0  }
0xc2: {  	[sflag:s5] =	ssyncadd.s32 $0xFFFFD580  }
0xc3: {  	_ =	swait.ge [sflag:s6], $0x500  }
0xc4: {  	[sflag:s6] =	ssyncset.done $0x0  }
0xc5: {  	[sflag:s6] =	ssyncadd.s32 $0xFFFFFB00  }
0xc6: {  	_ =	swait.ge [sflag:s7], $0x1540  }
0xc7: {  	[sflag:s7] =	ssyncset.done $0x0  }
0xc8: {  	s21 =	simm.s32 $0x0;
	[sflag:s7] =	ssyncadd.s32 $0xFFFFEAC0  }
0xc9: {  	s22 =	simm.s32 $0x1C868;
	s23 =	simm.s32 $0x220;
	v2 =	vld [tilespmem:s21+$0x173E0]  }
.LBB2_5:
0xca: {  	p1 =	sne.s32 s23, $0x52E0;
	v3 =	vld [tilespmem:s22+$0x0];
	_ =	sdelay $0x4  }
0xcb: {  	v2 =	vadd.f32 v3, v2;
	_ =	sdelay $0x1  }
0xcc: {  	v3 =	vmul.f32 $2.000000030e-01, v2  }
0xcd: {  	vm0 =	vge.f32 v2, $0.0e+00  }
0xce: {  	v2 =	vsel vm0, v2, v3  }
0xcf: {  	v2 =	vmul.f32 $1.442695020e+00, v2;
	_ =	sdelay $0x1  }
0xd0: {  	(erf) = vpow2.f32 v2;
	_ =	sdelay $0x4  }
0xd1: {  	v2 =	vld [tilespmem:s21+$0x17368]  }
0xd2: {  	v3 =	vld [tilespmem:s21+$0x17378]  }
0xd3: {  	v4 =	vld [tilespmem:s21+$0x17388]  }
0xd4: {  	v5 =	vld [tilespmem:s21+$0x17398]  }
0xd5: {  	v6 =	vld [tilespmem:s21+$0x173A8];
	v7 =	vpop (erf)  }
0xd6: {  	[tilespmem:s21+$0x1D2E0] =	vst v7;
	v8 =	vbroadcast v7, $0x8;
	v9 =	vbroadcast v7, $0x9;
	v10 =	vld [tilespmem:s21+$0x173B8]  }
0xd7: {  	v11 =	vbroadcast v7, $0xA;
	v12 =	vbroadcast v7, $0xB;
	v13 =	vld [tilespmem:s21+$0x173C8]  }
0xd8: {  	v2 =	vmul.f32 v8, v2;
	v3 =	vmul.f32 v9, v3;
	v8 =	vld [tilespmem:s21+$0x173D8]  }
0xd9: {  	v4 =	vmul.f32 v11, v4;
	v5 =	vmul.f32 v5, v12  }
0xda: {  	v9 =	vbroadcast v7, $0xD;
	[tilespmem:s21+$0x1D268] =	vst v2;
	v2 =	vbroadcast v7, $0xC  }
0xdb: {  	[tilespmem:s21+$0x1D278] =	vst v3;
	v3 =	vbroadcast v7, $0xE;
	v7 =	vbroadcast v7, $0xF  }
0xdc: {  	[tilespmem:s21+$0x1D288] =	vst v4;
	v2 =	vmul.f32 v6, v2;
	v4 =	vmul.f32 v10, v9  }
.Ltmp1:
0xdd: {  	[tilespmem:s21+$0x1D298] =	vst v5;
	v3 =	vmul.f32 v13, v3;
	v5 =	vmul.f32 v8, v7;
	(pc) =	sbr.rel @p1 .LBB2_5-.Ltmp1, $4  }
0xde: {  	[tilespmem:s21+$0x1D2A8] =	vst v2  }
0xdf: {  	[tilespmem:s21+$0x1D2B8] =	vst v4  }
0xe0: {  	s24 =	sshra.s32 s23, $0x2;
	[tilespmem:s21+$0x1D2C8] =	vst v3  }
0xe1: {  	s23 =	sadd.s32 $0x220, s23;
	s22 =	sadd.s32 $0x10, s22;
	v2 =	vld [tilespmem:s24+$0x173E0];
	[tilespmem:s21+$0x1D2D8] =	vst v5;
	s21 =	smov.u32 s24  }
0xe2: {  	v3 =	vld [tilespmem:s22+$0x0];
	_ =	sdelay $0x4  }
0xe3: {  	v2 =	vadd.f32 v3, v2;
	_ =	sdelay $0x1  }
0xe4: {  	v3 =	vmul.f32 $2.000000030e-01, v2  }
0xe5: {  	vm0 =	vge.f32 v2, $0.0e+00  }
0xe6: {  	v2 =	vsel vm0, v2, v3  }
0xe7: {  	v2 =	vmul.f32 $1.442695020e+00, v2;
	_ =	sdelay $0x1  }
0xe8: {  	(erf) = vpow2.f32 v2;
	_ =	sdelay $0x6  }
0xe9: {  	v2 =	vld [tilespmem:s21+$0x17368]  }
0xea: {  	v3 =	vld [tilespmem:s21+$0x17378]  }
0xeb: {  	v4 =	vld [tilespmem:s21+$0x17388];
	v7 =	vpop (erf)  }
0xec: {  	v5 =	vld [tilespmem:s21+$0x17398];
	v8 =	vbroadcast v7, $0x8  }
0xed: {  	v10 =	vld [tilespmem:s21+$0x173B8];
	v9 =	vbroadcast v7, $0x9  }
0xee: {  	v6 =	vld [tilespmem:s21+$0x173A8];
	v11 =	vbroadcast v7, $0xA;
	v2 =	vmul.f32 v8, v2  }
0xef: {  	v12 =	vld [tilespmem:s21+$0x173C8];
	[tilespmem:s21+$0x1D2E0] =	vst v7;
	v59 =	vbroadcast v7, $0xB;
	v3 =	vmul.f32 v9, v3  }
0xf0: {  	v60 =	vld [tilespmem:s21+$0x173D8];
	v61 =	vbroadcast v7, $0xD;
	v4 =	vmul.f32 v11, v4;
	[tilespmem:s21+$0x1D268] =	vst v2  }
0xf1: {  	v5 =	vmul.f32 v5, v59;
	v2 =	vbroadcast v7, $0xC;
	[tilespmem:s21+$0x1D278] =	vst v3  }
0xf2: {  	v63 =	vmul.f32 v10, v61;
	v3 =	vbroadcast v7, $0xE;
	[tilespmem:s21+$0x1D288] =	vst v4  }
0xf3: {  	v62 =	vbroadcast v7, $0xF;
	[tilespmem:s21+$0x1D298] =	vst v5;
	v2 =	vmul.f32 v6, v2  }
0xf4: {  	[tilespmem:s21+$0x1D2B8] =	vst v63;
	v3 =	vmul.f32 v12, v3  }
0xf5: {  	[tilespmem:s21+$0x1D2A8] =	vst v2;
	v2 =	vmul.f32 v60, v62  }
0xf6: {  	[tilespmem:s21+$0x1D2C8] =	vst v3  }
0xf7: {  	s24 =	sadd.s32 $0x15FB8, s19;
	[tilespmem:s21+$0x1D2D8] =	vst v2  }
0xf8: {  	[spmem:s14] =	stream.indirect.scatter.add.f32 [tilespmem:s13], [sflag:$0x5], $0x88, s24, s29, $0xb8;
	[tilespmem:$0x1FD10] =	vst v63  }
0xf9: {  	_ =	swait.ge [sflag:s8], $0x1540  }
0xfa: {  	[sflag:s8] =	ssyncset.done $0x0  }
0xfb: {  	s21 =	simm.s32 $0x0;
	[sflag:s8] =	ssyncadd.s32 $0xFFFFEAC0  }
0xfc: {  	s22 =	simm.s32 $0x1CAE8;
	s23 =	simm.s32 $0x220;
	v2 =	vld [tilespmem:s21+$0x18920]  }
.LBB2_7:
0xfd: {  	p1 =	sne.s32 s23, $0x52E0;
	v3 =	vld [tilespmem:s22+$0x0];
	_ =	sdelay $0x4  }
0xfe: {  	v2 =	vadd.f32 v3, v2;
	_ =	sdelay $0x1  }
0xff: {  	v3 =	vmul.f32 $2.000000030e-01, v2  }
0x100: {  	vm0 =	vge.f32 v2, $0.0e+00  }
0x101: {  	v2 =	vsel vm0, v2, v3  }
0x102: {  	v2 =	vmul.f32 $1.442695020e+00, v2;
	_ =	sdelay $0x1  }
0x103: {  	(erf) = vpow2.f32 v2;
	_ =	sdelay $0x4  }
0x104: {  	v2 =	vld [tilespmem:s21+$0x188A8]  }
0x105: {  	v3 =	vld [tilespmem:s21+$0x188B8]  }
0x106: {  	v4 =	vld [tilespmem:s21+$0x188C8]  }
0x107: {  	v5 =	vld [tilespmem:s21+$0x188D8]  }
0x108: {  	v6 =	vld [tilespmem:s21+$0x188E8];
	v7 =	vpop (erf)  }
0x109: {  	[tilespmem:s21+$0x1E820] =	vst v7;
	v8 =	vbroadcast v7, $0x8;
	v9 =	vbroadcast v7, $0x9;
	v10 =	vld [tilespmem:s21+$0x188F8]  }
0x10a: {  	v11 =	vbroadcast v7, $0xA;
	v12 =	vbroadcast v7, $0xB;
	v13 =	vld [tilespmem:s21+$0x18908]  }
0x10b: {  	v2 =	vmul.f32 v8, v2;
	v3 =	vmul.f32 v9, v3;
	v8 =	vld [tilespmem:s21+$0x18918]  }
0x10c: {  	v4 =	vmul.f32 v11, v4;
	v5 =	vmul.f32 v5, v12  }
0x10d: {  	v9 =	vbroadcast v7, $0xD;
	[tilespmem:s21+$0x1E7A8] =	vst v2;
	v2 =	vbroadcast v7, $0xC  }
0x10e: {  	[tilespmem:s21+$0x1E7B8] =	vst v3;
	v3 =	vbroadcast v7, $0xE;
	v7 =	vbroadcast v7, $0xF  }
0x10f: {  	[tilespmem:s21+$0x1E7C8] =	vst v4;
	v2 =	vmul.f32 v6, v2;
	v4 =	vmul.f32 v10, v9  }
.Ltmp2:
0x110: {  	[tilespmem:s21+$0x1E7D8] =	vst v5;
	v3 =	vmul.f32 v13, v3;
	v5 =	vmul.f32 v8, v7;
	(pc) =	sbr.rel @p1 .LBB2_7-.Ltmp2, $4  }
0x111: {  	[tilespmem:s21+$0x1E7E8] =	vst v2  }
0x112: {  	[tilespmem:s21+$0x1E7F8] =	vst v4  }
0x113: {  	s24 =	sshra.s32 s23, $0x2;
	[tilespmem:s21+$0x1E808] =	vst v3  }
0x114: {  	s23 =	sadd.s32 $0x220, s23;
	s22 =	sadd.s32 $0x10, s22;
	v2 =	vld [tilespmem:s24+$0x18920];
	[tilespmem:s21+$0x1E818] =	vst v5;
	s21 =	smov.u32 s24  }
0x115: {  	v3 =	vld [tilespmem:s22+$0x0];
	_ =	sdelay $0x4  }
0x116: {  	v2 =	vadd.f32 v3, v2;
	_ =	sdelay $0x1  }
0x117: {  	v3 =	vmul.f32 $2.000000030e-01, v2  }
0x118: {  	vm0 =	vge.f32 v2, $0.0e+00  }
0x119: {  	v2 =	vsel vm0, v2, v3  }
0x11a: {  	v2 =	vmul.f32 $1.442695020e+00, v2;
	_ =	sdelay $0x1  }
0x11b: {  	(erf) = vpow2.f32 v2;
	_ =	sdelay $0x6  }
0x11c: {  	v2 =	vld [tilespmem:s21+$0x188A8]  }
0x11d: {  	v3 =	vld [tilespmem:s21+$0x188B8]  }
0x11e: {  	v4 =	vld [tilespmem:s21+$0x188C8];
	v7 =	vpop (erf)  }
0x11f: {  	v5 =	vld [tilespmem:s21+$0x188D8];
	v8 =	vbroadcast v7, $0x8  }
0x120: {  	v10 =	vld [tilespmem:s21+$0x188F8];
	v9 =	vbroadcast v7, $0x9  }
0x121: {  	v6 =	vld [tilespmem:s21+$0x188E8];
	v11 =	vbroadcast v7, $0xA;
	v2 =	vmul.f32 v8, v2  }
0x122: {  	v12 =	vld [tilespmem:s21+$0x18908];
	[tilespmem:s21+$0x1E820] =	vst v7;
	v59 =	vbroadcast v7, $0xB;
	v3 =	vmul.f32 v9, v3  }
0x123: {  	v60 =	vld [tilespmem:s21+$0x18918];
	v61 =	vbroadcast v7, $0xD;
	v4 =	vmul.f32 v11, v4;
	[tilespmem:s21+$0x1E7A8] =	vst v2  }
0x124: {  	v5 =	vmul.f32 v5, v59;
	v2 =	vbroadcast v7, $0xC;
	[tilespmem:s21+$0x1E7B8] =	vst v3  }
0x125: {  	v63 =	vmul.f32 v10, v61;
	v3 =	vbroadcast v7, $0xE;
	[tilespmem:s21+$0x1E7C8] =	vst v4  }
0x126: {  	v62 =	vbroadcast v7, $0xF;
	[tilespmem:s21+$0x1E7D8] =	vst v5;
	v2 =	vmul.f32 v6, v2  }
0x127: {  	[tilespmem:s21+$0x1E7F8] =	vst v63;
	v3 =	vmul.f32 v12, v3  }
0x128: {  	[tilespmem:s21+$0x1E7E8] =	vst v2;
	v2 =	vmul.f32 v60, v62  }
0x129: {  	[tilespmem:s21+$0x1E808] =	vst v3  }
0x12a: {  	s22 =	sadd.s32 $0x15FE0, s19;
	[tilespmem:s21+$0x1E818] =	vst v2  }
0x12b: {  	[spmem:s14] =	stream.indirect.scatter.add.f32 [tilespmem:s18], [sflag:$0x6], $0x88, s22, s29, $0xb8;
	[tilespmem:$0x1FD10] =	vst v63  }
0x12c: {  	s23 =	sadd.s32 $0x14CA8, s19  }
0x12d: {  	[tilespmem:s0], [sflag:$0x1] =	stream.indirect.gather [hbm4b:s16+s12], $0x88, s23, s12, $0xb8;
	[tilespmem:$0x1FD10] =	vst v63  }
0x12e: {  	s24 =	sadd.s32 $0x16058, s19  }
0x12f: {  	[tilespmem:s2], [sflag:$0x3] =	stream.indirect.gather [hbm4b:s17+s12], $0x10, s24, s12, $0xb8;
	[tilespmem:$0x1FD10] =	vst v63  }
0x130: {  	_ =	swait.ge [sflag:s9], $0x2A80  }
0x131: {  	[sflag:s9] =	ssyncset.done $0x0  }
0x132: {  	[sflag:s9] =	ssyncadd.s32 $0xFFFFD580  }
0x133: {  	_ =	swait.ge [sflag:s10], $0x500  }
0x134: {  	[sflag:s10] =	ssyncset.done $0x0  }
0x135: {  	[sflag:s10] =	ssyncadd.s32 $0xFFFFFB00  }
0x136: {  	_ =	swait.ge [sflag:s7], $0x1540  }
0x137: {  	[sflag:s7] =	ssyncset.done $0x0  }
0x138: {  	s21 =	simm.s32 $0x0;
	[sflag:s7] =	ssyncadd.s32 $0xFFFFEAC0  }
0x139: {  	s22 =	simm.s32 $0x1CD68;
	s23 =	simm.s32 $0x220;
	v2 =	vld [tilespmem:s21+$0x19E60]  }
.LBB2_9:
0x13a: {  	p1 =	sne.s32 s23, $0x52E0;
	v3 =	vld [tilespmem:s22+$0x0];
	_ =	sdelay $0x4  }
0x13b: {  	v2 =	vadd.f32 v3, v2;
	_ =	sdelay $0x1  }
0x13c: {  	v3 =	vmul.f32 $2.000000030e-01, v2  }
0x13d: {  	vm0 =	vge.f32 v2, $0.0e+00  }
0x13e: {  	v2 =	vsel vm0, v2, v3  }
0x13f: {  	v2 =	vmul.f32 $1.442695020e+00, v2;
	_ =	sdelay $0x1  }
0x140: {  	(erf) = vpow2.f32 v2;
	_ =	sdelay $0x4  }
0x141: {  	v2 =	vld [tilespmem:s21+$0x19DE8]  }
0x142: {  	v3 =	vld [tilespmem:s21+$0x19DF8]  }
0x143: {  	v4 =	vld [tilespmem:s21+$0x19E08]  }
0x144: {  	v5 =	vld [tilespmem:s21+$0x19E18]  }
0x145: {  	v6 =	vld [tilespmem:s21+$0x19E28];
	v7 =	vpop (erf)  }
0x146: {  	[tilespmem:s21+$0x1D2E0] =	vst v7;
	v8 =	vbroadcast v7, $0x8;
	v9 =	vbroadcast v7, $0x9;
	v10 =	vld [tilespmem:s21+$0x19E38]  }
0x147: {  	v11 =	vbroadcast v7, $0xA;
	v12 =	vbroadcast v7, $0xB;
	v13 =	vld [tilespmem:s21+$0x19E48]  }
0x148: {  	v2 =	vmul.f32 v8, v2;
	v3 =	vmul.f32 v9, v3;
	v8 =	vld [tilespmem:s21+$0x19E58]  }
0x149: {  	v4 =	vmul.f32 v11, v4;
	v5 =	vmul.f32 v5, v12  }
0x14a: {  	v9 =	vbroadcast v7, $0xD;
	[tilespmem:s21+$0x1D268] =	vst v2;
	v2 =	vbroadcast v7, $0xC  }
0x14b: {  	[tilespmem:s21+$0x1D278] =	vst v3;
	v3 =	vbroadcast v7, $0xE;
	v7 =	vbroadcast v7, $0xF  }
0x14c: {  	[tilespmem:s21+$0x1D288] =	vst v4;
	v2 =	vmul.f32 v6, v2;
	v4 =	vmul.f32 v10, v9  }
.Ltmp3:
0x14d: {  	[tilespmem:s21+$0x1D298] =	vst v5;
	v3 =	vmul.f32 v13, v3;
	v5 =	vmul.f32 v8, v7;
	(pc) =	sbr.rel @p1 .LBB2_9-.Ltmp3, $4  }
0x14e: {  	[tilespmem:s21+$0x1D2A8] =	vst v2  }
0x14f: {  	[tilespmem:s21+$0x1D2B8] =	vst v4  }
0x150: {  	s24 =	sshra.s32 s23, $0x2;
	[tilespmem:s21+$0x1D2C8] =	vst v3  }
0x151: {  	s23 =	sadd.s32 $0x220, s23;
	s22 =	sadd.s32 $0x10, s22;
	v2 =	vld [tilespmem:s24+$0x19E60];
	[tilespmem:s21+$0x1D2D8] =	vst v5;
	s21 =	smov.u32 s24  }
0x152: {  	v3 =	vld [tilespmem:s22+$0x0];
	_ =	sdelay $0x4  }
0x153: {  	v2 =	vadd.f32 v3, v2;
	_ =	sdelay $0x1  }
0x154: {  	v3 =	vmul.f32 $2.000000030e-01, v2  }
0x155: {  	vm0 =	vge.f32 v2, $0.0e+00  }
0x156: {  	v2 =	vsel vm0, v2, v3  }
0x157: {  	v2 =	vmul.f32 $1.442695020e+00, v2;
	_ =	sdelay $0x1  }
0x158: {  	(erf) = vpow2.f32 v2;
	_ =	sdelay $0x6  }
0x159: {  	v2 =	vld [tilespmem:s21+$0x19DE8]  }
0x15a: {  	v3 =	vld [tilespmem:s21+$0x19DF8]  }
0x15b: {  	v4 =	vld [tilespmem:s21+$0x19E08];
	v7 =	vpop (erf)  }
0x15c: {  	v5 =	vld [tilespmem:s21+$0x19E18];
	v8 =	vbroadcast v7, $0x8  }
0x15d: {  	v10 =	vld [tilespmem:s21+$0x19E38];
	v9 =	vbroadcast v7, $0x9  }
0x15e: {  	v6 =	vld [tilespmem:s21+$0x19E28];
	v11 =	vbroadcast v7, $0xA;
	v2 =	vmul.f32 v8, v2  }
0x15f: {  	v12 =	vld [tilespmem:s21+$0x19E48];
	[tilespmem:s21+$0x1D2E0] =	vst v7;
	v59 =	vbroadcast v7, $0xB;
	v3 =	vmul.f32 v9, v3  }
0x160: {  	v60 =	vld [tilespmem:s21+$0x19E58];
	v61 =	vbroadcast v7, $0xD;
	v4 =	vmul.f32 v11, v4;
	[tilespmem:s21+$0x1D268] =	vst v2  }
0x161: {  	v5 =	vmul.f32 v5, v59;
	v2 =	vbroadcast v7, $0xC;
	[tilespmem:s21+$0x1D278] =	vst v3  }
0x162: {  	v63 =	vmul.f32 v10, v61;
	v3 =	vbroadcast v7, $0xE;
	[tilespmem:s21+$0x1D288] =	vst v4  }
0x163: {  	v62 =	vbroadcast v7, $0xF;
	[tilespmem:s21+$0x1D298] =	vst v5;
	v2 =	vmul.f32 v6, v2  }
0x164: {  	[tilespmem:s21+$0x1D2B8] =	vst v63;
	v3 =	vmul.f32 v12, v3  }
0x165: {  	[tilespmem:s21+$0x1D2A8] =	vst v2;
	v2 =	vmul.f32 v60, v62  }
0x166: {  	[tilespmem:s21+$0x1D2C8] =	vst v3  }
0x167: {  	[tilespmem:s21+$0x1D2D8] =	vst v2  }
0x168: {  	[spmem:s14] =	stream.indirect.scatter.add.f32 [tilespmem:s13], [sflag:$0x5], $0x88, s20, s29, $0xb8;
	[tilespmem:$0x1FD10] =	vst v63  }
0x169: {  	_ =	swait.ge [sflag:s8], $0x1540  }
0x16a: {  	[sflag:s8] =	ssyncset.done $0x0  }
0x16b: {  	s20 =	simm.s32 $0x0;
	[sflag:s8] =	ssyncadd.s32 $0xFFFFEAC0  }
0x16c: {  	s22 =	simm.s32 $0x220;
	s21 =	simm.s32 $0x1CFE8;
	v2 =	vld [tilespmem:s20+$0x1B3A0]  }
.LBB2_11:
0x16d: {  	p1 =	sne.s32 s22, $0x52E0;
	v3 =	vld [tilespmem:s21+$0x0];
	_ =	sdelay $0x4  }
0x16e: {  	v2 =	vadd.f32 v3, v2;
	_ =	sdelay $0x1  }
0x16f: {  	v3 =	vmul.f32 $2.000000030e-01, v2  }
0x170: {  	vm0 =	vge.f32 v2, $0.0e+00  }
0x171: {  	v2 =	vsel vm0, v2, v3  }
0x172: {  	v2 =	vmul.f32 $1.442695020e+00, v2;
	_ =	sdelay $0x1  }
0x173: {  	(erf) = vpow2.f32 v2;
	_ =	sdelay $0x4  }
0x174: {  	v2 =	vld [tilespmem:s20+$0x1B328]  }
0x175: {  	v3 =	vld [tilespmem:s20+$0x1B338]  }
0x176: {  	v4 =	vld [tilespmem:s20+$0x1B348]  }
0x177: {  	v5 =	vld [tilespmem:s20+$0x1B358]  }
0x178: {  	v6 =	vld [tilespmem:s20+$0x1B368];
	v7 =	vpop (erf)  }
0x179: {  	[tilespmem:s20+$0x1E820] =	vst v7;
	v8 =	vbroadcast v7, $0x8;
	v9 =	vbroadcast v7, $0x9;
	v10 =	vld [tilespmem:s20+$0x1B378]  }
0x17a: {  	v11 =	vbroadcast v7, $0xA;
	v12 =	vbroadcast v7, $0xB;
	v13 =	vld [tilespmem:s20+$0x1B388]  }
0x17b: {  	v2 =	vmul.f32 v8, v2;
	v3 =	vmul.f32 v9, v3;
	v8 =	vld [tilespmem:s20+$0x1B398]  }
0x17c: {  	v4 =	vmul.f32 v11, v4;
	v5 =	vmul.f32 v5, v12  }
0x17d: {  	v9 =	vbroadcast v7, $0xD;
	[tilespmem:s20+$0x1E7A8] =	vst v2;
	v2 =	vbroadcast v7, $0xC  }
0x17e: {  	[tilespmem:s20+$0x1E7B8] =	vst v3;
	v3 =	vbroadcast v7, $0xE;
	v7 =	vbroadcast v7, $0xF  }
0x17f: {  	[tilespmem:s20+$0x1E7C8] =	vst v4;
	v2 =	vmul.f32 v6, v2;
	v4 =	vmul.f32 v10, v9  }
.Ltmp4:
0x180: {  	[tilespmem:s20+$0x1E7D8] =	vst v5;
	v3 =	vmul.f32 v13, v3;
	v5 =	vmul.f32 v8, v7;
	(pc) =	sbr.rel @p1 .LBB2_11-.Ltmp4, $4  }
0x181: {  	[tilespmem:s20+$0x1E7E8] =	vst v2  }
0x182: {  	[tilespmem:s20+$0x1E7F8] =	vst v4  }
0x183: {  	s23 =	sshra.s32 s22, $0x2;
	[tilespmem:s20+$0x1E808] =	vst v3  }
0x184: {  	s22 =	sadd.s32 $0x220, s22;
	s21 =	sadd.s32 $0x10, s21;
	v2 =	vld [tilespmem:s23+$0x1B3A0];
	[tilespmem:s20+$0x1E818] =	vst v5;
	s20 =	smov.u32 s23  }
0x185: {  	v3 =	vld [tilespmem:s21+$0x0];
	_ =	sdelay $0x4  }
0x186: {  	v2 =	vadd.f32 v3, v2;
	_ =	sdelay $0x1  }
0x187: {  	v3 =	vmul.f32 $2.000000030e-01, v2  }
0x188: {  	vm0 =	vge.f32 v2, $0.0e+00  }
0x189: {  	v2 =	vsel vm0, v2, v3  }
0x18a: {  	v2 =	vmul.f32 $1.442695020e+00, v2;
	_ =	sdelay $0x1  }
0x18b: {  	(erf) = vpow2.f32 v2;
	_ =	sdelay $0x6  }
0x18c: {  	v2 =	vld [tilespmem:s20+$0x1B328]  }
0x18d: {  	v3 =	vld [tilespmem:s20+$0x1B338]  }
0x18e: {  	v4 =	vld [tilespmem:s20+$0x1B348];
	v7 =	vpop (erf)  }
0x18f: {  	v5 =	vld [tilespmem:s20+$0x1B358];
	v8 =	vbroadcast v7, $0x8  }
0x190: {  	v10 =	vld [tilespmem:s20+$0x1B378];
	v9 =	vbroadcast v7, $0x9  }
0x191: {  	v6 =	vld [tilespmem:s20+$0x1B368];
	v11 =	vbroadcast v7, $0xA;
	v2 =	vmul.f32 v8, v2  }
0x192: {  	v12 =	vld [tilespmem:s20+$0x1B388];
	[tilespmem:s20+$0x1E820] =	vst v7;
	v59 =	vbroadcast v7, $0xB;
	v3 =	vmul.f32 v9, v3  }
0x193: {  	v60 =	vld [tilespmem:s20+$0x1B398];
	v61 =	vbroadcast v7, $0xD;
	v4 =	vmul.f32 v11, v4;
	[tilespmem:s20+$0x1E7A8] =	vst v2  }
0x194: {  	v5 =	vmul.f32 v5, v59;
	v2 =	vbroadcast v7, $0xC;
	[tilespmem:s20+$0x1E7B8] =	vst v3  }
0x195: {  	s11 =	sadd.s32 $0x1, s11;
	v63 =	vmul.f32 v10, v61;
	v3 =	vbroadcast v7, $0xE;
	[tilespmem:s20+$0x1E7C8] =	vst v4  }
0x196: {  	p1 =	sne.s32 s11, $0x1F;
	v62 =	vbroadcast v7, $0xF;
	[tilespmem:s20+$0x1E7D8] =	vst v5;
	v2 =	vmul.f32 v6, v2  }
.Ltmp5:
0x197: {  	[tilespmem:s20+$0x1E7F8] =	vst v63;
	v3 =	vmul.f32 v12, v3;
	(pc) =	sbr.rel @p1 .LBB2_4-.Ltmp5, $4  }
0x198: {  	[tilespmem:s20+$0x1E7E8] =	vst v2;
	v2 =	vmul.f32 v60, v62  }
0x199: {  	[tilespmem:s20+$0x1E808] =	vst v3  }
0x19a: {  	s19 =	sadd.s32 $0x16030, s19;
	[tilespmem:s20+$0x1E818] =	vst v2  }
0x19b: {  	[spmem:s14] =	stream.indirect.scatter.add.f32 [tilespmem:s18], [sflag:$0x6], $0x88, s19, s29, $0xb8;
	[tilespmem:$0x1FD10] =	vst v63  }
0x19c: {  	_ =	swait.ge [sflag:s5], $0x2A80  }
0x19d: {  	[sflag:s5] =	ssyncset.done $0x0  }
0x19e: {  	[sflag:s5] =	ssyncadd.s32 $0xFFFFD580  }
0x19f: {  	_ =	swait.ge [sflag:s6], $0x500  }
0x1a0: {  	[sflag:s6] =	ssyncset.done $0x0  }
0x1a1: {  	[sflag:s6] =	ssyncadd.s32 $0xFFFFFB00  }
0x1a2: {  	_ =	swait.ge [sflag:s7], $0x1540  }
0x1a3: {  	[sflag:s7] =	ssyncset.done $0x0  }
0x1a4: {  	s11 =	simm.s32 $0x0;
	[sflag:s7] =	ssyncadd.s32 $0xFFFFEAC0  }
0x1a5: {  	s19 =	simm.s32 $0x1C868;
	s20 =	simm.s32 $0x220;
	v2 =	vld [tilespmem:s11+$0x173E0]  }
.LBB2_14:
0x1a6: {  	p1 =	sne.s32 s20, $0x52E0;
	v3 =	vld [tilespmem:s19+$0x0];
	_ =	sdelay $0x4  }
0x1a7: {  	v2 =	vadd.f32 v3, v2;
	_ =	sdelay $0x1  }
0x1a8: {  	v3 =	vmul.f32 $2.000000030e-01, v2  }
0x1a9: {  	vm0 =	vge.f32 v2, $0.0e+00  }
0x1aa: {  	v2 =	vsel vm0, v2, v3  }
0x1ab: {  	v2 =	vmul.f32 $1.442695020e+00, v2;
	_ =	sdelay $0x1  }
0x1ac: {  	(erf) = vpow2.f32 v2;
	_ =	sdelay $0x4  }
0x1ad: {  	v2 =	vld [tilespmem:s11+$0x17368]  }
0x1ae: {  	v3 =	vld [tilespmem:s11+$0x17378]  }
0x1af: {  	v4 =	vld [tilespmem:s11+$0x17388]  }
0x1b0: {  	v5 =	vld [tilespmem:s11+$0x17398]  }
0x1b1: {  	v6 =	vld [tilespmem:s11+$0x173A8];
	v7 =	vpop (erf)  }
0x1b2: {  	[tilespmem:s11+$0x1D2E0] =	vst v7;
	v8 =	vbroadcast v7, $0x8;
	v9 =	vbroadcast v7, $0x9;
	v10 =	vld [tilespmem:s11+$0x173B8]  }
0x1b3: {  	v11 =	vbroadcast v7, $0xA;
	v12 =	vbroadcast v7, $0xB;
	v13 =	vld [tilespmem:s11+$0x173C8]  }
0x1b4: {  	v2 =	vmul.f32 v8, v2;
	v3 =	vmul.f32 v9, v3;
	v8 =	vld [tilespmem:s11+$0x173D8]  }
0x1b5: {  	v4 =	vmul.f32 v11, v4;
	v5 =	vmul.f32 v5, v12  }
0x1b6: {  	v9 =	vbroadcast v7, $0xD;
	[tilespmem:s11+$0x1D268] =	vst v2;
	v2 =	vbroadcast v7, $0xC  }
0x1b7: {  	[tilespmem:s11+$0x1D278] =	vst v3;
	v3 =	vbroadcast v7, $0xE;
	v7 =	vbroadcast v7, $0xF  }
0x1b8: {  	[tilespmem:s11+$0x1D288] =	vst v4;
	v2 =	vmul.f32 v6, v2;
	v4 =	vmul.f32 v10, v9  }
.Ltmp6:
0x1b9: {  	[tilespmem:s11+$0x1D298] =	vst v5;
	v3 =	vmul.f32 v13, v3;
	v5 =	vmul.f32 v8, v7;
	(pc) =	sbr.rel @p1 .LBB2_14-.Ltmp6, $4  }
0x1ba: {  	[tilespmem:s11+$0x1D2A8] =	vst v2  }
0x1bb: {  	[tilespmem:s11+$0x1D2B8] =	vst v4  }
0x1bc: {  	s21 =	sshra.s32 s20, $0x2;
	[tilespmem:s11+$0x1D2C8] =	vst v3  }
0x1bd: {  	s20 =	sadd.s32 $0x220, s20;
	s19 =	sadd.s32 $0x10, s19;
	v2 =	vld [tilespmem:s21+$0x173E0];
	[tilespmem:s11+$0x1D2D8] =	vst v5;
	s11 =	smov.u32 s21  }
0x1be: {  	v3 =	vld [tilespmem:s19+$0x0];
	_ =	sdelay $0x4  }
0x1bf: {  	v2 =	vadd.f32 v3, v2;
	_ =	sdelay $0x1  }
0x1c0: {  	v3 =	vmul.f32 $2.000000030e-01, v2  }
0x1c1: {  	vm0 =	vge.f32 v2, $0.0e+00  }
0x1c2: {  	v2 =	vsel vm0, v2, v3  }
0x1c3: {  	v2 =	vmul.f32 $1.442695020e+00, v2;
	_ =	sdelay $0x1  }
0x1c4: {  	(erf) = vpow2.f32 v2;
	_ =	sdelay $0x6  }
0x1c5: {  	v2 =	vld [tilespmem:s11+$0x17368]  }
0x1c6: {  	v3 =	vld [tilespmem:s11+$0x17378]  }
0x1c7: {  	v4 =	vld [tilespmem:s11+$0x17388];
	v7 =	vpop (erf)  }
0x1c8: {  	v5 =	vld [tilespmem:s11+$0x17398];
	v8 =	vbroadcast v7, $0x8  }
0x1c9: {  	v10 =	vld [tilespmem:s11+$0x173B8];
	v9 =	vbroadcast v7, $0x9  }
0x1ca: {  	v6 =	vld [tilespmem:s11+$0x173A8];
	v11 =	vbroadcast v7, $0xA;
	v2 =	vmul.f32 v8, v2  }
0x1cb: {  	v12 =	vld [tilespmem:s11+$0x173C8];
	[tilespmem:s11+$0x1D2E0] =	vst v7;
	v59 =	vbroadcast v7, $0xB;
	v3 =	vmul.f32 v9, v3  }
0x1cc: {  	v60 =	vld [tilespmem:s11+$0x173D8];
	v61 =	vbroadcast v7, $0xD;
	v4 =	vmul.f32 v11, v4;
	[tilespmem:s11+$0x1D268] =	vst v2  }
0x1cd: {  	v5 =	vmul.f32 v5, v59;
	v2 =	vbroadcast v7, $0xC;
	[tilespmem:s11+$0x1D278] =	vst v3  }
0x1ce: {  	v63 =	vmul.f32 v10, v61;
	v3 =	vbroadcast v7, $0xE;
	[tilespmem:s11+$0x1D288] =	vst v4  }
0x1cf: {  	v62 =	vbroadcast v7, $0xF;
	[tilespmem:s11+$0x1D298] =	vst v5;
	v2 =	vmul.f32 v6, v2  }
0x1d0: {  	[tilespmem:s11+$0x1D2B8] =	vst v63;
	v3 =	vmul.f32 v12, v3  }
0x1d1: {  	[tilespmem:s11+$0x1D2A8] =	vst v2;
	v2 =	vmul.f32 v60, v62  }
0x1d2: {  	[tilespmem:s11+$0x1D2C8] =	vst v3  }
0x1d3: {  	s24 =	simm.s32 $0x17318;
	[tilespmem:s11+$0x1D2D8] =	vst v2  }
0x1d4: {  	[spmem:s14] =	stream.indirect.scatter.add.f32 [tilespmem:s13], [sflag:$0x5], $0x88, s24, s29, $0xb8;
	[tilespmem:$0x1FD10] =	vst v63  }
0x1d5: {  	_ =	swait.ge [sflag:s8], $0x1540  }
0x1d6: {  	[sflag:s8] =	ssyncset.done $0x0  }
0x1d7: {  	s11 =	simm.s32 $0x0;
	[sflag:s8] =	ssyncadd.s32 $0xFFFFEAC0  }
0x1d8: {  	s19 =	simm.s32 $0x1CAE8;
	s20 =	simm.s32 $0x220;
	v2 =	vld [tilespmem:s11+$0x18920]  }
.LBB2_16:
0x1d9: {  	p1 =	sne.s32 s20, $0x52E0;
	v3 =	vld [tilespmem:s19+$0x0];
	_ =	sdelay $0x4  }
0x1da: {  	v2 =	vadd.f32 v3, v2;
	_ =	sdelay $0x1  }
0x1db: {  	v3 =	vmul.f32 $2.000000030e-01, v2  }
0x1dc: {  	vm0 =	vge.f32 v2, $0.0e+00  }
0x1dd: {  	v2 =	vsel vm0, v2, v3  }
0x1de: {  	v2 =	vmul.f32 $1.442695020e+00, v2;
	_ =	sdelay $0x1  }
0x1df: {  	(erf) = vpow2.f32 v2;
	_ =	sdelay $0x4  }
0x1e0: {  	v2 =	vld [tilespmem:s11+$0x188A8]  }
0x1e1: {  	v3 =	vld [tilespmem:s11+$0x188B8]  }
0x1e2: {  	v4 =	vld [tilespmem:s11+$0x188C8]  }
0x1e3: {  	v5 =	vld [tilespmem:s11+$0x188D8]  }
0x1e4: {  	v6 =	vld [tilespmem:s11+$0x188E8];
	v7 =	vpop (erf)  }
0x1e5: {  	[tilespmem:s11+$0x1E820] =	vst v7;
	v8 =	vbroadcast v7, $0x8;
	v9 =	vbroadcast v7, $0x9;
	v10 =	vld [tilespmem:s11+$0x188F8]  }
0x1e6: {  	v11 =	vbroadcast v7, $0xA;
	v12 =	vbroadcast v7, $0xB;
	v13 =	vld [tilespmem:s11+$0x18908]  }
0x1e7: {  	v2 =	vmul.f32 v8, v2;
	v3 =	vmul.f32 v9, v3;
	v8 =	vld [tilespmem:s11+$0x18918]  }
0x1e8: {  	v4 =	vmul.f32 v11, v4;
	v5 =	vmul.f32 v5, v12  }
0x1e9: {  	v9 =	vbroadcast v7, $0xD;
	[tilespmem:s11+$0x1E7A8] =	vst v2;
	v2 =	vbroadcast v7, $0xC  }
0x1ea: {  	[tilespmem:s11+$0x1E7B8] =	vst v3;
	v3 =	vbroadcast v7, $0xE;
	v7 =	vbroadcast v7, $0xF  }
0x1eb: {  	[tilespmem:s11+$0x1E7C8] =	vst v4;
	v2 =	vmul.f32 v6, v2;
	v4 =	vmul.f32 v10, v9  }
.Ltmp7:
0x1ec: {  	[tilespmem:s11+$0x1E7D8] =	vst v5;
	v3 =	vmul.f32 v13, v3;
	v5 =	vmul.f32 v8, v7;
	(pc) =	sbr.rel @p1 .LBB2_16-.Ltmp7, $4  }
0x1ed: {  	[tilespmem:s11+$0x1E7E8] =	vst v2  }
0x1ee: {  	[tilespmem:s11+$0x1E7F8] =	vst v4  }
0x1ef: {  	s21 =	sshra.s32 s20, $0x2;
	[tilespmem:s11+$0x1E808] =	vst v3  }
0x1f0: {  	s20 =	sadd.s32 $0x220, s20;
	s19 =	sadd.s32 $0x10, s19;
	v2 =	vld [tilespmem:s21+$0x18920];
	[tilespmem:s11+$0x1E818] =	vst v5;
	s11 =	smov.u32 s21  }
0x1f1: {  	v3 =	vld [tilespmem:s19+$0x0];
	_ =	sdelay $0x4  }
0x1f2: {  	v2 =	vadd.f32 v3, v2;
	_ =	sdelay $0x1  }
0x1f3: {  	v3 =	vmul.f32 $2.000000030e-01, v2  }
0x1f4: {  	vm0 =	vge.f32 v2, $0.0e+00  }
0x1f5: {  	v2 =	vsel vm0, v2, v3  }
0x1f6: {  	v2 =	vmul.f32 $1.442695020e+00, v2;
	_ =	sdelay $0x1  }
0x1f7: {  	(erf) = vpow2.f32 v2;
	_ =	sdelay $0x6  }
0x1f8: {  	v2 =	vld [tilespmem:s11+$0x188A8]  }
0x1f9: {  	v3 =	vld [tilespmem:s11+$0x188B8]  }
0x1fa: {  	v4 =	vld [tilespmem:s11+$0x188C8];
	v7 =	vpop (erf)  }
0x1fb: {  	v5 =	vld [tilespmem:s11+$0x188D8];
	v8 =	vbroadcast v7, $0x8  }
0x1fc: {  	v10 =	vld [tilespmem:s11+$0x188F8];
	v9 =	vbroadcast v7, $0x9  }
0x1fd: {  	v6 =	vld [tilespmem:s11+$0x188E8];
	v11 =	vbroadcast v7, $0xA;
	v2 =	vmul.f32 v8, v2  }
0x1fe: {  	v12 =	vld [tilespmem:s11+$0x18908];
	[tilespmem:s11+$0x1E820] =	vst v7;
	v59 =	vbroadcast v7, $0xB;
	v3 =	vmul.f32 v9, v3  }
0x1ff: {  	v60 =	vld [tilespmem:s11+$0x18918];
	v61 =	vbroadcast v7, $0xD;
	v4 =	vmul.f32 v11, v4;
	[tilespmem:s11+$0x1E7A8] =	vst v2  }
0x200: {  	v5 =	vmul.f32 v5, v59;
	v2 =	vbroadcast v7, $0xC;
	[tilespmem:s11+$0x1E7B8] =	vst v3  }
0x201: {  	v63 =	vmul.f32 v10, v61;
	v3 =	vbroadcast v7, $0xE;
	[tilespmem:s11+$0x1E7C8] =	vst v4  }
0x202: {  	v62 =	vbroadcast v7, $0xF;
	[tilespmem:s11+$0x1E7D8] =	vst v5;
	v2 =	vmul.f32 v6, v2  }
0x203: {  	[tilespmem:s11+$0x1E7F8] =	vst v63;
	v3 =	vmul.f32 v12, v3  }
0x204: {  	[tilespmem:s11+$0x1E7E8] =	vst v2;
	v2 =	vmul.f32 v60, v62  }
0x205: {  	[tilespmem:s11+$0x1E808] =	vst v3  }
0x206: {  	s22 =	simm.s32 $0x17340;
	[tilespmem:s11+$0x1E818] =	vst v2  }
0x207: {  	[spmem:s14] =	stream.indirect.scatter.add.f32 [tilespmem:s18], [sflag:$0x6], $0x88, s22, s29, $0xb8;
	[tilespmem:$0x1FD10] =	vst v63  }
0x208: {  	s23 =	rddreg [dreg:$0x6];
	s11 =	simm.s32 $0x0  }
0x209: {  	[tilespmem:s30], [sflag:$0x7] =	stream.linear.gather [hbm4b:s23+s11], $0x1360, $0x38;
	[tilespmem:$0x1FD10] =	vst v63  }
0x20a: {  	_ =	swait.ge [sflag:s28], $0x1360  }
0x20b: {  	[sflag:s28] =	ssyncset.done $0x0  }
0x20c: {  	s24 =	rddreg [dreg:$0x7];
	[sflag:s28] =	ssyncadd.s32 $0xFFFFECA0  }
0x20d: {  	[tilespmem:s31], [sflag:$0x7] =	stream.linear.gather [hbm4b:s24+s11], $0x1360, $0x38;
	[tilespmem:$0x1FD10] =	vst v63  }
0x20e: {  	_ =	swait.ge [sflag:s28], $0x1360  }
0x20f: {  	[sflag:s28] =	ssyncset.done $0x0  }
0x210: {  	[sflag:s28] =	ssyncadd.s32 $0xFFFFECA0  }
0x211: {  	[tilespmem:s0], [sflag:$0x1] =	stream.indirect.gather [hbm4b:s16+s12], $0x88, s30, s12, $0xb8;
	[tilespmem:$0x1FD10] =	vst v63  }
0x212: {  	_ = 	snop  }
0x213: {  	[tilespmem:s2], [sflag:$0x3] =	stream.indirect.gather [hbm4b:s17+s12], $0x10, s31, s12, $0xb8;
	[tilespmem:$0x1FD10] =	vst v63  }
.LBB2_18:
0x214: {  	s19 =	smul.u32 $0xA0, s11;
	_ =	sdelay $0x1  }
0x215: {  	s20 =	sadd.s32 $0x14C58, s19  }
0x216: {  	[tilespmem:s3], [sflag:$0x2] =	stream.indirect.gather [hbm4b:s16+s12], $0x88, s20, s12, $0xb8;
	[tilespmem:$0x1FD10] =	vst v63  }
0x217: {  	s20 =	sadd.s32 $0x16008, s19  }
0x218: {  	[tilespmem:s4], [sflag:$0x4] =	stream.indirect.gather [hbm4b:s17+s12], $0x10, s20, s12, $0xb8;
	[tilespmem:$0x1FD10] =	vst v63  }
0x219: {  	_ =	swait.ge [sflag:s5], $0x2A80  }
0x21a: {  	[sflag:s5] =	ssyncset.done $0x0  }
0x21b: {  	[sflag:s5] =	ssyncadd.s32 $0xFFFFD580  }
0x21c: {  	_ =	swait.ge [sflag:s6], $0x500  }
0x21d: {  	[sflag:s6] =	ssyncset.done $0x0  }
0x21e: {  	[sflag:s6] =	ssyncadd.s32 $0xFFFFFB00  }
0x21f: {  	_ =	swait.ge [sflag:s7], $0x1540  }
0x220: {  	[sflag:s7] =	ssyncset.done $0x0  }
0x221: {  	s21 =	simm.s32 $0x0;
	[sflag:s7] =	ssyncadd.s32 $0xFFFFEAC0  }
0x222: {  	s22 =	simm.s32 $0x1C868;
	s23 =	simm.s32 $0x220;
	v2 =	vld [tilespmem:s21+$0x173E0]  }
.LBB2_19:
0x223: {  	p1 =	sne.s32 s23, $0x52E0;
	v3 =	vld [tilespmem:s22+$0x0];
	_ =	sdelay $0x4  }
0x224: {  	v2 =	vadd.f32 v3, v2;
	_ =	sdelay $0x1  }
0x225: {  	v3 =	vmul.f32 $2.000000030e-01, v2  }
0x226: {  	vm0 =	vge.f32 v2, $0.0e+00  }
0x227: {  	v2 =	vsel vm0, v2, v3  }
0x228: {  	v2 =	vmul.f32 $1.442695020e+00, v2;
	_ =	sdelay $0x1  }
0x229: {  	(erf) = vpow2.f32 v2;
	_ =	sdelay $0x4  }
0x22a: {  	v2 =	vld [tilespmem:s21+$0x17368]  }
0x22b: {  	v3 =	vld [tilespmem:s21+$0x17378]  }
0x22c: {  	v4 =	vld [tilespmem:s21+$0x17388]  }
0x22d: {  	v5 =	vld [tilespmem:s21+$0x17398]  }
0x22e: {  	v6 =	vld [tilespmem:s21+$0x173A8];
	v7 =	vpop (erf)  }
0x22f: {  	[tilespmem:s21+$0x1D2E0] =	vst v7;
	v8 =	vbroadcast v7, $0x8;
	v9 =	vbroadcast v7, $0x9;
	v10 =	vld [tilespmem:s21+$0x173B8]  }
0x230: {  	v11 =	vbroadcast v7, $0xA;
	v12 =	vbroadcast v7, $0xB;
	v13 =	vld [tilespmem:s21+$0x173C8]  }
0x231: {  	v2 =	vmul.f32 v8, v2;
	v3 =	vmul.f32 v9, v3;
	v8 =	vld [tilespmem:s21+$0x173D8]  }
0x232: {  	v4 =	vmul.f32 v11, v4;
	v5 =	vmul.f32 v5, v12  }
0x233: {  	v9 =	vbroadcast v7, $0xD;
	[tilespmem:s21+$0x1D268] =	vst v2;
	v2 =	vbroadcast v7, $0xC  }
0x234: {  	[tilespmem:s21+$0x1D278] =	vst v3;
	v3 =	vbroadcast v7, $0xE;
	v7 =	vbroadcast v7, $0xF  }
0x235: {  	[tilespmem:s21+$0x1D288] =	vst v4;
	v2 =	vmul.f32 v6, v2;
	v4 =	vmul.f32 v10, v9  }
.Ltmp8:
0x236: {  	[tilespmem:s21+$0x1D298] =	vst v5;
	v3 =	vmul.f32 v13, v3;
	v5 =	vmul.f32 v8, v7;
	(pc) =	sbr.rel @p1 .LBB2_19-.Ltmp8, $4  }
0x237: {  	[tilespmem:s21+$0x1D2A8] =	vst v2  }
0x238: {  	[tilespmem:s21+$0x1D2B8] =	vst v4  }
0x239: {  	s24 =	sshra.s32 s23, $0x2;
	[tilespmem:s21+$0x1D2C8] =	vst v3  }
0x23a: {  	s23 =	sadd.s32 $0x220, s23;
	s22 =	sadd.s32 $0x10, s22;
	v2 =	vld [tilespmem:s24+$0x173E0];
	[tilespmem:s21+$0x1D2D8] =	vst v5;
	s21 =	smov.u32 s24  }
0x23b: {  	v3 =	vld [tilespmem:s22+$0x0];
	_ =	sdelay $0x4  }
0x23c: {  	v2 =	vadd.f32 v3, v2;
	_ =	sdelay $0x1  }
0x23d: {  	v3 =	vmul.f32 $2.000000030e-01, v2  }
0x23e: {  	vm0 =	vge.f32 v2, $0.0e+00  }
0x23f: {  	v2 =	vsel vm0, v2, v3  }
0x240: {  	v2 =	vmul.f32 $1.442695020e+00, v2;
	_ =	sdelay $0x1  }
0x241: {  	(erf) = vpow2.f32 v2;
	_ =	sdelay $0x6  }
0x242: {  	v2 =	vld [tilespmem:s21+$0x17368]  }
0x243: {  	v3 =	vld [tilespmem:s21+$0x17378]  }
0x244: {  	v4 =	vld [tilespmem:s21+$0x17388];
	v7 =	vpop (erf)  }
0x245: {  	v5 =	vld [tilespmem:s21+$0x17398];
	v8 =	vbroadcast v7, $0x8  }
0x246: {  	v10 =	vld [tilespmem:s21+$0x173B8];
	v9 =	vbroadcast v7, $0x9  }
0x247: {  	v6 =	vld [tilespmem:s21+$0x173A8];
	v11 =	vbroadcast v7, $0xA;
	v2 =	vmul.f32 v8, v2  }
0x248: {  	v12 =	vld [tilespmem:s21+$0x173C8];
	[tilespmem:s21+$0x1D2E0] =	vst v7;
	v59 =	vbroadcast v7, $0xB;
	v3 =	vmul.f32 v9, v3  }
0x249: {  	v60 =	vld [tilespmem:s21+$0x173D8];
	v61 =	vbroadcast v7, $0xD;
	v4 =	vmul.f32 v11, v4;
	[tilespmem:s21+$0x1D268] =	vst v2  }
0x24a: {  	v5 =	vmul.f32 v5, v59;
	v2 =	vbroadcast v7, $0xC;
	[tilespmem:s21+$0x1D278] =	vst v3  }
0x24b: {  	v63 =	vmul.f32 v10, v61;
	v3 =	vbroadcast v7, $0xE;
	[tilespmem:s21+$0x1D288] =	vst v4  }
0x24c: {  	v62 =	vbroadcast v7, $0xF;
	[tilespmem:s21+$0x1D298] =	vst v5;
	v2 =	vmul.f32 v6, v2  }
0x24d: {  	[tilespmem:s21+$0x1D2B8] =	vst v63;
	v3 =	vmul.f32 v12, v3  }
0x24e: {  	[tilespmem:s21+$0x1D2A8] =	vst v2;
	v2 =	vmul.f32 v60, v62  }
0x24f: {  	[tilespmem:s21+$0x1D2C8] =	vst v3  }
0x250: {  	s24 =	sadd.s32 $0x15FB8, s19;
	[tilespmem:s21+$0x1D2D8] =	vst v2  }
0x251: {  	[spmem:s14] =	stream.indirect.scatter.add.f32 [tilespmem:s13], [sflag:$0x5], $0x88, s24, s29, $0xb8;
	[tilespmem:$0x1FD10] =	vst v63  }
0x252: {  	_ =	swait.ge [sflag:s8], $0x1540  }
0x253: {  	[sflag:s8] =	ssyncset.done $0x0  }
0x254: {  	s21 =	simm.s32 $0x0;
	[sflag:s8] =	ssyncadd.s32 $0xFFFFEAC0  }
0x255: {  	s22 =	simm.s32 $0x1CAE8;
	s23 =	simm.s32 $0x220;
	v2 =	vld [tilespmem:s21+$0x18920]  }
.LBB2_21:
0x256: {  	p1 =	sne.s32 s23, $0x52E0;
	v3 =	vld [tilespmem:s22+$0x0];
	_ =	sdelay $0x4  }
0x257: {  	v2 =	vadd.f32 v3, v2;
	_ =	sdelay $0x1  }
0x258: {  	v3 =	vmul.f32 $2.000000030e-01, v2  }
0x259: {  	vm0 =	vge.f32 v2, $0.0e+00  }
0x25a: {  	v2 =	vsel vm0, v2, v3  }
0x25b: {  	v2 =	vmul.f32 $1.442695020e+00, v2;
	_ =	sdelay $0x1  }
0x25c: {  	(erf) = vpow2.f32 v2;
	_ =	sdelay $0x4  }
0x25d: {  	v2 =	vld [tilespmem:s21+$0x188A8]  }
0x25e: {  	v3 =	vld [tilespmem:s21+$0x188B8]  }
0x25f: {  	v4 =	vld [tilespmem:s21+$0x188C8]  }
0x260: {  	v5 =	vld [tilespmem:s21+$0x188D8]  }
0x261: {  	v6 =	vld [tilespmem:s21+$0x188E8];
	v7 =	vpop (erf)  }
0x262: {  	[tilespmem:s21+$0x1E820] =	vst v7;
	v8 =	vbroadcast v7, $0x8;
	v9 =	vbroadcast v7, $0x9;
	v10 =	vld [tilespmem:s21+$0x188F8]  }
0x263: {  	v11 =	vbroadcast v7, $0xA;
	v12 =	vbroadcast v7, $0xB;
	v13 =	vld [tilespmem:s21+$0x18908]  }
0x264: {  	v2 =	vmul.f32 v8, v2;
	v3 =	vmul.f32 v9, v3;
	v8 =	vld [tilespmem:s21+$0x18918]  }
0x265: {  	v4 =	vmul.f32 v11, v4;
	v5 =	vmul.f32 v5, v12  }
0x266: {  	v9 =	vbroadcast v7, $0xD;
	[tilespmem:s21+$0x1E7A8] =	vst v2;
	v2 =	vbroadcast v7, $0xC  }
0x267: {  	[tilespmem:s21+$0x1E7B8] =	vst v3;
	v3 =	vbroadcast v7, $0xE;
	v7 =	vbroadcast v7, $0xF  }
0x268: {  	[tilespmem:s21+$0x1E7C8] =	vst v4;
	v2 =	vmul.f32 v6, v2;
	v4 =	vmul.f32 v10, v9  }
.Ltmp9:
0x269: {  	[tilespmem:s21+$0x1E7D8] =	vst v5;
	v3 =	vmul.f32 v13, v3;
	v5 =	vmul.f32 v8, v7;
	(pc) =	sbr.rel @p1 .LBB2_21-.Ltmp9, $4  }
0x26a: {  	[tilespmem:s21+$0x1E7E8] =	vst v2  }
0x26b: {  	[tilespmem:s21+$0x1E7F8] =	vst v4  }
0x26c: {  	s24 =	sshra.s32 s23, $0x2;
	[tilespmem:s21+$0x1E808] =	vst v3  }
0x26d: {  	s23 =	sadd.s32 $0x220, s23;
	s22 =	sadd.s32 $0x10, s22;
	v2 =	vld [tilespmem:s24+$0x18920];
	[tilespmem:s21+$0x1E818] =	vst v5;
	s21 =	smov.u32 s24  }
0x26e: {  	v3 =	vld [tilespmem:s22+$0x0];
	_ =	sdelay $0x4  }
0x26f: {  	v2 =	vadd.f32 v3, v2;
	_ =	sdelay $0x1  }
0x270: {  	v3 =	vmul.f32 $2.000000030e-01, v2  }
0x271: {  	vm0 =	vge.f32 v2, $0.0e+00  }
0x272: {  	v2 =	vsel vm0, v2, v3  }
0x273: {  	v2 =	vmul.f32 $1.442695020e+00, v2;
	_ =	sdelay $0x1  }
0x274: {  	(erf) = vpow2.f32 v2;
	_ =	sdelay $0x6  }
0x275: {  	v2 =	vld [tilespmem:s21+$0x188A8]  }
0x276: {  	v3 =	vld [tilespmem:s21+$0x188B8]  }
0x277: {  	v4 =	vld [tilespmem:s21+$0x188C8];
	v7 =	vpop (erf)  }
0x278: {  	v5 =	vld [tilespmem:s21+$0x188D8];
	v8 =	vbroadcast v7, $0x8  }
0x279: {  	v10 =	vld [tilespmem:s21+$0x188F8];
	v9 =	vbroadcast v7, $0x9  }
0x27a: {  	v6 =	vld [tilespmem:s21+$0x188E8];
	v11 =	vbroadcast v7, $0xA;
	v2 =	vmul.f32 v8, v2  }
0x27b: {  	v12 =	vld [tilespmem:s21+$0x18908];
	[tilespmem:s21+$0x1E820] =	vst v7;
	v59 =	vbroadcast v7, $0xB;
	v3 =	vmul.f32 v9, v3  }
0x27c: {  	v60 =	vld [tilespmem:s21+$0x18918];
	v61 =	vbroadcast v7, $0xD;
	v4 =	vmul.f32 v11, v4;
	[tilespmem:s21+$0x1E7A8] =	vst v2  }
0x27d: {  	v5 =	vmul.f32 v5, v59;
	v2 =	vbroadcast v7, $0xC;
	[tilespmem:s21+$0x1E7B8] =	vst v3  }
0x27e: {  	v63 =	vmul.f32 v10, v61;
	v3 =	vbroadcast v7, $0xE;
	[tilespmem:s21+$0x1E7C8] =	vst v4  }
0x27f: {  	v62 =	vbroadcast v7, $0xF;
	[tilespmem:s21+$0x1E7D8] =	vst v5;
	v2 =	vmul.f32 v6, v2  }
0x280: {  	[tilespmem:s21+$0x1E7F8] =	vst v63;
	v3 =	vmul.f32 v12, v3  }
0x281: {  	[tilespmem:s21+$0x1E7E8] =	vst v2;
	v2 =	vmul.f32 v60, v62  }
0x282: {  	[tilespmem:s21+$0x1E808] =	vst v3  }
0x283: {  	s22 =	sadd.s32 $0x15FE0, s19;
	[tilespmem:s21+$0x1E818] =	vst v2  }
0x284: {  	[spmem:s14] =	stream.indirect.scatter.add.f32 [tilespmem:s18], [sflag:$0x6], $0x88, s22, s29, $0xb8;
	[tilespmem:$0x1FD10] =	vst v63  }
0x285: {  	s23 =	sadd.s32 $0x14CA8, s19  }
0x286: {  	[tilespmem:s0], [sflag:$0x1] =	stream.indirect.gather [hbm4b:s16+s12], $0x88, s23, s12, $0xb8;
	[tilespmem:$0x1FD10] =	vst v63  }
0x287: {  	s24 =	sadd.s32 $0x16058, s19  }
0x288: {  	[tilespmem:s2], [sflag:$0x3] =	stream.indirect.gather [hbm4b:s17+s12], $0x10, s24, s12, $0xb8;
	[tilespmem:$0x1FD10] =	vst v63  }
0x289: {  	_ =	swait.ge [sflag:s9], $0x2A80  }
0x28a: {  	[sflag:s9] =	ssyncset.done $0x0  }
0x28b: {  	[sflag:s9] =	ssyncadd.s32 $0xFFFFD580  }
0x28c: {  	_ =	swait.ge [sflag:s10], $0x500  }
0x28d: {  	[sflag:s10] =	ssyncset.done $0x0  }
0x28e: {  	[sflag:s10] =	ssyncadd.s32 $0xFFFFFB00  }
0x28f: {  	_ =	swait.ge [sflag:s7], $0x1540  }
0x290: {  	[sflag:s7] =	ssyncset.done $0x0  }
0x291: {  	s21 =	simm.s32 $0x0;
	[sflag:s7] =	ssyncadd.s32 $0xFFFFEAC0  }
0x292: {  	s22 =	simm.s32 $0x1CD68;
	s23 =	simm.s32 $0x220;
	v2 =	vld [tilespmem:s21+$0x19E60]  }
.LBB2_23:
0x293: {  	p1 =	sne.s32 s23, $0x52E0;
	v3 =	vld [tilespmem:s22+$0x0];
	_ =	sdelay $0x4  }
0x294: {  	v2 =	vadd.f32 v3, v2;
	_ =	sdelay $0x1  }
0x295: {  	v3 =	vmul.f32 $2.000000030e-01, v2  }
0x296: {  	vm0 =	vge.f32 v2, $0.0e+00  }
0x297: {  	v2 =	vsel vm0, v2, v3  }
0x298: {  	v2 =	vmul.f32 $1.442695020e+00, v2;
	_ =	sdelay $0x1  }
0x299: {  	(erf) = vpow2.f32 v2;
	_ =	sdelay $0x4  }
0x29a: {  	v2 =	vld [tilespmem:s21+$0x19DE8]  }
0x29b: {  	v3 =	vld [tilespmem:s21+$0x19DF8]  }
0x29c: {  	v4 =	vld [tilespmem:s21+$0x19E08]  }
0x29d: {  	v5 =	vld [tilespmem:s21+$0x19E18]  }
0x29e: {  	v6 =	vld [tilespmem:s21+$0x19E28];
	v7 =	vpop (erf)  }
0x29f: {  	[tilespmem:s21+$0x1D2E0] =	vst v7;
	v8 =	vbroadcast v7, $0x8;
	v9 =	vbroadcast v7, $0x9;
	v10 =	vld [tilespmem:s21+$0x19E38]  }
0x2a0: {  	v11 =	vbroadcast v7, $0xA;
	v12 =	vbroadcast v7, $0xB;
	v13 =	vld [tilespmem:s21+$0x19E48]  }
0x2a1: {  	v2 =	vmul.f32 v8, v2;
	v3 =	vmul.f32 v9, v3;
	v8 =	vld [tilespmem:s21+$0x19E58]  }
0x2a2: {  	v4 =	vmul.f32 v11, v4;
	v5 =	vmul.f32 v5, v12  }
0x2a3: {  	v9 =	vbroadcast v7, $0xD;
	[tilespmem:s21+$0x1D268] =	vst v2;
	v2 =	vbroadcast v7, $0xC  }
0x2a4: {  	[tilespmem:s21+$0x1D278] =	vst v3;
	v3 =	vbroadcast v7, $0xE;
	v7 =	vbroadcast v7, $0xF  }
0x2a5: {  	[tilespmem:s21+$0x1D288] =	vst v4;
	v2 =	vmul.f32 v6, v2;
	v4 =	vmul.f32 v10, v9  }
.Ltmp10:
0x2a6: {  	[tilespmem:s21+$0x1D298] =	vst v5;
	v3 =	vmul.f32 v13, v3;
	v5 =	vmul.f32 v8, v7;
	(pc) =	sbr.rel @p1 .LBB2_23-.Ltmp10, $4  }
0x2a7: {  	[tilespmem:s21+$0x1D2A8] =	vst v2  }
0x2a8: {  	[tilespmem:s21+$0x1D2B8] =	vst v4  }
0x2a9: {  	s24 =	sshra.s32 s23, $0x2;
	[tilespmem:s21+$0x1D2C8] =	vst v3  }
0x2aa: {  	s23 =	sadd.s32 $0x220, s23;
	s22 =	sadd.s32 $0x10, s22;
	v2 =	vld [tilespmem:s24+$0x19E60];
	[tilespmem:s21+$0x1D2D8] =	vst v5;
	s21 =	smov.u32 s24  }
0x2ab: {  	v3 =	vld [tilespmem:s22+$0x0];
	_ =	sdelay $0x4  }
0x2ac: {  	v2 =	vadd.f32 v3, v2;
	_ =	sdelay $0x1  }
0x2ad: {  	v3 =	vmul.f32 $2.000000030e-01, v2  }
0x2ae: {  	vm0 =	vge.f32 v2, $0.0e+00  }
0x2af: {  	v2 =	vsel vm0, v2, v3  }
0x2b0: {  	v2 =	vmul.f32 $1.442695020e+00, v2;
	_ =	sdelay $0x1  }
0x2b1: {  	(erf) = vpow2.f32 v2;
	_ =	sdelay $0x6  }
0x2b2: {  	v2 =	vld [tilespmem:s21+$0x19DE8]  }
0x2b3: {  	v3 =	vld [tilespmem:s21+$0x19DF8]  }
0x2b4: {  	v4 =	vld [tilespmem:s21+$0x19E08];
	v7 =	vpop (erf)  }
0x2b5: {  	v5 =	vld [tilespmem:s21+$0x19E18];
	v8 =	vbroadcast v7, $0x8  }
0x2b6: {  	v10 =	vld [tilespmem:s21+$0x19E38];
	v9 =	vbroadcast v7, $0x9  }
0x2b7: {  	v6 =	vld [tilespmem:s21+$0x19E28];
	v11 =	vbroadcast v7, $0xA;
	v2 =	vmul.f32 v8, v2  }
0x2b8: {  	v12 =	vld [tilespmem:s21+$0x19E48];
	[tilespmem:s21+$0x1D2E0] =	vst v7;
	v59 =	vbroadcast v7, $0xB;
	v3 =	vmul.f32 v9, v3  }
0x2b9: {  	v60 =	vld [tilespmem:s21+$0x19E58];
	v61 =	vbroadcast v7, $0xD;
	v4 =	vmul.f32 v11, v4;
	[tilespmem:s21+$0x1D268] =	vst v2  }
0x2ba: {  	v5 =	vmul.f32 v5, v59;
	v2 =	vbroadcast v7, $0xC;
	[tilespmem:s21+$0x1D278] =	vst v3  }
0x2bb: {  	v63 =	vmul.f32 v10, v61;
	v3 =	vbroadcast v7, $0xE;
	[tilespmem:s21+$0x1D288] =	vst v4  }
0x2bc: {  	v62 =	vbroadcast v7, $0xF;
	[tilespmem:s21+$0x1D298] =	vst v5;
	v2 =	vmul.f32 v6, v2  }
0x2bd: {  	[tilespmem:s21+$0x1D2B8] =	vst v63;
	v3 =	vmul.f32 v12, v3  }
0x2be: {  	[tilespmem:s21+$0x1D2A8] =	vst v2;
	v2 =	vmul.f32 v60, v62  }
0x2bf: {  	[tilespmem:s21+$0x1D2C8] =	vst v3  }
0x2c0: {  	[tilespmem:s21+$0x1D2D8] =	vst v2  }
0x2c1: {  	[spmem:s14] =	stream.indirect.scatter.add.f32 [tilespmem:s13], [sflag:$0x5], $0x88, s20, s29, $0xb8;
	[tilespmem:$0x1FD10] =	vst v63  }
0x2c2: {  	_ =	swait.ge [sflag:s8], $0x1540  }
0x2c3: {  	[sflag:s8] =	ssyncset.done $0x0  }
0x2c4: {  	s20 =	simm.s32 $0x0;
	[sflag:s8] =	ssyncadd.s32 $0xFFFFEAC0  }
0x2c5: {  	s22 =	simm.s32 $0x220;
	s21 =	simm.s32 $0x1CFE8;
	v2 =	vld [tilespmem:s20+$0x1B3A0]  }
.LBB2_25:
0x2c6: {  	p1 =	sne.s32 s22, $0x52E0;
	v3 =	vld [tilespmem:s21+$0x0];
	_ =	sdelay $0x4  }
0x2c7: {  	v2 =	vadd.f32 v3, v2;
	_ =	sdelay $0x1  }
0x2c8: {  	v3 =	vmul.f32 $2.000000030e-01, v2  }
0x2c9: {  	vm0 =	vge.f32 v2, $0.0e+00  }
0x2ca: {  	v2 =	vsel vm0, v2, v3  }
0x2cb: {  	v2 =	vmul.f32 $1.442695020e+00, v2;
	_ =	sdelay $0x1  }
0x2cc: {  	(erf) = vpow2.f32 v2;
	_ =	sdelay $0x4  }
0x2cd: {  	v2 =	vld [tilespmem:s20+$0x1B328]  }
0x2ce: {  	v3 =	vld [tilespmem:s20+$0x1B338]  }
0x2cf: {  	v4 =	vld [tilespmem:s20+$0x1B348]  }
0x2d0: {  	v5 =	vld [tilespmem:s20+$0x1B358]  }
0x2d1: {  	v6 =	vld [tilespmem:s20+$0x1B368];
	v7 =	vpop (erf)  }
0x2d2: {  	[tilespmem:s20+$0x1E820] =	vst v7;
	v8 =	vbroadcast v7, $0x8;
	v9 =	vbroadcast v7, $0x9;
	v10 =	vld [tilespmem:s20+$0x1B378]  }
0x2d3: {  	v11 =	vbroadcast v7, $0xA;
	v12 =	vbroadcast v7, $0xB;
	v13 =	vld [tilespmem:s20+$0x1B388]  }
0x2d4: {  	v2 =	vmul.f32 v8, v2;
	v3 =	vmul.f32 v9, v3;
	v8 =	vld [tilespmem:s20+$0x1B398]  }
0x2d5: {  	v4 =	vmul.f32 v11, v4;
	v5 =	vmul.f32 v5, v12  }
0x2d6: {  	v9 =	vbroadcast v7, $0xD;
	[tilespmem:s20+$0x1E7A8] =	vst v2;
	v2 =	vbroadcast v7, $0xC  }
0x2d7: {  	[tilespmem:s20+$0x1E7B8] =	vst v3;
	v3 =	vbroadcast v7, $0xE;
	v7 =	vbroadcast v7, $0xF  }
0x2d8: {  	[tilespmem:s20+$0x1E7C8] =	vst v4;
	v2 =	vmul.f32 v6, v2;
	v4 =	vmul.f32 v10, v9  }
.Ltmp11:
0x2d9: {  	[tilespmem:s20+$0x1E7D8] =	vst v5;
	v3 =	vmul.f32 v13, v3;
	v5 =	vmul.f32 v8, v7;
	(pc) =	sbr.rel @p1 .LBB2_25-.Ltmp11, $4  }
0x2da: {  	[tilespmem:s20+$0x1E7E8] =	vst v2  }
0x2db: {  	[tilespmem:s20+$0x1E7F8] =	vst v4  }
0x2dc: {  	s23 =	sshra.s32 s22, $0x2;
	[tilespmem:s20+$0x1E808] =	vst v3  }
0x2dd: {  	s22 =	sadd.s32 $0x220, s22;
	s21 =	sadd.s32 $0x10, s21;
	v2 =	vld [tilespmem:s23+$0x1B3A0];
	[tilespmem:s20+$0x1E818] =	vst v5;
	s20 =	smov.u32 s23  }
0x2de: {  	v3 =	vld [tilespmem:s21+$0x0];
	_ =	sdelay $0x4  }
0x2df: {  	v2 =	vadd.f32 v3, v2;
	_ =	sdelay $0x1  }
0x2e0: {  	v3 =	vmul.f32 $2.000000030e-01, v2  }
0x2e1: {  	vm0 =	vge.f32 v2, $0.0e+00  }
0x2e2: {  	v2 =	vsel vm0, v2, v3  }
0x2e3: {  	v2 =	vmul.f32 $1.442695020e+00, v2;
	_ =	sdelay $0x1  }
0x2e4: {  	(erf) = vpow2.f32 v2;
	_ =	sdelay $0x6  }
0x2e5: {  	v2 =	vld [tilespmem:s20+$0x1B328]  }
0x2e6: {  	v3 =	vld [tilespmem:s20+$0x1B338]  }
0x2e7: {  	v4 =	vld [tilespmem:s20+$0x1B348];
	v7 =	vpop (erf)  }
0x2e8: {  	v5 =	vld [tilespmem:s20+$0x1B358];
	v8 =	vbroadcast v7, $0x8  }
0x2e9: {  	v10 =	vld [tilespmem:s20+$0x1B378];
	v9 =	vbroadcast v7, $0x9  }
0x2ea: {  	v6 =	vld [tilespmem:s20+$0x1B368];
	v11 =	vbroadcast v7, $0xA;
	v2 =	vmul.f32 v8, v2  }
0x2eb: {  	v12 =	vld [tilespmem:s20+$0x1B388];
	[tilespmem:s20+$0x1E820] =	vst v7;
	v59 =	vbroadcast v7, $0xB;
	v3 =	vmul.f32 v9, v3  }
0x2ec: {  	v60 =	vld [tilespmem:s20+$0x1B398];
	v61 =	vbroadcast v7, $0xD;
	v4 =	vmul.f32 v11, v4;
	[tilespmem:s20+$0x1E7A8] =	vst v2  }
0x2ed: {  	v5 =	vmul.f32 v5, v59;
	v2 =	vbroadcast v7, $0xC;
	[tilespmem:s20+$0x1E7B8] =	vst v3  }
0x2ee: {  	s11 =	sadd.s32 $0x1, s11;
	v63 =	vmul.f32 v10, v61;
	v3 =	vbroadcast v7, $0xE;
	[tilespmem:s20+$0x1E7C8] =	vst v4  }
0x2ef: {  	p1 =	sne.s32 s11, $0x1E;
	v62 =	vbroadcast v7, $0xF;
	[tilespmem:s20+$0x1E7D8] =	vst v5;
	v2 =	vmul.f32 v6, v2  }
.Ltmp12:
0x2f0: {  	[tilespmem:s20+$0x1E7F8] =	vst v63;
	v3 =	vmul.f32 v12, v3;
	(pc) =	sbr.rel @p1 .LBB2_18-.Ltmp12, $4  }
0x2f1: {  	[tilespmem:s20+$0x1E7E8] =	vst v2;
	v2 =	vmul.f32 v60, v62  }
0x2f2: {  	[tilespmem:s20+$0x1E808] =	vst v3  }
0x2f3: {  	s19 =	sadd.s32 $0x16030, s19;
	[tilespmem:s20+$0x1E818] =	vst v2  }
0x2f4: {  	[spmem:s14] =	stream.indirect.scatter.add.f32 [tilespmem:s18], [sflag:$0x6], $0x88, s19, s29, $0xb8;
	[tilespmem:$0x1FD10] =	vst v63  }
0x2f5: {  	_ =	swait.ge [sflag:s5], $0x2A80  }
0x2f6: {  	[sflag:s5] =	ssyncset.done $0x0  }
0x2f7: {  	[sflag:s5] =	ssyncadd.s32 $0xFFFFD580  }
0x2f8: {  	_ =	swait.ge [sflag:s6], $0x500  }
0x2f9: {  	[sflag:s6] =	ssyncset.done $0x0  }
0x2fa: {  	[sflag:s6] =	ssyncadd.s32 $0xFFFFFB00  }
0x2fb: {  	_ =	swait.ge [sflag:s7], $0x1540  }
0x2fc: {  	[sflag:s7] =	ssyncset.done $0x0  }
0x2fd: {  	s11 =	simm.s32 $0x0;
	[sflag:s7] =	ssyncadd.s32 $0xFFFFEAC0  }
0x2fe: {  	s19 =	simm.s32 $0x1C868;
	s20 =	simm.s32 $0x220;
	v2 =	vld [tilespmem:s11+$0x173E0]  }
.LBB2_28:
0x2ff: {  	p1 =	sne.s32 s20, $0x52E0;
	v3 =	vld [tilespmem:s19+$0x0];
	_ =	sdelay $0x4  }
0x300: {  	v2 =	vadd.f32 v3, v2;
	_ =	sdelay $0x1  }
0x301: {  	v3 =	vmul.f32 $2.000000030e-01, v2  }
0x302: {  	vm0 =	vge.f32 v2, $0.0e+00  }
0x303: {  	v2 =	vsel vm0, v2, v3  }
0x304: {  	v2 =	vmul.f32 $1.442695020e+00, v2;
	_ =	sdelay $0x1  }
0x305: {  	(erf) = vpow2.f32 v2;
	_ =	sdelay $0x4  }
0x306: {  	v2 =	vld [tilespmem:s11+$0x17368]  }
0x307: {  	v3 =	vld [tilespmem:s11+$0x17378]  }
0x308: {  	v4 =	vld [tilespmem:s11+$0x17388]  }
0x309: {  	v5 =	vld [tilespmem:s11+$0x17398]  }
0x30a: {  	v6 =	vld [tilespmem:s11+$0x173A8];
	v7 =	vpop (erf)  }
0x30b: {  	[tilespmem:s11+$0x1D2E0] =	vst v7;
	v8 =	vbroadcast v7, $0x8;
	v9 =	vbroadcast v7, $0x9;
	v10 =	vld [tilespmem:s11+$0x173B8]  }
0x30c: {  	v11 =	vbroadcast v7, $0xA;
	v12 =	vbroadcast v7, $0xB;
	v13 =	vld [tilespmem:s11+$0x173C8]  }
0x30d: {  	v2 =	vmul.f32 v8, v2;
	v3 =	vmul.f32 v9, v3;
	v8 =	vld [tilespmem:s11+$0x173D8]  }
0x30e: {  	v4 =	vmul.f32 v11, v4;
	v5 =	vmul.f32 v5, v12  }
0x30f: {  	v9 =	vbroadcast v7, $0xD;
	[tilespmem:s11+$0x1D268] =	vst v2;
	v2 =	vbroadcast v7, $0xC  }
0x310: {  	[tilespmem:s11+$0x1D278] =	vst v3;
	v3 =	vbroadcast v7, $0xE;
	v7 =	vbroadcast v7, $0xF  }
0x311: {  	[tilespmem:s11+$0x1D288] =	vst v4;
	v2 =	vmul.f32 v6, v2;
	v4 =	vmul.f32 v10, v9  }
.Ltmp13:
0x312: {  	[tilespmem:s11+$0x1D298] =	vst v5;
	v3 =	vmul.f32 v13, v3;
	v5 =	vmul.f32 v8, v7;
	(pc) =	sbr.rel @p1 .LBB2_28-.Ltmp13, $4  }
0x313: {  	[tilespmem:s11+$0x1D2A8] =	vst v2  }
0x314: {  	[tilespmem:s11+$0x1D2B8] =	vst v4  }
0x315: {  	s21 =	sshra.s32 s20, $0x2;
	[tilespmem:s11+$0x1D2C8] =	vst v3  }
0x316: {  	s20 =	sadd.s32 $0x220, s20;
	s19 =	sadd.s32 $0x10, s19;
	v2 =	vld [tilespmem:s21+$0x173E0];
	[tilespmem:s11+$0x1D2D8] =	vst v5;
	s11 =	smov.u32 s21  }
0x317: {  	v3 =	vld [tilespmem:s19+$0x0];
	_ =	sdelay $0x4  }
0x318: {  	v2 =	vadd.f32 v3, v2;
	_ =	sdelay $0x1  }
0x319: {  	v3 =	vmul.f32 $2.000000030e-01, v2  }
0x31a: {  	vm0 =	vge.f32 v2, $0.0e+00  }
0x31b: {  	v2 =	vsel vm0, v2, v3  }
0x31c: {  	v2 =	vmul.f32 $1.442695020e+00, v2;
	_ =	sdelay $0x1  }
0x31d: {  	(erf) = vpow2.f32 v2;
	_ =	sdelay $0x6  }
0x31e: {  	v2 =	vld [tilespmem:s11+$0x17368]  }
0x31f: {  	v3 =	vld [tilespmem:s11+$0x17378]  }
0x320: {  	v4 =	vld [tilespmem:s11+$0x17388];
	v7 =	vpop (erf)  }
0x321: {  	v5 =	vld [tilespmem:s11+$0x17398];
	v8 =	vbroadcast v7, $0x8  }
0x322: {  	v10 =	vld [tilespmem:s11+$0x173B8];
	v9 =	vbroadcast v7, $0x9  }
0x323: {  	v6 =	vld [tilespmem:s11+$0x173A8];
	v11 =	vbroadcast v7, $0xA;
	v2 =	vmul.f32 v8, v2  }
0x324: {  	v12 =	vld [tilespmem:s11+$0x173C8];
	[tilespmem:s11+$0x1D2E0] =	vst v7;
	v59 =	vbroadcast v7, $0xB;
	v3 =	vmul.f32 v9, v3  }
0x325: {  	v60 =	vld [tilespmem:s11+$0x173D8];
	v61 =	vbroadcast v7, $0xD;
	v4 =	vmul.f32 v11, v4;
	[tilespmem:s11+$0x1D268] =	vst v2  }
0x326: {  	v5 =	vmul.f32 v5, v59;
	v2 =	vbroadcast v7, $0xC;
	[tilespmem:s11+$0x1D278] =	vst v3  }
0x327: {  	v63 =	vmul.f32 v10, v61;
	v3 =	vbroadcast v7, $0xE;
	[tilespmem:s11+$0x1D288] =	vst v4  }
0x328: {  	v62 =	vbroadcast v7, $0xF;
	[tilespmem:s11+$0x1D298] =	vst v5;
	v2 =	vmul.f32 v6, v2  }
0x329: {  	[tilespmem:s11+$0x1D2B8] =	vst v63;
	v3 =	vmul.f32 v12, v3  }
0x32a: {  	[tilespmem:s11+$0x1D2A8] =	vst v2;
	v2 =	vmul.f32 v60, v62  }
0x32b: {  	[tilespmem:s11+$0x1D2C8] =	vst v3  }
0x32c: {  	s24 =	simm.s32 $0x17278;
	[tilespmem:s11+$0x1D2D8] =	vst v2  }
0x32d: {  	[spmem:s14] =	stream.indirect.scatter.add.f32 [tilespmem:s13], [sflag:$0x5], $0x88, s24, s29, $0xb8;
	[tilespmem:$0x1FD10] =	vst v63  }
0x32e: {  	_ =	swait.ge [sflag:s8], $0x1540  }
0x32f: {  	[sflag:s8] =	ssyncset.done $0x0  }
0x330: {  	s11 =	simm.s32 $0x0;
	[sflag:s8] =	ssyncadd.s32 $0xFFFFEAC0  }
0x331: {  	s19 =	simm.s32 $0x1CAE8;
	s20 =	simm.s32 $0x220;
	s22 =	simm.s32 $0x172C8;
	v2 =	vld [tilespmem:s11+$0x18920]  }
.LBB2_30:
0x332: {  	p1 =	sne.s32 s20, $0x52E0;
	v3 =	vld [tilespmem:s19+$0x0];
	_ =	sdelay $0x4  }
0x333: {  	v2 =	vadd.f32 v3, v2;
	_ =	sdelay $0x1  }
0x334: {  	v3 =	vmul.f32 $2.000000030e-01, v2  }
0x335: {  	vm0 =	vge.f32 v2, $0.0e+00  }
0x336: {  	v2 =	vsel vm0, v2, v3  }
0x337: {  	v2 =	vmul.f32 $1.442695020e+00, v2;
	_ =	sdelay $0x1  }
0x338: {  	(erf) = vpow2.f32 v2;
	_ =	sdelay $0x4  }
0x339: {  	v2 =	vld [tilespmem:s11+$0x188A8]  }
0x33a: {  	v3 =	vld [tilespmem:s11+$0x188B8]  }
0x33b: {  	v4 =	vld [tilespmem:s11+$0x188C8]  }
0x33c: {  	v5 =	vld [tilespmem:s11+$0x188D8]  }
0x33d: {  	v6 =	vld [tilespmem:s11+$0x188E8];
	v7 =	vpop (erf)  }
0x33e: {  	[tilespmem:s11+$0x1E820] =	vst v7;
	v8 =	vbroadcast v7, $0x8;
	v9 =	vbroadcast v7, $0x9;
	v10 =	vld [tilespmem:s11+$0x188F8]  }
0x33f: {  	v11 =	vbroadcast v7, $0xA;
	v12 =	vbroadcast v7, $0xB;
	v13 =	vld [tilespmem:s11+$0x18908]  }
0x340: {  	v2 =	vmul.f32 v8, v2;
	v3 =	vmul.f32 v9, v3;
	v8 =	vld [tilespmem:s11+$0x18918]  }
0x341: {  	v4 =	vmul.f32 v11, v4;
	v5 =	vmul.f32 v5, v12  }
0x342: {  	v9 =	vbroadcast v7, $0xD;
	[tilespmem:s11+$0x1E7A8] =	vst v2;
	v2 =	vbroadcast v7, $0xC  }
0x343: {  	[tilespmem:s11+$0x1E7B8] =	vst v3;
	v3 =	vbroadcast v7, $0xE;
	v7 =	vbroadcast v7, $0xF  }
0x344: {  	[tilespmem:s11+$0x1E7C8] =	vst v4;
	v2 =	vmul.f32 v6, v2;
	v4 =	vmul.f32 v10, v9  }
.Ltmp14:
0x345: {  	[tilespmem:s11+$0x1E7D8] =	vst v5;
	v3 =	vmul.f32 v13, v3;
	v5 =	vmul.f32 v8, v7;
	(pc) =	sbr.rel @p1 .LBB2_30-.Ltmp14, $4  }
0x346: {  	[tilespmem:s11+$0x1E7E8] =	vst v2  }
0x347: {  	[tilespmem:s11+$0x1E7F8] =	vst v4  }
0x348: {  	s21 =	sshra.s32 s20, $0x2;
	[tilespmem:s11+$0x1E808] =	vst v3  }
0x349: {  	s20 =	sadd.s32 $0x220, s20;
	s19 =	sadd.s32 $0x10, s19;
	v2 =	vld [tilespmem:s21+$0x18920];
	[tilespmem:s11+$0x1E818] =	vst v5;
	s11 =	smov.u32 s21  }
0x34a: {  	v3 =	vld [tilespmem:s19+$0x0];
	_ =	sdelay $0x4  }
0x34b: {  	v2 =	vadd.f32 v3, v2;
	_ =	sdelay $0x1  }
0x34c: {  	v3 =	vmul.f32 $2.000000030e-01, v2  }
0x34d: {  	vm0 =	vge.f32 v2, $0.0e+00  }
0x34e: {  	v2 =	vsel vm0, v2, v3  }
0x34f: {  	v2 =	vmul.f32 $1.442695020e+00, v2;
	_ =	sdelay $0x1  }
0x350: {  	(erf) = vpow2.f32 v2;
	_ =	sdelay $0x6  }
0x351: {  	v2 =	vld [tilespmem:s11+$0x188A8]  }
0x352: {  	v3 =	vld [tilespmem:s11+$0x188B8]  }
0x353: {  	v4 =	vld [tilespmem:s11+$0x188C8];
	v7 =	vpop (erf)  }
0x354: {  	v5 =	vld [tilespmem:s11+$0x188D8];
	v8 =	vbroadcast v7, $0x8  }
0x355: {  	v10 =	vld [tilespmem:s11+$0x188F8];
	v9 =	vbroadcast v7, $0x9  }
0x356: {  	v6 =	vld [tilespmem:s11+$0x188E8];
	v11 =	vbroadcast v7, $0xA;
	v2 =	vmul.f32 v8, v2  }
0x357: {  	v12 =	vld [tilespmem:s11+$0x18908];
	[tilespmem:s11+$0x1E820] =	vst v7;
	v59 =	vbroadcast v7, $0xB;
	v3 =	vmul.f32 v9, v3  }
0x358: {  	v60 =	vld [tilespmem:s11+$0x18918];
	v61 =	vbroadcast v7, $0xD;
	v4 =	vmul.f32 v11, v4;
	[tilespmem:s11+$0x1E7A8] =	vst v2  }
0x359: {  	v5 =	vmul.f32 v5, v59;
	v2 =	vbroadcast v7, $0xC;
	[tilespmem:s11+$0x1E7B8] =	vst v3  }
0x35a: {  	v63 =	vmul.f32 v10, v61;
	v3 =	vbroadcast v7, $0xE;
	[tilespmem:s11+$0x1E7C8] =	vst v4  }
0x35b: {  	v62 =	vbroadcast v7, $0xF;
	[tilespmem:s11+$0x1E7D8] =	vst v5;
	v2 =	vmul.f32 v6, v2  }
0x35c: {  	[tilespmem:s11+$0x1E7F8] =	vst v63;
	v3 =	vmul.f32 v12, v3  }
0x35d: {  	[tilespmem:s11+$0x1E7E8] =	vst v2;
	v2 =	vmul.f32 v60, v62  }
0x35e: {  	[tilespmem:s11+$0x1E808] =	vst v3  }
0x35f: {  	s23 =	simm.s32 $0x172A0;
	[tilespmem:s11+$0x1E818] =	vst v2  }
0x360: {  	[spmem:s14] =	stream.indirect.scatter.add.f32 [tilespmem:s18], [sflag:$0x6], $0x88, s23, s29, $0xb8;
	[tilespmem:$0x1FD10] =	vst v63  }
0x361: {  	s24 =	simm.s32 $0x15F18  }
0x362: {  	[tilespmem:s3], [sflag:$0x2] =	stream.indirect.gather [hbm4b:s16+s12], $0x88, s24, s12, $0xb8;
	[tilespmem:$0x1FD10] =	vst v63  }
0x363: {  	s19 =	simm.s32 $0x1CD68  }
0x364: {  	[tilespmem:s19], [sflag:$0x4] =	stream.indirect.gather [hbm4b:s17+s12], $0x10, s22, s12, $0xb8;
	[tilespmem:$0x1FD10] =	vst v63  }
0x365: {  	_ =	swait.ge [sflag:s9], $0x2A80  }
0x366: {  	[sflag:s9] =	ssyncset.done $0x0  }
0x367: {  	[sflag:s9] =	ssyncadd.s32 $0xFFFFD580  }
0x368: {  	_ =	swait.ge [sflag:s10], $0x500  }
0x369: {  	[sflag:s10] =	ssyncset.done $0x0  }
0x36a: {  	[sflag:s10] =	ssyncadd.s32 $0xFFFFFB00  }
0x36b: {  	_ =	swait.ge [sflag:s7], $0x1540  }
0x36c: {  	[sflag:s7] =	ssyncset.done $0x0  }
0x36d: {  	s11 =	simm.s32 $0x0;
	[sflag:s7] =	ssyncadd.s32 $0xFFFFEAC0  }
0x36e: {  	s20 =	simm.s32 $0x220;
	v2 =	vld [tilespmem:s11+$0x19E60]  }
.LBB2_32:
0x36f: {  	p1 =	sne.s32 s20, $0x52E0;
	v3 =	vld [tilespmem:s19+$0x0];
	_ =	sdelay $0x4  }
0x370: {  	v2 =	vadd.f32 v3, v2;
	_ =	sdelay $0x1  }
0x371: {  	v3 =	vmul.f32 $2.000000030e-01, v2  }
0x372: {  	vm0 =	vge.f32 v2, $0.0e+00  }
0x373: {  	v2 =	vsel vm0, v2, v3  }
0x374: {  	v2 =	vmul.f32 $1.442695020e+00, v2;
	_ =	sdelay $0x1  }
0x375: {  	(erf) = vpow2.f32 v2;
	_ =	sdelay $0x4  }
0x376: {  	v2 =	vld [tilespmem:s11+$0x19DE8]  }
0x377: {  	v3 =	vld [tilespmem:s11+$0x19DF8]  }
0x378: {  	v4 =	vld [tilespmem:s11+$0x19E08]  }
0x379: {  	v5 =	vld [tilespmem:s11+$0x19E18]  }
0x37a: {  	v6 =	vld [tilespmem:s11+$0x19E28];
	v7 =	vpop (erf)  }
0x37b: {  	[tilespmem:s11+$0x1D2E0] =	vst v7;
	v8 =	vbroadcast v7, $0x8;
	v9 =	vbroadcast v7, $0x9;
	v10 =	vld [tilespmem:s11+$0x19E38]  }
0x37c: {  	v11 =	vbroadcast v7, $0xA;
	v12 =	vbroadcast v7, $0xB;
	v13 =	vld [tilespmem:s11+$0x19E48]  }
0x37d: {  	v2 =	vmul.f32 v8, v2;
	v3 =	vmul.f32 v9, v3;
	v8 =	vld [tilespmem:s11+$0x19E58]  }
0x37e: {  	v4 =	vmul.f32 v11, v4;
	v5 =	vmul.f32 v5, v12  }
0x37f: {  	v9 =	vbroadcast v7, $0xD;
	[tilespmem:s11+$0x1D268] =	vst v2;
	v2 =	vbroadcast v7, $0xC  }
0x380: {  	[tilespmem:s11+$0x1D278] =	vst v3;
	v3 =	vbroadcast v7, $0xE;
	v7 =	vbroadcast v7, $0xF  }
0x381: {  	[tilespmem:s11+$0x1D288] =	vst v4;
	v2 =	vmul.f32 v6, v2;
	v4 =	vmul.f32 v10, v9  }
.Ltmp15:
0x382: {  	[tilespmem:s11+$0x1D298] =	vst v5;
	v3 =	vmul.f32 v13, v3;
	v5 =	vmul.f32 v8, v7;
	(pc) =	sbr.rel @p1 .LBB2_32-.Ltmp15, $4  }
0x383: {  	[tilespmem:s11+$0x1D2A8] =	vst v2  }
0x384: {  	[tilespmem:s11+$0x1D2B8] =	vst v4  }
0x385: {  	s21 =	sshra.s32 s20, $0x2;
	[tilespmem:s11+$0x1D2C8] =	vst v3  }
0x386: {  	s20 =	sadd.s32 $0x220, s20;
	s19 =	sadd.s32 $0x10, s19;
	v2 =	vld [tilespmem:s21+$0x19E60];
	[tilespmem:s11+$0x1D2D8] =	vst v5;
	s11 =	smov.u32 s21  }
0x387: {  	v3 =	vld [tilespmem:s19+$0x0];
	_ =	sdelay $0x4  }
0x388: {  	v2 =	vadd.f32 v3, v2;
	_ =	sdelay $0x1  }
0x389: {  	v3 =	vmul.f32 $2.000000030e-01, v2  }
0x38a: {  	vm0 =	vge.f32 v2, $0.0e+00  }
0x38b: {  	v2 =	vsel vm0, v2, v3  }
0x38c: {  	v2 =	vmul.f32 $1.442695020e+00, v2;
	_ =	sdelay $0x1  }
0x38d: {  	(erf) = vpow2.f32 v2;
	_ =	sdelay $0x6  }
0x38e: {  	v2 =	vld [tilespmem:s11+$0x19DE8]  }
0x38f: {  	v3 =	vld [tilespmem:s11+$0x19DF8]  }
0x390: {  	v4 =	vld [tilespmem:s11+$0x19E08];
	v7 =	vpop (erf)  }
0x391: {  	v5 =	vld [tilespmem:s11+$0x19E18];
	v8 =	vbroadcast v7, $0x8  }
0x392: {  	v10 =	vld [tilespmem:s11+$0x19E38];
	v9 =	vbroadcast v7, $0x9  }
0x393: {  	v6 =	vld [tilespmem:s11+$0x19E28];
	v11 =	vbroadcast v7, $0xA;
	v2 =	vmul.f32 v8, v2  }
0x394: {  	v12 =	vld [tilespmem:s11+$0x19E48];
	[tilespmem:s11+$0x1D2E0] =	vst v7;
	v59 =	vbroadcast v7, $0xB;
	v3 =	vmul.f32 v9, v3  }
0x395: {  	v60 =	vld [tilespmem:s11+$0x19E58];
	v61 =	vbroadcast v7, $0xD;
	v4 =	vmul.f32 v11, v4;
	[tilespmem:s11+$0x1D268] =	vst v2  }
0x396: {  	v5 =	vmul.f32 v5, v59;
	v2 =	vbroadcast v7, $0xC;
	[tilespmem:s11+$0x1D278] =	vst v3  }
0x397: {  	v63 =	vmul.f32 v10, v61;
	v3 =	vbroadcast v7, $0xE;
	[tilespmem:s11+$0x1D288] =	vst v4  }
0x398: {  	v62 =	vbroadcast v7, $0xF;
	[tilespmem:s11+$0x1D298] =	vst v5;
	v2 =	vmul.f32 v6, v2  }
0x399: {  	[tilespmem:s11+$0x1D2B8] =	vst v63;
	v3 =	vmul.f32 v12, v3  }
0x39a: {  	[tilespmem:s11+$0x1D2A8] =	vst v2;
	v2 =	vmul.f32 v60, v62  }
0x39b: {  	[tilespmem:s11+$0x1D2C8] =	vst v3  }
0x39c: {  	[tilespmem:s11+$0x1D2D8] =	vst v2  }
0x39d: {  	[spmem:s14] =	stream.indirect.scatter.add.f32 [tilespmem:s13], [sflag:$0x5], $0x88, s22, s29, $0xb8;
	[tilespmem:$0x1FD10] =	vst v63  }
0x39e: {  	_ =	swait.ge [sflag:s8], $0x1540  }
0x39f: {  	[sflag:s8] =	ssyncset.done $0x0  }
0x3a0: {  	s11 =	simm.s32 $0x0;
	[sflag:s8] =	ssyncadd.s32 $0xFFFFEAC0  }
0x3a1: {  	s19 =	simm.s32 $0x1CFE8;
	s20 =	simm.s32 $0x220;
	v2 =	vld [tilespmem:s11+$0x1B3A0]  }
.LBB2_34:
0x3a2: {  	p1 =	sne.s32 s20, $0x52E0;
	v3 =	vld [tilespmem:s19+$0x0];
	_ =	sdelay $0x4  }
0x3a3: {  	v2 =	vadd.f32 v3, v2;
	_ =	sdelay $0x1  }
0x3a4: {  	v3 =	vmul.f32 $2.000000030e-01, v2  }
0x3a5: {  	vm0 =	vge.f32 v2, $0.0e+00  }
0x3a6: {  	v2 =	vsel vm0, v2, v3  }
0x3a7: {  	v2 =	vmul.f32 $1.442695020e+00, v2;
	_ =	sdelay $0x1  }
0x3a8: {  	(erf) = vpow2.f32 v2;
	_ =	sdelay $0x4  }
0x3a9: {  	v2 =	vld [tilespmem:s11+$0x1B328]  }
0x3aa: {  	v3 =	vld [tilespmem:s11+$0x1B338]  }
0x3ab: {  	v4 =	vld [tilespmem:s11+$0x1B348]  }
0x3ac: {  	v5 =	vld [tilespmem:s11+$0x1B358]  }
0x3ad: {  	v6 =	vld [tilespmem:s11+$0x1B368];
	v7 =	vpop (erf)  }
0x3ae: {  	[tilespmem:s11+$0x1E820] =	vst v7;
	v8 =	vbroadcast v7, $0x8;
	v9 =	vbroadcast v7, $0x9;
	v10 =	vld [tilespmem:s11+$0x1B378]  }
0x3af: {  	v11 =	vbroadcast v7, $0xA;
	v12 =	vbroadcast v7, $0xB;
	v13 =	vld [tilespmem:s11+$0x1B388]  }
0x3b0: {  	v2 =	vmul.f32 v8, v2;
	v3 =	vmul.f32 v9, v3;
	v8 =	vld [tilespmem:s11+$0x1B398]  }
0x3b1: {  	v4 =	vmul.f32 v11, v4;
	v5 =	vmul.f32 v5, v12  }
0x3b2: {  	v9 =	vbroadcast v7, $0xD;
	[tilespmem:s11+$0x1E7A8] =	vst v2;
	v2 =	vbroadcast v7, $0xC  }
0x3b3: {  	[tilespmem:s11+$0x1E7B8] =	vst v3;
	v3 =	vbroadcast v7, $0xE;
	v7 =	vbroadcast v7, $0xF  }
0x3b4: {  	[tilespmem:s11+$0x1E7C8] =	vst v4;
	v2 =	vmul.f32 v6, v2;
	v4 =	vmul.f32 v10, v9  }
.Ltmp16:
0x3b5: {  	[tilespmem:s11+$0x1E7D8] =	vst v5;
	v3 =	vmul.f32 v13, v3;
	v5 =	vmul.f32 v8, v7;
	(pc) =	sbr.rel @p1 .LBB2_34-.Ltmp16, $4  }
0x3b6: {  	[tilespmem:s11+$0x1E7E8] =	vst v2  }
0x3b7: {  	[tilespmem:s11+$0x1E7F8] =	vst v4  }
0x3b8: {  	s21 =	sshra.s32 s20, $0x2;
	[tilespmem:s11+$0x1E808] =	vst v3  }
0x3b9: {  	s20 =	sadd.s32 $0x220, s20;
	s19 =	sadd.s32 $0x10, s19;
	v2 =	vld [tilespmem:s21+$0x1B3A0];
	[tilespmem:s11+$0x1E818] =	vst v5;
	s11 =	smov.u32 s21  }
0x3ba: {  	v3 =	vld [tilespmem:s19+$0x0];
	_ =	sdelay $0x4  }
0x3bb: {  	v2 =	vadd.f32 v3, v2;
	_ =	sdelay $0x1  }
0x3bc: {  	v3 =	vmul.f32 $2.000000030e-01, v2  }
0x3bd: {  	vm0 =	vge.f32 v2, $0.0e+00  }
0x3be: {  	v2 =	vsel vm0, v2, v3  }
0x3bf: {  	v2 =	vmul.f32 $1.442695020e+00, v2;
	_ =	sdelay $0x1  }
0x3c0: {  	(erf) = vpow2.f32 v2;
	_ =	sdelay $0x6  }
0x3c1: {  	v2 =	vld [tilespmem:s11+$0x1B328]  }
0x3c2: {  	v3 =	vld [tilespmem:s11+$0x1B338]  }
0x3c3: {  	v4 =	vld [tilespmem:s11+$0x1B348];
	v7 =	vpop (erf)  }
0x3c4: {  	v5 =	vld [tilespmem:s11+$0x1B358];
	v8 =	vbroadcast v7, $0x8  }
0x3c5: {  	v10 =	vld [tilespmem:s11+$0x1B378];
	v9 =	vbroadcast v7, $0x9  }
0x3c6: {  	v6 =	vld [tilespmem:s11+$0x1B368];
	v11 =	vbroadcast v7, $0xA;
	v2 =	vmul.f32 v8, v2  }
0x3c7: {  	v12 =	vld [tilespmem:s11+$0x1B388];
	[tilespmem:s11+$0x1E820] =	vst v7;
	v59 =	vbroadcast v7, $0xB;
	v3 =	vmul.f32 v9, v3  }
0x3c8: {  	v60 =	vld [tilespmem:s11+$0x1B398];
	v61 =	vbroadcast v7, $0xD;
	v4 =	vmul.f32 v11, v4;
	[tilespmem:s11+$0x1E7A8] =	vst v2  }
0x3c9: {  	v5 =	vmul.f32 v5, v59;
	v2 =	vbroadcast v7, $0xC;
	[tilespmem:s11+$0x1E7B8] =	vst v3  }
0x3ca: {  	v63 =	vmul.f32 v10, v61;
	v3 =	vbroadcast v7, $0xE;
	[tilespmem:s11+$0x1E7C8] =	vst v4  }
0x3cb: {  	v62 =	vbroadcast v7, $0xF;
	[tilespmem:s11+$0x1E7D8] =	vst v5;
	v2 =	vmul.f32 v6, v2  }
0x3cc: {  	[tilespmem:s11+$0x1E7F8] =	vst v63;
	v3 =	vmul.f32 v12, v3  }
0x3cd: {  	[tilespmem:s11+$0x1E7E8] =	vst v2;
	v2 =	vmul.f32 v60, v62  }
0x3ce: {  	[tilespmem:s11+$0x1E808] =	vst v3  }
0x3cf: {  	s22 =	simm.s32 $0x172F0;
	[tilespmem:s11+$0x1E818] =	vst v2  }
0x3d0: {  	[spmem:s14] =	stream.indirect.scatter.add.f32 [tilespmem:s18], [sflag:$0x6], $0x88, s22, s29, $0xb8;
	[tilespmem:$0x1FD10] =	vst v63  }
0x3d1: {  	_ =	swait.ge [sflag:s7], $0x1540  }
0x3d2: {  	[sflag:s7] =	ssyncset.done $0x0  }
0x3d3: {  	[sflag:s7] =	ssyncadd.s32 $0xFFFFEAC0  }
0x3d4: {  	_ =	swait.ge [sflag:s8], $0x1540  }
0x3d5: {  	[sflag:s8] =	ssyncset.done $0x0  }
0x3d6: {  	[sflag:s8] =	ssyncadd.s32 $0xFFFFEAC0  }
0x3d7: {  	s23 =	stileid.u32;
	[bflag:$0x0] =	sbarrier.arrive $0xFFFF  }
0x3d8: {  	s11 =	sshll.u32 s23, $0x6;
	s24 =	rddreg [dreg:$0x8]  }
0x3d9: {  	s11 =	sor.u32 $0x1C07, s11;
	s20 =	rddreg [dreg:$0x17]  }
0x3da: {  	[hbm:s24], [sflag:s11] =	dma.local [spmem:s20], $0x550  }
0x3db: {  	_ =	swait.ge [sflag:s28], $0x550  }
0x3dc: {  	[sflag:s28] =	ssyncset.done $0x0;
	s21 =	rddreg [dreg:$0x9]  }
0x3dd: {  	s22 =	rddreg [dreg:$0x18];
	[sflag:s28] =	ssyncadd.s32 $0xFFFFFAB0  }
0x3de: {  	[hbm:s21], [sflag:s11] =	dma.local [spmem:s22], $0x550  }
0x3df: {  	_ =	swait.ge [sflag:s28], $0x550  }
0x3e0: {  	[sflag:s28] =	ssyncset.done $0x0;
	s23 =	rddreg [dreg:$0xa]  }
0x3e1: {  	s24 =	rddreg [dreg:$0x19];
	[sflag:s28] =	ssyncadd.s32 $0xFFFFFAB0  }
0x3e2: {  	[hbm:s23], [sflag:s11] =	dma.local [spmem:s24], $0x550  }
0x3e3: {  	_ =	swait.ge [sflag:s28], $0x550  }
0x3e4: {  	[sflag:s28] =	ssyncset.done $0x0;
	s21 =	rddreg [dreg:$0xb]  }
0x3e5: {  	s22 =	rddreg [dreg:$0x1a];
	[sflag:s28] =	ssyncadd.s32 $0xFFFFFAB0  }
0x3e6: {  	[hbm:s21], [sflag:s11] =	dma.local [spmem:s22], $0x550  }
0x3e7: {  	_ =	swait.ge [sflag:s28], $0x550  }
0x3e8: {  	[sflag:s28] =	ssyncset.done $0x0;
	s23 =	rddreg [dreg:$0xc]  }
0x3e9: {  	s24 =	rddreg [dreg:$0x1b];
	[sflag:s28] =	ssyncadd.s32 $0xFFFFFAB0  }
0x3ea: {  	[hbm:s23], [sflag:s11] =	dma.local [spmem:s24], $0x550  }
0x3eb: {  	_ =	swait.ge [sflag:s28], $0x550  }
0x3ec: {  	[sflag:s28] =	ssyncset.done $0x0;
	s20 =	rddreg [dreg:$0xd]  }
0x3ed: {  	s21 =	rddreg [dreg:$0x1c];
	[sflag:s28] =	ssyncadd.s32 $0xFFFFFAB0  }
0x3ee: {  	[hbm:s20], [sflag:s11] =	dma.local [spmem:s21], $0x550  }
0x3ef: {  	_ =	swait.ge [sflag:s28], $0x550  }
0x3f0: {  	[sflag:s28] =	ssyncset.done $0x0;
	s22 =	rddreg [dreg:$0xe]  }
0x3f1: {  	s23 =	rddreg [dreg:$0x1d];
	[sflag:s28] =	ssyncadd.s32 $0xFFFFFAB0  }
0x3f2: {  	[hbm:s22], [sflag:s11] =	dma.local [spmem:s23], $0x550  }
0x3f3: {  	_ =	swait.ge [sflag:s28], $0x550  }
0x3f4: {  	[sflag:s28] =	ssyncset.done $0x0;
	s19 =	rddreg [dreg:$0xf]  }
0x3f5: {  	s20 =	rddreg [dreg:$0x1e];
	[sflag:s28] =	ssyncadd.s32 $0xFFFFFAB0  }
0x3f6: {  	[hbm:s19], [sflag:s11] =	dma.local @!p0 [spmem:s20], $0x550  }
0x3f7: {  	s11 =	simm.s32 @!p0 $0x7  }
0x3f8: {  	_ =	swait.ge @!p0 [sflag:s11], $0x550  }
0x3f9: {  	s1 =	sadd.s32 $0x1, s1;
	s24 =	rddreg [dreg:$0x10]  }
0x3fa: {  	p1 =	sne.s32 s1, s24  }
.Ltmp17:
0x3fb: {  	_ = 	snop;
	(pc) =	sbr.rel @p1 .LBB2_1-.Ltmp17, $3  }
0x3fc: {  	_ =	sdelay $0x1  }
0x3fd: {  	[sflag:s11] =	ssyncset.done @!p0 $0x0  }
0x3fe: {  	[sflag:s11] =	ssyncadd.s32 @!p0 $0xFFFFFAB0  }
0x3ff: {  	_ =	sfence.sel $0x180000  }
0x400: {  	[bflag:$0x0] =	sbarrier.arrive $0xFFFF  }
0x401: {  	_ =	strace $0x90000047  }
0x402: {  	s0 =	stileid.u32;
	[bflag:$0x2] =	sbarrier.arrive $0xFFFF  }
0x403: {  	p0 =	sne.s32 s0, $0x0;
	s0 =	rddreg [dreg:$0x3]  }
0x404: {  	s0 =	sadd.s32 @!p0 $0x100000, s0  }
0x405: {  	[sflag:s0] =	ssyncadd.tile.s32 @!p0 $0x1;
	_ =	shalt  }
.Lfunc_end2:
_tile_overlayer_lowered:
.L_overlay_start_2:
0x406: {  	(tag) =	ssettag $0x2  }
0x407: {  	s0 =	rddreg [dreg:$0x0];
	s2 =	stileid.u32  }
0x408: {  	s1 =	rddreg [dreg:$0x1];
	p0 =	sne.s32 s2, $0x0  }
0x409: {  	s3 =	rddreg [dreg:$0x2];
	[bflag:$0x3] =	sbarrier.arrive $0xFFFF;
	s2 =	simm.s32 @!p0 $0x1C07  }
0x40a: {  	[timem:s3], [sflag:s2] =	dma.local @!p0 [hbm:s0], s1  }
0x40b: {  	s0 =	simm.s32 @!p0 $0x7  }
0x40c: {  	_ =	swait.ge @!p0 [sflag:s0], s1  }
0x40d: {  	s1 =	ssub.s32 @!p0 $0x0, s1;
	[sflag:s0] =	ssyncset.done @!p0 $0x0  }
0x40e: {  	[sflag:s0] =	ssyncadd.s32 @!p0 s1  }
0x40f: {  	[bflag:$0x3] =	sbarrier.arrive $0xFFFF  }
0x410: {  	_ =	shalt  }

</sc_bundles>
